<compile_context>
chip_gen: v7x
topology: tpu7x:2x2x1
jax: 0.10.2.dev20260603
libtpu: 0.0.44.dev20260713+nightly
codegen_flags: <defaults>
</compile_context>

<pallas_src>
import functools

import jax
import jax.numpy as jnp
import numpy as np
from jax import lax
from jax.experimental import pallas as pl
from jax.experimental.pallas import tpu as pltpu
from jax.experimental.pallas import tpu_sc as plsc

_MODEL_DIM = 1024
_MAX_POS = 1200
_TEMP = 10000.0
_D = _MODEL_DIM // 2
_H = _D // 2

_NC, _NS, _L = 2, 16, 16
_NW = _NC * _NS
_T = 16

_SC_FRAC_NUM, _SC_FRAC_DEN = 11, 32
_BT = 512
_PAD = 1280


@functools.lru_cache(maxsize=1)
def _fused_table():
    positions = np.arange(_MAX_POS, dtype=np.float64)[:, None]
    div_term = np.exp(np.arange(0, _D, 2, dtype=np.float64) * -(np.log(_TEMP) / _D))
    ang = positions * div_term
    tab = np.concatenate([np.cos(ang), np.sin(ang)], axis=-1)
    return tab.astype(np.float32)


@functools.lru_cache(maxsize=1)
def _tab_bf16_np():
    tab = np.zeros((_PAD, _D), dtype=np.float32)
    tab[:_MAX_POS] = _fused_table()
    return tab


def _tab_bf16():
    return jnp.asarray(_tab_bf16_np(), dtype=jnp.bfloat16)


def _make_sc_rope(n_sc: int):
    per_w = n_sc // _NW
    n_chunks = per_w // _T
    assert n_chunks % 2 == 0 and n_chunks >= 4
    mesh = plsc.VectorSubcoreMesh(core_axis_name="c", subcore_axis_name="s")

    @functools.partial(
        pl.kernel,
        mesh=mesh,
        out_type=jax.ShapeDtypeStruct((n_sc, _MODEL_DIM), jnp.float32),
        scratch_types=[
            pltpu.VMEM((2 * per_w,), jnp.int32),
            pltpu.VMEM((2 * _T, _D), jnp.float32),
            pltpu.VMEM((2 * _T, _D), jnp.float32),
            pltpu.VMEM((_T, _MODEL_DIM), jnp.float32),
            pltpu.VMEM((_T, _MODEL_DIM), jnp.float32),
            pltpu.SemaphoreType.DMA,
            pltpu.SemaphoreType.DMA,
            pltpu.SemaphoreType.DMA,
            pltpu.SemaphoreType.DMA,
            pltpu.SemaphoreType.DMA,
            pltpu.SemaphoreType.DMA,
        ],
    )
    def sc_rope(
        tab_hbm, x_hbm, pos_hbm, out_hbm,
        idx_all, rows0, rows1, x0, x1,
        gs0, gs1, xs0, xs1, os0, os1,
    ):
        rows = (rows0, rows1)
        xbuf = (x0, x1)
        gsem = (gs0, gs1)
        xsem = (xs0, xs1)
        osem = (os0, os1)
        wid = lax.axis_index("s") * _NC + lax.axis_index("c")
        tok0 = wid * per_w

        pltpu.sync_copy(pos_hbm.at[pl.ds(2 * tok0, 2 * per_w)], idx_all)

        def fetch(ci, b):
            pltpu.async_copy(
                tab_hbm.at[idx_all.at[pl.ds(ci * 2 * _T, 2 * _T)]], rows[b], gsem[b]
            )
            pltpu.async_copy(x_hbm.at[pl.ds(tok0 + ci * _T, _T)], xbuf[b], xsem[b])

        def wait_fetch(b):
            pltpu.make_async_copy(
                tab_hbm.at[idx_all.at[pl.ds(0, 2 * _T)]], rows[b], gsem[b]
            ).wait()
            pltpu.make_async_copy(x_hbm.at[pl.ds(0, _T)], xbuf[b], xsem[b]).wait()

        def store(ci, b):
            pltpu.async_copy(xbuf[b], out_hbm.at[pl.ds(tok0 + ci * _T, _T)], osem[b])

        def wait_store(b):
            pltpu.make_async_copy(xbuf[b], out_hbm.at[pl.ds(0, _T)], osem[b]).wait()

        def compute(b):
            rv, xv = rows[b], xbuf[b]

            def tok(i, _):
                for h in range(2):
                    r = 2 * i + h
                    xo = h * _D
                    for j in range(_H // _L):
                        o1 = _L * j
                        o2 = _H + _L * j
                        a = xv[i, pl.ds(xo + o1, _L)]
                        bb = xv[i, pl.ds(xo + o2, _L)]
                        c = rv[r, pl.ds(o1, _L)]
                        s = rv[r, pl.ds(o2, _L)]
                        xv[i, pl.ds(xo + o1, _L)] = a * c - bb * s
                        xv[i, pl.ds(xo + o2, _L)] = bb * c + a * s
                return 0

            lax.fori_loop(0, _T, tok, 0, unroll=False)

        fetch(0, 0)
        fetch(1, 1)
        wait_fetch(0)
        compute(0)
        store(0, 0)

        def pair(pi, _):
            ci1 = 2 * pi + 1
            wait_store(0)
            fetch(ci1 + 1, 0)
            wait_fetch(1)
            compute(1)
            store(ci1, 1)
            ci2 = 2 * pi + 2
            wait_store(1)
            fetch(ci2 + 1, 1)
            wait_fetch(0)
            compute(0)
            store(ci2, 0)
            return 0

        lax.fori_loop(0, n_chunks // 2 - 1, pair, 0, unroll=False)

        wait_store(0)
        wait_fetch(1)
        compute(1)
        store(n_chunks - 1, 1)
        wait_store(1)

    return sc_rope


def _tc_body(x_ref, pm_ref, tab_ref, out_ref):
    x = x_ref[...]
    pm = pm_ref[...]
    iota = lax.broadcasted_iota(jnp.int32, (1, _PAD), 1)

    def one_axis(pv, xa):
        oh = (pv == iota).astype(jnp.bfloat16)
        cs = jnp.dot(oh, tab_ref[...], preferred_element_type=jnp.float32)
        c = cs[:, :_H]
        s = cs[:, _H:]
        a = xa[:, :_H]
        b = xa[:, _H:]
        return jnp.concatenate([a * c - b * s, b * c + a * s], axis=1)

    y1 = one_axis(pm[:, 0:1], x[:, :_D])
    y2 = one_axis(pm[:, 1:2], x[:, _D:])
    out_ref[...] = jnp.concatenate([y1, y2], axis=1)


def _tc_rope(x, pm, n_sc: int):
    n = x.shape[0]
    n_tc = n - n_sc
    grid = (n_tc // _BT,)
    blk0 = n_sc // _BT

    return pl.pallas_call(
        _tc_body,
        grid=grid,
        in_specs=[
            pl.BlockSpec((_BT, _MODEL_DIM), lambda i: (blk0 + i, 0)),
            pl.BlockSpec((_BT, 2), lambda i: (blk0 + i, 0)),
            pl.BlockSpec((_PAD, _D), lambda i: (0, 0)),
        ],
        out_specs=pl.BlockSpec((_BT, _MODEL_DIM), lambda i: (blk0 + i, 0)),
        out_shape=jax.ShapeDtypeStruct((n, _MODEL_DIM), jnp.float32),
    )(x, pm, _tab_bf16())


def kernel(x, pos):
    b, sq, md = x.shape
    n = b * sq
    n_sc = (n * _SC_FRAC_NUM // _SC_FRAC_DEN) // (_NW * _T * 2) * (_NW * _T * 2)
    xf = x.reshape(n, md)
    pos = pos.astype(jnp.int32)
    pf = pos.reshape(2 * n)
    sc_out = _make_sc_rope(n_sc)(jnp.asarray(_fused_table()), xf, pf)
    tc_full = _tc_rope(xf, pos.reshape(n, 2), n_sc)
    out = lax.dynamic_update_slice(tc_full, sc_out, (0, 0))
    return out.reshape(x.shape)

# --- scband reference (transcript-rebuilt; emitter-appended) ---
"""Pipeline reference for scband-rotary-positional-embedding2-d-56831007261222 (READ-ONLY COPY).

The authoritative reference and input builder live on the scoring server;
editing this copy changes nothing except your own understanding.
"""

import jax, jax.numpy as jnp
import numpy as np

MODEL_DIM = 1024
MAX_POS = 1200
TEMP = 10000.0
D = MODEL_DIM // 2  # per-axis rope dim = 512


def _make_tables():
    positions = jnp.arange(MAX_POS, dtype=jnp.float32)[:, None]
    div_term = jnp.exp(jnp.arange(0, D, 2, dtype=jnp.float32) * -(jnp.log(jnp.float32(TEMP)) / D))
    ang = positions * div_term  # [MAX_POS, D//2]
    sin = jnp.concatenate([jnp.sin(ang), jnp.sin(ang)], axis=-1)  # [MAX_POS, D]
    cos = jnp.concatenate([jnp.cos(ang), jnp.cos(ang)], axis=-1)  # [MAX_POS, D]
    return sin, cos

_SIN, _COS = _make_tables()


def setup_inputs(seed: int = 0) -> dict:
    key = jax.random.key(seed)
    k1, k2 = jax.random.split(key)
    x = jax.random.normal(k1, (4, 8192, MODEL_DIM), dtype=jnp.float32)
    pos = jax.random.randint(k2, (4, 8192, 2), 0, MAX_POS, dtype=jnp.int64 if jax.config.read('jax_enable_x64') else jnp.int32)
    return {"x": x, "pos": pos}


def _rope1d(x, p):
    # x: [..., D], p: [...] int positions
    c = jnp.take(_COS, p, axis=0)  # [..., D]
    s = jnp.take(_SIN, p, axis=0)  # [..., D]
    half = D // 2
    inv = jnp.concatenate([-x[..., half:], x[..., :half]], axis=-1)
    return x * c + inv * s


def reference(x, pos):
    x1 = x[..., :D]
    x2 = x[..., D:]
    x1 = _rope1d(x1, pos[..., 0])
    x2 = _rope1d(x2, pos[..., 1])
    return jnp.concatenate([x1, x2], axis=-1)

if __name__ == "__main__":
    import jax
    _d = setup_inputs()
    print(jax.jit(kernel)(*tuple(_d.values())))

</pallas_src>

<mosaic_0001>
#map = affine_map<(d0, d1) -> (0, 0)>
#map1 = affine_map<(d0, d1) -> (0)>
module attributes {stable_mosaic.version = 14 : i64} {
  func.func @sc_rope(%arg0: i32, %arg1: i32, %arg2: memref<1200x512xf32, #tpu.memory_space<hbm>>, %arg3: memref<32768x1024xf32, #tpu.memory_space<hbm>>, %arg4: memref<65536xi32, #tpu.memory_space<hbm>>, %arg5: memref<11264x1024xf32, #tpu.memory_space<hbm>>, %arg6: memref<704xi32, #tpu.memory_space<vmem>>, %arg7: memref<32x512xf32, #tpu.memory_space<vmem>>, %arg8: memref<32x512xf32, #tpu.memory_space<vmem>>, %arg9: memref<16x1024xf32, #tpu.memory_space<vmem>>, %arg10: memref<16x1024xf32, #tpu.memory_space<vmem>>, %arg11: memref<!tpu.dma_semaphore, #tpu.memory_space<semaphore_mem>>, %arg12: memref<!tpu.dma_semaphore, #tpu.memory_space<semaphore_mem>>, %arg13: memref<!tpu.dma_semaphore, #tpu.memory_space<semaphore_mem>>, %arg14: memref<!tpu.dma_semaphore, #tpu.memory_space<semaphore_mem>>, %arg15: memref<!tpu.dma_semaphore, #tpu.memory_space<semaphore_mem>>, %arg16: memref<!tpu.dma_semaphore, #tpu.memory_space<semaphore_mem>>) attributes {dimension_semantics = [#tpu.dimension_semantics<core_parallel>, #tpu.dimension_semantics<subcore_parallel>], iteration_bounds = array<i64: 2, 16>, scalar_prefetch = 0 : i64, scratch_operands = 11 : i64, tpu.core_type = #tpu.core_type<sc_vector_subcore>, window_params = [{transform_indices = #map}, {transform_indices = #map}, {transform_indices = #map1}, {transform_indices = #map}]} {
    %mul3A = arith.constant 2 : i32
    %mul3A_0 = arith.muli %arg1, %mul3A : i32
    %add3A = arith.addi %mul3A_0, %arg0 : i32
    %mul3A_1 = arith.constant 352 : i32
    %mul3A_2 = arith.muli %add3A, %mul3A_1 : i32
    %mul3A_3 = arith.constant 2 : i32
    %mul3A_4 = arith.muli %mul3A_3, %mul3A_2 : i32
    "tpu.region"() ({
      %run_scoped3A = tpu.sem_alloc : memref<!tpu.dma_semaphore, #tpu.memory_space<semaphore_mem>>
      %dma_start3A_91 = tpu.memref_slice %arg4[%mul3A_4] : memref<65536xi32, #tpu.memory_space<hbm>> -> memref<704xi32, #tpu.memory_space<hbm>>
      %dma_start3A_92 = tpu.memref_slice %arg4[%mul3A_4] : memref<65536xi32, #tpu.memory_space<hbm>> -> memref<704xi32, #tpu.memory_space<hbm>>
      tpu.enqueue_dma source(%dma_start3A_92 : memref<704xi32, #tpu.memory_space<hbm>>) target(%arg6 : memref<704xi32, #tpu.memory_space<vmem>>) target_semaphore(%run_scoped3A : memref<!tpu.dma_semaphore, #tpu.memory_space<semaphore_mem>>)
      %dma_wait3A_93 = tpu.memref_slice %arg4[%mul3A_4] : memref<65536xi32, #tpu.memory_space<hbm>> -> memref<704xi32, #tpu.memory_space<hbm>>
      %dma_wait3A_94 = tpu.memref_slice %arg4[%mul3A_4] : memref<65536xi32, #tpu.memory_space<hbm>> -> memref<704xi32, #tpu.memory_space<hbm>>
      tpu.wait_dma2 semaphore(%run_scoped3A : memref<!tpu.dma_semaphore, #tpu.memory_space<semaphore_mem>>) src(%dma_wait3A_94 : memref<704xi32, #tpu.memory_space<hbm>>) dst(%arg6 : memref<704xi32, #tpu.memory_space<vmem>>)
      tpu.yield
    }) : () -> ()
    %dma_start3A = arith.constant 0 : i32
    %dma_start3A_5 = tpu.memref_slice %arg6[%dma_start3A] : memref<704xi32, #tpu.memory_space<vmem>> -> memref<32xi32, #tpu.memory_space<vmem>>
    %dma_start3A_6 = arith.constant 0 : i32
    %dma_start3A_7 = arith.constant 0 : i32
    %dma_start3A_8 = tpu.memref_slice %arg2[%dma_start3A_6, %dma_start3A_7] : memref<1200x512xf32, #tpu.memory_space<hbm>> -> memref<1200x512xf32, #tpu.memory_space<hbm>>
    tpu.enqueue_indirect_dma source(%dma_start3A_8 : memref<1200x512xf32, #tpu.memory_space<hbm>>) target(%arg7 : memref<32x512xf32, #tpu.memory_space<vmem>>) offsets(%dma_start3A_5 : memref<32xi32, #tpu.memory_space<vmem>>) semaphore(%arg11 : memref<!tpu.dma_semaphore, #tpu.memory_space<semaphore_mem>>)
    %add3A_9 = arith.constant 0 : i32
    %add3A_10 = arith.addi %mul3A_2, %add3A_9 : i32
    %dma_start3A_11 = arith.constant 0 : i32
    %dma_start3A_12 = tpu.memref_slice %arg3[%add3A_10, %dma_start3A_11] : memref<32768x1024xf32, #tpu.memory_space<hbm>> -> memref<16x1024xf32, #tpu.memory_space<hbm>>
    %dma_start3A_13 = arith.constant 0 : i32
    %dma_start3A_14 = tpu.memref_slice %arg3[%add3A_10, %dma_start3A_13] : memref<32768x1024xf32, #tpu.memory_space<hbm>> -> memref<16x1024xf32, #tpu.memory_space<hbm>>
    tpu.enqueue_dma source(%dma_start3A_14 : memref<16x1024xf32, #tpu.memory_space<hbm>>) target(%arg9 : memref<16x1024xf32, #tpu.memory_space<vmem>>) target_semaphore(%arg13 : memref<!tpu.dma_semaphore, #tpu.memory_space<semaphore_mem>>)
    %dma_start3A_15 = arith.constant 32 : i32
    %dma_start3A_16 = tpu.memref_slice %arg6[%dma_start3A_15] : memref<704xi32, #tpu.memory_space<vmem>> -> memref<32xi32, #tpu.memory_space<vmem>>
    %dma_start3A_17 = arith.constant 0 : i32
    %dma_start3A_18 = arith.constant 0 : i32
    %dma_start3A_19 = tpu.memref_slice %arg2[%dma_start3A_17, %dma_start3A_18] : memref<1200x512xf32, #tpu.memory_space<hbm>> -> memref<1200x512xf32, #tpu.memory_space<hbm>>
    tpu.enqueue_indirect_dma source(%dma_start3A_19 : memref<1200x512xf32, #tpu.memory_space<hbm>>) target(%arg8 : memref<32x512xf32, #tpu.memory_space<vmem>>) offsets(%dma_start3A_16 : memref<32xi32, #tpu.memory_space<vmem>>) semaphore(%arg12 : memref<!tpu.dma_semaphore, #tpu.memory_space<semaphore_mem>>)
    %add3A_20 = arith.constant 16 : i32
    %add3A_21 = arith.addi %mul3A_2, %add3A_20 : i32
    %dma_start3A_22 = arith.constant 0 : i32
    %dma_start3A_23 = tpu.memref_slice %arg3[%add3A_21, %dma_start3A_22] : memref<32768x1024xf32, #tpu.memory_space<hbm>> -> memref<16x1024xf32, #tpu.memory_space<hbm>>
    %dma_start3A_24 = arith.constant 0 : i32
    %dma_start3A_25 = tpu.memref_slice %arg3[%add3A_21, %dma_start3A_24] : memref<32768x1024xf32, #tpu.memory_space<hbm>> -> memref<16x1024xf32, #tpu.memory_space<hbm>>
    tpu.enqueue_dma source(%dma_start3A_25 : memref<16x1024xf32, #tpu.memory_space<hbm>>) target(%arg10 : memref<16x1024xf32, #tpu.memory_space<vmem>>) target_semaphore(%arg14 : memref<!tpu.dma_semaphore, #tpu.memory_space<semaphore_mem>>)
    %dma_wait3A = arith.constant 0 : i32
    %dma_wait3A_26 = tpu.memref_slice %arg6[%dma_wait3A] : memref<704xi32, #tpu.memory_space<vmem>> -> memref<32xi32, #tpu.memory_space<vmem>>
    %dma_wait3A_27 = arith.constant 0 : i32
    %dma_wait3A_28 = arith.constant 0 : i32
    %dma_wait3A_29 = tpu.memref_slice %arg2[%dma_wait3A_27, %dma_wait3A_28] : memref<1200x512xf32, #tpu.memory_space<hbm>> -> memref<1200x512xf32, #tpu.memory_space<hbm>>
    tpu.wait_indirect_dma semaphore(%arg11 : memref<!tpu.dma_semaphore, #tpu.memory_space<semaphore_mem>>) src(%dma_wait3A_29 : memref<1200x512xf32, #tpu.memory_space<hbm>>) dst(%arg7 : memref<32x512xf32, #tpu.memory_space<vmem>>)
    %dma_wait3A_30 = arith.constant 0 : i32
    %dma_wait3A_31 = arith.constant 0 : i32
    %dma_wait3A_32 = tpu.memref_slice %arg3[%dma_wait3A_30, %dma_wait3A_31] : memref<32768x1024xf32, #tpu.memory_space<hbm>> -> memref<16x1024xf32, #tpu.memory_space<hbm>>
    %dma_wait3A_33 = arith.constant 0 : i32
    %dma_wait3A_34 = arith.constant 0 : i32
    %dma_wait3A_35 = tpu.memref_slice %arg3[%dma_wait3A_33, %dma_wait3A_34] : memref<32768x1024xf32, #tpu.memory_space<hbm>> -> memref<16x1024xf32, #tpu.memory_space<hbm>>
    tpu.wait_dma2 semaphore(%arg13 : memref<!tpu.dma_semaphore, #tpu.memory_space<semaphore_mem>>) src(%dma_wait3A_35 : memref<16x1024xf32, #tpu.memory_space<hbm>>) dst(%arg9 : memref<16x1024xf32, #tpu.memory_space<vmem>>)
    %scan3A = arith.constant 0 : i32
    %scan3A_36 = arith.constant 0 : i32
    %scan3A_37 = arith.constant 16 : i32
    %scan3A_38 = arith.addi %scan3A_36, %scan3A_37 : i32
    %scan3A_39 = arith.constant 1 : i32
    %scan3A_40 = scf.for %scan3A_91 = %scan3A_36 to %scan3A_38 step %scan3A_39 iter_args(%scan3A_92 = %scan3A) -> (i32)  : i32 {
      %mul3A_93 = arith.constant 2 : i32
      %mul3A_94 = arith.muli %mul3A_93, %scan3A_91 : i32
      %add3A_95 = arith.constant 0 : i32
      %add3A_96 = arith.addi %mul3A_94, %add3A_95 : i32
      %get3A = arith.index_cast %scan3A_91 : i32 to index
      %get3A_97 = arith.constant 0 : index
      %get3A_98 = tpu.vector_load %arg9[%get3A, %get3A_97] {strides = array<i32>} : memref<16x1024xf32, #tpu.memory_space<vmem>>, vector<1x16xf32>,
      %get3A_99 = vector.shape_cast %get3A_98 : vector<1x16xf32> to vector<16xf32>
      %get3A_100 = arith.index_cast %scan3A_91 : i32 to index
      %get3A_101 = arith.constant 256 : index
      %get3A_102 = tpu.vector_load %arg9[%get3A_100, %get3A_101] {strides = array<i32>} : memref<16x1024xf32, #tpu.memory_space<vmem>>, vector<1x16xf32>,
      %get3A_103 = vector.shape_cast %get3A_102 : vector<1x16xf32> to vector<16xf32>
      %get3A_104 = arith.index_cast %add3A_96 : i32 to index
      %get3A_105 = arith.constant 0 : index
      %get3A_106 = tpu.vector_load %arg7[%get3A_104, %get3A_105] {strides = array<i32>} : memref<32x512xf32, #tpu.memory_space<vmem>>, vector<1x16xf32>,
      %get3A_107 = vector.shape_cast %get3A_106 : vector<1x16xf32> to vector<16xf32>
      %get3A_108 = arith.index_cast %add3A_96 : i32 to index
      %get3A_109 = arith.constant 256 : index
      %get3A_110 = tpu.vector_load %arg7[%get3A_108, %get3A_109] {strides = array<i32>} : memref<32x512xf32, #tpu.memory_space<vmem>>, vector<1x16xf32>,
      %get3A_111 = vector.shape_cast %get3A_110 : vector<1x16xf32> to vector<16xf32>
      %mul3A_112 = arith.mulf %get3A_99, %get3A_107 : vector<16xf32>
      %mul3A_113 = arith.mulf %get3A_103, %get3A_111 : vector<16xf32>
      %sub3A = arith.subf %mul3A_112, %mul3A_113 : vector<16xf32>
      %swap3A = arith.index_cast %scan3A_91 : i32 to index
      %swap3A_114 = arith.constant 0 : index
      %swap3A_115 = tpu.vector_load %arg9[%swap3A, %swap3A_114] {strides = array<i32>} : memref<16x1024xf32, #tpu.memory_space<vmem>>, vector<1x16xf32>,
      %swap3A_116 = vector.shape_cast %swap3A_115 : vector<1x16xf32> to vector<16xf32>
      %swap3A_117 = vector.shape_cast %sub3A : vector<16xf32> to vector<1x16xf32>
      tpu.vector_store %arg9[%swap3A, %swap3A_114], %swap3A_117 {strides = array<i32>} : memref<16x1024xf32, #tpu.memory_space<vmem>>, vector<1x16xf32>,
      %mul3A_118 = arith.mulf %get3A_103, %get3A_107 : vector<16xf32>
      %mul3A_119 = arith.mulf %get3A_99, %get3A_111 : vector<16xf32>
      %add3A_120 = arith.addf %mul3A_118, %mul3A_119 : vector<16xf32>
      %swap3A_121 = arith.index_cast %scan3A_91 : i32 to index
      %swap3A_122 = arith.constant 256 : index
      %swap3A_123 = tpu.vector_load %arg9[%swap3A_121, %swap3A_122] {strides = array<i32>} : memref<16x1024xf32, #tpu.memory_space<vmem>>, vector<1x16xf32>,
      %swap3A_124 = vector.shape_cast %swap3A_123 : vector<1x16xf32> to vector<16xf32>
      %swap3A_125 = vector.shape_cast %add3A_120 : vector<16xf32> to vector<1x16xf32>
      tpu.vector_store %arg9[%swap3A_121, %swap3A_122], %swap3A_125 {strides = array<i32>} : memref<16x1024xf32, #tpu.memory_space<vmem>>, vector<1x16xf32>,
      %get3A_126 = arith.index_cast %scan3A_91 : i32 to index
      %get3A_127 = arith.constant 16 : index
      %get3A_128 = tpu.vector_load %arg9[%get3A_126, %get3A_127] {strides = array<i32>} : memref<16x1024xf32, #tpu.memory_space<vmem>>, vector<1x16xf32>,
      %get3A_129 = vector.shape_cast %get3A_128 : vector<1x16xf32> to vector<16xf32>
      %get3A_130 = arith.index_cast %scan3A_91 : i32 to index
      %get3A_131 = arith.constant 272 : index
      %get3A_132 = tpu.vector_load %arg9[%get3A_130, %get3A_131] {strides = array<i32>} : memref<16x1024xf32, #tpu.memory_space<vmem>>, vector<1x16xf32>,
      %get3A_133 = vector.shape_cast %get3A_132 : vector<1x16xf32> to vector<16xf32>
      %get3A_134 = arith.index_cast %add3A_96 : i32 to index
      %get3A_135 = arith.constant 16 : index
      %get3A_136 = tpu.vector_load %arg7[%get3A_134, %get3A_135] {strides = array<i32>} : memref<32x512xf32, #tpu.memory_space<vmem>>, vector<1x16xf32>,
      %get3A_137 = vector.shape_cast %get3A_136 : vector<1x16xf32> to vector<16xf32>
      %get3A_138 = arith.index_cast %add3A_96 : i32 to index
      %get3A_139 = arith.constant 272 : index
      %get3A_140 = tpu.vector_load %arg7[%get3A_138, %get3A_139] {strides = array<i32>} : memref<32x512xf32, #tpu.memory_space<vmem>>, vector<1x16xf32>,
      %get3A_141 = vector.shape_cast %get3A_140 : vector<1x16xf32> to vector<16xf32>
      %mul3A_142 = arith.mulf %get3A_129, %get3A_137 : vector<16xf32>
      %mul3A_143 = arith.mulf %get3A_133, %get3A_141 : vector<16xf32>
      %sub3A_144 = arith.subf %mul3A_142, %mul3A_143 : vector<16xf32>
      %swap3A_145 = arith.index_cast %scan3A_91 : i32 to index
      %swap3A_146 = arith.constant 16 : index
      %swap3A_147 = tpu.vector_load %arg9[%swap3A_145, %swap3A_146] {strides = array<i32>} : memref<16x1024xf32, #tpu.memory_space<vmem>>, vector<1x16xf32>,
      %swap3A_148 = vector.shape_cast %swap3A_147 : vector<1x16xf32> to vector<16xf32>
      %swap3A_149 = vector.shape_cast %sub3A_144 : vector<16xf32> to vector<1x16xf32>
      tpu.vector_store %arg9[%swap3A_145, %swap3A_146], %swap3A_149 {strides = array<i32>} : memref<16x1024xf32, #tpu.memory_space<vmem>>, vector<1x16xf32>,
      %mul3A_150 = arith.mulf %get3A_133, %get3A_137 : vector<16xf32>
      %mul3A_151 = arith.mulf %get3A_129, %get3A_141 : vector<16xf32>
      %add3A_152 = arith.addf %mul3A_150, %mul3A_151 : vector<16xf32>
      %swap3A_153 = arith.index_cast %scan3A_91 : i32 to index
      %swap3A_154 = arith.constant 272 : index
      %swap3A_155 = tpu.vector_load %arg9[%swap3A_153, %swap3A_154] {strides = array<i32>} : memref<16x1024xf32, #tpu.memory_space<vmem>>, vector<1x16xf32>,
      %swap3A_156 = vector.shape_cast %swap3A_155 : vector<1x16xf32> to vector<16xf32>
      %swap3A_157 = vector.shape_cast %add3A_152 : vector<16xf32> to vector<1x16xf32>
      tpu.vector_store %arg9[%swap3A_153, %swap3A_154], %swap3A_157 {strides = array<i32>} : memref<16x1024xf32, #tpu.memory_space<vmem>>, vector<1x16xf32>,
      %get3A_158 = arith.index_cast %scan3A_91 : i32 to index
      %get3A_159 = arith.constant 32 : index
      %get3A_160 = tpu.vector_load %arg9[%get3A_158, %get3A_159] {strides = array<i32>} : memref<16x1024xf32, #tpu.memory_space<vmem>>, vector<1x16xf32>,
      %get3A_161 = vector.shape_cast %get3A_160 : vector<1x16xf32> to vector<16xf32>
      %get3A_162 = arith.index_cast %scan3A_91 : i32 to index
      %get3A_163 = arith.constant 288 : index
      %get3A_164 = tpu.vector_load %arg9[%get3A_162, %get3A_163] {strides = array<i32>} : memref<16x1024xf32, #tpu.memory_space<vmem>>, vector<1x16xf32>,
      %get3A_165 = vector.shape_cast %get3A_164 : vector<1x16xf32> to vector<16xf32>
      %get3A_166 = arith.index_cast %add3A_96 : i32 to index
      %get3A_167 = arith.constant 32 : index
      %get3A_168 = tpu.vector_load %arg7[%get3A_166, %get3A_167] {strides = array<i32>} : memref<32x512xf32, #tpu.memory_space<vmem>>, vector<1x16xf32>,
      %get3A_169 = vector.shape_cast %get3A_168 : vector<1x16xf32> to vector<16xf32>
      %get3A_170 = arith.index_cast %add3A_96 : i32 to index
      %get3A_171 = arith.constant 288 : index
      %get3A_172 = tpu.vector_load %arg7[%get3A_170, %get3A_171] {strides = array<i32>} : memref<32x512xf32, #tpu.memory_space<vmem>>, vector<1x16xf32>,
      %get3A_173 = vector.shape_cast %get3A_172 : vector<1x16xf32> to vector<16xf32>
      %mul3A_174 = arith.mulf %get3A_161, %get3A_169 : vector<16xf32>
      %mul3A_175 = arith.mulf %get3A_165, %get3A_173 : vector<16xf32>
      %sub3A_176 = arith.subf %mul3A_174, %mul3A_175 : vector<16xf32>
      %swap3A_177 = arith.index_cast %scan3A_91 : i32 to index
      %swap3A_178 = arith.constant 32 : index
      %swap3A_179 = tpu.vector_load %arg9[%swap3A_177, %swap3A_178] {strides = array<i32>} : memref<16x1024xf32, #tpu.memory_space<vmem>>, vector<1x16xf32>,
      %swap3A_180 = vector.shape_cast %swap3A_179 : vector<1x16xf32> to vector<16xf32>
      %swap3A_181 = vector.shape_cast %sub3A_176 : vector<16xf32> to vector<1x16xf32>
      tpu.vector_store %arg9[%swap3A_177, %swap3A_178], %swap3A_181 {strides = array<i32>} : memref<16x1024xf32, #tpu.memory_space<vmem>>, vector<1x16xf32>,
      %mul3A_182 = arith.mulf %get3A_165, %get3A_169 : vector<16xf32>
      %mul3A_183 = arith.mulf %get3A_161, %get3A_173 : vector<16xf32>
      %add3A_184 = arith.addf %mul3A_182, %mul3A_183 : vector<16xf32>
      %swap3A_185 = arith.index_cast %scan3A_91 : i32 to index
      %swap3A_186 = arith.constant 288 : index
      %swap3A_187 = tpu.vector_load %arg9[%swap3A_185, %swap3A_186] {strides = array<i32>} : memref<16x1024xf32, #tpu.memory_space<vmem>>, vector<1x16xf32>,
      %swap3A_188 = vector.shape_cast %swap3A_187 : vector<1x16xf32> to vector<16xf32>
      %swap3A_189 = vector.shape_cast %add3A_184 : vector<16xf32> to vector<1x16xf32>
      tpu.vector_store %arg9[%swap3A_185, %swap3A_186], %swap3A_189 {strides = array<i32>} : memref<16x1024xf32, #tpu.memory_space<vmem>>, vector<1x16xf32>,
      %get3A_190 = arith.index_cast %scan3A_91 : i32 to index
      %get3A_191 = arith.constant 48 : index
      %get3A_192 = tpu.vector_load %arg9[%get3A_190, %get3A_191] {strides = array<i32>} : memref<16x1024xf32, #tpu.memory_space<vmem>>, vector<1x16xf32>,
      %get3A_193 = vector.shape_cast %get3A_192 : vector<1x16xf32> to vector<16xf32>
      %get3A_194 = arith.index_cast %scan3A_91 : i32 to index
      %get3A_195 = arith.constant 304 : index
      %get3A_196 = tpu.vector_load %arg9[%get3A_194, %get3A_195] {strides = array<i32>} : memref<16x1024xf32, #tpu.memory_space<vmem>>, vector<1x16xf32>,
      %get3A_197 = vector.shape_cast %get3A_196 : vector<1x16xf32> to vector<16xf32>
      %get3A_198 = arith.index_cast %add3A_96 : i32 to index
      %get3A_199 = arith.constant 48 : index
      %get3A_200 = tpu.vector_load %arg7[%get3A_198, %get3A_199] {strides = array<i32>} : memref<32x512xf32, #tpu.memory_space<vmem>>, vector<1x16xf32>,
      %get3A_201 = vector.shape_cast %get3A_200 : vector<1x16xf32> to vector<16xf32>
      %get3A_202 = arith.index_cast %add3A_96 : i32 to index
      %get3A_203 = arith.constant 304 : index
      %get3A_204 = tpu.vector_load %arg7[%get3A_202, %get3A_203] {strides = array<i32>} : memref<32x512xf32, #tpu.memory_space<vmem>>, vector<1x16xf32>,
      %get3A_205 = vector.shape_cast %get3A_204 : vector<1x16xf32> to vector<16xf32>
      %mul3A_206 = arith.mulf %get3A_193, %get3A_201 : vector<16xf32>
      %mul3A_207 = arith.mulf %get3A_197, %get3A_205 : vector<16xf32>
      %sub3A_208 = arith.subf %mul3A_206, %mul3A_207 : vector<16xf32>
      %swap3A_209 = arith.index_cast %scan3A_91 : i32 to index
      %swap3A_210 = arith.constant 48 : index
      %swap3A_211 = tpu.vector_load %arg9[%swap3A_209, %swap3A_210] {strides = array<i32>} : memref<16x1024xf32, #tpu.memory_space<vmem>>, vector<1x16xf32>,
      %swap3A_212 = vector.shape_cast %swap3A_211 : vector<1x16xf32> to vector<16xf32>
      %swap3A_213 = vector.shape_cast %sub3A_208 : vector<16xf32> to vector<1x16xf32>
      tpu.vector_store %arg9[%swap3A_209, %swap3A_210], %swap3A_213 {strides = array<i32>} : memref<16x1024xf32, #tpu.memory_space<vmem>>, vector<1x16xf32>,
      %mul3A_214 = arith.mulf %get3A_197, %get3A_201 : vector<16xf32>
      %mul3A_215 = arith.mulf %get3A_193, %get3A_205 : vector<16xf32>
      %add3A_216 = arith.addf %mul3A_214, %mul3A_215 : vector<16xf32>
      %swap3A_217 = arith.index_cast %scan3A_91 : i32 to index
      %swap3A_218 = arith.constant 304 : index
      %swap3A_219 = tpu.vector_load %arg9[%swap3A_217, %swap3A_218] {strides = array<i32>} : memref<16x1024xf32, #tpu.memory_space<vmem>>, vector<1x16xf32>,
      %swap3A_220 = vector.shape_cast %swap3A_219 : vector<1x16xf32> to vector<16xf32>
      %swap3A_221 = vector.shape_cast %add3A_216 : vector<16xf32> to vector<1x16xf32>
      tpu.vector_store %arg9[%swap3A_217, %swap3A_218], %swap3A_221 {strides = array<i32>} : memref<16x1024xf32, #tpu.memory_space<vmem>>, vector<1x16xf32>,
      %get3A_222 = arith.index_cast %scan3A_91 : i32 to index
      %get3A_223 = arith.constant 64 : index
      %get3A_224 = tpu.vector_load %arg9[%get3A_222, %get3A_223] {strides = array<i32>} : memref<16x1024xf32, #tpu.memory_space<vmem>>, vector<1x16xf32>,
      %get3A_225 = vector.shape_cast %get3A_224 : vector<1x16xf32> to vector<16xf32>
      %get3A_226 = arith.index_cast %scan3A_91 : i32 to index
      %get3A_227 = arith.constant 320 : index
      %get3A_228 = tpu.vector_load %arg9[%get3A_226, %get3A_227] {strides = array<i32>} : memref<16x1024xf32, #tpu.memory_space<vmem>>, vector<1x16xf32>,
      %get3A_229 = vector.shape_cast %get3A_228 : vector<1x16xf32> to vector<16xf32>
      %get3A_230 = arith.index_cast %add3A_96 : i32 to index
      %get3A_231 = arith.constant 64 : index
      %get3A_232 = tpu.vector_load %arg7[%get3A_230, %get3A_231] {strides = array<i32>} : memref<32x512xf32, #tpu.memory_space<vmem>>, vector<1x16xf32>,
      %get3A_233 = vector.shape_cast %get3A_232 : vector<1x16xf32> to vector<16xf32>
      %get3A_234 = arith.index_cast %add3A_96 : i32 to index
      %get3A_235 = arith.constant 320 : index
      %get3A_236 = tpu.vector_load %arg7[%get3A_234, %get3A_235] {strides = array<i32>} : memref<32x512xf32, #tpu.memory_space<vmem>>, vector<1x16xf32>,
      %get3A_237 = vector.shape_cast %get3A_236 : vector<1x16xf32> to vector<16xf32>
      %mul3A_238 = arith.mulf %get3A_225, %get3A_233 : vector<16xf32>
      %mul3A_239 = arith.mulf %get3A_229, %get3A_237 : vector<16xf32>
      %sub3A_240 = arith.subf %mul3A_238, %mul3A_239 : vector<16xf32>
      %swap3A_241 = arith.index_cast %scan3A_91 : i32 to index
      %swap3A_242 = arith.constant 64 : index
      %swap3A_243 = tpu.vector_load %arg9[%swap3A_241, %swap3A_242] {strides = array<i32>} : memref<16x1024xf32, #tpu.memory_space<vmem>>, vector<1x16xf32>,
      %swap3A_244 = vector.shape_cast %swap3A_243 : vector<1x16xf32> to vector<16xf32>
      %swap3A_245 = vector.shape_cast %sub3A_240 : vector<16xf32> to vector<1x16xf32>
      tpu.vector_store %arg9[%swap3A_241, %swap3A_242], %swap3A_245 {strides = array<i32>} : memref<16x1024xf32, #tpu.memory_space<vmem>>, vector<1x16xf32>,
      %mul3A_246 = arith.mulf %get3A_229, %get3A_233 : vector<16xf32>
      %mul3A_247 = arith.mulf %get3A_225, %get3A_237 : vector<16xf32>
      %add3A_248 = arith.addf %mul3A_246, %mul3A_247 : vector<16xf32>
      %swap3A_249 = arith.index_cast %scan3A_91 : i32 to index
      %swap3A_250 = arith.constant 320 : index
      %swap3A_251 = tpu.vector_load %arg9[%swap3A_249, %swap3A_250] {strides = array<i32>} : memref<16x1024xf32, #tpu.memory_space<vmem>>, vector<1x16xf32>,
      %swap3A_252 = vector.shape_cast %swap3A_251 : vector<1x16xf32> to vector<16xf32>
      %swap3A_253 = vector.shape_cast %add3A_248 : vector<16xf32> to vector<1x16xf32>
      tpu.vector_store %arg9[%swap3A_249, %swap3A_250], %swap3A_253 {strides = array<i32>} : memref<16x1024xf32, #tpu.memory_space<vmem>>, vector<1x16xf32>,
      %get3A_254 = arith.index_cast %scan3A_91 : i32 to index
      %get3A_255 = arith.constant 80 : index
      %get3A_256 = tpu.vector_load %arg9[%get3A_254, %get3A_255] {strides = array<i32>} : memref<16x1024xf32, #tpu.memory_space<vmem>>, vector<1x16xf32>,
      %get3A_257 = vector.shape_cast %get3A_256 : vector<1x16xf32> to vector<16xf32>
      %get3A_258 = arith.index_cast %scan3A_91 : i32 to index
      %get3A_259 = arith.constant 336 : index
      %get3A_260 = tpu.vector_load %arg9[%get3A_258, %get3A_259] {strides = array<i32>} : memref<16x1024xf32, #tpu.memory_space<vmem>>, vector<1x16xf32>,
      %get3A_261 = vector.shape_cast %get3A_260 : vector<1x16xf32> to vector<16xf32>
      %get3A_262 = arith.index_cast %add3A_96 : i32 to index
      %get3A_263 = arith.constant 80 : index
      %get3A_264 = tpu.vector_load %arg7[%get3A_262, %get3A_263] {strides = array<i32>} : memref<32x512xf32, #tpu.memory_space<vmem>>, vector<1x16xf32>,
      %get3A_265 = vector.shape_cast %get3A_264 : vector<1x16xf32> to vector<16xf32>
      %get3A_266 = arith.index_cast %add3A_96 : i32 to index
      %get3A_267 = arith.constant 336 : index
      %get3A_268 = tpu.vector_load %arg7[%get3A_266, %get3A_267] {strides = array<i32>} : memref<32x512xf32, #tpu.memory_space<vmem>>, vector<1x16xf32>,
      %get3A_269 = vector.shape_cast %get3A_268 : vector<1x16xf32> to vector<16xf32>
      %mul3A_270 = arith.mulf %get3A_257, %get3A_265 : vector<16xf32>
      %mul3A_271 = arith.mulf %get3A_261, %get3A_269 : vector<16xf32>
      %sub3A_272 = arith.subf %mul3A_270, %mul3A_271 : vector<16xf32>
      %swap3A_273 = arith.index_cast %scan3A_91 : i32 to index
      %swap3A_274 = arith.constant 80 : index
      %swap3A_275 = tpu.vector_load %arg9[%swap3A_273, %swap3A_274] {strides = array<i32>} : memref<16x1024xf32, #tpu.memory_space<vmem>>, vector<1x16xf32>,
      %swap3A_276 = vector.shape_cast %swap3A_275 : vector<1x16xf32> to vector<16xf32>
      %swap3A_277 = vector.shape_cast %sub3A_272 : vector<16xf32> to vector<1x16xf32>
      tpu.vector_store %arg9[%swap3A_273, %swap3A_274], %swap3A_277 {strides = array<i32>} : memref<16x1024xf32, #tpu.memory_space<vmem>>, vector<1x16xf32>,
      %mul3A_278 = arith.mulf %get3A_261, %get3A_265 : vector<16xf32>
      %mul3A_279 = arith.mulf %get3A_257, %get3A_269 : vector<16xf32>
      %add3A_280 = arith.addf %mul3A_278, %mul3A_279 : vector<16xf32>
      %swap3A_281 = arith.index_cast %scan3A_91 : i32 to index
      %swap3A_282 = arith.constant 336 : index
      %swap3A_283 = tpu.vector_load %arg9[%swap3A_281, %swap3A_282] {strides = array<i32>} : memref<16x1024xf32, #tpu.memory_space<vmem>>, vector<1x16xf32>,
      %swap3A_284 = vector.shape_cast %swap3A_283 : vector<1x16xf32> to vector<16xf32>
      %swap3A_285 = vector.shape_cast %add3A_280 : vector<16xf32> to vector<1x16xf32>
      tpu.vector_store %arg9[%swap3A_281, %swap3A_282], %swap3A_285 {strides = array<i32>} : memref<16x1024xf32, #tpu.memory_space<vmem>>, vector<1x16xf32>,
      %get3A_286 = arith.index_cast %scan3A_91 : i32 to index
      %get3A_287 = arith.constant 96 : index
      %get3A_288 = tpu.vector_load %arg9[%get3A_286, %get3A_287] {strides = array<i32>} : memref<16x1024xf32, #tpu.memory_space<vmem>>, vector<1x16xf32>,
      %get3A_289 = vector.shape_cast %get3A_288 : vector<1x16xf32> to vector<16xf32>
      %get3A_290 = arith.index_cast %scan3A_91 : i32 to index
      %get3A_291 = arith.constant 352 : index
      %get3A_292 = tpu.vector_load %arg9[%get3A_290, %get3A_291] {strides = array<i32>} : memref<16x1024xf32, #tpu.memory_space<vmem>>, vector<1x16xf32>,
      %get3A_293 = vector.shape_cast %get3A_292 : vector<1x16xf32> to vector<16xf32>
      %get3A_294 = arith.index_cast %add3A_96 : i32 to index
      %get3A_295 = arith.constant 96 : index
      %get3A_296 = tpu.vector_load %arg7[%get3A_294, %get3A_295] {strides = array<i32>} : memref<32x512xf32, #tpu.memory_space<vmem>>, vector<1x16xf32>,
      %get3A_297 = vector.shape_cast %get3A_296 : vector<1x16xf32> to vector<16xf32>
      %get3A_298 = arith.index_cast %add3A_96 : i32 to index
      %get3A_299 = arith.constant 352 : index
      %get3A_300 = tpu.vector_load %arg7[%get3A_298, %get3A_299] {strides = array<i32>} : memref<32x512xf32, #tpu.memory_space<vmem>>, vector<1x16xf32>,
      %get3A_301 = vector.shape_cast %get3A_300 : vector<1x16xf32> to vector<16xf32>
      %mul3A_302 = arith.mulf %get3A_289, %get3A_297 : vector<16xf32>
      %mul3A_303 = arith.mulf %get3A_293, %get3A_301 : vector<16xf32>
      %sub3A_304 = arith.subf %mul3A_302, %mul3A_303 : vector<16xf32>
      %swap3A_305 = arith.index_cast %scan3A_91 : i32 to index
      %swap3A_306 = arith.constant 96 : index
      %swap3A_307 = tpu.vector_load %arg9[%swap3A_305, %swap3A_306] {strides = array<i32>} : memref<16x1024xf32, #tpu.memory_space<vmem>>, vector<1x16xf32>,
      %swap3A_308 = vector.shape_cast %swap3A_307 : vector<1x16xf32> to vector<16xf32>
      %swap3A_309 = vector.shape_cast %sub3A_304 : vector<16xf32> to vector<1x16xf32>
      tpu.vector_store %arg9[%swap3A_305, %swap3A_306], %swap3A_309 {strides = array<i32>} : memref<16x1024xf32, #tpu.memory_space<vmem>>, vector<1x16xf32>,
      %mul3A_310 = arith.mulf %get3A_293, %get3A_297 : vector<16xf32>
      %mul3A_311 = arith.mulf %get3A_289, %get3A_301 : vector<16xf32>
      %add3A_312 = arith.addf %mul3A_310, %mul3A_311 : vector<16xf32>
      %swap3A_313 = arith.index_cast %scan3A_91 : i32 to index
      %swap3A_314 = arith.constant 352 : index
      %swap3A_315 = tpu.vector_load %arg9[%swap3A_313, %swap3A_314] {strides = array<i32>} : memref<16x1024xf32, #tpu.memory_space<vmem>>, vector<1x16xf32>,
      %swap3A_316 = vector.shape_cast %swap3A_315 : vector<1x16xf32> to vector<16xf32>
      %swap3A_317 = vector.shape_cast %add3A_312 : vector<16xf32> to vector<1x16xf32>
      tpu.vector_store %arg9[%swap3A_313, %swap3A_314], %swap3A_317 {strides = array<i32>} : memref<16x1024xf32, #tpu.memory_space<vmem>>, vector<1x16xf32>,
      %get3A_318 = arith.index_cast %scan3A_91 : i32 to index
      %get3A_319 = arith.constant 112 : index
      %get3A_320 = tpu.vector_load %arg9[%get3A_318, %get3A_319] {strides = array<i32>} : memref<16x1024xf32, #tpu.memory_space<vmem>>, vector<1x16xf32>,
      %get3A_321 = vector.shape_cast %get3A_320 : vector<1x16xf32> to vector<16xf32>
      %get3A_322 = arith.index_cast %scan3A_91 : i32 to index
      %get3A_323 = arith.constant 368 : index
      %get3A_324 = tpu.vector_load %arg9[%get3A_322, %get3A_323] {strides = array<i32>} : memref<16x1024xf32, #tpu.memory_space<vmem>>, vector<1x16xf32>,
      %get3A_325 = vector.shape_cast %get3A_324 : vector<1x16xf32> to vector<16xf32>
      %get3A_326 = arith.index_cast %add3A_96 : i32 to index
      %get3A_327 = arith.constant 112 : index
      %get3A_328 = tpu.vector_load %arg7[%get3A_326, %get3A_327] {strides = array<i32>} : memref<32x512xf32, #tpu.memory_space<vmem>>, vector<1x16xf32>,
      %get3A_329 = vector.shape_cast %get3A_328 : vector<1x16xf32> to vector<16xf32>
      %get3A_330 = arith.index_cast %add3A_96 : i32 to index
      %get3A_331 = arith.constant 368 : index
      %get3A_332 = tpu.vector_load %arg7[%get3A_330, %get3A_331] {strides = array<i32>} : memref<32x512xf32, #tpu.memory_space<vmem>>, vector<1x16xf32>,
      %get3A_333 = vector.shape_cast %get3A_332 : vector<1x16xf32> to vector<16xf32>
      %mul3A_334 = arith.mulf %get3A_321, %get3A_329 : vector<16xf32>
      %mul3A_335 = arith.mulf %get3A_325, %get3A_333 : vector<16xf32>
      %sub3A_336 = arith.subf %mul3A_334, %mul3A_335 : vector<16xf32>
      %swap3A_337 = arith.index_cast %scan3A_91 : i32 to index
      %swap3A_338 = arith.constant 112 : index
      %swap3A_339 = tpu.vector_load %arg9[%swap3A_337, %swap3A_338] {strides = array<i32>} : memref<16x1024xf32, #tpu.memory_space<vmem>>, vector<1x16xf32>,
      %swap3A_340 = vector.shape_cast %swap3A_339 : vector<1x16xf32> to vector<16xf32>
      %swap3A_341 = vector.shape_cast %sub3A_336 : vector<16xf32> to vector<1x16xf32>
      tpu.vector_store %arg9[%swap3A_337, %swap3A_338], %swap3A_341 {strides = array<i32>} : memref<16x1024xf32, #tpu.memory_space<vmem>>, vector<1x16xf32>,
      %mul3A_342 = arith.mulf %get3A_325, %get3A_329 : vector<16xf32>
      %mul3A_343 = arith.mulf %get3A_321, %get3A_333 : vector<16xf32>
      %add3A_344 = arith.addf %mul3A_342, %mul3A_343 : vector<16xf32>
      %swap3A_345 = arith.index_cast %scan3A_91 : i32 to index
      %swap3A_346 = arith.constant 368 : index
      %swap3A_347 = tpu.vector_load %arg9[%swap3A_345, %swap3A_346] {strides = array<i32>} : memref<16x1024xf32, #tpu.memory_space<vmem>>, vector<1x16xf32>,
      %swap3A_348 = vector.shape_cast %swap3A_347 : vector<1x16xf32> to vector<16xf32>
      %swap3A_349 = vector.shape_cast %add3A_344 : vector<16xf32> to vector<1x16xf32>
      tpu.vector_store %arg9[%swap3A_345, %swap3A_346], %swap3A_349 {strides = array<i32>} : memref<16x1024xf32, #tpu.memory_space<vmem>>, vector<1x16xf32>,
      %get3A_350 = arith.index_cast %scan3A_91 : i32 to index
      %get3A_351 = arith.constant 128 : index
      %get3A_352 = tpu.vector_load %arg9[%get3A_350, %get3A_351] {strides = array<i32>} : memref<16x1024xf32, #tpu.memory_space<vmem>>, vector<1x16xf32>,
      %get3A_353 = vector.shape_cast %get3A_352 : vector<1x16xf32> to vector<16xf32>
      %get3A_354 = arith.index_cast %scan3A_91 : i32 to index
      %get3A_355 = arith.constant 384 : index
      %get3A_356 = tpu.vector_load %arg9[%get3A_354, %get3A_355] {strides = array<i32>} : memref<16x1024xf32, #tpu.memory_space<vmem>>, vector<1x16xf32>,
      %get3A_357 = vector.shape_cast %get3A_356 : vector<1x16xf32> to vector<16xf32>
      %get3A_358 = arith.index_cast %add3A_96 : i32 to index
      %get3A_359 = arith.constant 128 : index
      %get3A_360 = tpu.vector_load %arg7[%get3A_358, %get3A_359] {strides = array<i32>} : memref<32x512xf32, #tpu.memory_space<vmem>>, vector<1x16xf32>,
      %get3A_361 = vector.shape_cast %get3A_360 : vector<1x16xf32> to vector<16xf32>
      %get3A_362 = arith.index_cast %add3A_96 : i32 to index
      %get3A_363 = arith.constant 384 : index
      %get3A_364 = tpu.vector_load %arg7[%get3A_362, %get3A_363] {strides = array<i32>} : memref<32x512xf32, #tpu.memory_space<vmem>>, vector<1x16xf32>,
      %get3A_365 = vector.shape_cast %get3A_364 : vector<1x16xf32> to vector<16xf32>
      %mul3A_366 = arith.mulf %get3A_353, %get3A_361 : vector<16xf32>
      %mul3A_367 = arith.mulf %get3A_357, %get3A_365 : vector<16xf32>
      %sub3A_368 = arith.subf %mul3A_366, %mul3A_367 : vector<16xf32>
      %swap3A_369 = arith.index_cast %scan3A_91 : i32 to index
      %swap3A_370 = arith.constant 128 : index
      %swap3A_371 = tpu.vector_load %arg9[%swap3A_369, %swap3A_370] {strides = array<i32>} : memref<16x1024xf32, #tpu.memory_space<vmem>>, vector<1x16xf32>,
      %swap3A_372 = vector.shape_cast %swap3A_371 : vector<1x16xf32> to vector<16xf32>
      %swap3A_373 = vector.shape_cast %sub3A_368 : vector<16xf32> to vector<1x16xf32>
      tpu.vector_store %arg9[%swap3A_369, %swap3A_370], %swap3A_373 {strides = array<i32>} : memref<16x1024xf32, #tpu.memory_space<vmem>>, vector<1x16xf32>,
      %mul3A_374 = arith.mulf %get3A_357, %get3A_361 : vector<16xf32>
      %mul3A_375 = arith.mulf %get3A_353, %get3A_365 : vector<16xf32>
      %add3A_376 = arith.addf %mul3A_374, %mul3A_375 : vector<16xf32>
      %swap3A_377 = arith.index_cast %scan3A_91 : i32 to index
      %swap3A_378 = arith.constant 384 : index
      %swap3A_379 = tpu.vector_load %arg9[%swap3A_377, %swap3A_378] {strides = array<i32>} : memref<16x1024xf32, #tpu.memory_space<vmem>>, vector<1x16xf32>,
      %swap3A_380 = vector.shape_cast %swap3A_379 : vector<1x16xf32> to vector<16xf32>
      %swap3A_381 = vector.shape_cast %add3A_376 : vector<16xf32> to vector<1x16xf32>
      tpu.vector_store %arg9[%swap3A_377, %swap3A_378], %swap3A_381 {strides = array<i32>} : memref<16x1024xf32, #tpu.memory_space<vmem>>, vector<1x16xf32>,
      %get3A_382 = arith.index_cast %scan3A_91 : i32 to index
      %get3A_383 = arith.constant 144 : index
      %get3A_384 = tpu.vector_load %arg9[%get3A_382, %get3A_383] {strides = array<i32>} : memref<16x1024xf32, #tpu.memory_space<vmem>>, vector<1x16xf32>,
      %get3A_385 = vector.shape_cast %get3A_384 : vector<1x16xf32> to vector<16xf32>
      %get3A_386 = arith.index_cast %scan3A_91 : i32 to index
      %get3A_387 = arith.constant 400 : index
      %get3A_388 = tpu.vector_load %arg9[%get3A_386, %get3A_387] {strides = array<i32>} : memref<16x1024xf32, #tpu.memory_space<vmem>>, vector<1x16xf32>,
      %get3A_389 = vector.shape_cast %get3A_388 : vector<1x16xf32> to vector<16xf32>
      %get3A_390 = arith.index_cast %add3A_96 : i32 to index
      %get3A_391 = arith.constant 144 : index
      %get3A_392 = tpu.vector_load %arg7[%get3A_390, %get3A_391] {strides = array<i32>} : memref<32x512xf32, #tpu.memory_space<vmem>>, vector<1x16xf32>,
      %get3A_393 = vector.shape_cast %get3A_392 : vector<1x16xf32> to vector<16xf32>
      %get3A_394 = arith.index_cast %add3A_96 : i32 to index
      %get3A_395 = arith.constant 400 : index
      %get3A_396 = tpu.vector_load %arg7[%get3A_394, %get3A_395] {strides = array<i32>} : memref<32x512xf32, #tpu.memory_space<vmem>>, vector<1x16xf32>,
      %get3A_397 = vector.shape_cast %get3A_396 : vector<1x16xf32> to vector<16xf32>
      %mul3A_398 = arith.mulf %get3A_385, %get3A_393 : vector<16xf32>
      %mul3A_399 = arith.mulf %get3A_389, %get3A_397 : vector<16xf32>
      %sub3A_400 = arith.subf %mul3A_398, %mul3A_399 : vector<16xf32>
      %swap3A_401 = arith.index_cast %scan3A_91 : i32 to index
      %swap3A_402 = arith.constant 144 : index
      %swap3A_403 = tpu.vector_load %arg9[%swap3A_401, %swap3A_402] {strides = array<i32>} : memref<16x1024xf32, #tpu.memory_space<vmem>>, vector<1x16xf32>,
      %swap3A_404 = vector.shape_cast %swap3A_403 : vector<1x16xf32> to vector<16xf32>
      %swap3A_405 = vector.shape_cast %sub3A_400 : vector<16xf32> to vector<1x16xf32>
      tpu.vector_store %arg9[%swap3A_401, %swap3A_402], %swap3A_405 {strides = array<i32>} : memref<16x1024xf32, #tpu.memory_space<vmem>>, vector<1x16xf32>,
      %mul3A_406 = arith.mulf %get3A_389, %get3A_393 : vector<16xf32>
      %mul3A_407 = arith.mulf %get3A_385, %get3A_397 : vector<16xf32>
      %add3A_408 = arith.addf %mul3A_406, %mul3A_407 : vector<16xf32>
      %swap3A_409 = arith.index_cast %scan3A_91 : i32 to index
      %swap3A_410 = arith.constant 400 : index
      %swap3A_411 = tpu.vector_load %arg9[%swap3A_409, %swap3A_410] {strides = array<i32>} : memref<16x1024xf32, #tpu.memory_space<vmem>>, vector<1x16xf32>,
      %swap3A_412 = vector.shape_cast %swap3A_411 : vector<1x16xf32> to vector<16xf32>
      %swap3A_413 = vector.shape_cast %add3A_408 : vector<16xf32> to vector<1x16xf32>
      tpu.vector_store %arg9[%swap3A_409, %swap3A_410], %swap3A_413 {strides = array<i32>} : memref<16x1024xf32, #tpu.memory_space<vmem>>, vector<1x16xf32>,
      %get3A_414 = arith.index_cast %scan3A_91 : i32 to index
      %get3A_415 = arith.constant 160 : index
      %get3A_416 = tpu.vector_load %arg9[%get3A_414, %get3A_415] {strides = array<i32>} : memref<16x1024xf32, #tpu.memory_space<vmem>>, vector<1x16xf32>,
      %get3A_417 = vector.shape_cast %get3A_416 : vector<1x16xf32> to vector<16xf32>
      %get3A_418 = arith.index_cast %scan3A_91 : i32 to index
      %get3A_419 = arith.constant 416 : index
      %get3A_420 = tpu.vector_load %arg9[%get3A_418, %get3A_419] {strides = array<i32>} : memref<16x1024xf32, #tpu.memory_space<vmem>>, vector<1x16xf32>,
      %get3A_421 = vector.shape_cast %get3A_420 : vector<1x16xf32> to vector<16xf32>
      %get3A_422 = arith.index_cast %add3A_96 : i32 to index
      %get3A_423 = arith.constant 160 : index
      %get3A_424 = tpu.vector_load %arg7[%get3A_422, %get3A_423] {strides = array<i32>} : memref<32x512xf32, #tpu.memory_space<vmem>>, vector<1x16xf32>,
      %get3A_425 = vector.shape_cast %get3A_424 : vector<1x16xf32> to vector<16xf32>
      %get3A_426 = arith.index_cast %add3A_96 : i32 to index
      %get3A_427 = arith.constant 416 : index
      %get3A_428 = tpu.vector_load %arg7[%get3A_426, %get3A_427] {strides = array<i32>} : memref<32x512xf32, #tpu.memory_space<vmem>>, vector<1x16xf32>,
      %get3A_429 = vector.shape_cast %get3A_428 : vector<1x16xf32> to vector<16xf32>
      %mul3A_430 = arith.mulf %get3A_417, %get3A_425 : vector<16xf32>
      %mul3A_431 = arith.mulf %get3A_421, %get3A_429 : vector<16xf32>
      %sub3A_432 = arith.subf %mul3A_430, %mul3A_431 : vector<16xf32>
      %swap3A_433 = arith.index_cast %scan3A_91 : i32 to index
      %swap3A_434 = arith.constant 160 : index
      %swap3A_435 = tpu.vector_load %arg9[%swap3A_433, %swap3A_434] {strides = array<i32>} : memref<16x1024xf32, #tpu.memory_space<vmem>>, vector<1x16xf32>,
      %swap3A_436 = vector.shape_cast %swap3A_435 : vector<1x16xf32> to vector<16xf32>
      %swap3A_437 = vector.shape_cast %sub3A_432 : vector<16xf32> to vector<1x16xf32>
      tpu.vector_store %arg9[%swap3A_433, %swap3A_434], %swap3A_437 {strides = array<i32>} : memref<16x1024xf32, #tpu.memory_space<vmem>>, vector<1x16xf32>,
      %mul3A_438 = arith.mulf %get3A_421, %get3A_425 : vector<16xf32>
      %mul3A_439 = arith.mulf %get3A_417, %get3A_429 : vector<16xf32>
      %add3A_440 = arith.addf %mul3A_438, %mul3A_439 : vector<16xf32>
      %swap3A_441 = arith.index_cast %scan3A_91 : i32 to index
      %swap3A_442 = arith.constant 416 : index
      %swap3A_443 = tpu.vector_load %arg9[%swap3A_441, %swap3A_442] {strides = array<i32>} : memref<16x1024xf32, #tpu.memory_space<vmem>>, vector<1x16xf32>,
      %swap3A_444 = vector.shape_cast %swap3A_443 : vector<1x16xf32> to vector<16xf32>
      %swap3A_445 = vector.shape_cast %add3A_440 : vector<16xf32> to vector<1x16xf32>
      tpu.vector_store %arg9[%swap3A_441, %swap3A_442], %swap3A_445 {strides = array<i32>} : memref<16x1024xf32, #tpu.memory_space<vmem>>, vector<1x16xf32>,
      %get3A_446 = arith.index_cast %scan3A_91 : i32 to index
      %get3A_447 = arith.constant 176 : index
      %get3A_448 = tpu.vector_load %arg9[%get3A_446, %get3A_447] {strides = array<i32>} : memref<16x1024xf32, #tpu.memory_space<vmem>>, vector<1x16xf32>,
      %get3A_449 = vector.shape_cast %get3A_448 : vector<1x16xf32> to vector<16xf32>
      %get3A_450 = arith.index_cast %scan3A_91 : i32 to index
      %get3A_451 = arith.constant 432 : index
      %get3A_452 = tpu.vector_load %arg9[%get3A_450, %get3A_451] {strides = array<i32>} : memref<16x1024xf32, #tpu.memory_space<vmem>>, vector<1x16xf32>,
      %get3A_453 = vector.shape_cast %get3A_452 : vector<1x16xf32> to vector<16xf32>
      %get3A_454 = arith.index_cast %add3A_96 : i32 to index
      %get3A_455 = arith.constant 176 : index
      %get3A_456 = tpu.vector_load %arg7[%get3A_454, %get3A_455] {strides = array<i32>} : memref<32x512xf32, #tpu.memory_space<vmem>>, vector<1x16xf32>,
      %get3A_457 = vector.shape_cast %get3A_456 : vector<1x16xf32> to vector<16xf32>
      %get3A_458 = arith.index_cast %add3A_96 : i32 to index
      %get3A_459 = arith.constant 432 : index
      %get3A_460 = tpu.vector_load %arg7[%get3A_458, %get3A_459] {strides = array<i32>} : memref<32x512xf32, #tpu.memory_space<vmem>>, vector<1x16xf32>,
      %get3A_461 = vector.shape_cast %get3A_460 : vector<1x16xf32> to vector<16xf32>
      %mul3A_462 = arith.mulf %get3A_449, %get3A_457 : vector<16xf32>
      %mul3A_463 = arith.mulf %get3A_453, %get3A_461 : vector<16xf32>
      %sub3A_464 = arith.subf %mul3A_462, %mul3A_463 : vector<16xf32>
      %swap3A_465 = arith.index_cast %scan3A_91 : i32 to index
      %swap3A_466 = arith.constant 176 : index
      %swap3A_467 = tpu.vector_load %arg9[%swap3A_465, %swap3A_466] {strides = array<i32>} : memref<16x1024xf32, #tpu.memory_space<vmem>>, vector<1x16xf32>,
      %swap3A_468 = vector.shape_cast %swap3A_467 : vector<1x16xf32> to vector<16xf32>
      %swap3A_469 = vector.shape_cast %sub3A_464 : vector<16xf32> to vector<1x16xf32>
      tpu.vector_store %arg9[%swap3A_465, %swap3A_466], %swap3A_469 {strides = array<i32>} : memref<16x1024xf32, #tpu.memory_space<vmem>>, vector<1x16xf32>,
      %mul3A_470 = arith.mulf %get3A_453, %get3A_457 : vector<16xf32>
      %mul3A_471 = arith.mulf %get3A_449, %get3A_461 : vector<16xf32>
      %add3A_472 = arith.addf %mul3A_470, %mul3A_471 : vector<16xf32>
      %swap3A_473 = arith.index_cast %scan3A_91 : i32 to index
      %swap3A_474 = arith.constant 432 : index
      %swap3A_475 = tpu.vector_load %arg9[%swap3A_473, %swap3A_474] {strides = array<i32>} : memref<16x1024xf32, #tpu.memory_space<vmem>>, vector<1x16xf32>,
      %swap3A_476 = vector.shape_cast %swap3A_475 : vector<1x16xf32> to vector<16xf32>
      %swap3A_477 = vector.shape_cast %add3A_472 : vector<16xf32> to vector<1x16xf32>
      tpu.vector_store %arg9[%swap3A_473, %swap3A_474], %swap3A_477 {strides = array<i32>} : memref<16x1024xf32, #tpu.memory_space<vmem>>, vector<1x16xf32>,
      %get3A_478 = arith.index_cast %scan3A_91 : i32 to index
      %get3A_479 = arith.constant 192 : index
      %get3A_480 = tpu.vector_load %arg9[%get3A_478, %get3A_479] {strides = array<i32>} : memref<16x1024xf32, #tpu.memory_space<vmem>>, vector<1x16xf32>,
      %get3A_481 = vector.shape_cast %get3A_480 : vector<1x16xf32> to vector<16xf32>
      %get3A_482 = arith.index_cast %scan3A_91 : i32 to index
      %get3A_483 = arith.constant 448 : index
      %get3A_484 = tpu.vector_load %arg9[%get3A_482, %get3A_483] {strides = array<i32>} : memref<16x1024xf32, #tpu.memory_space<vmem>>, vector<1x16xf32>,
      %get3A_485 = vector.shape_cast %get3A_484 : vector<1x16xf32> to vector<16xf32>
      %get3A_486 = arith.index_cast %add3A_96 : i32 to index
      %get3A_487 = arith.constant 192 : index
      %get3A_488 = tpu.vector_load %arg7[%get3A_486, %get3A_487] {strides = array<i32>} : memref<32x512xf32, #tpu.memory_space<vmem>>, vector<1x16xf32>,
      %get3A_489 = vector.shape_cast %get3A_488 : vector<1x16xf32> to vector<16xf32>
      %get3A_490 = arith.index_cast %add3A_96 : i32 to index
      %get3A_491 = arith.constant 448 : index
      %get3A_492 = tpu.vector_load %arg7[%get3A_490, %get3A_491] {strides = array<i32>} : memref<32x512xf32, #tpu.memory_space<vmem>>, vector<1x16xf32>,
      %get3A_493 = vector.shape_cast %get3A_492 : vector<1x16xf32> to vector<16xf32>
      %mul3A_494 = arith.mulf %get3A_481, %get3A_489 : vector<16xf32>
      %mul3A_495 = arith.mulf %get3A_485, %get3A_493 : vector<16xf32>
      %sub3A_496 = arith.subf %mul3A_494, %mul3A_495 : vector<16xf32>
      %swap3A_497 = arith.index_cast %scan3A_91 : i32 to index
      %swap3A_498 = arith.constant 192 : index
      %swap3A_499 = tpu.vector_load %arg9[%swap3A_497, %swap3A_498] {strides = array<i32>} : memref<16x1024xf32, #tpu.memory_space<vmem>>, vector<1x16xf32>,
      %swap3A_500 = vector.shape_cast %swap3A_499 : vector<1x16xf32> to vector<16xf32>
      %swap3A_501 = vector.shape_cast %sub3A_496 : vector<16xf32> to vector<1x16xf32>
      tpu.vector_store %arg9[%swap3A_497, %swap3A_498], %swap3A_501 {strides = array<i32>} : memref<16x1024xf32, #tpu.memory_space<vmem>>, vector<1x16xf32>,
      %mul3A_502 = arith.mulf %get3A_485, %get3A_489 : vector<16xf32>
      %mul3A_503 = arith.mulf %get3A_481, %get3A_493 : vector<16xf32>
      %add3A_504 = arith.addf %mul3A_502, %mul3A_503 : vector<16xf32>
      %swap3A_505 = arith.index_cast %scan3A_91 : i32 to index
      %swap3A_506 = arith.constant 448 : index
      %swap3A_507 = tpu.vector_load %arg9[%swap3A_505, %swap3A_506] {strides = array<i32>} : memref<16x1024xf32, #tpu.memory_space<vmem>>, vector<1x16xf32>,
      %swap3A_508 = vector.shape_cast %swap3A_507 : vector<1x16xf32> to vector<16xf32>
      %swap3A_509 = vector.shape_cast %add3A_504 : vector<16xf32> to vector<1x16xf32>
      tpu.vector_store %arg9[%swap3A_505, %swap3A_506], %swap3A_509 {strides = array<i32>} : memref<16x1024xf32, #tpu.memory_space<vmem>>, vector<1x16xf32>,
      %get3A_510 = arith.index_cast %scan3A_91 : i32 to index
      %get3A_511 = arith.constant 208 : index
      %get3A_512 = tpu.vector_load %arg9[%get3A_510, %get3A_511] {strides = array<i32>} : memref<16x1024xf32, #tpu.memory_space<vmem>>, vector<1x16xf32>,
      %get3A_513 = vector.shape_cast %get3A_512 : vector<1x16xf32> to vector<16xf32>
      %get3A_514 = arith.index_cast %scan3A_91 : i32 to index
      %get3A_515 = arith.constant 464 : index
      %get3A_516 = tpu.vector_load %arg9[%get3A_514, %get3A_515] {strides = array<i32>} : memref<16x1024xf32, #tpu.memory_space<vmem>>, vector<1x16xf32>,
      %get3A_517 = vector.shape_cast %get3A_516 : vector<1x16xf32> to vector<16xf32>
      %get3A_518 = arith.index_cast %add3A_96 : i32 to index
      %get3A_519 = arith.constant 208 : index
      %get3A_520 = tpu.vector_load %arg7[%get3A_518, %get3A_519] {strides = array<i32>} : memref<32x512xf32, #tpu.memory_space<vmem>>, vector<1x16xf32>,
      %get3A_521 = vector.shape_cast %get3A_520 : vector<1x16xf32> to vector<16xf32>
      %get3A_522 = arith.index_cast %add3A_96 : i32 to index
      %get3A_523 = arith.constant 464 : index
      %get3A_524 = tpu.vector_load %arg7[%get3A_522, %get3A_523] {strides = array<i32>} : memref<32x512xf32, #tpu.memory_space<vmem>>, vector<1x16xf32>,
      %get3A_525 = vector.shape_cast %get3A_524 : vector<1x16xf32> to vector<16xf32>
      %mul3A_526 = arith.mulf %get3A_513, %get3A_521 : vector<16xf32>
      %mul3A_527 = arith.mulf %get3A_517, %get3A_525 : vector<16xf32>
      %sub3A_528 = arith.subf %mul3A_526, %mul3A_527 : vector<16xf32>
      %swap3A_529 = arith.index_cast %scan3A_91 : i32 to index
      %swap3A_530 = arith.constant 208 : index
      %swap3A_531 = tpu.vector_load %arg9[%swap3A_529, %swap3A_530] {strides = array<i32>} : memref<16x1024xf32, #tpu.memory_space<vmem>>, vector<1x16xf32>,
      %swap3A_532 = vector.shape_cast %swap3A_531 : vector<1x16xf32> to vector<16xf32>
      %swap3A_533 = vector.shape_cast %sub3A_528 : vector<16xf32> to vector<1x16xf32>
      tpu.vector_store %arg9[%swap3A_529, %swap3A_530], %swap3A_533 {strides = array<i32>} : memref<16x1024xf32, #tpu.memory_space<vmem>>, vector<1x16xf32>,
      %mul3A_534 = arith.mulf %get3A_517, %get3A_521 : vector<16xf32>
      %mul3A_535 = arith.mulf %get3A_513, %get3A_525 : vector<16xf32>
      %add3A_536 = arith.addf %mul3A_534, %mul3A_535 : vector<16xf32>
      %swap3A_537 = arith.index_cast %scan3A_91 : i32 to index
      %swap3A_538 = arith.constant 464 : index
      %swap3A_539 = tpu.vector_load %arg9[%swap3A_537, %swap3A_538] {strides = array<i32>} : memref<16x1024xf32, #tpu.memory_space<vmem>>, vector<1x16xf32>,
      %swap3A_540 = vector.shape_cast %swap3A_539 : vector<1x16xf32> to vector<16xf32>
      %swap3A_541 = vector.shape_cast %add3A_536 : vector<16xf32> to vector<1x16xf32>
      tpu.vector_store %arg9[%swap3A_537, %swap3A_538], %swap3A_541 {strides = array<i32>} : memref<16x1024xf32, #tpu.memory_space<vmem>>, vector<1x16xf32>,
      %get3A_542 = arith.index_cast %scan3A_91 : i32 to index
      %get3A_543 = arith.constant 224 : index
      %get3A_544 = tpu.vector_load %arg9[%get3A_542, %get3A_543] {strides = array<i32>} : memref<16x1024xf32, #tpu.memory_space<vmem>>, vector<1x16xf32>,
      %get3A_545 = vector.shape_cast %get3A_544 : vector<1x16xf32> to vector<16xf32>
      %get3A_546 = arith.index_cast %scan3A_91 : i32 to index
      %get3A_547 = arith.constant 480 : index
      %get3A_548 = tpu.vector_load %arg9[%get3A_546, %get3A_547] {strides = array<i32>} : memref<16x1024xf32, #tpu.memory_space<vmem>>, vector<1x16xf32>,
      %get3A_549 = vector.shape_cast %get3A_548 : vector<1x16xf32> to vector<16xf32>
      %get3A_550 = arith.index_cast %add3A_96 : i32 to index
      %get3A_551 = arith.constant 224 : index
      %get3A_552 = tpu.vector_load %arg7[%get3A_550, %get3A_551] {strides = array<i32>} : memref<32x512xf32, #tpu.memory_space<vmem>>, vector<1x16xf32>,
      %get3A_553 = vector.shape_cast %get3A_552 : vector<1x16xf32> to vector<16xf32>
      %get3A_554 = arith.index_cast %add3A_96 : i32 to index
      %get3A_555 = arith.constant 480 : index
      %get3A_556 = tpu.vector_load %arg7[%get3A_554, %get3A_555] {strides = array<i32>} : memref<32x512xf32, #tpu.memory_space<vmem>>, vector<1x16xf32>,
      %get3A_557 = vector.shape_cast %get3A_556 : vector<1x16xf32> to vector<16xf32>
      %mul3A_558 = arith.mulf %get3A_545, %get3A_553 : vector<16xf32>
      %mul3A_559 = arith.mulf %get3A_549, %get3A_557 : vector<16xf32>
      %sub3A_560 = arith.subf %mul3A_558, %mul3A_559 : vector<16xf32>
      %swap3A_561 = arith.index_cast %scan3A_91 : i32 to index
      %swap3A_562 = arith.constant 224 : index
      %swap3A_563 = tpu.vector_load %arg9[%swap3A_561, %swap3A_562] {strides = array<i32>} : memref<16x1024xf32, #tpu.memory_space<vmem>>, vector<1x16xf32>,
      %swap3A_564 = vector.shape_cast %swap3A_563 : vector<1x16xf32> to vector<16xf32>
      %swap3A_565 = vector.shape_cast %sub3A_560 : vector<16xf32> to vector<1x16xf32>
      tpu.vector_store %arg9[%swap3A_561, %swap3A_562], %swap3A_565 {strides = array<i32>} : memref<16x1024xf32, #tpu.memory_space<vmem>>, vector<1x16xf32>,
      %mul3A_566 = arith.mulf %get3A_549, %get3A_553 : vector<16xf32>
      %mul3A_567 = arith.mulf %get3A_545, %get3A_557 : vector<16xf32>
      %add3A_568 = arith.addf %mul3A_566, %mul3A_567 : vector<16xf32>
      %swap3A_569 = arith.index_cast %scan3A_91 : i32 to index
      %swap3A_570 = arith.constant 480 : index
      %swap3A_571 = tpu.vector_load %arg9[%swap3A_569, %swap3A_570] {strides = array<i32>} : memref<16x1024xf32, #tpu.memory_space<vmem>>, vector<1x16xf32>,
      %swap3A_572 = vector.shape_cast %swap3A_571 : vector<1x16xf32> to vector<16xf32>
      %swap3A_573 = vector.shape_cast %add3A_568 : vector<16xf32> to vector<1x16xf32>
      tpu.vector_store %arg9[%swap3A_569, %swap3A_570], %swap3A_573 {strides = array<i32>} : memref<16x1024xf32, #tpu.memory_space<vmem>>, vector<1x16xf32>,
      %get3A_574 = arith.index_cast %scan3A_91 : i32 to index
      %get3A_575 = arith.constant 240 : index
      %get3A_576 = tpu.vector_load %arg9[%get3A_574, %get3A_575] {strides = array<i32>} : memref<16x1024xf32, #tpu.memory_space<vmem>>, vector<1x16xf32>,
      %get3A_577 = vector.shape_cast %get3A_576 : vector<1x16xf32> to vector<16xf32>
      %get3A_578 = arith.index_cast %scan3A_91 : i32 to index
      %get3A_579 = arith.constant 496 : index
      %get3A_580 = tpu.vector_load %arg9[%get3A_578, %get3A_579] {strides = array<i32>} : memref<16x1024xf32, #tpu.memory_space<vmem>>, vector<1x16xf32>,
      %get3A_581 = vector.shape_cast %get3A_580 : vector<1x16xf32> to vector<16xf32>
      %get3A_582 = arith.index_cast %add3A_96 : i32 to index
      %get3A_583 = arith.constant 240 : index
      %get3A_584 = tpu.vector_load %arg7[%get3A_582, %get3A_583] {strides = array<i32>} : memref<32x512xf32, #tpu.memory_space<vmem>>, vector<1x16xf32>,
      %get3A_585 = vector.shape_cast %get3A_584 : vector<1x16xf32> to vector<16xf32>
      %get3A_586 = arith.index_cast %add3A_96 : i32 to index
      %get3A_587 = arith.constant 496 : index
      %get3A_588 = tpu.vector_load %arg7[%get3A_586, %get3A_587] {strides = array<i32>} : memref<32x512xf32, #tpu.memory_space<vmem>>, vector<1x16xf32>,
      %get3A_589 = vector.shape_cast %get3A_588 : vector<1x16xf32> to vector<16xf32>
      %mul3A_590 = arith.mulf %get3A_577, %get3A_585 : vector<16xf32>
      %mul3A_591 = arith.mulf %get3A_581, %get3A_589 : vector<16xf32>
      %sub3A_592 = arith.subf %mul3A_590, %mul3A_591 : vector<16xf32>
      %swap3A_593 = arith.index_cast %scan3A_91 : i32 to index
      %swap3A_594 = arith.constant 240 : index
      %swap3A_595 = tpu.vector_load %arg9[%swap3A_593, %swap3A_594] {strides = array<i32>} : memref<16x1024xf32, #tpu.memory_space<vmem>>, vector<1x16xf32>,
      %swap3A_596 = vector.shape_cast %swap3A_595 : vector<1x16xf32> to vector<16xf32>
      %swap3A_597 = vector.shape_cast %sub3A_592 : vector<16xf32> to vector<1x16xf32>
      tpu.vector_store %arg9[%swap3A_593, %swap3A_594], %swap3A_597 {strides = array<i32>} : memref<16x1024xf32, #tpu.memory_space<vmem>>, vector<1x16xf32>,
      %mul3A_598 = arith.mulf %get3A_581, %get3A_585 : vector<16xf32>
      %mul3A_599 = arith.mulf %get3A_577, %get3A_589 : vector<16xf32>
      %add3A_600 = arith.addf %mul3A_598, %mul3A_599 : vector<16xf32>
      %swap3A_601 = arith.index_cast %scan3A_91 : i32 to index
      %swap3A_602 = arith.constant 496 : index
      %swap3A_603 = tpu.vector_load %arg9[%swap3A_601, %swap3A_602] {strides = array<i32>} : memref<16x1024xf32, #tpu.memory_space<vmem>>, vector<1x16xf32>,
      %swap3A_604 = vector.shape_cast %swap3A_603 : vector<1x16xf32> to vector<16xf32>
      %swap3A_605 = vector.shape_cast %add3A_600 : vector<16xf32> to vector<1x16xf32>
      tpu.vector_store %arg9[%swap3A_601, %swap3A_602], %swap3A_605 {strides = array<i32>} : memref<16x1024xf32, #tpu.memory_space<vmem>>, vector<1x16xf32>,
      %mul3A_606 = arith.constant 2 : i32
      %mul3A_607 = arith.muli %mul3A_606, %scan3A_91 : i32
      %add3A_608 = arith.constant 1 : i32
      %add3A_609 = arith.addi %mul3A_607, %add3A_608 : i32
      %get3A_610 = arith.index_cast %scan3A_91 : i32 to index
      %get3A_611 = arith.constant 512 : index
      %get3A_612 = tpu.vector_load %arg9[%get3A_610, %get3A_611] {strides = array<i32>} : memref<16x1024xf32, #tpu.memory_space<vmem>>, vector<1x16xf32>,
      %get3A_613 = vector.shape_cast %get3A_612 : vector<1x16xf32> to vector<16xf32>
      %get3A_614 = arith.index_cast %scan3A_91 : i32 to index
      %get3A_615 = arith.constant 768 : index
      %get3A_616 = tpu.vector_load %arg9[%get3A_614, %get3A_615] {strides = array<i32>} : memref<16x1024xf32, #tpu.memory_space<vmem>>, vector<1x16xf32>,
      %get3A_617 = vector.shape_cast %get3A_616 : vector<1x16xf32> to vector<16xf32>
      %get3A_618 = arith.index_cast %add3A_609 : i32 to index
      %get3A_619 = arith.constant 0 : index
      %get3A_620 = tpu.vector_load %arg7[%get3A_618, %get3A_619] {strides = array<i32>} : memref<32x512xf32, #tpu.memory_space<vmem>>, vector<1x16xf32>,
      %get3A_621 = vector.shape_cast %get3A_620 : vector<1x16xf32> to vector<16xf32>
      %get3A_622 = arith.index_cast %add3A_609 : i32 to index
      %get3A_623 = arith.constant 256 : index
      %get3A_624 = tpu.vector_load %arg7[%get3A_622, %get3A_623] {strides = array<i32>} : memref<32x512xf32, #tpu.memory_space<vmem>>, vector<1x16xf32>,
      %get3A_625 = vector.shape_cast %get3A_624 : vector<1x16xf32> to vector<16xf32>
      %mul3A_626 = arith.mulf %get3A_613, %get3A_621 : vector<16xf32>
      %mul3A_627 = arith.mulf %get3A_617, %get3A_625 : vector<16xf32>
      %sub3A_628 = arith.subf %mul3A_626, %mul3A_627 : vector<16xf32>
      %swap3A_629 = arith.index_cast %scan3A_91 : i32 to index
      %swap3A_630 = arith.constant 512 : index
      %swap3A_631 = tpu.vector_load %arg9[%swap3A_629, %swap3A_630] {strides = array<i32>} : memref<16x1024xf32, #tpu.memory_space<vmem>>, vector<1x16xf32>,
      %swap3A_632 = vector.shape_cast %swap3A_631 : vector<1x16xf32> to vector<16xf32>
      %swap3A_633 = vector.shape_cast %sub3A_628 : vector<16xf32> to vector<1x16xf32>
      tpu.vector_store %arg9[%swap3A_629, %swap3A_630], %swap3A_633 {strides = array<i32>} : memref<16x1024xf32, #tpu.memory_space<vmem>>, vector<1x16xf32>,
      %mul3A_634 = arith.mulf %get3A_617, %get3A_621 : vector<16xf32>
      %mul3A_635 = arith.mulf %get3A_613, %get3A_625 : vector<16xf32>
      %add3A_636 = arith.addf %mul3A_634, %mul3A_635 : vector<16xf32>
      %swap3A_637 = arith.index_cast %scan3A_91 : i32 to index
      %swap3A_638 = arith.constant 768 : index
      %swap3A_639 = tpu.vector_load %arg9[%swap3A_637, %swap3A_638] {strides = array<i32>} : memref<16x1024xf32, #tpu.memory_space<vmem>>, vector<1x16xf32>,
      %swap3A_640 = vector.shape_cast %swap3A_639 : vector<1x16xf32> to vector<16xf32>
      %swap3A_641 = vector.shape_cast %add3A_636 : vector<16xf32> to vector<1x16xf32>
      tpu.vector_store %arg9[%swap3A_637, %swap3A_638], %swap3A_641 {strides = array<i32>} : memref<16x1024xf32, #tpu.memory_space<vmem>>, vector<1x16xf32>,
      %get3A_642 = arith.index_cast %scan3A_91 : i32 to index
      %get3A_643 = arith.constant 528 : index
      %get3A_644 = tpu.vector_load %arg9[%get3A_642, %get3A_643] {strides = array<i32>} : memref<16x1024xf32, #tpu.memory_space<vmem>>, vector<1x16xf32>,
      %get3A_645 = vector.shape_cast %get3A_644 : vector<1x16xf32> to vector<16xf32>
      %get3A_646 = arith.index_cast %scan3A_91 : i32 to index
      %get3A_647 = arith.constant 784 : index
      %get3A_648 = tpu.vector_load %arg9[%get3A_646, %get3A_647] {strides = array<i32>} : memref<16x1024xf32, #tpu.memory_space<vmem>>, vector<1x16xf32>,
      %get3A_649 = vector.shape_cast %get3A_648 : vector<1x16xf32> to vector<16xf32>
      %get3A_650 = arith.index_cast %add3A_609 : i32 to index
      %get3A_651 = arith.constant 16 : index
      %get3A_652 = tpu.vector_load %arg7[%get3A_650, %get3A_651] {strides = array<i32>} : memref<32x512xf32, #tpu.memory_space<vmem>>, vector<1x16xf32>,
      %get3A_653 = vector.shape_cast %get3A_652 : vector<1x16xf32> to vector<16xf32>
      %get3A_654 = arith.index_cast %add3A_609 : i32 to index
      %get3A_655 = arith.constant 272 : index
      %get3A_656 = tpu.vector_load %arg7[%get3A_654, %get3A_655] {strides = array<i32>} : memref<32x512xf32, #tpu.memory_space<vmem>>, vector<1x16xf32>,
      %get3A_657 = vector.shape_cast %get3A_656 : vector<1x16xf32> to vector<16xf32>
      %mul3A_658 = arith.mulf %get3A_645, %get3A_653 : vector<16xf32>
      %mul3A_659 = arith.mulf %get3A_649, %get3A_657 : vector<16xf32>
      %sub3A_660 = arith.subf %mul3A_658, %mul3A_659 : vector<16xf32>
      %swap3A_661 = arith.index_cast %scan3A_91 : i32 to index
      %swap3A_662 = arith.constant 528 : index
      %swap3A_663 = tpu.vector_load %arg9[%swap3A_661, %swap3A_662] {strides = array<i32>} : memref<16x1024xf32, #tpu.memory_space<vmem>>, vector<1x16xf32>,
      %swap3A_664 = vector.shape_cast %swap3A_663 : vector<1x16xf32> to vector<16xf32>
      %swap3A_665 = vector.shape_cast %sub3A_660 : vector<16xf32> to vector<1x16xf32>
      tpu.vector_store %arg9[%swap3A_661, %swap3A_662], %swap3A_665 {strides = array<i32>} : memref<16x1024xf32, #tpu.memory_space<vmem>>, vector<1x16xf32>,
      %mul3A_666 = arith.mulf %get3A_649, %get3A_653 : vector<16xf32>
      %mul3A_667 = arith.mulf %get3A_645, %get3A_657 : vector<16xf32>
      %add3A_668 = arith.addf %mul3A_666, %mul3A_667 : vector<16xf32>
      %swap3A_669 = arith.index_cast %scan3A_91 : i32 to index
      %swap3A_670 = arith.constant 784 : index
      %swap3A_671 = tpu.vector_load %arg9[%swap3A_669, %swap3A_670] {strides = array<i32>} : memref<16x1024xf32, #tpu.memory_space<vmem>>, vector<1x16xf32>,
      %swap3A_672 = vector.shape_cast %swap3A_671 : vector<1x16xf32> to vector<16xf32>
      %swap3A_673 = vector.shape_cast %add3A_668 : vector<16xf32> to vector<1x16xf32>
      tpu.vector_store %arg9[%swap3A_669, %swap3A_670], %swap3A_673 {strides = array<i32>} : memref<16x1024xf32, #tpu.memory_space<vmem>>, vector<1x16xf32>,
      %get3A_674 = arith.index_cast %scan3A_91 : i32 to index
      %get3A_675 = arith.constant 544 : index
      %get3A_676 = tpu.vector_load %arg9[%get3A_674, %get3A_675] {strides = array<i32>} : memref<16x1024xf32, #tpu.memory_space<vmem>>, vector<1x16xf32>,
      %get3A_677 = vector.shape_cast %get3A_676 : vector<1x16xf32> to vector<16xf32>
      %get3A_678 = arith.index_cast %scan3A_91 : i32 to index
      %get3A_679 = arith.constant 800 : index
      %get3A_680 = tpu.vector_load %arg9[%get3A_678, %get3A_679] {strides = array<i32>} : memref<16x1024xf32, #tpu.memory_space<vmem>>, vector<1x16xf32>,
      %get3A_681 = vector.shape_cast %get3A_680 : vector<1x16xf32> to vector<16xf32>
      %get3A_682 = arith.index_cast %add3A_609 : i32 to index
      %get3A_683 = arith.constant 32 : index
      %get3A_684 = tpu.vector_load %arg7[%get3A_682, %get3A_683] {strides = array<i32>} : memref<32x512xf32, #tpu.memory_space<vmem>>, vector<1x16xf32>,
      %get3A_685 = vector.shape_cast %get3A_684 : vector<1x16xf32> to vector<16xf32>
      %get3A_686 = arith.index_cast %add3A_609 : i32 to index
      %get3A_687 = arith.constant 288 : index
      %get3A_688 = tpu.vector_load %arg7[%get3A_686, %get3A_687] {strides = array<i32>} : memref<32x512xf32, #tpu.memory_space<vmem>>, vector<1x16xf32>,
      %get3A_689 = vector.shape_cast %get3A_688 : vector<1x16xf32> to vector<16xf32>
      %mul3A_690 = arith.mulf %get3A_677, %get3A_685 : vector<16xf32>
      %mul3A_691 = arith.mulf %get3A_681, %get3A_689 : vector<16xf32>
      %sub3A_692 = arith.subf %mul3A_690, %mul3A_691 : vector<16xf32>
      %swap3A_693 = arith.index_cast %scan3A_91 : i32 to index
      %swap3A_694 = arith.constant 544 : index
      %swap3A_695 = tpu.vector_load %arg9[%swap3A_693, %swap3A_694] {strides = array<i32>} : memref<16x1024xf32, #tpu.memory_space<vmem>>, vector<1x16xf32>,
      %swap3A_696 = vector.shape_cast %swap3A_695 : vector<1x16xf32> to vector<16xf32>
      %swap3A_697 = vector.shape_cast %sub3A_692 : vector<16xf32> to vector<1x16xf32>
      tpu.vector_store %arg9[%swap3A_693, %swap3A_694], %swap3A_697 {strides = array<i32>} : memref<16x1024xf32, #tpu.memory_space<vmem>>, vector<1x16xf32>,
      %mul3A_698 = arith.mulf %get3A_681, %get3A_685 : vector<16xf32>
      %mul3A_699 = arith.mulf %get3A_677, %get3A_689 : vector<16xf32>
      %add3A_700 = arith.addf %mul3A_698, %mul3A_699 : vector<16xf32>
      %swap3A_701 = arith.index_cast %scan3A_91 : i32 to index
      %swap3A_702 = arith.constant 800 : index
      %swap3A_703 = tpu.vector_load %arg9[%swap3A_701, %swap3A_702] {strides = array<i32>} : memref<16x1024xf32, #tpu.memory_space<vmem>>, vector<1x16xf32>,
      %swap3A_704 = vector.shape_cast %swap3A_703 : vector<1x16xf32> to vector<16xf32>
      %swap3A_705 = vector.shape_cast %add3A_700 : vector<16xf32> to vector<1x16xf32>
      tpu.vector_store %arg9[%swap3A_701, %swap3A_702], %swap3A_705 {strides = array<i32>} : memref<16x1024xf32, #tpu.memory_space<vmem>>, vector<1x16xf32>,
      %get3A_706 = arith.index_cast %scan3A_91 : i32 to index
      %get3A_707 = arith.constant 560 : index
      %get3A_708 = tpu.vector_load %arg9[%get3A_706, %get3A_707] {strides = array<i32>} : memref<16x1024xf32, #tpu.memory_space<vmem>>, vector<1x16xf32>,
      %get3A_709 = vector.shape_cast %get3A_708 : vector<1x16xf32> to vector<16xf32>
      %get3A_710 = arith.index_cast %scan3A_91 : i32 to index
      %get3A_711 = arith.constant 816 : index
      %get3A_712 = tpu.vector_load %arg9[%get3A_710, %get3A_711] {strides = array<i32>} : memref<16x1024xf32, #tpu.memory_space<vmem>>, vector<1x16xf32>,
      %get3A_713 = vector.shape_cast %get3A_712 : vector<1x16xf32> to vector<16xf32>
      %get3A_714 = arith.index_cast %add3A_609 : i32 to index
      %get3A_715 = arith.constant 48 : index
      %get3A_716 = tpu.vector_load %arg7[%get3A_714, %get3A_715] {strides = array<i32>} : memref<32x512xf32, #tpu.memory_space<vmem>>, vector<1x16xf32>,
      %get3A_717 = vector.shape_cast %get3A_716 : vector<1x16xf32> to vector<16xf32>
      %get3A_718 = arith.index_cast %add3A_609 : i32 to index
      %get3A_719 = arith.constant 304 : index
      %get3A_720 = tpu.vector_load %arg7[%get3A_718, %get3A_719] {strides = array<i32>} : memref<32x512xf32, #tpu.memory_space<vmem>>, vector<1x16xf32>,
      %get3A_721 = vector.shape_cast %get3A_720 : vector<1x16xf32> to vector<16xf32>
      %mul3A_722 = arith.mulf %get3A_709, %get3A_717 : vector<16xf32>
      %mul3A_723 = arith.mulf %get3A_713, %get3A_721 : vector<16xf32>
      %sub3A_724 = arith.subf %mul3A_722, %mul3A_723 : vector<16xf32>
      %swap3A_725 = arith.index_cast %scan3A_91 : i32 to index
      %swap3A_726 = arith.constant 560 : index
      %swap3A_727 = tpu.vector_load %arg9[%swap3A_725, %swap3A_726] {strides = array<i32>} : memref<16x1024xf32, #tpu.memory_space<vmem>>, vector<1x16xf32>,
      %swap3A_728 = vector.shape_cast %swap3A_727 : vector<1x16xf32> to vector<16xf32>
      %swap3A_729 = vector.shape_cast %sub3A_724 : vector<16xf32> to vector<1x16xf32>
      tpu.vector_store %arg9[%swap3A_725, %swap3A_726], %swap3A_729 {strides = array<i32>} : memref<16x1024xf32, #tpu.memory_space<vmem>>, vector<1x16xf32>,
      %mul3A_730 = arith.mulf %get3A_713, %get3A_717 : vector<16xf32>
      %mul3A_731 = arith.mulf %get3A_709, %get3A_721 : vector<16xf32>
      %add3A_732 = arith.addf %mul3A_730, %mul3A_731 : vector<16xf32>
      %swap3A_733 = arith.index_cast %scan3A_91 : i32 to index
      %swap3A_734 = arith.constant 816 : index
      %swap3A_735 = tpu.vector_load %arg9[%swap3A_733, %swap3A_734] {strides = array<i32>} : memref<16x1024xf32, #tpu.memory_space<vmem>>, vector<1x16xf32>,
      %swap3A_736 = vector.shape_cast %swap3A_735 : vector<1x16xf32> to vector<16xf32>
      %swap3A_737 = vector.shape_cast %add3A_732 : vector<16xf32> to vector<1x16xf32>
      tpu.vector_store %arg9[%swap3A_733, %swap3A_734], %swap3A_737 {strides = array<i32>} : memref<16x1024xf32, #tpu.memory_space<vmem>>, vector<1x16xf32>,
      %get3A_738 = arith.index_cast %scan3A_91 : i32 to index
      %get3A_739 = arith.constant 576 : index
      %get3A_740 = tpu.vector_load %arg9[%get3A_738, %get3A_739] {strides = array<i32>} : memref<16x1024xf32, #tpu.memory_space<vmem>>, vector<1x16xf32>,
      %get3A_741 = vector.shape_cast %get3A_740 : vector<1x16xf32> to vector<16xf32>
      %get3A_742 = arith.index_cast %scan3A_91 : i32 to index
      %get3A_743 = arith.constant 832 : index
      %get3A_744 = tpu.vector_load %arg9[%get3A_742, %get3A_743] {strides = array<i32>} : memref<16x1024xf32, #tpu.memory_space<vmem>>, vector<1x16xf32>,
      %get3A_745 = vector.shape_cast %get3A_744 : vector<1x16xf32> to vector<16xf32>
      %get3A_746 = arith.index_cast %add3A_609 : i32 to index
      %get3A_747 = arith.constant 64 : index
      %get3A_748 = tpu.vector_load %arg7[%get3A_746, %get3A_747] {strides = array<i32>} : memref<32x512xf32, #tpu.memory_space<vmem>>, vector<1x16xf32>,
      %get3A_749 = vector.shape_cast %get3A_748 : vector<1x16xf32> to vector<16xf32>
      %get3A_750 = arith.index_cast %add3A_609 : i32 to index
      %get3A_751 = arith.constant 320 : index
      %get3A_752 = tpu.vector_load %arg7[%get3A_750, %get3A_751] {strides = array<i32>} : memref<32x512xf32, #tpu.memory_space<vmem>>, vector<1x16xf32>,
      %get3A_753 = vector.shape_cast %get3A_752 : vector<1x16xf32> to vector<16xf32>
      %mul3A_754 = arith.mulf %get3A_741, %get3A_749 : vector<16xf32>
      %mul3A_755 = arith.mulf %get3A_745, %get3A_753 : vector<16xf32>
      %sub3A_756 = arith.subf %mul3A_754, %mul3A_755 : vector<16xf32>
      %swap3A_757 = arith.index_cast %scan3A_91 : i32 to index
      %swap3A_758 = arith.constant 576 : index
      %swap3A_759 = tpu.vector_load %arg9[%swap3A_757, %swap3A_758] {strides = array<i32>} : memref<16x1024xf32, #tpu.memory_space<vmem>>, vector<1x16xf32>,
      %swap3A_760 = vector.shape_cast %swap3A_759 : vector<1x16xf32> to vector<16xf32>
      %swap3A_761 = vector.shape_cast %sub3A_756 : vector<16xf32> to vector<1x16xf32>
      tpu.vector_store %arg9[%swap3A_757, %swap3A_758], %swap3A_761 {strides = array<i32>} : memref<16x1024xf32, #tpu.memory_space<vmem>>, vector<1x16xf32>,
      %mul3A_762 = arith.mulf %get3A_745, %get3A_749 : vector<16xf32>
      %mul3A_763 = arith.mulf %get3A_741, %get3A_753 : vector<16xf32>
      %add3A_764 = arith.addf %mul3A_762, %mul3A_763 : vector<16xf32>
      %swap3A_765 = arith.index_cast %scan3A_91 : i32 to index
      %swap3A_766 = arith.constant 832 : index
      %swap3A_767 = tpu.vector_load %arg9[%swap3A_765, %swap3A_766] {strides = array<i32>} : memref<16x1024xf32, #tpu.memory_space<vmem>>, vector<1x16xf32>,
      %swap3A_768 = vector.shape_cast %swap3A_767 : vector<1x16xf32> to vector<16xf32>
      %swap3A_769 = vector.shape_cast %add3A_764 : vector<16xf32> to vector<1x16xf32>
      tpu.vector_store %arg9[%swap3A_765, %swap3A_766], %swap3A_769 {strides = array<i32>} : memref<16x1024xf32, #tpu.memory_space<vmem>>, vector<1x16xf32>,
      %get3A_770 = arith.index_cast %scan3A_91 : i32 to index
      %get3A_771 = arith.constant 592 : index
      %get3A_772 = tpu.vector_load %arg9[%get3A_770, %get3A_771] {strides = array<i32>} : memref<16x1024xf32, #tpu.memory_space<vmem>>, vector<1x16xf32>,
      %get3A_773 = vector.shape_cast %get3A_772 : vector<1x16xf32> to vector<16xf32>
      %get3A_774 = arith.index_cast %scan3A_91 : i32 to index
      %get3A_775 = arith.constant 848 : index
      %get3A_776 = tpu.vector_load %arg9[%get3A_774, %get3A_775] {strides = array<i32>} : memref<16x1024xf32, #tpu.memory_space<vmem>>, vector<1x16xf32>,
      %get3A_777 = vector.shape_cast %get3A_776 : vector<1x16xf32> to vector<16xf32>
      %get3A_778 = arith.index_cast %add3A_609 : i32 to index
      %get3A_779 = arith.constant 80 : index
      %get3A_780 = tpu.vector_load %arg7[%get3A_778, %get3A_779] {strides = array<i32>} : memref<32x512xf32, #tpu.memory_space<vmem>>, vector<1x16xf32>,
      %get3A_781 = vector.shape_cast %get3A_780 : vector<1x16xf32> to vector<16xf32>
      %get3A_782 = arith.index_cast %add3A_609 : i32 to index
      %get3A_783 = arith.constant 336 : index
      %get3A_784 = tpu.vector_load %arg7[%get3A_782, %get3A_783] {strides = array<i32>} : memref<32x512xf32, #tpu.memory_space<vmem>>, vector<1x16xf32>,
      %get3A_785 = vector.shape_cast %get3A_784 : vector<1x16xf32> to vector<16xf32>
      %mul3A_786 = arith.mulf %get3A_773, %get3A_781 : vector<16xf32>
      %mul3A_787 = arith.mulf %get3A_777, %get3A_785 : vector<16xf32>
      %sub3A_788 = arith.subf %mul3A_786, %mul3A_787 : vector<16xf32>
      %swap3A_789 = arith.index_cast %scan3A_91 : i32 to index
      %swap3A_790 = arith.constant 592 : index
      %swap3A_791 = tpu.vector_load %arg9[%swap3A_789, %swap3A_790] {strides = array<i32>} : memref<16x1024xf32, #tpu.memory_space<vmem>>, vector<1x16xf32>,
      %swap3A_792 = vector.shape_cast %swap3A_791 : vector<1x16xf32> to vector<16xf32>
      %swap3A_793 = vector.shape_cast %sub3A_788 : vector<16xf32> to vector<1x16xf32>
      tpu.vector_store %arg9[%swap3A_789, %swap3A_790], %swap3A_793 {strides = array<i32>} : memref<16x1024xf32, #tpu.memory_space<vmem>>, vector<1x16xf32>,
      %mul3A_794 = arith.mulf %get3A_777, %get3A_781 : vector<16xf32>
      %mul3A_795 = arith.mulf %get3A_773, %get3A_785 : vector<16xf32>
      %add3A_796 = arith.addf %mul3A_794, %mul3A_795 : vector<16xf32>
      %swap3A_797 = arith.index_cast %scan3A_91 : i32 to index
      %swap3A_798 = arith.constant 848 : index
      %swap3A_799 = tpu.vector_load %arg9[%swap3A_797, %swap3A_798] {strides = array<i32>} : memref<16x1024xf32, #tpu.memory_space<vmem>>, vector<1x16xf32>,
      %swap3A_800 = vector.shape_cast %swap3A_799 : vector<1x16xf32> to vector<16xf32>
      %swap3A_801 = vector.shape_cast %add3A_796 : vector<16xf32> to vector<1x16xf32>
      tpu.vector_store %arg9[%swap3A_797, %swap3A_798], %swap3A_801 {strides = array<i32>} : memref<16x1024xf32, #tpu.memory_space<vmem>>, vector<1x16xf32>,
      %get3A_802 = arith.index_cast %scan3A_91 : i32 to index
      %get3A_803 = arith.constant 608 : index
      %get3A_804 = tpu.vector_load %arg9[%get3A_802, %get3A_803] {strides = array<i32>} : memref<16x1024xf32, #tpu.memory_space<vmem>>, vector<1x16xf32>,
      %get3A_805 = vector.shape_cast %get3A_804 : vector<1x16xf32> to vector<16xf32>
      %get3A_806 = arith.index_cast %scan3A_91 : i32 to index
      %get3A_807 = arith.constant 864 : index
      %get3A_808 = tpu.vector_load %arg9[%get3A_806, %get3A_807] {strides = array<i32>} : memref<16x1024xf32, #tpu.memory_space<vmem>>, vector<1x16xf32>,
      %get3A_809 = vector.shape_cast %get3A_808 : vector<1x16xf32> to vector<16xf32>
      %get3A_810 = arith.index_cast %add3A_609 : i32 to index
      %get3A_811 = arith.constant 96 : index
      %get3A_812 = tpu.vector_load %arg7[%get3A_810, %get3A_811] {strides = array<i32>} : memref<32x512xf32, #tpu.memory_space<vmem>>, vector<1x16xf32>,
      %get3A_813 = vector.shape_cast %get3A_812 : vector<1x16xf32> to vector<16xf32>
      %get3A_814 = arith.index_cast %add3A_609 : i32 to index
      %get3A_815 = arith.constant 352 : index
      %get3A_816 = tpu.vector_load %arg7[%get3A_814, %get3A_815] {strides = array<i32>} : memref<32x512xf32, #tpu.memory_space<vmem>>, vector<1x16xf32>,
      %get3A_817 = vector.shape_cast %get3A_816 : vector<1x16xf32> to vector<16xf32>
      %mul3A_818 = arith.mulf %get3A_805, %get3A_813 : vector<16xf32>
      %mul3A_819 = arith.mulf %get3A_809, %get3A_817 : vector<16xf32>
      %sub3A_820 = arith.subf %mul3A_818, %mul3A_819 : vector<16xf32>
      %swap3A_821 = arith.index_cast %scan3A_91 : i32 to index
      %swap3A_822 = arith.constant 608 : index
      %swap3A_823 = tpu.vector_load %arg9[%swap3A_821, %swap3A_822] {strides = array<i32>} : memref<16x1024xf32, #tpu.memory_space<vmem>>, vector<1x16xf32>,
      %swap3A_824 = vector.shape_cast %swap3A_823 : vector<1x16xf32> to vector<16xf32>
      %swap3A_825 = vector.shape_cast %sub3A_820 : vector<16xf32> to vector<1x16xf32>
      tpu.vector_store %arg9[%swap3A_821, %swap3A_822], %swap3A_825 {strides = array<i32>} : memref<16x1024xf32, #tpu.memory_space<vmem>>, vector<1x16xf32>,
      %mul3A_826 = arith.mulf %get3A_809, %get3A_813 : vector<16xf32>
      %mul3A_827 = arith.mulf %get3A_805, %get3A_817 : vector<16xf32>
      %add3A_828 = arith.addf %mul3A_826, %mul3A_827 : vector<16xf32>
      %swap3A_829 = arith.index_cast %scan3A_91 : i32 to index
      %swap3A_830 = arith.constant 864 : index
      %swap3A_831 = tpu.vector_load %arg9[%swap3A_829, %swap3A_830] {strides = array<i32>} : memref<16x1024xf32, #tpu.memory_space<vmem>>, vector<1x16xf32>,
      %swap3A_832 = vector.shape_cast %swap3A_831 : vector<1x16xf32> to vector<16xf32>
      %swap3A_833 = vector.shape_cast %add3A_828 : vector<16xf32> to vector<1x16xf32>
      tpu.vector_store %arg9[%swap3A_829, %swap3A_830], %swap3A_833 {strides = array<i32>} : memref<16x1024xf32, #tpu.memory_space<vmem>>, vector<1x16xf32>,
      %get3A_834 = arith.index_cast %scan3A_91 : i32 to index
      %get3A_835 = arith.constant 624 : index
      %get3A_836 = tpu.vector_load %arg9[%get3A_834, %get3A_835] {strides = array<i32>} : memref<16x1024xf32, #tpu.memory_space<vmem>>, vector<1x16xf32>,
      %get3A_837 = vector.shape_cast %get3A_836 : vector<1x16xf32> to vector<16xf32>
      %get3A_838 = arith.index_cast %scan3A_91 : i32 to index
      %get3A_839 = arith.constant 880 : index
      %get3A_840 = tpu.vector_load %arg9[%get3A_838, %get3A_839] {strides = array<i32>} : memref<16x1024xf32, #tpu.memory_space<vmem>>, vector<1x16xf32>,
      %get3A_841 = vector.shape_cast %get3A_840 : vector<1x16xf32> to vector<16xf32>
      %get3A_842 = arith.index_cast %add3A_609 : i32 to index
      %get3A_843 = arith.constant 112 : index
      %get3A_844 = tpu.vector_load %arg7[%get3A_842, %get3A_843] {strides = array<i32>} : memref<32x512xf32, #tpu.memory_space<vmem>>, vector<1x16xf32>,
      %get3A_845 = vector.shape_cast %get3A_844 : vector<1x16xf32> to vector<16xf32>
      %get3A_846 = arith.index_cast %add3A_609 : i32 to index
      %get3A_847 = arith.constant 368 : index
      %get3A_848 = tpu.vector_load %arg7[%get3A_846, %get3A_847] {strides = array<i32>} : memref<32x512xf32, #tpu.memory_space<vmem>>, vector<1x16xf32>,
      %get3A_849 = vector.shape_cast %get3A_848 : vector<1x16xf32> to vector<16xf32>
      %mul3A_850 = arith.mulf %get3A_837, %get3A_845 : vector<16xf32>
      %mul3A_851 = arith.mulf %get3A_841, %get3A_849 : vector<16xf32>
      %sub3A_852 = arith.subf %mul3A_850, %mul3A_851 : vector<16xf32>
      %swap3A_853 = arith.index_cast %scan3A_91 : i32 to index
      %swap3A_854 = arith.constant 624 : index
      %swap3A_855 = tpu.vector_load %arg9[%swap3A_853, %swap3A_854] {strides = array<i32>} : memref<16x1024xf32, #tpu.memory_space<vmem>>, vector<1x16xf32>,
      %swap3A_856 = vector.shape_cast %swap3A_855 : vector<1x16xf32> to vector<16xf32>
      %swap3A_857 = vector.shape_cast %sub3A_852 : vector<16xf32> to vector<1x16xf32>
      tpu.vector_store %arg9[%swap3A_853, %swap3A_854], %swap3A_857 {strides = array<i32>} : memref<16x1024xf32, #tpu.memory_space<vmem>>, vector<1x16xf32>,
      %mul3A_858 = arith.mulf %get3A_841, %get3A_845 : vector<16xf32>
      %mul3A_859 = arith.mulf %get3A_837, %get3A_849 : vector<16xf32>
      %add3A_860 = arith.addf %mul3A_858, %mul3A_859 : vector<16xf32>
      %swap3A_861 = arith.index_cast %scan3A_91 : i32 to index
      %swap3A_862 = arith.constant 880 : index
      %swap3A_863 = tpu.vector_load %arg9[%swap3A_861, %swap3A_862] {strides = array<i32>} : memref<16x1024xf32, #tpu.memory_space<vmem>>, vector<1x16xf32>,
      %swap3A_864 = vector.shape_cast %swap3A_863 : vector<1x16xf32> to vector<16xf32>
      %swap3A_865 = vector.shape_cast %add3A_860 : vector<16xf32> to vector<1x16xf32>
      tpu.vector_store %arg9[%swap3A_861, %swap3A_862], %swap3A_865 {strides = array<i32>} : memref<16x1024xf32, #tpu.memory_space<vmem>>, vector<1x16xf32>,
      %get3A_866 = arith.index_cast %scan3A_91 : i32 to index
      %get3A_867 = arith.constant 640 : index
      %get3A_868 = tpu.vector_load %arg9[%get3A_866, %get3A_867] {strides = array<i32>} : memref<16x1024xf32, #tpu.memory_space<vmem>>, vector<1x16xf32>,
      %get3A_869 = vector.shape_cast %get3A_868 : vector<1x16xf32> to vector<16xf32>
      %get3A_870 = arith.index_cast %scan3A_91 : i32 to index
      %get3A_871 = arith.constant 896 : index
      %get3A_872 = tpu.vector_load %arg9[%get3A_870, %get3A_871] {strides = array<i32>} : memref<16x1024xf32, #tpu.memory_space<vmem>>, vector<1x16xf32>,
      %get3A_873 = vector.shape_cast %get3A_872 : vector<1x16xf32> to vector<16xf32>
      %get3A_874 = arith.index_cast %add3A_609 : i32 to index
      %get3A_875 = arith.constant 128 : index
      %get3A_876 = tpu.vector_load %arg7[%get3A_874, %get3A_875] {strides = array<i32>} : memref<32x512xf32, #tpu.memory_space<vmem>>, vector<1x16xf32>,
      %get3A_877 = vector.shape_cast %get3A_876 : vector<1x16xf32> to vector<16xf32>
      %get3A_878 = arith.index_cast %add3A_609 : i32 to index
      %get3A_879 = arith.constant 384 : index
      %get3A_880 = tpu.vector_load %arg7[%get3A_878, %get3A_879] {strides = array<i32>} : memref<32x512xf32, #tpu.memory_space<vmem>>, vector<1x16xf32>,
      %get3A_881 = vector.shape_cast %get3A_880 : vector<1x16xf32> to vector<16xf32>
      %mul3A_882 = arith.mulf %get3A_869, %get3A_877 : vector<16xf32>
      %mul3A_883 = arith.mulf %get3A_873, %get3A_881 : vector<16xf32>
      %sub3A_884 = arith.subf %mul3A_882, %mul3A_883 : vector<16xf32>
      %swap3A_885 = arith.index_cast %scan3A_91 : i32 to index
      %swap3A_886 = arith.constant 640 : index
      %swap3A_887 = tpu.vector_load %arg9[%swap3A_885, %swap3A_886] {strides = array<i32>} : memref<16x1024xf32, #tpu.memory_space<vmem>>, vector<1x16xf32>,
      %swap3A_888 = vector.shape_cast %swap3A_887 : vector<1x16xf32> to vector<16xf32>
      %swap3A_889 = vector.shape_cast %sub3A_884 : vector<16xf32> to vector<1x16xf32>
      tpu.vector_store %arg9[%swap3A_885, %swap3A_886], %swap3A_889 {strides = array<i32>} : memref<16x1024xf32, #tpu.memory_space<vmem>>, vector<1x16xf32>,
      %mul3A_890 = arith.mulf %get3A_873, %get3A_877 : vector<16xf32>
      %mul3A_891 = arith.mulf %get3A_869, %get3A_881 : vector<16xf32>
      %add3A_892 = arith.addf %mul3A_890, %mul3A_891 : vector<16xf32>
      %swap3A_893 = arith.index_cast %scan3A_91 : i32 to index
      %swap3A_894 = arith.constant 896 : index
      %swap3A_895 = tpu.vector_load %arg9[%swap3A_893, %swap3A_894] {strides = array<i32>} : memref<16x1024xf32, #tpu.memory_space<vmem>>, vector<1x16xf32>,
      %swap3A_896 = vector.shape_cast %swap3A_895 : vector<1x16xf32> to vector<16xf32>
      %swap3A_897 = vector.shape_cast %add3A_892 : vector<16xf32> to vector<1x16xf32>
      tpu.vector_store %arg9[%swap3A_893, %swap3A_894], %swap3A_897 {strides = array<i32>} : memref<16x1024xf32, #tpu.memory_space<vmem>>, vector<1x16xf32>,
      %get3A_898 = arith.index_cast %scan3A_91 : i32 to index
      %get3A_899 = arith.constant 656 : index
      %get3A_900 = tpu.vector_load %arg9[%get3A_898, %get3A_899] {strides = array<i32>} : memref<16x1024xf32, #tpu.memory_space<vmem>>, vector<1x16xf32>,
      %get3A_901 = vector.shape_cast %get3A_900 : vector<1x16xf32> to vector<16xf32>
      %get3A_902 = arith.index_cast %scan3A_91 : i32 to index
      %get3A_903 = arith.constant 912 : index
      %get3A_904 = tpu.vector_load %arg9[%get3A_902, %get3A_903] {strides = array<i32>} : memref<16x1024xf32, #tpu.memory_space<vmem>>, vector<1x16xf32>,
      %get3A_905 = vector.shape_cast %get3A_904 : vector<1x16xf32> to vector<16xf32>
      %get3A_906 = arith.index_cast %add3A_609 : i32 to index
      %get3A_907 = arith.constant 144 : index
      %get3A_908 = tpu.vector_load %arg7[%get3A_906, %get3A_907] {strides = array<i32>} : memref<32x512xf32, #tpu.memory_space<vmem>>, vector<1x16xf32>,
      %get3A_909 = vector.shape_cast %get3A_908 : vector<1x16xf32> to vector<16xf32>
      %get3A_910 = arith.index_cast %add3A_609 : i32 to index
      %get3A_911 = arith.constant 400 : index
      %get3A_912 = tpu.vector_load %arg7[%get3A_910, %get3A_911] {strides = array<i32>} : memref<32x512xf32, #tpu.memory_space<vmem>>, vector<1x16xf32>,
      %get3A_913 = vector.shape_cast %get3A_912 : vector<1x16xf32> to vector<16xf32>
      %mul3A_914 = arith.mulf %get3A_901, %get3A_909 : vector<16xf32>
      %mul3A_915 = arith.mulf %get3A_905, %get3A_913 : vector<16xf32>
      %sub3A_916 = arith.subf %mul3A_914, %mul3A_915 : vector<16xf32>
      %swap3A_917 = arith.index_cast %scan3A_91 : i32 to index
      %swap3A_918 = arith.constant 656 : index
      %swap3A_919 = tpu.vector_load %arg9[%swap3A_917, %swap3A_918] {strides = array<i32>} : memref<16x1024xf32, #tpu.memory_space<vmem>>, vector<1x16xf32>,
      %swap3A_920 = vector.shape_cast %swap3A_919 : vector<1x16xf32> to vector<16xf32>
      %swap3A_921 = vector.shape_cast %sub3A_916 : vector<16xf32> to vector<1x16xf32>
      tpu.vector_store %arg9[%swap3A_917, %swap3A_918], %swap3A_921 {strides = array<i32>} : memref<16x1024xf32, #tpu.memory_space<vmem>>, vector<1x16xf32>,
      %mul3A_922 = arith.mulf %get3A_905, %get3A_909 : vector<16xf32>
      %mul3A_923 = arith.mulf %get3A_901, %get3A_913 : vector<16xf32>
      %add3A_924 = arith.addf %mul3A_922, %mul3A_923 : vector<16xf32>
      %swap3A_925 = arith.index_cast %scan3A_91 : i32 to index
      %swap3A_926 = arith.constant 912 : index
      %swap3A_927 = tpu.vector_load %arg9[%swap3A_925, %swap3A_926] {strides = array<i32>} : memref<16x1024xf32, #tpu.memory_space<vmem>>, vector<1x16xf32>,
      %swap3A_928 = vector.shape_cast %swap3A_927 : vector<1x16xf32> to vector<16xf32>
      %swap3A_929 = vector.shape_cast %add3A_924 : vector<16xf32> to vector<1x16xf32>
      tpu.vector_store %arg9[%swap3A_925, %swap3A_926], %swap3A_929 {strides = array<i32>} : memref<16x1024xf32, #tpu.memory_space<vmem>>, vector<1x16xf32>,
      %get3A_930 = arith.index_cast %scan3A_91 : i32 to index
      %get3A_931 = arith.constant 672 : index
      %get3A_932 = tpu.vector_load %arg9[%get3A_930, %get3A_931] {strides = array<i32>} : memref<16x1024xf32, #tpu.memory_space<vmem>>, vector<1x16xf32>,
      %get3A_933 = vector.shape_cast %get3A_932 : vector<1x16xf32> to vector<16xf32>
      %get3A_934 = arith.index_cast %scan3A_91 : i32 to index
      %get3A_935 = arith.constant 928 : index
      %get3A_936 = tpu.vector_load %arg9[%get3A_934, %get3A_935] {strides = array<i32>} : memref<16x1024xf32, #tpu.memory_space<vmem>>, vector<1x16xf32>,
      %get3A_937 = vector.shape_cast %get3A_936 : vector<1x16xf32> to vector<16xf32>
      %get3A_938 = arith.index_cast %add3A_609 : i32 to index
      %get3A_939 = arith.constant 160 : index
      %get3A_940 = tpu.vector_load %arg7[%get3A_938, %get3A_939] {strides = array<i32>} : memref<32x512xf32, #tpu.memory_space<vmem>>, vector<1x16xf32>,
      %get3A_941 = vector.shape_cast %get3A_940 : vector<1x16xf32> to vector<16xf32>
      %get3A_942 = arith.index_cast %add3A_609 : i32 to index
      %get3A_943 = arith.constant 416 : index
      %get3A_944 = tpu.vector_load %arg7[%get3A_942, %get3A_943] {strides = array<i32>} : memref<32x512xf32, #tpu.memory_space<vmem>>, vector<1x16xf32>,
      %get3A_945 = vector.shape_cast %get3A_944 : vector<1x16xf32> to vector<16xf32>
      %mul3A_946 = arith.mulf %get3A_933, %get3A_941 : vector<16xf32>
      %mul3A_947 = arith.mulf %get3A_937, %get3A_945 : vector<16xf32>
      %sub3A_948 = arith.subf %mul3A_946, %mul3A_947 : vector<16xf32>
      %swap3A_949 = arith.index_cast %scan3A_91 : i32 to index
      %swap3A_950 = arith.constant 672 : index
      %swap3A_951 = tpu.vector_load %arg9[%swap3A_949, %swap3A_950] {strides = array<i32>} : memref<16x1024xf32, #tpu.memory_space<vmem>>, vector<1x16xf32>,
      %swap3A_952 = vector.shape_cast %swap3A_951 : vector<1x16xf32> to vector<16xf32>
      %swap3A_953 = vector.shape_cast %sub3A_948 : vector<16xf32> to vector<1x16xf32>
      tpu.vector_store %arg9[%swap3A_949, %swap3A_950], %swap3A_953 {strides = array<i32>} : memref<16x1024xf32, #tpu.memory_space<vmem>>, vector<1x16xf32>,
      %mul3A_954 = arith.mulf %get3A_937, %get3A_941 : vector<16xf32>
      %mul3A_955 = arith.mulf %get3A_933, %get3A_945 : vector<16xf32>
      %add3A_956 = arith.addf %mul3A_954, %mul3A_955 : vector<16xf32>
      %swap3A_957 = arith.index_cast %scan3A_91 : i32 to index
      %swap3A_958 = arith.constant 928 : index
      %swap3A_959 = tpu.vector_load %arg9[%swap3A_957, %swap3A_958] {strides = array<i32>} : memref<16x1024xf32, #tpu.memory_space<vmem>>, vector<1x16xf32>,
      %swap3A_960 = vector.shape_cast %swap3A_959 : vector<1x16xf32> to vector<16xf32>
      %swap3A_961 = vector.shape_cast %add3A_956 : vector<16xf32> to vector<1x16xf32>
      tpu.vector_store %arg9[%swap3A_957, %swap3A_958], %swap3A_961 {strides = array<i32>} : memref<16x1024xf32, #tpu.memory_space<vmem>>, vector<1x16xf32>,
      %get3A_962 = arith.index_cast %scan3A_91 : i32 to index
      %get3A_963 = arith.constant 688 : index
      %get3A_964 = tpu.vector_load %arg9[%get3A_962, %get3A_963] {strides = array<i32>} : memref<16x1024xf32, #tpu.memory_space<vmem>>, vector<1x16xf32>,
      %get3A_965 = vector.shape_cast %get3A_964 : vector<1x16xf32> to vector<16xf32>
      %get3A_966 = arith.index_cast %scan3A_91 : i32 to index
      %get3A_967 = arith.constant 944 : index
      %get3A_968 = tpu.vector_load %arg9[%get3A_966, %get3A_967] {strides = array<i32>} : memref<16x1024xf32, #tpu.memory_space<vmem>>, vector<1x16xf32>,
      %get3A_969 = vector.shape_cast %get3A_968 : vector<1x16xf32> to vector<16xf32>
      %get3A_970 = arith.index_cast %add3A_609 : i32 to index
      %get3A_971 = arith.constant 176 : index
      %get3A_972 = tpu.vector_load %arg7[%get3A_970, %get3A_971] {strides = array<i32>} : memref<32x512xf32, #tpu.memory_space<vmem>>, vector<1x16xf32>,
      %get3A_973 = vector.shape_cast %get3A_972 : vector<1x16xf32> to vector<16xf32>
      %get3A_974 = arith.index_cast %add3A_609 : i32 to index
      %get3A_975 = arith.constant 432 : index
      %get3A_976 = tpu.vector_load %arg7[%get3A_974, %get3A_975] {strides = array<i32>} : memref<32x512xf32, #tpu.memory_space<vmem>>, vector<1x16xf32>,
      %get3A_977 = vector.shape_cast %get3A_976 : vector<1x16xf32> to vector<16xf32>
      %mul3A_978 = arith.mulf %get3A_965, %get3A_973 : vector<16xf32>
      %mul3A_979 = arith.mulf %get3A_969, %get3A_977 : vector<16xf32>
      %sub3A_980 = arith.subf %mul3A_978, %mul3A_979 : vector<16xf32>
      %swap3A_981 = arith.index_cast %scan3A_91 : i32 to index
      %swap3A_982 = arith.constant 688 : index
      %swap3A_983 = tpu.vector_load %arg9[%swap3A_981, %swap3A_982] {strides = array<i32>} : memref<16x1024xf32, #tpu.memory_space<vmem>>, vector<1x16xf32>,
      %swap3A_984 = vector.shape_cast %swap3A_983 : vector<1x16xf32> to vector<16xf32>
      %swap3A_985 = vector.shape_cast %sub3A_980 : vector<16xf32> to vector<1x16xf32>
      tpu.vector_store %arg9[%swap3A_981, %swap3A_982], %swap3A_985 {strides = array<i32>} : memref<16x1024xf32, #tpu.memory_space<vmem>>, vector<1x16xf32>,
      %mul3A_986 = arith.mulf %get3A_969, %get3A_973 : vector<16xf32>
      %mul3A_987 = arith.mulf %get3A_965, %get3A_977 : vector<16xf32>
      %add3A_988 = arith.addf %mul3A_986, %mul3A_987 : vector<16xf32>
      %swap3A_989 = arith.index_cast %scan3A_91 : i32 to index
      %swap3A_990 = arith.constant 944 : index
      %swap3A_991 = tpu.vector_load %arg9[%swap3A_989, %swap3A_990] {strides = array<i32>} : memref<16x1024xf32, #tpu.memory_space<vmem>>, vector<1x16xf32>,
      %swap3A_992 = vector.shape_cast %swap3A_991 : vector<1x16xf32> to vector<16xf32>
      %swap3A_993 = vector.shape_cast %add3A_988 : vector<16xf32> to vector<1x16xf32>
      tpu.vector_store %arg9[%swap3A_989, %swap3A_990], %swap3A_993 {strides = array<i32>} : memref<16x1024xf32, #tpu.memory_space<vmem>>, vector<1x16xf32>,
      %get3A_994 = arith.index_cast %scan3A_91 : i32 to index
      %get3A_995 = arith.constant 704 : index
      %get3A_996 = tpu.vector_load %arg9[%get3A_994, %get3A_995] {strides = array<i32>} : memref<16x1024xf32, #tpu.memory_space<vmem>>, vector<1x16xf32>,
      %get3A_997 = vector.shape_cast %get3A_996 : vector<1x16xf32> to vector<16xf32>
      %get3A_998 = arith.index_cast %scan3A_91 : i32 to index
      %get3A_999 = arith.constant 960 : index
      %get3A_1000 = tpu.vector_load %arg9[%get3A_998, %get3A_999] {strides = array<i32>} : memref<16x1024xf32, #tpu.memory_space<vmem>>, vector<1x16xf32>,
      %get3A_1001 = vector.shape_cast %get3A_1000 : vector<1x16xf32> to vector<16xf32>
      %get3A_1002 = arith.index_cast %add3A_609 : i32 to index
      %get3A_1003 = arith.constant 192 : index
      %get3A_1004 = tpu.vector_load %arg7[%get3A_1002, %get3A_1003] {strides = array<i32>} : memref<32x512xf32, #tpu.memory_space<vmem>>, vector<1x16xf32>,
      %get3A_1005 = vector.shape_cast %get3A_1004 : vector<1x16xf32> to vector<16xf32>
      %get3A_1006 = arith.index_cast %add3A_609 : i32 to index
      %get3A_1007 = arith.constant 448 : index
      %get3A_1008 = tpu.vector_load %arg7[%get3A_1006, %get3A_1007] {strides = array<i32>} : memref<32x512xf32, #tpu.memory_space<vmem>>, vector<1x16xf32>,
      %get3A_1009 = vector.shape_cast %get3A_1008 : vector<1x16xf32> to vector<16xf32>
      %mul3A_1010 = arith.mulf %get3A_997, %get3A_1005 : vector<16xf32>
      %mul3A_1011 = arith.mulf %get3A_1001, %get3A_1009 : vector<16xf32>
      %sub3A_1012 = arith.subf %mul3A_1010, %mul3A_1011 : vector<16xf32>
      %swap3A_1013 = arith.index_cast %scan3A_91 : i32 to index
      %swap3A_1014 = arith.constant 704 : index
      %swap3A_1015 = tpu.vector_load %arg9[%swap3A_1013, %swap3A_1014] {strides = array<i32>} : memref<16x1024xf32, #tpu.memory_space<vmem>>, vector<1x16xf32>,
      %swap3A_1016 = vector.shape_cast %swap3A_1015 : vector<1x16xf32> to vector<16xf32>
      %swap3A_1017 = vector.shape_cast %sub3A_1012 : vector<16xf32> to vector<1x16xf32>
      tpu.vector_store %arg9[%swap3A_1013, %swap3A_1014], %swap3A_1017 {strides = array<i32>} : memref<16x1024xf32, #tpu.memory_space<vmem>>, vector<1x16xf32>,
      %mul3A_1018 = arith.mulf %get3A_1001, %get3A_1005 : vector<16xf32>
      %mul3A_1019 = arith.mulf %get3A_997, %get3A_1009 : vector<16xf32>
      %add3A_1020 = arith.addf %mul3A_1018, %mul3A_1019 : vector<16xf32>
      %swap3A_1021 = arith.index_cast %scan3A_91 : i32 to index
      %swap3A_1022 = arith.constant 960 : index
      %swap3A_1023 = tpu.vector_load %arg9[%swap3A_1021, %swap3A_1022] {strides = array<i32>} : memref<16x1024xf32, #tpu.memory_space<vmem>>, vector<1x16xf32>,
      %swap3A_1024 = vector.shape_cast %swap3A_1023 : vector<1x16xf32> to vector<16xf32>
      %swap3A_1025 = vector.shape_cast %add3A_1020 : vector<16xf32> to vector<1x16xf32>
      tpu.vector_store %arg9[%swap3A_1021, %swap3A_1022], %swap3A_1025 {strides = array<i32>} : memref<16x1024xf32, #tpu.memory_space<vmem>>, vector<1x16xf32>,
      %get3A_1026 = arith.index_cast %scan3A_91 : i32 to index
      %get3A_1027 = arith.constant 720 : index
      %get3A_1028 = tpu.vector_load %arg9[%get3A_1026, %get3A_1027] {strides = array<i32>} : memref<16x1024xf32, #tpu.memory_space<vmem>>, vector<1x16xf32>,
      %get3A_1029 = vector.shape_cast %get3A_1028 : vector<1x16xf32> to vector<16xf32>
      %get3A_1030 = arith.index_cast %scan3A_91 : i32 to index
      %get3A_1031 = arith.constant 976 : index
      %get3A_1032 = tpu.vector_load %arg9[%get3A_1030, %get3A_1031] {strides = array<i32>} : memref<16x1024xf32, #tpu.memory_space<vmem>>, vector<1x16xf32>,
      %get3A_1033 = vector.shape_cast %get3A_1032 : vector<1x16xf32> to vector<16xf32>
      %get3A_1034 = arith.index_cast %add3A_609 : i32 to index
      %get3A_1035 = arith.constant 208 : index
      %get3A_1036 = tpu.vector_load %arg7[%get3A_1034, %get3A_1035] {strides = array<i32>} : memref<32x512xf32, #tpu.memory_space<vmem>>, vector<1x16xf32>,
      %get3A_1037 = vector.shape_cast %get3A_1036 : vector<1x16xf32> to vector<16xf32>
      %get3A_1038 = arith.index_cast %add3A_609 : i32 to index
      %get3A_1039 = arith.constant 464 : index
      %get3A_1040 = tpu.vector_load %arg7[%get3A_1038, %get3A_1039] {strides = array<i32>} : memref<32x512xf32, #tpu.memory_space<vmem>>, vector<1x16xf32>,
      %get3A_1041 = vector.shape_cast %get3A_1040 : vector<1x16xf32> to vector<16xf32>
      %mul3A_1042 = arith.mulf %get3A_1029, %get3A_1037 : vector<16xf32>
      %mul3A_1043 = arith.mulf %get3A_1033, %get3A_1041 : vector<16xf32>
      %sub3A_1044 = arith.subf %mul3A_1042, %mul3A_1043 : vector<16xf32>
      %swap3A_1045 = arith.index_cast %scan3A_91 : i32 to index
      %swap3A_1046 = arith.constant 720 : index
      %swap3A_1047 = tpu.vector_load %arg9[%swap3A_1045, %swap3A_1046] {strides = array<i32>} : memref<16x1024xf32, #tpu.memory_space<vmem>>, vector<1x16xf32>,
      %swap3A_1048 = vector.shape_cast %swap3A_1047 : vector<1x16xf32> to vector<16xf32>
      %swap3A_1049 = vector.shape_cast %sub3A_1044 : vector<16xf32> to vector<1x16xf32>
      tpu.vector_store %arg9[%swap3A_1045, %swap3A_1046], %swap3A_1049 {strides = array<i32>} : memref<16x1024xf32, #tpu.memory_space<vmem>>, vector<1x16xf32>,
      %mul3A_1050 = arith.mulf %get3A_1033, %get3A_1037 : vector<16xf32>
      %mul3A_1051 = arith.mulf %get3A_1029, %get3A_1041 : vector<16xf32>
      %add3A_1052 = arith.addf %mul3A_1050, %mul3A_1051 : vector<16xf32>
      %swap3A_1053 = arith.index_cast %scan3A_91 : i32 to index
      %swap3A_1054 = arith.constant 976 : index
      %swap3A_1055 = tpu.vector_load %arg9[%swap3A_1053, %swap3A_1054] {strides = array<i32>} : memref<16x1024xf32, #tpu.memory_space<vmem>>, vector<1x16xf32>,
      %swap3A_1056 = vector.shape_cast %swap3A_1055 : vector<1x16xf32> to vector<16xf32>
      %swap3A_1057 = vector.shape_cast %add3A_1052 : vector<16xf32> to vector<1x16xf32>
      tpu.vector_store %arg9[%swap3A_1053, %swap3A_1054], %swap3A_1057 {strides = array<i32>} : memref<16x1024xf32, #tpu.memory_space<vmem>>, vector<1x16xf32>,
      %get3A_1058 = arith.index_cast %scan3A_91 : i32 to index
      %get3A_1059 = arith.constant 736 : index
      %get3A_1060 = tpu.vector_load %arg9[%get3A_1058, %get3A_1059] {strides = array<i32>} : memref<16x1024xf32, #tpu.memory_space<vmem>>, vector<1x16xf32>,
      %get3A_1061 = vector.shape_cast %get3A_1060 : vector<1x16xf32> to vector<16xf32>
      %get3A_1062 = arith.index_cast %scan3A_91 : i32 to index
      %get3A_1063 = arith.constant 992 : index
      %get3A_1064 = tpu.vector_load %arg9[%get3A_1062, %get3A_1063] {strides = array<i32>} : memref<16x1024xf32, #tpu.memory_space<vmem>>, vector<1x16xf32>,
      %get3A_1065 = vector.shape_cast %get3A_1064 : vector<1x16xf32> to vector<16xf32>
      %get3A_1066 = arith.index_cast %add3A_609 : i32 to index
      %get3A_1067 = arith.constant 224 : index
      %get3A_1068 = tpu.vector_load %arg7[%get3A_1066, %get3A_1067] {strides = array<i32>} : memref<32x512xf32, #tpu.memory_space<vmem>>, vector<1x16xf32>,
      %get3A_1069 = vector.shape_cast %get3A_1068 : vector<1x16xf32> to vector<16xf32>
      %get3A_1070 = arith.index_cast %add3A_609 : i32 to index
      %get3A_1071 = arith.constant 480 : index
      %get3A_1072 = tpu.vector_load %arg7[%get3A_1070, %get3A_1071] {strides = array<i32>} : memref<32x512xf32, #tpu.memory_space<vmem>>, vector<1x16xf32>,
      %get3A_1073 = vector.shape_cast %get3A_1072 : vector<1x16xf32> to vector<16xf32>
      %mul3A_1074 = arith.mulf %get3A_1061, %get3A_1069 : vector<16xf32>
      %mul3A_1075 = arith.mulf %get3A_1065, %get3A_1073 : vector<16xf32>
      %sub3A_1076 = arith.subf %mul3A_1074, %mul3A_1075 : vector<16xf32>
      %swap3A_1077 = arith.index_cast %scan3A_91 : i32 to index
      %swap3A_1078 = arith.constant 736 : index
      %swap3A_1079 = tpu.vector_load %arg9[%swap3A_1077, %swap3A_1078] {strides = array<i32>} : memref<16x1024xf32, #tpu.memory_space<vmem>>, vector<1x16xf32>,
      %swap3A_1080 = vector.shape_cast %swap3A_1079 : vector<1x16xf32> to vector<16xf32>
      %swap3A_1081 = vector.shape_cast %sub3A_1076 : vector<16xf32> to vector<1x16xf32>
      tpu.vector_store %arg9[%swap3A_1077, %swap3A_1078], %swap3A_1081 {strides = array<i32>} : memref<16x1024xf32, #tpu.memory_space<vmem>>, vector<1x16xf32>,
      %mul3A_1082 = arith.mulf %get3A_1065, %get3A_1069 : vector<16xf32>
      %mul3A_1083 = arith.mulf %get3A_1061, %get3A_1073 : vector<16xf32>
      %add3A_1084 = arith.addf %mul3A_1082, %mul3A_1083 : vector<16xf32>
      %swap3A_1085 = arith.index_cast %scan3A_91 : i32 to index
      %swap3A_1086 = arith.constant 992 : index
      %swap3A_1087 = tpu.vector_load %arg9[%swap3A_1085, %swap3A_1086] {strides = array<i32>} : memref<16x1024xf32, #tpu.memory_space<vmem>>, vector<1x16xf32>,
      %swap3A_1088 = vector.shape_cast %swap3A_1087 : vector<1x16xf32> to vector<16xf32>
      %swap3A_1089 = vector.shape_cast %add3A_1084 : vector<16xf32> to vector<1x16xf32>
      tpu.vector_store %arg9[%swap3A_1085, %swap3A_1086], %swap3A_1089 {strides = array<i32>} : memref<16x1024xf32, #tpu.memory_space<vmem>>, vector<1x16xf32>,
      %get3A_1090 = arith.index_cast %scan3A_91 : i32 to index
      %get3A_1091 = arith.constant 752 : index
      %get3A_1092 = tpu.vector_load %arg9[%get3A_1090, %get3A_1091] {strides = array<i32>} : memref<16x1024xf32, #tpu.memory_space<vmem>>, vector<1x16xf32>,
      %get3A_1093 = vector.shape_cast %get3A_1092 : vector<1x16xf32> to vector<16xf32>
      %get3A_1094 = arith.index_cast %scan3A_91 : i32 to index
      %get3A_1095 = arith.constant 1008 : index
      %get3A_1096 = tpu.vector_load %arg9[%get3A_1094, %get3A_1095] {strides = array<i32>} : memref<16x1024xf32, #tpu.memory_space<vmem>>, vector<1x16xf32>,
      %get3A_1097 = vector.shape_cast %get3A_1096 : vector<1x16xf32> to vector<16xf32>
      %get3A_1098 = arith.index_cast %add3A_609 : i32 to index
      %get3A_1099 = arith.constant 240 : index
      %get3A_1100 = tpu.vector_load %arg7[%get3A_1098, %get3A_1099] {strides = array<i32>} : memref<32x512xf32, #tpu.memory_space<vmem>>, vector<1x16xf32>,
      %get3A_1101 = vector.shape_cast %get3A_1100 : vector<1x16xf32> to vector<16xf32>
      %get3A_1102 = arith.index_cast %add3A_609 : i32 to index
      %get3A_1103 = arith.constant 496 : index
      %get3A_1104 = tpu.vector_load %arg7[%get3A_1102, %get3A_1103] {strides = array<i32>} : memref<32x512xf32, #tpu.memory_space<vmem>>, vector<1x16xf32>,
      %get3A_1105 = vector.shape_cast %get3A_1104 : vector<1x16xf32> to vector<16xf32>
      %mul3A_1106 = arith.mulf %get3A_1093, %get3A_1101 : vector<16xf32>
      %mul3A_1107 = arith.mulf %get3A_1097, %get3A_1105 : vector<16xf32>
      %sub3A_1108 = arith.subf %mul3A_1106, %mul3A_1107 : vector<16xf32>
      %swap3A_1109 = arith.index_cast %scan3A_91 : i32 to index
      %swap3A_1110 = arith.constant 752 : index
      %swap3A_1111 = tpu.vector_load %arg9[%swap3A_1109, %swap3A_1110] {strides = array<i32>} : memref<16x1024xf32, #tpu.memory_space<vmem>>, vector<1x16xf32>,
      %swap3A_1112 = vector.shape_cast %swap3A_1111 : vector<1x16xf32> to vector<16xf32>
      %swap3A_1113 = vector.shape_cast %sub3A_1108 : vector<16xf32> to vector<1x16xf32>
      tpu.vector_store %arg9[%swap3A_1109, %swap3A_1110], %swap3A_1113 {strides = array<i32>} : memref<16x1024xf32, #tpu.memory_space<vmem>>, vector<1x16xf32>,
      %mul3A_1114 = arith.mulf %get3A_1097, %get3A_1101 : vector<16xf32>
      %mul3A_1115 = arith.mulf %get3A_1093, %get3A_1105 : vector<16xf32>
      %add3A_1116 = arith.addf %mul3A_1114, %mul3A_1115 : vector<16xf32>
      %swap3A_1117 = arith.index_cast %scan3A_91 : i32 to index
      %swap3A_1118 = arith.constant 1008 : index
      %swap3A_1119 = tpu.vector_load %arg9[%swap3A_1117, %swap3A_1118] {strides = array<i32>} : memref<16x1024xf32, #tpu.memory_space<vmem>>, vector<1x16xf32>,
      %swap3A_1120 = vector.shape_cast %swap3A_1119 : vector<1x16xf32> to vector<16xf32>
      %swap3A_1121 = vector.shape_cast %add3A_1116 : vector<16xf32> to vector<1x16xf32>
      tpu.vector_store %arg9[%swap3A_1117, %swap3A_1118], %swap3A_1121 {strides = array<i32>} : memref<16x1024xf32, #tpu.memory_space<vmem>>, vector<1x16xf32>,
      %scan3A_1122 = arith.constant 0 : i32
      scf.yield %scan3A_1122 : i32
    }
    %scan3A_41 = arith.constant 16 : i32
    %add3A_42 = arith.constant 0 : i32
    %add3A_43 = arith.addi %mul3A_2, %add3A_42 : i32
    %dma_start3A_44 = arith.constant 0 : i32
    %dma_start3A_45 = tpu.memref_slice %arg5[%add3A_43, %dma_start3A_44] : memref<11264x1024xf32, #tpu.memory_space<hbm>> -> memref<16x1024xf32, #tpu.memory_space<hbm>>
    %dma_start3A_46 = arith.constant 0 : i32
    %dma_start3A_47 = tpu.memref_slice %arg5[%add3A_43, %dma_start3A_46] : memref<11264x1024xf32, #tpu.memory_space<hbm>> -> memref<16x1024xf32, #tpu.memory_space<hbm>>
    tpu.enqueue_dma source(%arg9 : memref<16x1024xf32, #tpu.memory_space<vmem>>) target(%dma_start3A_47 : memref<16x1024xf32, #tpu.memory_space<hbm>>) target_semaphore(%arg15 : memref<!tpu.dma_semaphore, #tpu.memory_space<semaphore_mem>>)
    %scan3A_48 = arith.constant 0 : i32
    %scan3A_49 = arith.constant 0 : i32
    %scan3A_50 = arith.constant 10 : i32
    %scan3A_51 = arith.addi %scan3A_49, %scan3A_50 : i32
    %scan3A_52 = arith.constant 1 : i32
    %scan3A_53 = scf.for %scan3A_91 = %scan3A_49 to %scan3A_51 step %scan3A_52 iter_args(%scan3A_92 = %scan3A_48) -> (i32)  : i32 {
      %mul3A_93 = arith.constant 2 : i32
      %mul3A_94 = arith.muli %mul3A_93, %scan3A_91 : i32
      %add3A_95 = arith.constant 1 : i32
      %add3A_96 = arith.addi %mul3A_94, %add3A_95 : i32
      %dma_wait3A_97 = arith.constant 0 : i32
      %dma_wait3A_98 = arith.constant 0 : i32
      %dma_wait3A_99 = tpu.memref_slice %arg5[%dma_wait3A_97, %dma_wait3A_98] : memref<11264x1024xf32, #tpu.memory_space<hbm>> -> memref<16x1024xf32, #tpu.memory_space<hbm>>
      %dma_wait3A_100 = arith.constant 0 : i32
      %dma_wait3A_101 = arith.constant 0 : i32
      %dma_wait3A_102 = tpu.memref_slice %arg5[%dma_wait3A_100, %dma_wait3A_101] : memref<11264x1024xf32, #tpu.memory_space<hbm>> -> memref<16x1024xf32, #tpu.memory_space<hbm>>
      tpu.wait_dma2 semaphore(%arg15 : memref<!tpu.dma_semaphore, #tpu.memory_space<semaphore_mem>>) src(%arg9 : memref<16x1024xf32, #tpu.memory_space<vmem>>) dst(%dma_wait3A_102 : memref<16x1024xf32, #tpu.memory_space<hbm>>)
      %add3A_103 = arith.constant 1 : i32
      %add3A_104 = arith.addi %add3A_96, %add3A_103 : i32
      %mul3A_105 = arith.constant 2 : i32
      %mul3A_106 = arith.muli %add3A_104, %mul3A_105 : i32
      %mul3A_107 = arith.constant 16 : i32
      %mul3A_108 = arith.muli %mul3A_106, %mul3A_107 : i32
      %dma_start3A_109 = tpu.memref_slice %arg6[%mul3A_108] : memref<704xi32, #tpu.memory_space<vmem>> -> memref<32xi32, #tpu.memory_space<vmem>>
      %dma_start3A_110 = arith.constant 0 : i32
      %dma_start3A_111 = arith.constant 0 : i32
      %dma_start3A_112 = tpu.memref_slice %arg2[%dma_start3A_110, %dma_start3A_111] : memref<1200x512xf32, #tpu.memory_space<hbm>> -> memref<1200x512xf32, #tpu.memory_space<hbm>>
      tpu.enqueue_indirect_dma source(%dma_start3A_112 : memref<1200x512xf32, #tpu.memory_space<hbm>>) target(%arg7 : memref<32x512xf32, #tpu.memory_space<vmem>>) offsets(%dma_start3A_109 : memref<32xi32, #tpu.memory_space<vmem>>) semaphore(%arg11 : memref<!tpu.dma_semaphore, #tpu.memory_space<semaphore_mem>>)
      %mul3A_113 = arith.constant 16 : i32
      %mul3A_114 = arith.muli %add3A_104, %mul3A_113 : i32
      %add3A_115 = arith.addi %mul3A_2, %mul3A_114 : i32
      %dma_start3A_116 = arith.constant 0 : i32
      %dma_start3A_117 = tpu.memref_slice %arg3[%add3A_115, %dma_start3A_116] : memref<32768x1024xf32, #tpu.memory_space<hbm>> -> memref<16x1024xf32, #tpu.memory_space<hbm>>
      %dma_start3A_118 = arith.constant 0 : i32
      %dma_start3A_119 = tpu.memref_slice %arg3[%add3A_115, %dma_start3A_118] : memref<32768x1024xf32, #tpu.memory_space<hbm>> -> memref<16x1024xf32, #tpu.memory_space<hbm>>
      tpu.enqueue_dma source(%dma_start3A_119 : memref<16x1024xf32, #tpu.memory_space<hbm>>) target(%arg9 : memref<16x1024xf32, #tpu.memory_space<vmem>>) target_semaphore(%arg13 : memref<!tpu.dma_semaphore, #tpu.memory_space<semaphore_mem>>)
      %dma_wait3A_120 = arith.constant 0 : i32
      %dma_wait3A_121 = tpu.memref_slice %arg6[%dma_wait3A_120] : memref<704xi32, #tpu.memory_space<vmem>> -> memref<32xi32, #tpu.memory_space<vmem>>
      %dma_wait3A_122 = arith.constant 0 : i32
      %dma_wait3A_123 = arith.constant 0 : i32
      %dma_wait3A_124 = tpu.memref_slice %arg2[%dma_wait3A_122, %dma_wait3A_123] : memref<1200x512xf32, #tpu.memory_space<hbm>> -> memref<1200x512xf32, #tpu.memory_space<hbm>>
      tpu.wait_indirect_dma semaphore(%arg12 : memref<!tpu.dma_semaphore, #tpu.memory_space<semaphore_mem>>) src(%dma_wait3A_124 : memref<1200x512xf32, #tpu.memory_space<hbm>>) dst(%arg8 : memref<32x512xf32, #tpu.memory_space<vmem>>)
      %dma_wait3A_125 = arith.constant 0 : i32
      %dma_wait3A_126 = arith.constant 0 : i32
      %dma_wait3A_127 = tpu.memref_slice %arg3[%dma_wait3A_125, %dma_wait3A_126] : memref<32768x1024xf32, #tpu.memory_space<hbm>> -> memref<16x1024xf32, #tpu.memory_space<hbm>>
      %dma_wait3A_128 = arith.constant 0 : i32
      %dma_wait3A_129 = arith.constant 0 : i32
      %dma_wait3A_130 = tpu.memref_slice %arg3[%dma_wait3A_128, %dma_wait3A_129] : memref<32768x1024xf32, #tpu.memory_space<hbm>> -> memref<16x1024xf32, #tpu.memory_space<hbm>>
      tpu.wait_dma2 semaphore(%arg14 : memref<!tpu.dma_semaphore, #tpu.memory_space<semaphore_mem>>) src(%dma_wait3A_130 : memref<16x1024xf32, #tpu.memory_space<hbm>>) dst(%arg10 : memref<16x1024xf32, #tpu.memory_space<vmem>>)
      %scan3A_131 = arith.constant 0 : i32
      %scan3A_132 = arith.constant 0 : i32
      %scan3A_133 = arith.constant 16 : i32
      %scan3A_134 = arith.addi %scan3A_132, %scan3A_133 : i32
      %scan3A_135 = arith.constant 1 : i32
      %scan3A_136 = scf.for %scan3A_198 = %scan3A_132 to %scan3A_134 step %scan3A_135 iter_args(%scan3A_199 = %scan3A_131) -> (i32)  : i32 {
        %mul3A_200 = arith.constant 2 : i32
        %mul3A_201 = arith.muli %mul3A_200, %scan3A_198 : i32
        %add3A_202 = arith.constant 0 : i32
        %add3A_203 = arith.addi %mul3A_201, %add3A_202 : i32
        %get3A = arith.index_cast %scan3A_198 : i32 to index
        %get3A_204 = arith.constant 0 : index
        %get3A_205 = tpu.vector_load %arg10[%get3A, %get3A_204] {strides = array<i32>} : memref<16x1024xf32, #tpu.memory_space<vmem>>, vector<1x16xf32>,
        %get3A_206 = vector.shape_cast %get3A_205 : vector<1x16xf32> to vector<16xf32>
        %get3A_207 = arith.index_cast %scan3A_198 : i32 to index
        %get3A_208 = arith.constant 256 : index
        %get3A_209 = tpu.vector_load %arg10[%get3A_207, %get3A_208] {strides = array<i32>} : memref<16x1024xf32, #tpu.memory_space<vmem>>, vector<1x16xf32>,
        %get3A_210 = vector.shape_cast %get3A_209 : vector<1x16xf32> to vector<16xf32>
        %get3A_211 = arith.index_cast %add3A_203 : i32 to index
        %get3A_212 = arith.constant 0 : index
        %get3A_213 = tpu.vector_load %arg8[%get3A_211, %get3A_212] {strides = array<i32>} : memref<32x512xf32, #tpu.memory_space<vmem>>, vector<1x16xf32>,
        %get3A_214 = vector.shape_cast %get3A_213 : vector<1x16xf32> to vector<16xf32>
        %get3A_215 = arith.index_cast %add3A_203 : i32 to index
        %get3A_216 = arith.constant 256 : index
        %get3A_217 = tpu.vector_load %arg8[%get3A_215, %get3A_216] {strides = array<i32>} : memref<32x512xf32, #tpu.memory_space<vmem>>, vector<1x16xf32>,
        %get3A_218 = vector.shape_cast %get3A_217 : vector<1x16xf32> to vector<16xf32>
        %mul3A_219 = arith.mulf %get3A_206, %get3A_214 : vector<16xf32>
        %mul3A_220 = arith.mulf %get3A_210, %get3A_218 : vector<16xf32>
        %sub3A = arith.subf %mul3A_219, %mul3A_220 : vector<16xf32>
        %swap3A = arith.index_cast %scan3A_198 : i32 to index
        %swap3A_221 = arith.constant 0 : index
        %swap3A_222 = tpu.vector_load %arg10[%swap3A, %swap3A_221] {strides = array<i32>} : memref<16x1024xf32, #tpu.memory_space<vmem>>, vector<1x16xf32>,
        %swap3A_223 = vector.shape_cast %swap3A_222 : vector<1x16xf32> to vector<16xf32>
        %swap3A_224 = vector.shape_cast %sub3A : vector<16xf32> to vector<1x16xf32>
        tpu.vector_store %arg10[%swap3A, %swap3A_221], %swap3A_224 {strides = array<i32>} : memref<16x1024xf32, #tpu.memory_space<vmem>>, vector<1x16xf32>,
        %mul3A_225 = arith.mulf %get3A_210, %get3A_214 : vector<16xf32>
        %mul3A_226 = arith.mulf %get3A_206, %get3A_218 : vector<16xf32>
        %add3A_227 = arith.addf %mul3A_225, %mul3A_226 : vector<16xf32>
        %swap3A_228 = arith.index_cast %scan3A_198 : i32 to index
        %swap3A_229 = arith.constant 256 : index
        %swap3A_230 = tpu.vector_load %arg10[%swap3A_228, %swap3A_229] {strides = array<i32>} : memref<16x1024xf32, #tpu.memory_space<vmem>>, vector<1x16xf32>,
        %swap3A_231 = vector.shape_cast %swap3A_230 : vector<1x16xf32> to vector<16xf32>
        %swap3A_232 = vector.shape_cast %add3A_227 : vector<16xf32> to vector<1x16xf32>
        tpu.vector_store %arg10[%swap3A_228, %swap3A_229], %swap3A_232 {strides = array<i32>} : memref<16x1024xf32, #tpu.memory_space<vmem>>, vector<1x16xf32>,
        %get3A_233 = arith.index_cast %scan3A_198 : i32 to index
        %get3A_234 = arith.constant 16 : index
        %get3A_235 = tpu.vector_load %arg10[%get3A_233, %get3A_234] {strides = array<i32>} : memref<16x1024xf32, #tpu.memory_space<vmem>>, vector<1x16xf32>,
        %get3A_236 = vector.shape_cast %get3A_235 : vector<1x16xf32> to vector<16xf32>
        %get3A_237 = arith.index_cast %scan3A_198 : i32 to index
        %get3A_238 = arith.constant 272 : index
        %get3A_239 = tpu.vector_load %arg10[%get3A_237, %get3A_238] {strides = array<i32>} : memref<16x1024xf32, #tpu.memory_space<vmem>>, vector<1x16xf32>,
        %get3A_240 = vector.shape_cast %get3A_239 : vector<1x16xf32> to vector<16xf32>
        %get3A_241 = arith.index_cast %add3A_203 : i32 to index
        %get3A_242 = arith.constant 16 : index
        %get3A_243 = tpu.vector_load %arg8[%get3A_241, %get3A_242] {strides = array<i32>} : memref<32x512xf32, #tpu.memory_space<vmem>>, vector<1x16xf32>,
        %get3A_244 = vector.shape_cast %get3A_243 : vector<1x16xf32> to vector<16xf32>
        %get3A_245 = arith.index_cast %add3A_203 : i32 to index
        %get3A_246 = arith.constant 272 : index
        %get3A_247 = tpu.vector_load %arg8[%get3A_245, %get3A_246] {strides = array<i32>} : memref<32x512xf32, #tpu.memory_space<vmem>>, vector<1x16xf32>,
        %get3A_248 = vector.shape_cast %get3A_247 : vector<1x16xf32> to vector<16xf32>
        %mul3A_249 = arith.mulf %get3A_236, %get3A_244 : vector<16xf32>
        %mul3A_250 = arith.mulf %get3A_240, %get3A_248 : vector<16xf32>
        %sub3A_251 = arith.subf %mul3A_249, %mul3A_250 : vector<16xf32>
        %swap3A_252 = arith.index_cast %scan3A_198 : i32 to index
        %swap3A_253 = arith.constant 16 : index
        %swap3A_254 = tpu.vector_load %arg10[%swap3A_252, %swap3A_253] {strides = array<i32>} : memref<16x1024xf32, #tpu.memory_space<vmem>>, vector<1x16xf32>,
        %swap3A_255 = vector.shape_cast %swap3A_254 : vector<1x16xf32> to vector<16xf32>
        %swap3A_256 = vector.shape_cast %sub3A_251 : vector<16xf32> to vector<1x16xf32>
        tpu.vector_store %arg10[%swap3A_252, %swap3A_253], %swap3A_256 {strides = array<i32>} : memref<16x1024xf32, #tpu.memory_space<vmem>>, vector<1x16xf32>,
        %mul3A_257 = arith.mulf %get3A_240, %get3A_244 : vector<16xf32>
        %mul3A_258 = arith.mulf %get3A_236, %get3A_248 : vector<16xf32>
        %add3A_259 = arith.addf %mul3A_257, %mul3A_258 : vector<16xf32>
        %swap3A_260 = arith.index_cast %scan3A_198 : i32 to index
        %swap3A_261 = arith.constant 272 : index
        %swap3A_262 = tpu.vector_load %arg10[%swap3A_260, %swap3A_261] {strides = array<i32>} : memref<16x1024xf32, #tpu.memory_space<vmem>>, vector<1x16xf32>,
        %swap3A_263 = vector.shape_cast %swap3A_262 : vector<1x16xf32> to vector<16xf32>
        %swap3A_264 = vector.shape_cast %add3A_259 : vector<16xf32> to vector<1x16xf32>
        tpu.vector_store %arg10[%swap3A_260, %swap3A_261], %swap3A_264 {strides = array<i32>} : memref<16x1024xf32, #tpu.memory_space<vmem>>, vector<1x16xf32>,
        %get3A_265 = arith.index_cast %scan3A_198 : i32 to index
        %get3A_266 = arith.constant 32 : index
        %get3A_267 = tpu.vector_load %arg10[%get3A_265, %get3A_266] {strides = array<i32>} : memref<16x1024xf32, #tpu.memory_space<vmem>>, vector<1x16xf32>,
        %get3A_268 = vector.shape_cast %get3A_267 : vector<1x16xf32> to vector<16xf32>
        %get3A_269 = arith.index_cast %scan3A_198 : i32 to index
        %get3A_270 = arith.constant 288 : index
        %get3A_271 = tpu.vector_load %arg10[%get3A_269, %get3A_270] {strides = array<i32>} : memref<16x1024xf32, #tpu.memory_space<vmem>>, vector<1x16xf32>,
        %get3A_272 = vector.shape_cast %get3A_271 : vector<1x16xf32> to vector<16xf32>
        %get3A_273 = arith.index_cast %add3A_203 : i32 to index
        %get3A_274 = arith.constant 32 : index
        %get3A_275 = tpu.vector_load %arg8[%get3A_273, %get3A_274] {strides = array<i32>} : memref<32x512xf32, #tpu.memory_space<vmem>>, vector<1x16xf32>,
        %get3A_276 = vector.shape_cast %get3A_275 : vector<1x16xf32> to vector<16xf32>
        %get3A_277 = arith.index_cast %add3A_203 : i32 to index
        %get3A_278 = arith.constant 288 : index
        %get3A_279 = tpu.vector_load %arg8[%get3A_277, %get3A_278] {strides = array<i32>} : memref<32x512xf32, #tpu.memory_space<vmem>>, vector<1x16xf32>,
        %get3A_280 = vector.shape_cast %get3A_279 : vector<1x16xf32> to vector<16xf32>
        %mul3A_281 = arith.mulf %get3A_268, %get3A_276 : vector<16xf32>
        %mul3A_282 = arith.mulf %get3A_272, %get3A_280 : vector<16xf32>
        %sub3A_283 = arith.subf %mul3A_281, %mul3A_282 : vector<16xf32>
        %swap3A_284 = arith.index_cast %scan3A_198 : i32 to index
        %swap3A_285 = arith.constant 32 : index
        %swap3A_286 = tpu.vector_load %arg10[%swap3A_284, %swap3A_285] {strides = array<i32>} : memref<16x1024xf32, #tpu.memory_space<vmem>>, vector<1x16xf32>,
        %swap3A_287 = vector.shape_cast %swap3A_286 : vector<1x16xf32> to vector<16xf32>
        %swap3A_288 = vector.shape_cast %sub3A_283 : vector<16xf32> to vector<1x16xf32>
        tpu.vector_store %arg10[%swap3A_284, %swap3A_285], %swap3A_288 {strides = array<i32>} : memref<16x1024xf32, #tpu.memory_space<vmem>>, vector<1x16xf32>,
        %mul3A_289 = arith.mulf %get3A_272, %get3A_276 : vector<16xf32>
        %mul3A_290 = arith.mulf %get3A_268, %get3A_280 : vector<16xf32>
        %add3A_291 = arith.addf %mul3A_289, %mul3A_290 : vector<16xf32>
        %swap3A_292 = arith.index_cast %scan3A_198 : i32 to index
        %swap3A_293 = arith.constant 288 : index
        %swap3A_294 = tpu.vector_load %arg10[%swap3A_292, %swap3A_293] {strides = array<i32>} : memref<16x1024xf32, #tpu.memory_space<vmem>>, vector<1x16xf32>,
        %swap3A_295 = vector.shape_cast %swap3A_294 : vector<1x16xf32> to vector<16xf32>
        %swap3A_296 = vector.shape_cast %add3A_291 : vector<16xf32> to vector<1x16xf32>
        tpu.vector_store %arg10[%swap3A_292, %swap3A_293], %swap3A_296 {strides = array<i32>} : memref<16x1024xf32, #tpu.memory_space<vmem>>, vector<1x16xf32>,
        %get3A_297 = arith.index_cast %scan3A_198 : i32 to index
        %get3A_298 = arith.constant 48 : index
        %get3A_299 = tpu.vector_load %arg10[%get3A_297, %get3A_298] {strides = array<i32>} : memref<16x1024xf32, #tpu.memory_space<vmem>>, vector<1x16xf32>,
        %get3A_300 = vector.shape_cast %get3A_299 : vector<1x16xf32> to vector<16xf32>
        %get3A_301 = arith.index_cast %scan3A_198 : i32 to index
        %get3A_302 = arith.constant 304 : index
        %get3A_303 = tpu.vector_load %arg10[%get3A_301, %get3A_302] {strides = array<i32>} : memref<16x1024xf32, #tpu.memory_space<vmem>>, vector<1x16xf32>,
        %get3A_304 = vector.shape_cast %get3A_303 : vector<1x16xf32> to vector<16xf32>
        %get3A_305 = arith.index_cast %add3A_203 : i32 to index
        %get3A_306 = arith.constant 48 : index
        %get3A_307 = tpu.vector_load %arg8[%get3A_305, %get3A_306] {strides = array<i32>} : memref<32x512xf32, #tpu.memory_space<vmem>>, vector<1x16xf32>,
        %get3A_308 = vector.shape_cast %get3A_307 : vector<1x16xf32> to vector<16xf32>
        %get3A_309 = arith.index_cast %add3A_203 : i32 to index
        %get3A_310 = arith.constant 304 : index
        %get3A_311 = tpu.vector_load %arg8[%get3A_309, %get3A_310] {strides = array<i32>} : memref<32x512xf32, #tpu.memory_space<vmem>>, vector<1x16xf32>,
        %get3A_312 = vector.shape_cast %get3A_311 : vector<1x16xf32> to vector<16xf32>
        %mul3A_313 = arith.mulf %get3A_300, %get3A_308 : vector<16xf32>
        %mul3A_314 = arith.mulf %get3A_304, %get3A_312 : vector<16xf32>
        %sub3A_315 = arith.subf %mul3A_313, %mul3A_314 : vector<16xf32>
        %swap3A_316 = arith.index_cast %scan3A_198 : i32 to index
        %swap3A_317 = arith.constant 48 : index
        %swap3A_318 = tpu.vector_load %arg10[%swap3A_316, %swap3A_317] {strides = array<i32>} : memref<16x1024xf32, #tpu.memory_space<vmem>>, vector<1x16xf32>,
        %swap3A_319 = vector.shape_cast %swap3A_318 : vector<1x16xf32> to vector<16xf32>
        %swap3A_320 = vector.shape_cast %sub3A_315 : vector<16xf32> to vector<1x16xf32>
        tpu.vector_store %arg10[%swap3A_316, %swap3A_317], %swap3A_320 {strides = array<i32>} : memref<16x1024xf32, #tpu.memory_space<vmem>>, vector<1x16xf32>,
        %mul3A_321 = arith.mulf %get3A_304, %get3A_308 : vector<16xf32>
        %mul3A_322 = arith.mulf %get3A_300, %get3A_312 : vector<16xf32>
        %add3A_323 = arith.addf %mul3A_321, %mul3A_322 : vector<16xf32>
        %swap3A_324 = arith.index_cast %scan3A_198 : i32 to index
        %swap3A_325 = arith.constant 304 : index
        %swap3A_326 = tpu.vector_load %arg10[%swap3A_324, %swap3A_325] {strides = array<i32>} : memref<16x1024xf32, #tpu.memory_space<vmem>>, vector<1x16xf32>,
        %swap3A_327 = vector.shape_cast %swap3A_326 : vector<1x16xf32> to vector<16xf32>
        %swap3A_328 = vector.shape_cast %add3A_323 : vector<16xf32> to vector<1x16xf32>
        tpu.vector_store %arg10[%swap3A_324, %swap3A_325], %swap3A_328 {strides = array<i32>} : memref<16x1024xf32, #tpu.memory_space<vmem>>, vector<1x16xf32>,
        %get3A_329 = arith.index_cast %scan3A_198 : i32 to index
        %get3A_330 = arith.constant 64 : index
        %get3A_331 = tpu.vector_load %arg10[%get3A_329, %get3A_330] {strides = array<i32>} : memref<16x1024xf32, #tpu.memory_space<vmem>>, vector<1x16xf32>,
        %get3A_332 = vector.shape_cast %get3A_331 : vector<1x16xf32> to vector<16xf32>
        %get3A_333 = arith.index_cast %scan3A_198 : i32 to index
        %get3A_334 = arith.constant 320 : index
        %get3A_335 = tpu.vector_load %arg10[%get3A_333, %get3A_334] {strides = array<i32>} : memref<16x1024xf32, #tpu.memory_space<vmem>>, vector<1x16xf32>,
        %get3A_336 = vector.shape_cast %get3A_335 : vector<1x16xf32> to vector<16xf32>
        %get3A_337 = arith.index_cast %add3A_203 : i32 to index
        %get3A_338 = arith.constant 64 : index
        %get3A_339 = tpu.vector_load %arg8[%get3A_337, %get3A_338] {strides = array<i32>} : memref<32x512xf32, #tpu.memory_space<vmem>>, vector<1x16xf32>,
        %get3A_340 = vector.shape_cast %get3A_339 : vector<1x16xf32> to vector<16xf32>
        %get3A_341 = arith.index_cast %add3A_203 : i32 to index
        %get3A_342 = arith.constant 320 : index
        %get3A_343 = tpu.vector_load %arg8[%get3A_341, %get3A_342] {strides = array<i32>} : memref<32x512xf32, #tpu.memory_space<vmem>>, vector<1x16xf32>,
        %get3A_344 = vector.shape_cast %get3A_343 : vector<1x16xf32> to vector<16xf32>
        %mul3A_345 = arith.mulf %get3A_332, %get3A_340 : vector<16xf32>
        %mul3A_346 = arith.mulf %get3A_336, %get3A_344 : vector<16xf32>
        %sub3A_347 = arith.subf %mul3A_345, %mul3A_346 : vector<16xf32>
        %swap3A_348 = arith.index_cast %scan3A_198 : i32 to index
        %swap3A_349 = arith.constant 64 : index
        %swap3A_350 = tpu.vector_load %arg10[%swap3A_348, %swap3A_349] {strides = array<i32>} : memref<16x1024xf32, #tpu.memory_space<vmem>>, vector<1x16xf32>,
        %swap3A_351 = vector.shape_cast %swap3A_350 : vector<1x16xf32> to vector<16xf32>
        %swap3A_352 = vector.shape_cast %sub3A_347 : vector<16xf32> to vector<1x16xf32>
        tpu.vector_store %arg10[%swap3A_348, %swap3A_349], %swap3A_352 {strides = array<i32>} : memref<16x1024xf32, #tpu.memory_space<vmem>>, vector<1x16xf32>,
        %mul3A_353 = arith.mulf %get3A_336, %get3A_340 : vector<16xf32>
        %mul3A_354 = arith.mulf %get3A_332, %get3A_344 : vector<16xf32>
        %add3A_355 = arith.addf %mul3A_353, %mul3A_354 : vector<16xf32>
        %swap3A_356 = arith.index_cast %scan3A_198 : i32 to index
        %swap3A_357 = arith.constant 320 : index
        %swap3A_358 = tpu.vector_load %arg10[%swap3A_356, %swap3A_357] {strides = array<i32>} : memref<16x1024xf32, #tpu.memory_space<vmem>>, vector<1x16xf32>,
        %swap3A_359 = vector.shape_cast %swap3A_358 : vector<1x16xf32> to vector<16xf32>
        %swap3A_360 = vector.shape_cast %add3A_355 : vector<16xf32> to vector<1x16xf32>
        tpu.vector_store %arg10[%swap3A_356, %swap3A_357], %swap3A_360 {strides = array<i32>} : memref<16x1024xf32, #tpu.memory_space<vmem>>, vector<1x16xf32>,
        %get3A_361 = arith.index_cast %scan3A_198 : i32 to index
        %get3A_362 = arith.constant 80 : index
        %get3A_363 = tpu.vector_load %arg10[%get3A_361, %get3A_362] {strides = array<i32>} : memref<16x1024xf32, #tpu.memory_space<vmem>>, vector<1x16xf32>,
        %get3A_364 = vector.shape_cast %get3A_363 : vector<1x16xf32> to vector<16xf32>
        %get3A_365 = arith.index_cast %scan3A_198 : i32 to index
        %get3A_366 = arith.constant 336 : index
        %get3A_367 = tpu.vector_load %arg10[%get3A_365, %get3A_366] {strides = array<i32>} : memref<16x1024xf32, #tpu.memory_space<vmem>>, vector<1x16xf32>,
        %get3A_368 = vector.shape_cast %get3A_367 : vector<1x16xf32> to vector<16xf32>
        %get3A_369 = arith.index_cast %add3A_203 : i32 to index
        %get3A_370 = arith.constant 80 : index
        %get3A_371 = tpu.vector_load %arg8[%get3A_369, %get3A_370] {strides = array<i32>} : memref<32x512xf32, #tpu.memory_space<vmem>>, vector<1x16xf32>,
        %get3A_372 = vector.shape_cast %get3A_371 : vector<1x16xf32> to vector<16xf32>
        %get3A_373 = arith.index_cast %add3A_203 : i32 to index
        %get3A_374 = arith.constant 336 : index
        %get3A_375 = tpu.vector_load %arg8[%get3A_373, %get3A_374] {strides = array<i32>} : memref<32x512xf32, #tpu.memory_space<vmem>>, vector<1x16xf32>,
        %get3A_376 = vector.shape_cast %get3A_375 : vector<1x16xf32> to vector<16xf32>
        %mul3A_377 = arith.mulf %get3A_364, %get3A_372 : vector<16xf32>
        %mul3A_378 = arith.mulf %get3A_368, %get3A_376 : vector<16xf32>
        %sub3A_379 = arith.subf %mul3A_377, %mul3A_378 : vector<16xf32>
        %swap3A_380 = arith.index_cast %scan3A_198 : i32 to index
        %swap3A_381 = arith.constant 80 : index
        %swap3A_382 = tpu.vector_load %arg10[%swap3A_380, %swap3A_381] {strides = array<i32>} : memref<16x1024xf32, #tpu.memory_space<vmem>>, vector<1x16xf32>,
        %swap3A_383 = vector.shape_cast %swap3A_382 : vector<1x16xf32> to vector<16xf32>
        %swap3A_384 = vector.shape_cast %sub3A_379 : vector<16xf32> to vector<1x16xf32>
        tpu.vector_store %arg10[%swap3A_380, %swap3A_381], %swap3A_384 {strides = array<i32>} : memref<16x1024xf32, #tpu.memory_space<vmem>>, vector<1x16xf32>,
        %mul3A_385 = arith.mulf %get3A_368, %get3A_372 : vector<16xf32>
        %mul3A_386 = arith.mulf %get3A_364, %get3A_376 : vector<16xf32>
        %add3A_387 = arith.addf %mul3A_385, %mul3A_386 : vector<16xf32>
        %swap3A_388 = arith.index_cast %scan3A_198 : i32 to index
        %swap3A_389 = arith.constant 336 : index
        %swap3A_390 = tpu.vector_load %arg10[%swap3A_388, %swap3A_389] {strides = array<i32>} : memref<16x1024xf32, #tpu.memory_space<vmem>>, vector<1x16xf32>,
        %swap3A_391 = vector.shape_cast %swap3A_390 : vector<1x16xf32> to vector<16xf32>
        %swap3A_392 = vector.shape_cast %add3A_387 : vector<16xf32> to vector<1x16xf32>
        tpu.vector_store %arg10[%swap3A_388, %swap3A_389], %swap3A_392 {strides = array<i32>} : memref<16x1024xf32, #tpu.memory_space<vmem>>, vector<1x16xf32>,
        %get3A_393 = arith.index_cast %scan3A_198 : i32 to index
        %get3A_394 = arith.constant 96 : index
        %get3A_395 = tpu.vector_load %arg10[%get3A_393, %get3A_394] {strides = array<i32>} : memref<16x1024xf32, #tpu.memory_space<vmem>>, vector<1x16xf32>,
        %get3A_396 = vector.shape_cast %get3A_395 : vector<1x16xf32> to vector<16xf32>
        %get3A_397 = arith.index_cast %scan3A_198 : i32 to index
        %get3A_398 = arith.constant 352 : index
        %get3A_399 = tpu.vector_load %arg10[%get3A_397, %get3A_398] {strides = array<i32>} : memref<16x1024xf32, #tpu.memory_space<vmem>>, vector<1x16xf32>,
        %get3A_400 = vector.shape_cast %get3A_399 : vector<1x16xf32> to vector<16xf32>
        %get3A_401 = arith.index_cast %add3A_203 : i32 to index
        %get3A_402 = arith.constant 96 : index
        %get3A_403 = tpu.vector_load %arg8[%get3A_401, %get3A_402] {strides = array<i32>} : memref<32x512xf32, #tpu.memory_space<vmem>>, vector<1x16xf32>,
        %get3A_404 = vector.shape_cast %get3A_403 : vector<1x16xf32> to vector<16xf32>
        %get3A_405 = arith.index_cast %add3A_203 : i32 to index
        %get3A_406 = arith.constant 352 : index
        %get3A_407 = tpu.vector_load %arg8[%get3A_405, %get3A_406] {strides = array<i32>} : memref<32x512xf32, #tpu.memory_space<vmem>>, vector<1x16xf32>,
        %get3A_408 = vector.shape_cast %get3A_407 : vector<1x16xf32> to vector<16xf32>
        %mul3A_409 = arith.mulf %get3A_396, %get3A_404 : vector<16xf32>
        %mul3A_410 = arith.mulf %get3A_400, %get3A_408 : vector<16xf32>
        %sub3A_411 = arith.subf %mul3A_409, %mul3A_410 : vector<16xf32>
        %swap3A_412 = arith.index_cast %scan3A_198 : i32 to index
        %swap3A_413 = arith.constant 96 : index
        %swap3A_414 = tpu.vector_load %arg10[%swap3A_412, %swap3A_413] {strides = array<i32>} : memref<16x1024xf32, #tpu.memory_space<vmem>>, vector<1x16xf32>,
        %swap3A_415 = vector.shape_cast %swap3A_414 : vector<1x16xf32> to vector<16xf32>
        %swap3A_416 = vector.shape_cast %sub3A_411 : vector<16xf32> to vector<1x16xf32>
        tpu.vector_store %arg10[%swap3A_412, %swap3A_413], %swap3A_416 {strides = array<i32>} : memref<16x1024xf32, #tpu.memory_space<vmem>>, vector<1x16xf32>,
        %mul3A_417 = arith.mulf %get3A_400, %get3A_404 : vector<16xf32>
        %mul3A_418 = arith.mulf %get3A_396, %get3A_408 : vector<16xf32>
        %add3A_419 = arith.addf %mul3A_417, %mul3A_418 : vector<16xf32>
        %swap3A_420 = arith.index_cast %scan3A_198 : i32 to index
        %swap3A_421 = arith.constant 352 : index
        %swap3A_422 = tpu.vector_load %arg10[%swap3A_420, %swap3A_421] {strides = array<i32>} : memref<16x1024xf32, #tpu.memory_space<vmem>>, vector<1x16xf32>,
        %swap3A_423 = vector.shape_cast %swap3A_422 : vector<1x16xf32> to vector<16xf32>
        %swap3A_424 = vector.shape_cast %add3A_419 : vector<16xf32> to vector<1x16xf32>
        tpu.vector_store %arg10[%swap3A_420, %swap3A_421], %swap3A_424 {strides = array<i32>} : memref<16x1024xf32, #tpu.memory_space<vmem>>, vector<1x16xf32>,
        %get3A_425 = arith.index_cast %scan3A_198 : i32 to index
        %get3A_426 = arith.constant 112 : index
        %get3A_427 = tpu.vector_load %arg10[%get3A_425, %get3A_426] {strides = array<i32>} : memref<16x1024xf32, #tpu.memory_space<vmem>>, vector<1x16xf32>,
        %get3A_428 = vector.shape_cast %get3A_427 : vector<1x16xf32> to vector<16xf32>
        %get3A_429 = arith.index_cast %scan3A_198 : i32 to index
        %get3A_430 = arith.constant 368 : index
        %get3A_431 = tpu.vector_load %arg10[%get3A_429, %get3A_430] {strides = array<i32>} : memref<16x1024xf32, #tpu.memory_space<vmem>>, vector<1x16xf32>,
        %get3A_432 = vector.shape_cast %get3A_431 : vector<1x16xf32> to vector<16xf32>
        %get3A_433 = arith.index_cast %add3A_203 : i32 to index
        %get3A_434 = arith.constant 112 : index
        %get3A_435 = tpu.vector_load %arg8[%get3A_433, %get3A_434] {strides = array<i32>} : memref<32x512xf32, #tpu.memory_space<vmem>>, vector<1x16xf32>,
        %get3A_436 = vector.shape_cast %get3A_435 : vector<1x16xf32> to vector<16xf32>
        %get3A_437 = arith.index_cast %add3A_203 : i32 to index
        %get3A_438 = arith.constant 368 : index
        %get3A_439 = tpu.vector_load %arg8[%get3A_437, %get3A_438] {strides = array<i32>} : memref<32x512xf32, #tpu.memory_space<vmem>>, vector<1x16xf32>,
        %get3A_440 = vector.shape_cast %get3A_439 : vector<1x16xf32> to vector<16xf32>
        %mul3A_441 = arith.mulf %get3A_428, %get3A_436 : vector<16xf32>
        %mul3A_442 = arith.mulf %get3A_432, %get3A_440 : vector<16xf32>
        %sub3A_443 = arith.subf %mul3A_441, %mul3A_442 : vector<16xf32>
        %swap3A_444 = arith.index_cast %scan3A_198 : i32 to index
        %swap3A_445 = arith.constant 112 : index
        %swap3A_446 = tpu.vector_load %arg10[%swap3A_444, %swap3A_445] {strides = array<i32>} : memref<16x1024xf32, #tpu.memory_space<vmem>>, vector<1x16xf32>,
        %swap3A_447 = vector.shape_cast %swap3A_446 : vector<1x16xf32> to vector<16xf32>
        %swap3A_448 = vector.shape_cast %sub3A_443 : vector<16xf32> to vector<1x16xf32>
        tpu.vector_store %arg10[%swap3A_444, %swap3A_445], %swap3A_448 {strides = array<i32>} : memref<16x1024xf32, #tpu.memory_space<vmem>>, vector<1x16xf32>,
        %mul3A_449 = arith.mulf %get3A_432, %get3A_436 : vector<16xf32>
        %mul3A_450 = arith.mulf %get3A_428, %get3A_440 : vector<16xf32>
        %add3A_451 = arith.addf %mul3A_449, %mul3A_450 : vector<16xf32>
        %swap3A_452 = arith.index_cast %scan3A_198 : i32 to index
        %swap3A_453 = arith.constant 368 : index
        %swap3A_454 = tpu.vector_load %arg10[%swap3A_452, %swap3A_453] {strides = array<i32>} : memref<16x1024xf32, #tpu.memory_space<vmem>>, vector<1x16xf32>,
        %swap3A_455 = vector.shape_cast %swap3A_454 : vector<1x16xf32> to vector<16xf32>
        %swap3A_456 = vector.shape_cast %add3A_451 : vector<16xf32> to vector<1x16xf32>
        tpu.vector_store %arg10[%swap3A_452, %swap3A_453], %swap3A_456 {strides = array<i32>} : memref<16x1024xf32, #tpu.memory_space<vmem>>, vector<1x16xf32>,
        %get3A_457 = arith.index_cast %scan3A_198 : i32 to index
        %get3A_458 = arith.constant 128 : index
        %get3A_459 = tpu.vector_load %arg10[%get3A_457, %get3A_458] {strides = array<i32>} : memref<16x1024xf32, #tpu.memory_space<vmem>>, vector<1x16xf32>,
        %get3A_460 = vector.shape_cast %get3A_459 : vector<1x16xf32> to vector<16xf32>
        %get3A_461 = arith.index_cast %scan3A_198 : i32 to index
        %get3A_462 = arith.constant 384 : index
        %get3A_463 = tpu.vector_load %arg10[%get3A_461, %get3A_462] {strides = array<i32>} : memref<16x1024xf32, #tpu.memory_space<vmem>>, vector<1x16xf32>,
        %get3A_464 = vector.shape_cast %get3A_463 : vector<1x16xf32> to vector<16xf32>
        %get3A_465 = arith.index_cast %add3A_203 : i32 to index
        %get3A_466 = arith.constant 128 : index
        %get3A_467 = tpu.vector_load %arg8[%get3A_465, %get3A_466] {strides = array<i32>} : memref<32x512xf32, #tpu.memory_space<vmem>>, vector<1x16xf32>,
        %get3A_468 = vector.shape_cast %get3A_467 : vector<1x16xf32> to vector<16xf32>
        %get3A_469 = arith.index_cast %add3A_203 : i32 to index
        %get3A_470 = arith.constant 384 : index
        %get3A_471 = tpu.vector_load %arg8[%get3A_469, %get3A_470] {strides = array<i32>} : memref<32x512xf32, #tpu.memory_space<vmem>>, vector<1x16xf32>,
        %get3A_472 = vector.shape_cast %get3A_471 : vector<1x16xf32> to vector<16xf32>
        %mul3A_473 = arith.mulf %get3A_460, %get3A_468 : vector<16xf32>
        %mul3A_474 = arith.mulf %get3A_464, %get3A_472 : vector<16xf32>
        %sub3A_475 = arith.subf %mul3A_473, %mul3A_474 : vector<16xf32>
        %swap3A_476 = arith.index_cast %scan3A_198 : i32 to index
        %swap3A_477 = arith.constant 128 : index
        %swap3A_478 = tpu.vector_load %arg10[%swap3A_476, %swap3A_477] {strides = array<i32>} : memref<16x1024xf32, #tpu.memory_space<vmem>>, vector<1x16xf32>,
        %swap3A_479 = vector.shape_cast %swap3A_478 : vector<1x16xf32> to vector<16xf32>
        %swap3A_480 = vector.shape_cast %sub3A_475 : vector<16xf32> to vector<1x16xf32>
        tpu.vector_store %arg10[%swap3A_476, %swap3A_477], %swap3A_480 {strides = array<i32>} : memref<16x1024xf32, #tpu.memory_space<vmem>>, vector<1x16xf32>,
        %mul3A_481 = arith.mulf %get3A_464, %get3A_468 : vector<16xf32>
        %mul3A_482 = arith.mulf %get3A_460, %get3A_472 : vector<16xf32>
        %add3A_483 = arith.addf %mul3A_481, %mul3A_482 : vector<16xf32>
        %swap3A_484 = arith.index_cast %scan3A_198 : i32 to index
        %swap3A_485 = arith.constant 384 : index
        %swap3A_486 = tpu.vector_load %arg10[%swap3A_484, %swap3A_485] {strides = array<i32>} : memref<16x1024xf32, #tpu.memory_space<vmem>>, vector<1x16xf32>,
        %swap3A_487 = vector.shape_cast %swap3A_486 : vector<1x16xf32> to vector<16xf32>
        %swap3A_488 = vector.shape_cast %add3A_483 : vector<16xf32> to vector<1x16xf32>
        tpu.vector_store %arg10[%swap3A_484, %swap3A_485], %swap3A_488 {strides = array<i32>} : memref<16x1024xf32, #tpu.memory_space<vmem>>, vector<1x16xf32>,
        %get3A_489 = arith.index_cast %scan3A_198 : i32 to index
        %get3A_490 = arith.constant 144 : index
        %get3A_491 = tpu.vector_load %arg10[%get3A_489, %get3A_490] {strides = array<i32>} : memref<16x1024xf32, #tpu.memory_space<vmem>>, vector<1x16xf32>,
        %get3A_492 = vector.shape_cast %get3A_491 : vector<1x16xf32> to vector<16xf32>
        %get3A_493 = arith.index_cast %scan3A_198 : i32 to index
        %get3A_494 = arith.constant 400 : index
        %get3A_495 = tpu.vector_load %arg10[%get3A_493, %get3A_494] {strides = array<i32>} : memref<16x1024xf32, #tpu.memory_space<vmem>>, vector<1x16xf32>,
        %get3A_496 = vector.shape_cast %get3A_495 : vector<1x16xf32> to vector<16xf32>
        %get3A_497 = arith.index_cast %add3A_203 : i32 to index
        %get3A_498 = arith.constant 144 : index
        %get3A_499 = tpu.vector_load %arg8[%get3A_497, %get3A_498] {strides = array<i32>} : memref<32x512xf32, #tpu.memory_space<vmem>>, vector<1x16xf32>,
        %get3A_500 = vector.shape_cast %get3A_499 : vector<1x16xf32> to vector<16xf32>
        %get3A_501 = arith.index_cast %add3A_203 : i32 to index
        %get3A_502 = arith.constant 400 : index
        %get3A_503 = tpu.vector_load %arg8[%get3A_501, %get3A_502] {strides = array<i32>} : memref<32x512xf32, #tpu.memory_space<vmem>>, vector<1x16xf32>,
        %get3A_504 = vector.shape_cast %get3A_503 : vector<1x16xf32> to vector<16xf32>
        %mul3A_505 = arith.mulf %get3A_492, %get3A_500 : vector<16xf32>
        %mul3A_506 = arith.mulf %get3A_496, %get3A_504 : vector<16xf32>
        %sub3A_507 = arith.subf %mul3A_505, %mul3A_506 : vector<16xf32>
        %swap3A_508 = arith.index_cast %scan3A_198 : i32 to index
        %swap3A_509 = arith.constant 144 : index
        %swap3A_510 = tpu.vector_load %arg10[%swap3A_508, %swap3A_509] {strides = array<i32>} : memref<16x1024xf32, #tpu.memory_space<vmem>>, vector<1x16xf32>,
        %swap3A_511 = vector.shape_cast %swap3A_510 : vector<1x16xf32> to vector<16xf32>
        %swap3A_512 = vector.shape_cast %sub3A_507 : vector<16xf32> to vector<1x16xf32>
        tpu.vector_store %arg10[%swap3A_508, %swap3A_509], %swap3A_512 {strides = array<i32>} : memref<16x1024xf32, #tpu.memory_space<vmem>>, vector<1x16xf32>,
        %mul3A_513 = arith.mulf %get3A_496, %get3A_500 : vector<16xf32>
        %mul3A_514 = arith.mulf %get3A_492, %get3A_504 : vector<16xf32>
        %add3A_515 = arith.addf %mul3A_513, %mul3A_514 : vector<16xf32>
        %swap3A_516 = arith.index_cast %scan3A_198 : i32 to index
        %swap3A_517 = arith.constant 400 : index
        %swap3A_518 = tpu.vector_load %arg10[%swap3A_516, %swap3A_517] {strides = array<i32>} : memref<16x1024xf32, #tpu.memory_space<vmem>>, vector<1x16xf32>,
        %swap3A_519 = vector.shape_cast %swap3A_518 : vector<1x16xf32> to vector<16xf32>
        %swap3A_520 = vector.shape_cast %add3A_515 : vector<16xf32> to vector<1x16xf32>
        tpu.vector_store %arg10[%swap3A_516, %swap3A_517], %swap3A_520 {strides = array<i32>} : memref<16x1024xf32, #tpu.memory_space<vmem>>, vector<1x16xf32>,
        %get3A_521 = arith.index_cast %scan3A_198 : i32 to index
        %get3A_522 = arith.constant 160 : index
        %get3A_523 = tpu.vector_load %arg10[%get3A_521, %get3A_522] {strides = array<i32>} : memref<16x1024xf32, #tpu.memory_space<vmem>>, vector<1x16xf32>,
        %get3A_524 = vector.shape_cast %get3A_523 : vector<1x16xf32> to vector<16xf32>
        %get3A_525 = arith.index_cast %scan3A_198 : i32 to index
        %get3A_526 = arith.constant 416 : index
        %get3A_527 = tpu.vector_load %arg10[%get3A_525, %get3A_526] {strides = array<i32>} : memref<16x1024xf32, #tpu.memory_space<vmem>>, vector<1x16xf32>,
        %get3A_528 = vector.shape_cast %get3A_527 : vector<1x16xf32> to vector<16xf32>
        %get3A_529 = arith.index_cast %add3A_203 : i32 to index
        %get3A_530 = arith.constant 160 : index
        %get3A_531 = tpu.vector_load %arg8[%get3A_529, %get3A_530] {strides = array<i32>} : memref<32x512xf32, #tpu.memory_space<vmem>>, vector<1x16xf32>,
        %get3A_532 = vector.shape_cast %get3A_531 : vector<1x16xf32> to vector<16xf32>
        %get3A_533 = arith.index_cast %add3A_203 : i32 to index
        %get3A_534 = arith.constant 416 : index
        %get3A_535 = tpu.vector_load %arg8[%get3A_533, %get3A_534] {strides = array<i32>} : memref<32x512xf32, #tpu.memory_space<vmem>>, vector<1x16xf32>,
        %get3A_536 = vector.shape_cast %get3A_535 : vector<1x16xf32> to vector<16xf32>
        %mul3A_537 = arith.mulf %get3A_524, %get3A_532 : vector<16xf32>
        %mul3A_538 = arith.mulf %get3A_528, %get3A_536 : vector<16xf32>
        %sub3A_539 = arith.subf %mul3A_537, %mul3A_538 : vector<16xf32>
        %swap3A_540 = arith.index_cast %scan3A_198 : i32 to index
        %swap3A_541 = arith.constant 160 : index
        %swap3A_542 = tpu.vector_load %arg10[%swap3A_540, %swap3A_541] {strides = array<i32>} : memref<16x1024xf32, #tpu.memory_space<vmem>>, vector<1x16xf32>,
        %swap3A_543 = vector.shape_cast %swap3A_542 : vector<1x16xf32> to vector<16xf32>
        %swap3A_544 = vector.shape_cast %sub3A_539 : vector<16xf32> to vector<1x16xf32>
        tpu.vector_store %arg10[%swap3A_540, %swap3A_541], %swap3A_544 {strides = array<i32>} : memref<16x1024xf32, #tpu.memory_space<vmem>>, vector<1x16xf32>,
        %mul3A_545 = arith.mulf %get3A_528, %get3A_532 : vector<16xf32>
        %mul3A_546 = arith.mulf %get3A_524, %get3A_536 : vector<16xf32>
        %add3A_547 = arith.addf %mul3A_545, %mul3A_546 : vector<16xf32>
        %swap3A_548 = arith.index_cast %scan3A_198 : i32 to index
        %swap3A_549 = arith.constant 416 : index
        %swap3A_550 = tpu.vector_load %arg10[%swap3A_548, %swap3A_549] {strides = array<i32>} : memref<16x1024xf32, #tpu.memory_space<vmem>>, vector<1x16xf32>,
        %swap3A_551 = vector.shape_cast %swap3A_550 : vector<1x16xf32> to vector<16xf32>
        %swap3A_552 = vector.shape_cast %add3A_547 : vector<16xf32> to vector<1x16xf32>
        tpu.vector_store %arg10[%swap3A_548, %swap3A_549], %swap3A_552 {strides = array<i32>} : memref<16x1024xf32, #tpu.memory_space<vmem>>, vector<1x16xf32>,
        %get3A_553 = arith.index_cast %scan3A_198 : i32 to index
        %get3A_554 = arith.constant 176 : index
        %get3A_555 = tpu.vector_load %arg10[%get3A_553, %get3A_554] {strides = array<i32>} : memref<16x1024xf32, #tpu.memory_space<vmem>>, vector<1x16xf32>,
        %get3A_556 = vector.shape_cast %get3A_555 : vector<1x16xf32> to vector<16xf32>
        %get3A_557 = arith.index_cast %scan3A_198 : i32 to index
        %get3A_558 = arith.constant 432 : index
        %get3A_559 = tpu.vector_load %arg10[%get3A_557, %get3A_558] {strides = array<i32>} : memref<16x1024xf32, #tpu.memory_space<vmem>>, vector<1x16xf32>,
        %get3A_560 = vector.shape_cast %get3A_559 : vector<1x16xf32> to vector<16xf32>
        %get3A_561 = arith.index_cast %add3A_203 : i32 to index
        %get3A_562 = arith.constant 176 : index
        %get3A_563 = tpu.vector_load %arg8[%get3A_561, %get3A_562] {strides = array<i32>} : memref<32x512xf32, #tpu.memory_space<vmem>>, vector<1x16xf32>,
        %get3A_564 = vector.shape_cast %get3A_563 : vector<1x16xf32> to vector<16xf32>
        %get3A_565 = arith.index_cast %add3A_203 : i32 to index
        %get3A_566 = arith.constant 432 : index
        %get3A_567 = tpu.vector_load %arg8[%get3A_565, %get3A_566] {strides = array<i32>} : memref<32x512xf32, #tpu.memory_space<vmem>>, vector<1x16xf32>,
        %get3A_568 = vector.shape_cast %get3A_567 : vector<1x16xf32> to vector<16xf32>
        %mul3A_569 = arith.mulf %get3A_556, %get3A_564 : vector<16xf32>
        %mul3A_570 = arith.mulf %get3A_560, %get3A_568 : vector<16xf32>
        %sub3A_571 = arith.subf %mul3A_569, %mul3A_570 : vector<16xf32>
        %swap3A_572 = arith.index_cast %scan3A_198 : i32 to index
        %swap3A_573 = arith.constant 176 : index
        %swap3A_574 = tpu.vector_load %arg10[%swap3A_572, %swap3A_573] {strides = array<i32>} : memref<16x1024xf32, #tpu.memory_space<vmem>>, vector<1x16xf32>,
        %swap3A_575 = vector.shape_cast %swap3A_574 : vector<1x16xf32> to vector<16xf32>
        %swap3A_576 = vector.shape_cast %sub3A_571 : vector<16xf32> to vector<1x16xf32>
        tpu.vector_store %arg10[%swap3A_572, %swap3A_573], %swap3A_576 {strides = array<i32>} : memref<16x1024xf32, #tpu.memory_space<vmem>>, vector<1x16xf32>,
        %mul3A_577 = arith.mulf %get3A_560, %get3A_564 : vector<16xf32>
        %mul3A_578 = arith.mulf %get3A_556, %get3A_568 : vector<16xf32>
        %add3A_579 = arith.addf %mul3A_577, %mul3A_578 : vector<16xf32>
        %swap3A_580 = arith.index_cast %scan3A_198 : i32 to index
        %swap3A_581 = arith.constant 432 : index
        %swap3A_582 = tpu.vector_load %arg10[%swap3A_580, %swap3A_581] {strides = array<i32>} : memref<16x1024xf32, #tpu.memory_space<vmem>>, vector<1x16xf32>,
        %swap3A_583 = vector.shape_cast %swap3A_582 : vector<1x16xf32> to vector<16xf32>
        %swap3A_584 = vector.shape_cast %add3A_579 : vector<16xf32> to vector<1x16xf32>
        tpu.vector_store %arg10[%swap3A_580, %swap3A_581], %swap3A_584 {strides = array<i32>} : memref<16x1024xf32, #tpu.memory_space<vmem>>, vector<1x16xf32>,
        %get3A_585 = arith.index_cast %scan3A_198 : i32 to index
        %get3A_586 = arith.constant 192 : index
        %get3A_587 = tpu.vector_load %arg10[%get3A_585, %get3A_586] {strides = array<i32>} : memref<16x1024xf32, #tpu.memory_space<vmem>>, vector<1x16xf32>,
        %get3A_588 = vector.shape_cast %get3A_587 : vector<1x16xf32> to vector<16xf32>
        %get3A_589 = arith.index_cast %scan3A_198 : i32 to index
        %get3A_590 = arith.constant 448 : index
        %get3A_591 = tpu.vector_load %arg10[%get3A_589, %get3A_590] {strides = array<i32>} : memref<16x1024xf32, #tpu.memory_space<vmem>>, vector<1x16xf32>,
        %get3A_592 = vector.shape_cast %get3A_591 : vector<1x16xf32> to vector<16xf32>
        %get3A_593 = arith.index_cast %add3A_203 : i32 to index
        %get3A_594 = arith.constant 192 : index
        %get3A_595 = tpu.vector_load %arg8[%get3A_593, %get3A_594] {strides = array<i32>} : memref<32x512xf32, #tpu.memory_space<vmem>>, vector<1x16xf32>,
        %get3A_596 = vector.shape_cast %get3A_595 : vector<1x16xf32> to vector<16xf32>
        %get3A_597 = arith.index_cast %add3A_203 : i32 to index
        %get3A_598 = arith.constant 448 : index
        %get3A_599 = tpu.vector_load %arg8[%get3A_597, %get3A_598] {strides = array<i32>} : memref<32x512xf32, #tpu.memory_space<vmem>>, vector<1x16xf32>,
        %get3A_600 = vector.shape_cast %get3A_599 : vector<1x16xf32> to vector<16xf32>
        %mul3A_601 = arith.mulf %get3A_588, %get3A_596 : vector<16xf32>
        %mul3A_602 = arith.mulf %get3A_592, %get3A_600 : vector<16xf32>
        %sub3A_603 = arith.subf %mul3A_601, %mul3A_602 : vector<16xf32>
        %swap3A_604 = arith.index_cast %scan3A_198 : i32 to index
        %swap3A_605 = arith.constant 192 : index
        %swap3A_606 = tpu.vector_load %arg10[%swap3A_604, %swap3A_605] {strides = array<i32>} : memref<16x1024xf32, #tpu.memory_space<vmem>>, vector<1x16xf32>,
        %swap3A_607 = vector.shape_cast %swap3A_606 : vector<1x16xf32> to vector<16xf32>
        %swap3A_608 = vector.shape_cast %sub3A_603 : vector<16xf32> to vector<1x16xf32>
        tpu.vector_store %arg10[%swap3A_604, %swap3A_605], %swap3A_608 {strides = array<i32>} : memref<16x1024xf32, #tpu.memory_space<vmem>>, vector<1x16xf32>,
        %mul3A_609 = arith.mulf %get3A_592, %get3A_596 : vector<16xf32>
        %mul3A_610 = arith.mulf %get3A_588, %get3A_600 : vector<16xf32>
        %add3A_611 = arith.addf %mul3A_609, %mul3A_610 : vector<16xf32>
        %swap3A_612 = arith.index_cast %scan3A_198 : i32 to index
        %swap3A_613 = arith.constant 448 : index
        %swap3A_614 = tpu.vector_load %arg10[%swap3A_612, %swap3A_613] {strides = array<i32>} : memref<16x1024xf32, #tpu.memory_space<vmem>>, vector<1x16xf32>,
        %swap3A_615 = vector.shape_cast %swap3A_614 : vector<1x16xf32> to vector<16xf32>
        %swap3A_616 = vector.shape_cast %add3A_611 : vector<16xf32> to vector<1x16xf32>
        tpu.vector_store %arg10[%swap3A_612, %swap3A_613], %swap3A_616 {strides = array<i32>} : memref<16x1024xf32, #tpu.memory_space<vmem>>, vector<1x16xf32>,
        %get3A_617 = arith.index_cast %scan3A_198 : i32 to index
        %get3A_618 = arith.constant 208 : index
        %get3A_619 = tpu.vector_load %arg10[%get3A_617, %get3A_618] {strides = array<i32>} : memref<16x1024xf32, #tpu.memory_space<vmem>>, vector<1x16xf32>,
        %get3A_620 = vector.shape_cast %get3A_619 : vector<1x16xf32> to vector<16xf32>
        %get3A_621 = arith.index_cast %scan3A_198 : i32 to index
        %get3A_622 = arith.constant 464 : index
        %get3A_623 = tpu.vector_load %arg10[%get3A_621, %get3A_622] {strides = array<i32>} : memref<16x1024xf32, #tpu.memory_space<vmem>>, vector<1x16xf32>,
        %get3A_624 = vector.shape_cast %get3A_623 : vector<1x16xf32> to vector<16xf32>
        %get3A_625 = arith.index_cast %add3A_203 : i32 to index
        %get3A_626 = arith.constant 208 : index
        %get3A_627 = tpu.vector_load %arg8[%get3A_625, %get3A_626] {strides = array<i32>} : memref<32x512xf32, #tpu.memory_space<vmem>>, vector<1x16xf32>,
        %get3A_628 = vector.shape_cast %get3A_627 : vector<1x16xf32> to vector<16xf32>
        %get3A_629 = arith.index_cast %add3A_203 : i32 to index
        %get3A_630 = arith.constant 464 : index
        %get3A_631 = tpu.vector_load %arg8[%get3A_629, %get3A_630] {strides = array<i32>} : memref<32x512xf32, #tpu.memory_space<vmem>>, vector<1x16xf32>,
        %get3A_632 = vector.shape_cast %get3A_631 : vector<1x16xf32> to vector<16xf32>
        %mul3A_633 = arith.mulf %get3A_620, %get3A_628 : vector<16xf32>
        %mul3A_634 = arith.mulf %get3A_624, %get3A_632 : vector<16xf32>
        %sub3A_635 = arith.subf %mul3A_633, %mul3A_634 : vector<16xf32>
        %swap3A_636 = arith.index_cast %scan3A_198 : i32 to index
        %swap3A_637 = arith.constant 208 : index
        %swap3A_638 = tpu.vector_load %arg10[%swap3A_636, %swap3A_637] {strides = array<i32>} : memref<16x1024xf32, #tpu.memory_space<vmem>>, vector<1x16xf32>,
        %swap3A_639 = vector.shape_cast %swap3A_638 : vector<1x16xf32> to vector<16xf32>
        %swap3A_640 = vector.shape_cast %sub3A_635 : vector<16xf32> to vector<1x16xf32>
        tpu.vector_store %arg10[%swap3A_636, %swap3A_637], %swap3A_640 {strides = array<i32>} : memref<16x1024xf32, #tpu.memory_space<vmem>>, vector<1x16xf32>,
        %mul3A_641 = arith.mulf %get3A_624, %get3A_628 : vector<16xf32>
        %mul3A_642 = arith.mulf %get3A_620, %get3A_632 : vector<16xf32>
        %add3A_643 = arith.addf %mul3A_641, %mul3A_642 : vector<16xf32>
        %swap3A_644 = arith.index_cast %scan3A_198 : i32 to index
        %swap3A_645 = arith.constant 464 : index
        %swap3A_646 = tpu.vector_load %arg10[%swap3A_644, %swap3A_645] {strides = array<i32>} : memref<16x1024xf32, #tpu.memory_space<vmem>>, vector<1x16xf32>,
        %swap3A_647 = vector.shape_cast %swap3A_646 : vector<1x16xf32> to vector<16xf32>
        %swap3A_648 = vector.shape_cast %add3A_643 : vector<16xf32> to vector<1x16xf32>
        tpu.vector_store %arg10[%swap3A_644, %swap3A_645], %swap3A_648 {strides = array<i32>} : memref<16x1024xf32, #tpu.memory_space<vmem>>, vector<1x16xf32>,
        %get3A_649 = arith.index_cast %scan3A_198 : i32 to index
        %get3A_650 = arith.constant 224 : index
        %get3A_651 = tpu.vector_load %arg10[%get3A_649, %get3A_650] {strides = array<i32>} : memref<16x1024xf32, #tpu.memory_space<vmem>>, vector<1x16xf32>,
        %get3A_652 = vector.shape_cast %get3A_651 : vector<1x16xf32> to vector<16xf32>
        %get3A_653 = arith.index_cast %scan3A_198 : i32 to index
        %get3A_654 = arith.constant 480 : index
        %get3A_655 = tpu.vector_load %arg10[%get3A_653, %get3A_654] {strides = array<i32>} : memref<16x1024xf32, #tpu.memory_space<vmem>>, vector<1x16xf32>,
        %get3A_656 = vector.shape_cast %get3A_655 : vector<1x16xf32> to vector<16xf32>
        %get3A_657 = arith.index_cast %add3A_203 : i32 to index
        %get3A_658 = arith.constant 224 : index
        %get3A_659 = tpu.vector_load %arg8[%get3A_657, %get3A_658] {strides = array<i32>} : memref<32x512xf32, #tpu.memory_space<vmem>>, vector<1x16xf32>,
        %get3A_660 = vector.shape_cast %get3A_659 : vector<1x16xf32> to vector<16xf32>
        %get3A_661 = arith.index_cast %add3A_203 : i32 to index
        %get3A_662 = arith.constant 480 : index
        %get3A_663 = tpu.vector_load %arg8[%get3A_661, %get3A_662] {strides = array<i32>} : memref<32x512xf32, #tpu.memory_space<vmem>>, vector<1x16xf32>,
        %get3A_664 = vector.shape_cast %get3A_663 : vector<1x16xf32> to vector<16xf32>
        %mul3A_665 = arith.mulf %get3A_652, %get3A_660 : vector<16xf32>
        %mul3A_666 = arith.mulf %get3A_656, %get3A_664 : vector<16xf32>
        %sub3A_667 = arith.subf %mul3A_665, %mul3A_666 : vector<16xf32>
        %swap3A_668 = arith.index_cast %scan3A_198 : i32 to index
        %swap3A_669 = arith.constant 224 : index
        %swap3A_670 = tpu.vector_load %arg10[%swap3A_668, %swap3A_669] {strides = array<i32>} : memref<16x1024xf32, #tpu.memory_space<vmem>>, vector<1x16xf32>,
        %swap3A_671 = vector.shape_cast %swap3A_670 : vector<1x16xf32> to vector<16xf32>
        %swap3A_672 = vector.shape_cast %sub3A_667 : vector<16xf32> to vector<1x16xf32>
        tpu.vector_store %arg10[%swap3A_668, %swap3A_669], %swap3A_672 {strides = array<i32>} : memref<16x1024xf32, #tpu.memory_space<vmem>>, vector<1x16xf32>,
        %mul3A_673 = arith.mulf %get3A_656, %get3A_660 : vector<16xf32>
        %mul3A_674 = arith.mulf %get3A_652, %get3A_664 : vector<16xf32>
        %add3A_675 = arith.addf %mul3A_673, %mul3A_674 : vector<16xf32>
        %swap3A_676 = arith.index_cast %scan3A_198 : i32 to index
        %swap3A_677 = arith.constant 480 : index
        %swap3A_678 = tpu.vector_load %arg10[%swap3A_676, %swap3A_677] {strides = array<i32>} : memref<16x1024xf32, #tpu.memory_space<vmem>>, vector<1x16xf32>,
        %swap3A_679 = vector.shape_cast %swap3A_678 : vector<1x16xf32> to vector<16xf32>
        %swap3A_680 = vector.shape_cast %add3A_675 : vector<16xf32> to vector<1x16xf32>
        tpu.vector_store %arg10[%swap3A_676, %swap3A_677], %swap3A_680 {strides = array<i32>} : memref<16x1024xf32, #tpu.memory_space<vmem>>, vector<1x16xf32>,
        %get3A_681 = arith.index_cast %scan3A_198 : i32 to index
        %get3A_682 = arith.constant 240 : index
        %get3A_683 = tpu.vector_load %arg10[%get3A_681, %get3A_682] {strides = array<i32>} : memref<16x1024xf32, #tpu.memory_space<vmem>>, vector<1x16xf32>,
        %get3A_684 = vector.shape_cast %get3A_683 : vector<1x16xf32> to vector<16xf32>
        %get3A_685 = arith.index_cast %scan3A_198 : i32 to index
        %get3A_686 = arith.constant 496 : index
        %get3A_687 = tpu.vector_load %arg10[%get3A_685, %get3A_686] {strides = array<i32>} : memref<16x1024xf32, #tpu.memory_space<vmem>>, vector<1x16xf32>,
        %get3A_688 = vector.shape_cast %get3A_687 : vector<1x16xf32> to vector<16xf32>
        %get3A_689 = arith.index_cast %add3A_203 : i32 to index
        %get3A_690 = arith.constant 240 : index
        %get3A_691 = tpu.vector_load %arg8[%get3A_689, %get3A_690] {strides = array<i32>} : memref<32x512xf32, #tpu.memory_space<vmem>>, vector<1x16xf32>,
        %get3A_692 = vector.shape_cast %get3A_691 : vector<1x16xf32> to vector<16xf32>
        %get3A_693 = arith.index_cast %add3A_203 : i32 to index
        %get3A_694 = arith.constant 496 : index
        %get3A_695 = tpu.vector_load %arg8[%get3A_693, %get3A_694] {strides = array<i32>} : memref<32x512xf32, #tpu.memory_space<vmem>>, vector<1x16xf32>,
        %get3A_696 = vector.shape_cast %get3A_695 : vector<1x16xf32> to vector<16xf32>
        %mul3A_697 = arith.mulf %get3A_684, %get3A_692 : vector<16xf32>
        %mul3A_698 = arith.mulf %get3A_688, %get3A_696 : vector<16xf32>
        %sub3A_699 = arith.subf %mul3A_697, %mul3A_698 : vector<16xf32>
        %swap3A_700 = arith.index_cast %scan3A_198 : i32 to index
        %swap3A_701 = arith.constant 240 : index
        %swap3A_702 = tpu.vector_load %arg10[%swap3A_700, %swap3A_701] {strides = array<i32>} : memref<16x1024xf32, #tpu.memory_space<vmem>>, vector<1x16xf32>,
        %swap3A_703 = vector.shape_cast %swap3A_702 : vector<1x16xf32> to vector<16xf32>
        %swap3A_704 = vector.shape_cast %sub3A_699 : vector<16xf32> to vector<1x16xf32>
        tpu.vector_store %arg10[%swap3A_700, %swap3A_701], %swap3A_704 {strides = array<i32>} : memref<16x1024xf32, #tpu.memory_space<vmem>>, vector<1x16xf32>,
        %mul3A_705 = arith.mulf %get3A_688, %get3A_692 : vector<16xf32>
        %mul3A_706 = arith.mulf %get3A_684, %get3A_696 : vector<16xf32>
        %add3A_707 = arith.addf %mul3A_705, %mul3A_706 : vector<16xf32>
        %swap3A_708 = arith.index_cast %scan3A_198 : i32 to index
        %swap3A_709 = arith.constant 496 : index
        %swap3A_710 = tpu.vector_load %arg10[%swap3A_708, %swap3A_709] {strides = array<i32>} : memref<16x1024xf32, #tpu.memory_space<vmem>>, vector<1x16xf32>,
        %swap3A_711 = vector.shape_cast %swap3A_710 : vector<1x16xf32> to vector<16xf32>
        %swap3A_712 = vector.shape_cast %add3A_707 : vector<16xf32> to vector<1x16xf32>
        tpu.vector_store %arg10[%swap3A_708, %swap3A_709], %swap3A_712 {strides = array<i32>} : memref<16x1024xf32, #tpu.memory_space<vmem>>, vector<1x16xf32>,
        %mul3A_713 = arith.constant 2 : i32
        %mul3A_714 = arith.muli %mul3A_713, %scan3A_198 : i32
        %add3A_715 = arith.constant 1 : i32
        %add3A_716 = arith.addi %mul3A_714, %add3A_715 : i32
        %get3A_717 = arith.index_cast %scan3A_198 : i32 to index
        %get3A_718 = arith.constant 512 : index
        %get3A_719 = tpu.vector_load %arg10[%get3A_717, %get3A_718] {strides = array<i32>} : memref<16x1024xf32, #tpu.memory_space<vmem>>, vector<1x16xf32>,
        %get3A_720 = vector.shape_cast %get3A_719 : vector<1x16xf32> to vector<16xf32>
        %get3A_721 = arith.index_cast %scan3A_198 : i32 to index
        %get3A_722 = arith.constant 768 : index
        %get3A_723 = tpu.vector_load %arg10[%get3A_721, %get3A_722] {strides = array<i32>} : memref<16x1024xf32, #tpu.memory_space<vmem>>, vector<1x16xf32>,
        %get3A_724 = vector.shape_cast %get3A_723 : vector<1x16xf32> to vector<16xf32>
        %get3A_725 = arith.index_cast %add3A_716 : i32 to index
        %get3A_726 = arith.constant 0 : index
        %get3A_727 = tpu.vector_load %arg8[%get3A_725, %get3A_726] {strides = array<i32>} : memref<32x512xf32, #tpu.memory_space<vmem>>, vector<1x16xf32>,
        %get3A_728 = vector.shape_cast %get3A_727 : vector<1x16xf32> to vector<16xf32>
        %get3A_729 = arith.index_cast %add3A_716 : i32 to index
        %get3A_730 = arith.constant 256 : index
        %get3A_731 = tpu.vector_load %arg8[%get3A_729, %get3A_730] {strides = array<i32>} : memref<32x512xf32, #tpu.memory_space<vmem>>, vector<1x16xf32>,
        %get3A_732 = vector.shape_cast %get3A_731 : vector<1x16xf32> to vector<16xf32>
        %mul3A_733 = arith.mulf %get3A_720, %get3A_728 : vector<16xf32>
        %mul3A_734 = arith.mulf %get3A_724, %get3A_732 : vector<16xf32>
        %sub3A_735 = arith.subf %mul3A_733, %mul3A_734 : vector<16xf32>
        %swap3A_736 = arith.index_cast %scan3A_198 : i32 to index
        %swap3A_737 = arith.constant 512 : index
        %swap3A_738 = tpu.vector_load %arg10[%swap3A_736, %swap3A_737] {strides = array<i32>} : memref<16x1024xf32, #tpu.memory_space<vmem>>, vector<1x16xf32>,
        %swap3A_739 = vector.shape_cast %swap3A_738 : vector<1x16xf32> to vector<16xf32>
        %swap3A_740 = vector.shape_cast %sub3A_735 : vector<16xf32> to vector<1x16xf32>
        tpu.vector_store %arg10[%swap3A_736, %swap3A_737], %swap3A_740 {strides = array<i32>} : memref<16x1024xf32, #tpu.memory_space<vmem>>, vector<1x16xf32>,
        %mul3A_741 = arith.mulf %get3A_724, %get3A_728 : vector<16xf32>
        %mul3A_742 = arith.mulf %get3A_720, %get3A_732 : vector<16xf32>
        %add3A_743 = arith.addf %mul3A_741, %mul3A_742 : vector<16xf32>
        %swap3A_744 = arith.index_cast %scan3A_198 : i32 to index
        %swap3A_745 = arith.constant 768 : index
        %swap3A_746 = tpu.vector_load %arg10[%swap3A_744, %swap3A_745] {strides = array<i32>} : memref<16x1024xf32, #tpu.memory_space<vmem>>, vector<1x16xf32>,
        %swap3A_747 = vector.shape_cast %swap3A_746 : vector<1x16xf32> to vector<16xf32>
        %swap3A_748 = vector.shape_cast %add3A_743 : vector<16xf32> to vector<1x16xf32>
        tpu.vector_store %arg10[%swap3A_744, %swap3A_745], %swap3A_748 {strides = array<i32>} : memref<16x1024xf32, #tpu.memory_space<vmem>>, vector<1x16xf32>,
        %get3A_749 = arith.index_cast %scan3A_198 : i32 to index
        %get3A_750 = arith.constant 528 : index
        %get3A_751 = tpu.vector_load %arg10[%get3A_749, %get3A_750] {strides = array<i32>} : memref<16x1024xf32, #tpu.memory_space<vmem>>, vector<1x16xf32>,
        %get3A_752 = vector.shape_cast %get3A_751 : vector<1x16xf32> to vector<16xf32>
        %get3A_753 = arith.index_cast %scan3A_198 : i32 to index
        %get3A_754 = arith.constant 784 : index
        %get3A_755 = tpu.vector_load %arg10[%get3A_753, %get3A_754] {strides = array<i32>} : memref<16x1024xf32, #tpu.memory_space<vmem>>, vector<1x16xf32>,
        %get3A_756 = vector.shape_cast %get3A_755 : vector<1x16xf32> to vector<16xf32>
        %get3A_757 = arith.index_cast %add3A_716 : i32 to index
        %get3A_758 = arith.constant 16 : index
        %get3A_759 = tpu.vector_load %arg8[%get3A_757, %get3A_758] {strides = array<i32>} : memref<32x512xf32, #tpu.memory_space<vmem>>, vector<1x16xf32>,
        %get3A_760 = vector.shape_cast %get3A_759 : vector<1x16xf32> to vector<16xf32>
        %get3A_761 = arith.index_cast %add3A_716 : i32 to index
        %get3A_762 = arith.constant 272 : index
        %get3A_763 = tpu.vector_load %arg8[%get3A_761, %get3A_762] {strides = array<i32>} : memref<32x512xf32, #tpu.memory_space<vmem>>, vector<1x16xf32>,
        %get3A_764 = vector.shape_cast %get3A_763 : vector<1x16xf32> to vector<16xf32>
        %mul3A_765 = arith.mulf %get3A_752, %get3A_760 : vector<16xf32>
        %mul3A_766 = arith.mulf %get3A_756, %get3A_764 : vector<16xf32>
        %sub3A_767 = arith.subf %mul3A_765, %mul3A_766 : vector<16xf32>
        %swap3A_768 = arith.index_cast %scan3A_198 : i32 to index
        %swap3A_769 = arith.constant 528 : index
        %swap3A_770 = tpu.vector_load %arg10[%swap3A_768, %swap3A_769] {strides = array<i32>} : memref<16x1024xf32, #tpu.memory_space<vmem>>, vector<1x16xf32>,
        %swap3A_771 = vector.shape_cast %swap3A_770 : vector<1x16xf32> to vector<16xf32>
        %swap3A_772 = vector.shape_cast %sub3A_767 : vector<16xf32> to vector<1x16xf32>
        tpu.vector_store %arg10[%swap3A_768, %swap3A_769], %swap3A_772 {strides = array<i32>} : memref<16x1024xf32, #tpu.memory_space<vmem>>, vector<1x16xf32>,
        %mul3A_773 = arith.mulf %get3A_756, %get3A_760 : vector<16xf32>
        %mul3A_774 = arith.mulf %get3A_752, %get3A_764 : vector<16xf32>
        %add3A_775 = arith.addf %mul3A_773, %mul3A_774 : vector<16xf32>
        %swap3A_776 = arith.index_cast %scan3A_198 : i32 to index
        %swap3A_777 = arith.constant 784 : index
        %swap3A_778 = tpu.vector_load %arg10[%swap3A_776, %swap3A_777] {strides = array<i32>} : memref<16x1024xf32, #tpu.memory_space<vmem>>, vector<1x16xf32>,
        %swap3A_779 = vector.shape_cast %swap3A_778 : vector<1x16xf32> to vector<16xf32>
        %swap3A_780 = vector.shape_cast %add3A_775 : vector<16xf32> to vector<1x16xf32>
        tpu.vector_store %arg10[%swap3A_776, %swap3A_777], %swap3A_780 {strides = array<i32>} : memref<16x1024xf32, #tpu.memory_space<vmem>>, vector<1x16xf32>,
        %get3A_781 = arith.index_cast %scan3A_198 : i32 to index
        %get3A_782 = arith.constant 544 : index
        %get3A_783 = tpu.vector_load %arg10[%get3A_781, %get3A_782] {strides = array<i32>} : memref<16x1024xf32, #tpu.memory_space<vmem>>, vector<1x16xf32>,
        %get3A_784 = vector.shape_cast %get3A_783 : vector<1x16xf32> to vector<16xf32>
        %get3A_785 = arith.index_cast %scan3A_198 : i32 to index
        %get3A_786 = arith.constant 800 : index
        %get3A_787 = tpu.vector_load %arg10[%get3A_785, %get3A_786] {strides = array<i32>} : memref<16x1024xf32, #tpu.memory_space<vmem>>, vector<1x16xf32>,
        %get3A_788 = vector.shape_cast %get3A_787 : vector<1x16xf32> to vector<16xf32>
        %get3A_789 = arith.index_cast %add3A_716 : i32 to index
        %get3A_790 = arith.constant 32 : index
        %get3A_791 = tpu.vector_load %arg8[%get3A_789, %get3A_790] {strides = array<i32>} : memref<32x512xf32, #tpu.memory_space<vmem>>, vector<1x16xf32>,
        %get3A_792 = vector.shape_cast %get3A_791 : vector<1x16xf32> to vector<16xf32>
        %get3A_793 = arith.index_cast %add3A_716 : i32 to index
        %get3A_794 = arith.constant 288 : index
        %get3A_795 = tpu.vector_load %arg8[%get3A_793, %get3A_794] {strides = array<i32>} : memref<32x512xf32, #tpu.memory_space<vmem>>, vector<1x16xf32>,
        %get3A_796 = vector.shape_cast %get3A_795 : vector<1x16xf32> to vector<16xf32>
        %mul3A_797 = arith.mulf %get3A_784, %get3A_792 : vector<16xf32>
        %mul3A_798 = arith.mulf %get3A_788, %get3A_796 : vector<16xf32>
        %sub3A_799 = arith.subf %mul3A_797, %mul3A_798 : vector<16xf32>
        %swap3A_800 = arith.index_cast %scan3A_198 : i32 to index
        %swap3A_801 = arith.constant 544 : index
        %swap3A_802 = tpu.vector_load %arg10[%swap3A_800, %swap3A_801] {strides = array<i32>} : memref<16x1024xf32, #tpu.memory_space<vmem>>, vector<1x16xf32>,
        %swap3A_803 = vector.shape_cast %swap3A_802 : vector<1x16xf32> to vector<16xf32>
        %swap3A_804 = vector.shape_cast %sub3A_799 : vector<16xf32> to vector<1x16xf32>
        tpu.vector_store %arg10[%swap3A_800, %swap3A_801], %swap3A_804 {strides = array<i32>} : memref<16x1024xf32, #tpu.memory_space<vmem>>, vector<1x16xf32>,
        %mul3A_805 = arith.mulf %get3A_788, %get3A_792 : vector<16xf32>
        %mul3A_806 = arith.mulf %get3A_784, %get3A_796 : vector<16xf32>
        %add3A_807 = arith.addf %mul3A_805, %mul3A_806 : vector<16xf32>
        %swap3A_808 = arith.index_cast %scan3A_198 : i32 to index
        %swap3A_809 = arith.constant 800 : index
        %swap3A_810 = tpu.vector_load %arg10[%swap3A_808, %swap3A_809] {strides = array<i32>} : memref<16x1024xf32, #tpu.memory_space<vmem>>, vector<1x16xf32>,
        %swap3A_811 = vector.shape_cast %swap3A_810 : vector<1x16xf32> to vector<16xf32>
        %swap3A_812 = vector.shape_cast %add3A_807 : vector<16xf32> to vector<1x16xf32>
        tpu.vector_store %arg10[%swap3A_808, %swap3A_809], %swap3A_812 {strides = array<i32>} : memref<16x1024xf32, #tpu.memory_space<vmem>>, vector<1x16xf32>,
        %get3A_813 = arith.index_cast %scan3A_198 : i32 to index
        %get3A_814 = arith.constant 560 : index
        %get3A_815 = tpu.vector_load %arg10[%get3A_813, %get3A_814] {strides = array<i32>} : memref<16x1024xf32, #tpu.memory_space<vmem>>, vector<1x16xf32>,
        %get3A_816 = vector.shape_cast %get3A_815 : vector<1x16xf32> to vector<16xf32>
        %get3A_817 = arith.index_cast %scan3A_198 : i32 to index
        %get3A_818 = arith.constant 816 : index
        %get3A_819 = tpu.vector_load %arg10[%get3A_817, %get3A_818] {strides = array<i32>} : memref<16x1024xf32, #tpu.memory_space<vmem>>, vector<1x16xf32>,
        %get3A_820 = vector.shape_cast %get3A_819 : vector<1x16xf32> to vector<16xf32>
        %get3A_821 = arith.index_cast %add3A_716 : i32 to index
        %get3A_822 = arith.constant 48 : index
        %get3A_823 = tpu.vector_load %arg8[%get3A_821, %get3A_822] {strides = array<i32>} : memref<32x512xf32, #tpu.memory_space<vmem>>, vector<1x16xf32>,
        %get3A_824 = vector.shape_cast %get3A_823 : vector<1x16xf32> to vector<16xf32>
        %get3A_825 = arith.index_cast %add3A_716 : i32 to index
        %get3A_826 = arith.constant 304 : index
        %get3A_827 = tpu.vector_load %arg8[%get3A_825, %get3A_826] {strides = array<i32>} : memref<32x512xf32, #tpu.memory_space<vmem>>, vector<1x16xf32>,
        %get3A_828 = vector.shape_cast %get3A_827 : vector<1x16xf32> to vector<16xf32>
        %mul3A_829 = arith.mulf %get3A_816, %get3A_824 : vector<16xf32>
        %mul3A_830 = arith.mulf %get3A_820, %get3A_828 : vector<16xf32>
        %sub3A_831 = arith.subf %mul3A_829, %mul3A_830 : vector<16xf32>
        %swap3A_832 = arith.index_cast %scan3A_198 : i32 to index
        %swap3A_833 = arith.constant 560 : index
        %swap3A_834 = tpu.vector_load %arg10[%swap3A_832, %swap3A_833] {strides = array<i32>} : memref<16x1024xf32, #tpu.memory_space<vmem>>, vector<1x16xf32>,
        %swap3A_835 = vector.shape_cast %swap3A_834 : vector<1x16xf32> to vector<16xf32>
        %swap3A_836 = vector.shape_cast %sub3A_831 : vector<16xf32> to vector<1x16xf32>
        tpu.vector_store %arg10[%swap3A_832, %swap3A_833], %swap3A_836 {strides = array<i32>} : memref<16x1024xf32, #tpu.memory_space<vmem>>, vector<1x16xf32>,
        %mul3A_837 = arith.mulf %get3A_820, %get3A_824 : vector<16xf32>
        %mul3A_838 = arith.mulf %get3A_816, %get3A_828 : vector<16xf32>
        %add3A_839 = arith.addf %mul3A_837, %mul3A_838 : vector<16xf32>
        %swap3A_840 = arith.index_cast %scan3A_198 : i32 to index
        %swap3A_841 = arith.constant 816 : index
        %swap3A_842 = tpu.vector_load %arg10[%swap3A_840, %swap3A_841] {strides = array<i32>} : memref<16x1024xf32, #tpu.memory_space<vmem>>, vector<1x16xf32>,
        %swap3A_843 = vector.shape_cast %swap3A_842 : vector<1x16xf32> to vector<16xf32>
        %swap3A_844 = vector.shape_cast %add3A_839 : vector<16xf32> to vector<1x16xf32>
        tpu.vector_store %arg10[%swap3A_840, %swap3A_841], %swap3A_844 {strides = array<i32>} : memref<16x1024xf32, #tpu.memory_space<vmem>>, vector<1x16xf32>,
        %get3A_845 = arith.index_cast %scan3A_198 : i32 to index
        %get3A_846 = arith.constant 576 : index
        %get3A_847 = tpu.vector_load %arg10[%get3A_845, %get3A_846] {strides = array<i32>} : memref<16x1024xf32, #tpu.memory_space<vmem>>, vector<1x16xf32>,
        %get3A_848 = vector.shape_cast %get3A_847 : vector<1x16xf32> to vector<16xf32>
        %get3A_849 = arith.index_cast %scan3A_198 : i32 to index
        %get3A_850 = arith.constant 832 : index
        %get3A_851 = tpu.vector_load %arg10[%get3A_849, %get3A_850] {strides = array<i32>} : memref<16x1024xf32, #tpu.memory_space<vmem>>, vector<1x16xf32>,
        %get3A_852 = vector.shape_cast %get3A_851 : vector<1x16xf32> to vector<16xf32>
        %get3A_853 = arith.index_cast %add3A_716 : i32 to index
        %get3A_854 = arith.constant 64 : index
        %get3A_855 = tpu.vector_load %arg8[%get3A_853, %get3A_854] {strides = array<i32>} : memref<32x512xf32, #tpu.memory_space<vmem>>, vector<1x16xf32>,
        %get3A_856 = vector.shape_cast %get3A_855 : vector<1x16xf32> to vector<16xf32>
        %get3A_857 = arith.index_cast %add3A_716 : i32 to index
        %get3A_858 = arith.constant 320 : index
        %get3A_859 = tpu.vector_load %arg8[%get3A_857, %get3A_858] {strides = array<i32>} : memref<32x512xf32, #tpu.memory_space<vmem>>, vector<1x16xf32>,
        %get3A_860 = vector.shape_cast %get3A_859 : vector<1x16xf32> to vector<16xf32>
        %mul3A_861 = arith.mulf %get3A_848, %get3A_856 : vector<16xf32>
        %mul3A_862 = arith.mulf %get3A_852, %get3A_860 : vector<16xf32>
        %sub3A_863 = arith.subf %mul3A_861, %mul3A_862 : vector<16xf32>
        %swap3A_864 = arith.index_cast %scan3A_198 : i32 to index
        %swap3A_865 = arith.constant 576 : index
        %swap3A_866 = tpu.vector_load %arg10[%swap3A_864, %swap3A_865] {strides = array<i32>} : memref<16x1024xf32, #tpu.memory_space<vmem>>, vector<1x16xf32>,
        %swap3A_867 = vector.shape_cast %swap3A_866 : vector<1x16xf32> to vector<16xf32>
        %swap3A_868 = vector.shape_cast %sub3A_863 : vector<16xf32> to vector<1x16xf32>
        tpu.vector_store %arg10[%swap3A_864, %swap3A_865], %swap3A_868 {strides = array<i32>} : memref<16x1024xf32, #tpu.memory_space<vmem>>, vector<1x16xf32>,
        %mul3A_869 = arith.mulf %get3A_852, %get3A_856 : vector<16xf32>
        %mul3A_870 = arith.mulf %get3A_848, %get3A_860 : vector<16xf32>
        %add3A_871 = arith.addf %mul3A_869, %mul3A_870 : vector<16xf32>
        %swap3A_872 = arith.index_cast %scan3A_198 : i32 to index
        %swap3A_873 = arith.constant 832 : index
        %swap3A_874 = tpu.vector_load %arg10[%swap3A_872, %swap3A_873] {strides = array<i32>} : memref<16x1024xf32, #tpu.memory_space<vmem>>, vector<1x16xf32>,
        %swap3A_875 = vector.shape_cast %swap3A_874 : vector<1x16xf32> to vector<16xf32>
        %swap3A_876 = vector.shape_cast %add3A_871 : vector<16xf32> to vector<1x16xf32>
        tpu.vector_store %arg10[%swap3A_872, %swap3A_873], %swap3A_876 {strides = array<i32>} : memref<16x1024xf32, #tpu.memory_space<vmem>>, vector<1x16xf32>,
        %get3A_877 = arith.index_cast %scan3A_198 : i32 to index
        %get3A_878 = arith.constant 592 : index
        %get3A_879 = tpu.vector_load %arg10[%get3A_877, %get3A_878] {strides = array<i32>} : memref<16x1024xf32, #tpu.memory_space<vmem>>, vector<1x16xf32>,
        %get3A_880 = vector.shape_cast %get3A_879 : vector<1x16xf32> to vector<16xf32>
        %get3A_881 = arith.index_cast %scan3A_198 : i32 to index
        %get3A_882 = arith.constant 848 : index
        %get3A_883 = tpu.vector_load %arg10[%get3A_881, %get3A_882] {strides = array<i32>} : memref<16x1024xf32, #tpu.memory_space<vmem>>, vector<1x16xf32>,
        %get3A_884 = vector.shape_cast %get3A_883 : vector<1x16xf32> to vector<16xf32>
        %get3A_885 = arith.index_cast %add3A_716 : i32 to index
        %get3A_886 = arith.constant 80 : index
        %get3A_887 = tpu.vector_load %arg8[%get3A_885, %get3A_886] {strides = array<i32>} : memref<32x512xf32, #tpu.memory_space<vmem>>, vector<1x16xf32>,
        %get3A_888 = vector.shape_cast %get3A_887 : vector<1x16xf32> to vector<16xf32>
        %get3A_889 = arith.index_cast %add3A_716 : i32 to index
        %get3A_890 = arith.constant 336 : index
        %get3A_891 = tpu.vector_load %arg8[%get3A_889, %get3A_890] {strides = array<i32>} : memref<32x512xf32, #tpu.memory_space<vmem>>, vector<1x16xf32>,
        %get3A_892 = vector.shape_cast %get3A_891 : vector<1x16xf32> to vector<16xf32>
        %mul3A_893 = arith.mulf %get3A_880, %get3A_888 : vector<16xf32>
        %mul3A_894 = arith.mulf %get3A_884, %get3A_892 : vector<16xf32>
        %sub3A_895 = arith.subf %mul3A_893, %mul3A_894 : vector<16xf32>
        %swap3A_896 = arith.index_cast %scan3A_198 : i32 to index
        %swap3A_897 = arith.constant 592 : index
        %swap3A_898 = tpu.vector_load %arg10[%swap3A_896, %swap3A_897] {strides = array<i32>} : memref<16x1024xf32, #tpu.memory_space<vmem>>, vector<1x16xf32>,
        %swap3A_899 = vector.shape_cast %swap3A_898 : vector<1x16xf32> to vector<16xf32>
        %swap3A_900 = vector.shape_cast %sub3A_895 : vector<16xf32> to vector<1x16xf32>
        tpu.vector_store %arg10[%swap3A_896, %swap3A_897], %swap3A_900 {strides = array<i32>} : memref<16x1024xf32, #tpu.memory_space<vmem>>, vector<1x16xf32>,
        %mul3A_901 = arith.mulf %get3A_884, %get3A_888 : vector<16xf32>
        %mul3A_902 = arith.mulf %get3A_880, %get3A_892 : vector<16xf32>
        %add3A_903 = arith.addf %mul3A_901, %mul3A_902 : vector<16xf32>
        %swap3A_904 = arith.index_cast %scan3A_198 : i32 to index
        %swap3A_905 = arith.constant 848 : index
        %swap3A_906 = tpu.vector_load %arg10[%swap3A_904, %swap3A_905] {strides = array<i32>} : memref<16x1024xf32, #tpu.memory_space<vmem>>, vector<1x16xf32>,
        %swap3A_907 = vector.shape_cast %swap3A_906 : vector<1x16xf32> to vector<16xf32>
        %swap3A_908 = vector.shape_cast %add3A_903 : vector<16xf32> to vector<1x16xf32>
        tpu.vector_store %arg10[%swap3A_904, %swap3A_905], %swap3A_908 {strides = array<i32>} : memref<16x1024xf32, #tpu.memory_space<vmem>>, vector<1x16xf32>,
        %get3A_909 = arith.index_cast %scan3A_198 : i32 to index
        %get3A_910 = arith.constant 608 : index
        %get3A_911 = tpu.vector_load %arg10[%get3A_909, %get3A_910] {strides = array<i32>} : memref<16x1024xf32, #tpu.memory_space<vmem>>, vector<1x16xf32>,
        %get3A_912 = vector.shape_cast %get3A_911 : vector<1x16xf32> to vector<16xf32>
        %get3A_913 = arith.index_cast %scan3A_198 : i32 to index
        %get3A_914 = arith.constant 864 : index
        %get3A_915 = tpu.vector_load %arg10[%get3A_913, %get3A_914] {strides = array<i32>} : memref<16x1024xf32, #tpu.memory_space<vmem>>, vector<1x16xf32>,
        %get3A_916 = vector.shape_cast %get3A_915 : vector<1x16xf32> to vector<16xf32>
        %get3A_917 = arith.index_cast %add3A_716 : i32 to index
        %get3A_918 = arith.constant 96 : index
        %get3A_919 = tpu.vector_load %arg8[%get3A_917, %get3A_918] {strides = array<i32>} : memref<32x512xf32, #tpu.memory_space<vmem>>, vector<1x16xf32>,
        %get3A_920 = vector.shape_cast %get3A_919 : vector<1x16xf32> to vector<16xf32>
        %get3A_921 = arith.index_cast %add3A_716 : i32 to index
        %get3A_922 = arith.constant 352 : index
        %get3A_923 = tpu.vector_load %arg8[%get3A_921, %get3A_922] {strides = array<i32>} : memref<32x512xf32, #tpu.memory_space<vmem>>, vector<1x16xf32>,
        %get3A_924 = vector.shape_cast %get3A_923 : vector<1x16xf32> to vector<16xf32>
        %mul3A_925 = arith.mulf %get3A_912, %get3A_920 : vector<16xf32>
        %mul3A_926 = arith.mulf %get3A_916, %get3A_924 : vector<16xf32>
        %sub3A_927 = arith.subf %mul3A_925, %mul3A_926 : vector<16xf32>
        %swap3A_928 = arith.index_cast %scan3A_198 : i32 to index
        %swap3A_929 = arith.constant 608 : index
        %swap3A_930 = tpu.vector_load %arg10[%swap3A_928, %swap3A_929] {strides = array<i32>} : memref<16x1024xf32, #tpu.memory_space<vmem>>, vector<1x16xf32>,
        %swap3A_931 = vector.shape_cast %swap3A_930 : vector<1x16xf32> to vector<16xf32>
        %swap3A_932 = vector.shape_cast %sub3A_927 : vector<16xf32> to vector<1x16xf32>
        tpu.vector_store %arg10[%swap3A_928, %swap3A_929], %swap3A_932 {strides = array<i32>} : memref<16x1024xf32, #tpu.memory_space<vmem>>, vector<1x16xf32>,
        %mul3A_933 = arith.mulf %get3A_916, %get3A_920 : vector<16xf32>
        %mul3A_934 = arith.mulf %get3A_912, %get3A_924 : vector<16xf32>
        %add3A_935 = arith.addf %mul3A_933, %mul3A_934 : vector<16xf32>
        %swap3A_936 = arith.index_cast %scan3A_198 : i32 to index
        %swap3A_937 = arith.constant 864 : index
        %swap3A_938 = tpu.vector_load %arg10[%swap3A_936, %swap3A_937] {strides = array<i32>} : memref<16x1024xf32, #tpu.memory_space<vmem>>, vector<1x16xf32>,
        %swap3A_939 = vector.shape_cast %swap3A_938 : vector<1x16xf32> to vector<16xf32>
        %swap3A_940 = vector.shape_cast %add3A_935 : vector<16xf32> to vector<1x16xf32>
        tpu.vector_store %arg10[%swap3A_936, %swap3A_937], %swap3A_940 {strides = array<i32>} : memref<16x1024xf32, #tpu.memory_space<vmem>>, vector<1x16xf32>,
        %get3A_941 = arith.index_cast %scan3A_198 : i32 to index
        %get3A_942 = arith.constant 624 : index
        %get3A_943 = tpu.vector_load %arg10[%get3A_941, %get3A_942] {strides = array<i32>} : memref<16x1024xf32, #tpu.memory_space<vmem>>, vector<1x16xf32>,
        %get3A_944 = vector.shape_cast %get3A_943 : vector<1x16xf32> to vector<16xf32>
        %get3A_945 = arith.index_cast %scan3A_198 : i32 to index
        %get3A_946 = arith.constant 880 : index
        %get3A_947 = tpu.vector_load %arg10[%get3A_945, %get3A_946] {strides = array<i32>} : memref<16x1024xf32, #tpu.memory_space<vmem>>, vector<1x16xf32>,
        %get3A_948 = vector.shape_cast %get3A_947 : vector<1x16xf32> to vector<16xf32>
        %get3A_949 = arith.index_cast %add3A_716 : i32 to index
        %get3A_950 = arith.constant 112 : index
        %get3A_951 = tpu.vector_load %arg8[%get3A_949, %get3A_950] {strides = array<i32>} : memref<32x512xf32, #tpu.memory_space<vmem>>, vector<1x16xf32>,
        %get3A_952 = vector.shape_cast %get3A_951 : vector<1x16xf32> to vector<16xf32>
        %get3A_953 = arith.index_cast %add3A_716 : i32 to index
        %get3A_954 = arith.constant 368 : index
        %get3A_955 = tpu.vector_load %arg8[%get3A_953, %get3A_954] {strides = array<i32>} : memref<32x512xf32, #tpu.memory_space<vmem>>, vector<1x16xf32>,
        %get3A_956 = vector.shape_cast %get3A_955 : vector<1x16xf32> to vector<16xf32>
        %mul3A_957 = arith.mulf %get3A_944, %get3A_952 : vector<16xf32>
        %mul3A_958 = arith.mulf %get3A_948, %get3A_956 : vector<16xf32>
        %sub3A_959 = arith.subf %mul3A_957, %mul3A_958 : vector<16xf32>
        %swap3A_960 = arith.index_cast %scan3A_198 : i32 to index
        %swap3A_961 = arith.constant 624 : index
        %swap3A_962 = tpu.vector_load %arg10[%swap3A_960, %swap3A_961] {strides = array<i32>} : memref<16x1024xf32, #tpu.memory_space<vmem>>, vector<1x16xf32>,
        %swap3A_963 = vector.shape_cast %swap3A_962 : vector<1x16xf32> to vector<16xf32>
        %swap3A_964 = vector.shape_cast %sub3A_959 : vector<16xf32> to vector<1x16xf32>
        tpu.vector_store %arg10[%swap3A_960, %swap3A_961], %swap3A_964 {strides = array<i32>} : memref<16x1024xf32, #tpu.memory_space<vmem>>, vector<1x16xf32>,
        %mul3A_965 = arith.mulf %get3A_948, %get3A_952 : vector<16xf32>
        %mul3A_966 = arith.mulf %get3A_944, %get3A_956 : vector<16xf32>
        %add3A_967 = arith.addf %mul3A_965, %mul3A_966 : vector<16xf32>
        %swap3A_968 = arith.index_cast %scan3A_198 : i32 to index
        %swap3A_969 = arith.constant 880 : index
        %swap3A_970 = tpu.vector_load %arg10[%swap3A_968, %swap3A_969] {strides = array<i32>} : memref<16x1024xf32, #tpu.memory_space<vmem>>, vector<1x16xf32>,
        %swap3A_971 = vector.shape_cast %swap3A_970 : vector<1x16xf32> to vector<16xf32>
        %swap3A_972 = vector.shape_cast %add3A_967 : vector<16xf32> to vector<1x16xf32>
        tpu.vector_store %arg10[%swap3A_968, %swap3A_969], %swap3A_972 {strides = array<i32>} : memref<16x1024xf32, #tpu.memory_space<vmem>>, vector<1x16xf32>,
        %get3A_973 = arith.index_cast %scan3A_198 : i32 to index
        %get3A_974 = arith.constant 640 : index
        %get3A_975 = tpu.vector_load %arg10[%get3A_973, %get3A_974] {strides = array<i32>} : memref<16x1024xf32, #tpu.memory_space<vmem>>, vector<1x16xf32>,
        %get3A_976 = vector.shape_cast %get3A_975 : vector<1x16xf32> to vector<16xf32>
        %get3A_977 = arith.index_cast %scan3A_198 : i32 to index
        %get3A_978 = arith.constant 896 : index
        %get3A_979 = tpu.vector_load %arg10[%get3A_977, %get3A_978] {strides = array<i32>} : memref<16x1024xf32, #tpu.memory_space<vmem>>, vector<1x16xf32>,
        %get3A_980 = vector.shape_cast %get3A_979 : vector<1x16xf32> to vector<16xf32>
        %get3A_981 = arith.index_cast %add3A_716 : i32 to index
        %get3A_982 = arith.constant 128 : index
        %get3A_983 = tpu.vector_load %arg8[%get3A_981, %get3A_982] {strides = array<i32>} : memref<32x512xf32, #tpu.memory_space<vmem>>, vector<1x16xf32>,
        %get3A_984 = vector.shape_cast %get3A_983 : vector<1x16xf32> to vector<16xf32>
        %get3A_985 = arith.index_cast %add3A_716 : i32 to index
        %get3A_986 = arith.constant 384 : index
        %get3A_987 = tpu.vector_load %arg8[%get3A_985, %get3A_986] {strides = array<i32>} : memref<32x512xf32, #tpu.memory_space<vmem>>, vector<1x16xf32>,
        %get3A_988 = vector.shape_cast %get3A_987 : vector<1x16xf32> to vector<16xf32>
        %mul3A_989 = arith.mulf %get3A_976, %get3A_984 : vector<16xf32>
        %mul3A_990 = arith.mulf %get3A_980, %get3A_988 : vector<16xf32>
        %sub3A_991 = arith.subf %mul3A_989, %mul3A_990 : vector<16xf32>
        %swap3A_992 = arith.index_cast %scan3A_198 : i32 to index
        %swap3A_993 = arith.constant 640 : index
        %swap3A_994 = tpu.vector_load %arg10[%swap3A_992, %swap3A_993] {strides = array<i32>} : memref<16x1024xf32, #tpu.memory_space<vmem>>, vector<1x16xf32>,
        %swap3A_995 = vector.shape_cast %swap3A_994 : vector<1x16xf32> to vector<16xf32>
        %swap3A_996 = vector.shape_cast %sub3A_991 : vector<16xf32> to vector<1x16xf32>
        tpu.vector_store %arg10[%swap3A_992, %swap3A_993], %swap3A_996 {strides = array<i32>} : memref<16x1024xf32, #tpu.memory_space<vmem>>, vector<1x16xf32>,
        %mul3A_997 = arith.mulf %get3A_980, %get3A_984 : vector<16xf32>
        %mul3A_998 = arith.mulf %get3A_976, %get3A_988 : vector<16xf32>
        %add3A_999 = arith.addf %mul3A_997, %mul3A_998 : vector<16xf32>
        %swap3A_1000 = arith.index_cast %scan3A_198 : i32 to index
        %swap3A_1001 = arith.constant 896 : index
        %swap3A_1002 = tpu.vector_load %arg10[%swap3A_1000, %swap3A_1001] {strides = array<i32>} : memref<16x1024xf32, #tpu.memory_space<vmem>>, vector<1x16xf32>,
        %swap3A_1003 = vector.shape_cast %swap3A_1002 : vector<1x16xf32> to vector<16xf32>
        %swap3A_1004 = vector.shape_cast %add3A_999 : vector<16xf32> to vector<1x16xf32>
        tpu.vector_store %arg10[%swap3A_1000, %swap3A_1001], %swap3A_1004 {strides = array<i32>} : memref<16x1024xf32, #tpu.memory_space<vmem>>, vector<1x16xf32>,
        %get3A_1005 = arith.index_cast %scan3A_198 : i32 to index
        %get3A_1006 = arith.constant 656 : index
        %get3A_1007 = tpu.vector_load %arg10[%get3A_1005, %get3A_1006] {strides = array<i32>} : memref<16x1024xf32, #tpu.memory_space<vmem>>, vector<1x16xf32>,
        %get3A_1008 = vector.shape_cast %get3A_1007 : vector<1x16xf32> to vector<16xf32>
        %get3A_1009 = arith.index_cast %scan3A_198 : i32 to index
        %get3A_1010 = arith.constant 912 : index
        %get3A_1011 = tpu.vector_load %arg10[%get3A_1009, %get3A_1010] {strides = array<i32>} : memref<16x1024xf32, #tpu.memory_space<vmem>>, vector<1x16xf32>,
        %get3A_1012 = vector.shape_cast %get3A_1011 : vector<1x16xf32> to vector<16xf32>
        %get3A_1013 = arith.index_cast %add3A_716 : i32 to index
        %get3A_1014 = arith.constant 144 : index
        %get3A_1015 = tpu.vector_load %arg8[%get3A_1013, %get3A_1014] {strides = array<i32>} : memref<32x512xf32, #tpu.memory_space<vmem>>, vector<1x16xf32>,
        %get3A_1016 = vector.shape_cast %get3A_1015 : vector<1x16xf32> to vector<16xf32>
        %get3A_1017 = arith.index_cast %add3A_716 : i32 to index
        %get3A_1018 = arith.constant 400 : index
        %get3A_1019 = tpu.vector_load %arg8[%get3A_1017, %get3A_1018] {strides = array<i32>} : memref<32x512xf32, #tpu.memory_space<vmem>>, vector<1x16xf32>,
        %get3A_1020 = vector.shape_cast %get3A_1019 : vector<1x16xf32> to vector<16xf32>
        %mul3A_1021 = arith.mulf %get3A_1008, %get3A_1016 : vector<16xf32>
        %mul3A_1022 = arith.mulf %get3A_1012, %get3A_1020 : vector<16xf32>
        %sub3A_1023 = arith.subf %mul3A_1021, %mul3A_1022 : vector<16xf32>
        %swap3A_1024 = arith.index_cast %scan3A_198 : i32 to index
        %swap3A_1025 = arith.constant 656 : index
        %swap3A_1026 = tpu.vector_load %arg10[%swap3A_1024, %swap3A_1025] {strides = array<i32>} : memref<16x1024xf32, #tpu.memory_space<vmem>>, vector<1x16xf32>,
        %swap3A_1027 = vector.shape_cast %swap3A_1026 : vector<1x16xf32> to vector<16xf32>
        %swap3A_1028 = vector.shape_cast %sub3A_1023 : vector<16xf32> to vector<1x16xf32>
        tpu.vector_store %arg10[%swap3A_1024, %swap3A_1025], %swap3A_1028 {strides = array<i32>} : memref<16x1024xf32, #tpu.memory_space<vmem>>, vector<1x16xf32>,
        %mul3A_1029 = arith.mulf %get3A_1012, %get3A_1016 : vector<16xf32>
        %mul3A_1030 = arith.mulf %get3A_1008, %get3A_1020 : vector<16xf32>
        %add3A_1031 = arith.addf %mul3A_1029, %mul3A_1030 : vector<16xf32>
        %swap3A_1032 = arith.index_cast %scan3A_198 : i32 to index
        %swap3A_1033 = arith.constant 912 : index
        %swap3A_1034 = tpu.vector_load %arg10[%swap3A_1032, %swap3A_1033] {strides = array<i32>} : memref<16x1024xf32, #tpu.memory_space<vmem>>, vector<1x16xf32>,
        %swap3A_1035 = vector.shape_cast %swap3A_1034 : vector<1x16xf32> to vector<16xf32>
        %swap3A_1036 = vector.shape_cast %add3A_1031 : vector<16xf32> to vector<1x16xf32>
        tpu.vector_store %arg10[%swap3A_1032, %swap3A_1033], %swap3A_1036 {strides = array<i32>} : memref<16x1024xf32, #tpu.memory_space<vmem>>, vector<1x16xf32>,
        %get3A_1037 = arith.index_cast %scan3A_198 : i32 to index
        %get3A_1038 = arith.constant 672 : index
        %get3A_1039 = tpu.vector_load %arg10[%get3A_1037, %get3A_1038] {strides = array<i32>} : memref<16x1024xf32, #tpu.memory_space<vmem>>, vector<1x16xf32>,
        %get3A_1040 = vector.shape_cast %get3A_1039 : vector<1x16xf32> to vector<16xf32>
        %get3A_1041 = arith.index_cast %scan3A_198 : i32 to index
        %get3A_1042 = arith.constant 928 : index
        %get3A_1043 = tpu.vector_load %arg10[%get3A_1041, %get3A_1042] {strides = array<i32>} : memref<16x1024xf32, #tpu.memory_space<vmem>>, vector<1x16xf32>,
        %get3A_1044 = vector.shape_cast %get3A_1043 : vector<1x16xf32> to vector<16xf32>
        %get3A_1045 = arith.index_cast %add3A_716 : i32 to index
        %get3A_1046 = arith.constant 160 : index
        %get3A_1047 = tpu.vector_load %arg8[%get3A_1045, %get3A_1046] {strides = array<i32>} : memref<32x512xf32, #tpu.memory_space<vmem>>, vector<1x16xf32>,
        %get3A_1048 = vector.shape_cast %get3A_1047 : vector<1x16xf32> to vector<16xf32>
        %get3A_1049 = arith.index_cast %add3A_716 : i32 to index
        %get3A_1050 = arith.constant 416 : index
        %get3A_1051 = tpu.vector_load %arg8[%get3A_1049, %get3A_1050] {strides = array<i32>} : memref<32x512xf32, #tpu.memory_space<vmem>>, vector<1x16xf32>,
        %get3A_1052 = vector.shape_cast %get3A_1051 : vector<1x16xf32> to vector<16xf32>
        %mul3A_1053 = arith.mulf %get3A_1040, %get3A_1048 : vector<16xf32>
        %mul3A_1054 = arith.mulf %get3A_1044, %get3A_1052 : vector<16xf32>
        %sub3A_1055 = arith.subf %mul3A_1053, %mul3A_1054 : vector<16xf32>
        %swap3A_1056 = arith.index_cast %scan3A_198 : i32 to index
        %swap3A_1057 = arith.constant 672 : index
        %swap3A_1058 = tpu.vector_load %arg10[%swap3A_1056, %swap3A_1057] {strides = array<i32>} : memref<16x1024xf32, #tpu.memory_space<vmem>>, vector<1x16xf32>,
        %swap3A_1059 = vector.shape_cast %swap3A_1058 : vector<1x16xf32> to vector<16xf32>
        %swap3A_1060 = vector.shape_cast %sub3A_1055 : vector<16xf32> to vector<1x16xf32>
        tpu.vector_store %arg10[%swap3A_1056, %swap3A_1057], %swap3A_1060 {strides = array<i32>} : memref<16x1024xf32, #tpu.memory_space<vmem>>, vector<1x16xf32>,
        %mul3A_1061 = arith.mulf %get3A_1044, %get3A_1048 : vector<16xf32>
        %mul3A_1062 = arith.mulf %get3A_1040, %get3A_1052 : vector<16xf32>
        %add3A_1063 = arith.addf %mul3A_1061, %mul3A_1062 : vector<16xf32>
        %swap3A_1064 = arith.index_cast %scan3A_198 : i32 to index
        %swap3A_1065 = arith.constant 928 : index
        %swap3A_1066 = tpu.vector_load %arg10[%swap3A_1064, %swap3A_1065] {strides = array<i32>} : memref<16x1024xf32, #tpu.memory_space<vmem>>, vector<1x16xf32>,
        %swap3A_1067 = vector.shape_cast %swap3A_1066 : vector<1x16xf32> to vector<16xf32>
        %swap3A_1068 = vector.shape_cast %add3A_1063 : vector<16xf32> to vector<1x16xf32>
        tpu.vector_store %arg10[%swap3A_1064, %swap3A_1065], %swap3A_1068 {strides = array<i32>} : memref<16x1024xf32, #tpu.memory_space<vmem>>, vector<1x16xf32>,
        %get3A_1069 = arith.index_cast %scan3A_198 : i32 to index
        %get3A_1070 = arith.constant 688 : index
        %get3A_1071 = tpu.vector_load %arg10[%get3A_1069, %get3A_1070] {strides = array<i32>} : memref<16x1024xf32, #tpu.memory_space<vmem>>, vector<1x16xf32>,
        %get3A_1072 = vector.shape_cast %get3A_1071 : vector<1x16xf32> to vector<16xf32>
        %get3A_1073 = arith.index_cast %scan3A_198 : i32 to index
        %get3A_1074 = arith.constant 944 : index
        %get3A_1075 = tpu.vector_load %arg10[%get3A_1073, %get3A_1074] {strides = array<i32>} : memref<16x1024xf32, #tpu.memory_space<vmem>>, vector<1x16xf32>,
        %get3A_1076 = vector.shape_cast %get3A_1075 : vector<1x16xf32> to vector<16xf32>
        %get3A_1077 = arith.index_cast %add3A_716 : i32 to index
        %get3A_1078 = arith.constant 176 : index
        %get3A_1079 = tpu.vector_load %arg8[%get3A_1077, %get3A_1078] {strides = array<i32>} : memref<32x512xf32, #tpu.memory_space<vmem>>, vector<1x16xf32>,
        %get3A_1080 = vector.shape_cast %get3A_1079 : vector<1x16xf32> to vector<16xf32>
        %get3A_1081 = arith.index_cast %add3A_716 : i32 to index
        %get3A_1082 = arith.constant 432 : index
        %get3A_1083 = tpu.vector_load %arg8[%get3A_1081, %get3A_1082] {strides = array<i32>} : memref<32x512xf32, #tpu.memory_space<vmem>>, vector<1x16xf32>,
        %get3A_1084 = vector.shape_cast %get3A_1083 : vector<1x16xf32> to vector<16xf32>
        %mul3A_1085 = arith.mulf %get3A_1072, %get3A_1080 : vector<16xf32>
        %mul3A_1086 = arith.mulf %get3A_1076, %get3A_1084 : vector<16xf32>
        %sub3A_1087 = arith.subf %mul3A_1085, %mul3A_1086 : vector<16xf32>
        %swap3A_1088 = arith.index_cast %scan3A_198 : i32 to index
        %swap3A_1089 = arith.constant 688 : index
        %swap3A_1090 = tpu.vector_load %arg10[%swap3A_1088, %swap3A_1089] {strides = array<i32>} : memref<16x1024xf32, #tpu.memory_space<vmem>>, vector<1x16xf32>,
        %swap3A_1091 = vector.shape_cast %swap3A_1090 : vector<1x16xf32> to vector<16xf32>
        %swap3A_1092 = vector.shape_cast %sub3A_1087 : vector<16xf32> to vector<1x16xf32>
        tpu.vector_store %arg10[%swap3A_1088, %swap3A_1089], %swap3A_1092 {strides = array<i32>} : memref<16x1024xf32, #tpu.memory_space<vmem>>, vector<1x16xf32>,
        %mul3A_1093 = arith.mulf %get3A_1076, %get3A_1080 : vector<16xf32>
        %mul3A_1094 = arith.mulf %get3A_1072, %get3A_1084 : vector<16xf32>
        %add3A_1095 = arith.addf %mul3A_1093, %mul3A_1094 : vector<16xf32>
        %swap3A_1096 = arith.index_cast %scan3A_198 : i32 to index
        %swap3A_1097 = arith.constant 944 : index
        %swap3A_1098 = tpu.vector_load %arg10[%swap3A_1096, %swap3A_1097] {strides = array<i32>} : memref<16x1024xf32, #tpu.memory_space<vmem>>, vector<1x16xf32>,
        %swap3A_1099 = vector.shape_cast %swap3A_1098 : vector<1x16xf32> to vector<16xf32>
        %swap3A_1100 = vector.shape_cast %add3A_1095 : vector<16xf32> to vector<1x16xf32>
        tpu.vector_store %arg10[%swap3A_1096, %swap3A_1097], %swap3A_1100 {strides = array<i32>} : memref<16x1024xf32, #tpu.memory_space<vmem>>, vector<1x16xf32>,
        %get3A_1101 = arith.index_cast %scan3A_198 : i32 to index
        %get3A_1102 = arith.constant 704 : index
        %get3A_1103 = tpu.vector_load %arg10[%get3A_1101, %get3A_1102] {strides = array<i32>} : memref<16x1024xf32, #tpu.memory_space<vmem>>, vector<1x16xf32>,
        %get3A_1104 = vector.shape_cast %get3A_1103 : vector<1x16xf32> to vector<16xf32>
        %get3A_1105 = arith.index_cast %scan3A_198 : i32 to index
        %get3A_1106 = arith.constant 960 : index
        %get3A_1107 = tpu.vector_load %arg10[%get3A_1105, %get3A_1106] {strides = array<i32>} : memref<16x1024xf32, #tpu.memory_space<vmem>>, vector<1x16xf32>,
        %get3A_1108 = vector.shape_cast %get3A_1107 : vector<1x16xf32> to vector<16xf32>
        %get3A_1109 = arith.index_cast %add3A_716 : i32 to index
        %get3A_1110 = arith.constant 192 : index
        %get3A_1111 = tpu.vector_load %arg8[%get3A_1109, %get3A_1110] {strides = array<i32>} : memref<32x512xf32, #tpu.memory_space<vmem>>, vector<1x16xf32>,
        %get3A_1112 = vector.shape_cast %get3A_1111 : vector<1x16xf32> to vector<16xf32>
        %get3A_1113 = arith.index_cast %add3A_716 : i32 to index
        %get3A_1114 = arith.constant 448 : index
        %get3A_1115 = tpu.vector_load %arg8[%get3A_1113, %get3A_1114] {strides = array<i32>} : memref<32x512xf32, #tpu.memory_space<vmem>>, vector<1x16xf32>,
        %get3A_1116 = vector.shape_cast %get3A_1115 : vector<1x16xf32> to vector<16xf32>
        %mul3A_1117 = arith.mulf %get3A_1104, %get3A_1112 : vector<16xf32>
        %mul3A_1118 = arith.mulf %get3A_1108, %get3A_1116 : vector<16xf32>
        %sub3A_1119 = arith.subf %mul3A_1117, %mul3A_1118 : vector<16xf32>
        %swap3A_1120 = arith.index_cast %scan3A_198 : i32 to index
        %swap3A_1121 = arith.constant 704 : index
        %swap3A_1122 = tpu.vector_load %arg10[%swap3A_1120, %swap3A_1121] {strides = array<i32>} : memref<16x1024xf32, #tpu.memory_space<vmem>>, vector<1x16xf32>,
        %swap3A_1123 = vector.shape_cast %swap3A_1122 : vector<1x16xf32> to vector<16xf32>
        %swap3A_1124 = vector.shape_cast %sub3A_1119 : vector<16xf32> to vector<1x16xf32>
        tpu.vector_store %arg10[%swap3A_1120, %swap3A_1121], %swap3A_1124 {strides = array<i32>} : memref<16x1024xf32, #tpu.memory_space<vmem>>, vector<1x16xf32>,
        %mul3A_1125 = arith.mulf %get3A_1108, %get3A_1112 : vector<16xf32>
        %mul3A_1126 = arith.mulf %get3A_1104, %get3A_1116 : vector<16xf32>
        %add3A_1127 = arith.addf %mul3A_1125, %mul3A_1126 : vector<16xf32>
        %swap3A_1128 = arith.index_cast %scan3A_198 : i32 to index
        %swap3A_1129 = arith.constant 960 : index
        %swap3A_1130 = tpu.vector_load %arg10[%swap3A_1128, %swap3A_1129] {strides = array<i32>} : memref<16x1024xf32, #tpu.memory_space<vmem>>, vector<1x16xf32>,
        %swap3A_1131 = vector.shape_cast %swap3A_1130 : vector<1x16xf32> to vector<16xf32>
        %swap3A_1132 = vector.shape_cast %add3A_1127 : vector<16xf32> to vector<1x16xf32>
        tpu.vector_store %arg10[%swap3A_1128, %swap3A_1129], %swap3A_1132 {strides = array<i32>} : memref<16x1024xf32, #tpu.memory_space<vmem>>, vector<1x16xf32>,
        %get3A_1133 = arith.index_cast %scan3A_198 : i32 to index
        %get3A_1134 = arith.constant 720 : index
        %get3A_1135 = tpu.vector_load %arg10[%get3A_1133, %get3A_1134] {strides = array<i32>} : memref<16x1024xf32, #tpu.memory_space<vmem>>, vector<1x16xf32>,
        %get3A_1136 = vector.shape_cast %get3A_1135 : vector<1x16xf32> to vector<16xf32>
        %get3A_1137 = arith.index_cast %scan3A_198 : i32 to index
        %get3A_1138 = arith.constant 976 : index
        %get3A_1139 = tpu.vector_load %arg10[%get3A_1137, %get3A_1138] {strides = array<i32>} : memref<16x1024xf32, #tpu.memory_space<vmem>>, vector<1x16xf32>,
        %get3A_1140 = vector.shape_cast %get3A_1139 : vector<1x16xf32> to vector<16xf32>
        %get3A_1141 = arith.index_cast %add3A_716 : i32 to index
        %get3A_1142 = arith.constant 208 : index
        %get3A_1143 = tpu.vector_load %arg8[%get3A_1141, %get3A_1142] {strides = array<i32>} : memref<32x512xf32, #tpu.memory_space<vmem>>, vector<1x16xf32>,
        %get3A_1144 = vector.shape_cast %get3A_1143 : vector<1x16xf32> to vector<16xf32>
        %get3A_1145 = arith.index_cast %add3A_716 : i32 to index
        %get3A_1146 = arith.constant 464 : index
        %get3A_1147 = tpu.vector_load %arg8[%get3A_1145, %get3A_1146] {strides = array<i32>} : memref<32x512xf32, #tpu.memory_space<vmem>>, vector<1x16xf32>,
        %get3A_1148 = vector.shape_cast %get3A_1147 : vector<1x16xf32> to vector<16xf32>
        %mul3A_1149 = arith.mulf %get3A_1136, %get3A_1144 : vector<16xf32>
        %mul3A_1150 = arith.mulf %get3A_1140, %get3A_1148 : vector<16xf32>
        %sub3A_1151 = arith.subf %mul3A_1149, %mul3A_1150 : vector<16xf32>
        %swap3A_1152 = arith.index_cast %scan3A_198 : i32 to index
        %swap3A_1153 = arith.constant 720 : index
        %swap3A_1154 = tpu.vector_load %arg10[%swap3A_1152, %swap3A_1153] {strides = array<i32>} : memref<16x1024xf32, #tpu.memory_space<vmem>>, vector<1x16xf32>,
        %swap3A_1155 = vector.shape_cast %swap3A_1154 : vector<1x16xf32> to vector<16xf32>
        %swap3A_1156 = vector.shape_cast %sub3A_1151 : vector<16xf32> to vector<1x16xf32>
        tpu.vector_store %arg10[%swap3A_1152, %swap3A_1153], %swap3A_1156 {strides = array<i32>} : memref<16x1024xf32, #tpu.memory_space<vmem>>, vector<1x16xf32>,
        %mul3A_1157 = arith.mulf %get3A_1140, %get3A_1144 : vector<16xf32>
        %mul3A_1158 = arith.mulf %get3A_1136, %get3A_1148 : vector<16xf32>
        %add3A_1159 = arith.addf %mul3A_1157, %mul3A_1158 : vector<16xf32>
        %swap3A_1160 = arith.index_cast %scan3A_198 : i32 to index
        %swap3A_1161 = arith.constant 976 : index
        %swap3A_1162 = tpu.vector_load %arg10[%swap3A_1160, %swap3A_1161] {strides = array<i32>} : memref<16x1024xf32, #tpu.memory_space<vmem>>, vector<1x16xf32>,
        %swap3A_1163 = vector.shape_cast %swap3A_1162 : vector<1x16xf32> to vector<16xf32>
        %swap3A_1164 = vector.shape_cast %add3A_1159 : vector<16xf32> to vector<1x16xf32>
        tpu.vector_store %arg10[%swap3A_1160, %swap3A_1161], %swap3A_1164 {strides = array<i32>} : memref<16x1024xf32, #tpu.memory_space<vmem>>, vector<1x16xf32>,
        %get3A_1165 = arith.index_cast %scan3A_198 : i32 to index
        %get3A_1166 = arith.constant 736 : index
        %get3A_1167 = tpu.vector_load %arg10[%get3A_1165, %get3A_1166] {strides = array<i32>} : memref<16x1024xf32, #tpu.memory_space<vmem>>, vector<1x16xf32>,
        %get3A_1168 = vector.shape_cast %get3A_1167 : vector<1x16xf32> to vector<16xf32>
        %get3A_1169 = arith.index_cast %scan3A_198 : i32 to index
        %get3A_1170 = arith.constant 992 : index
        %get3A_1171 = tpu.vector_load %arg10[%get3A_1169, %get3A_1170] {strides = array<i32>} : memref<16x1024xf32, #tpu.memory_space<vmem>>, vector<1x16xf32>,
        %get3A_1172 = vector.shape_cast %get3A_1171 : vector<1x16xf32> to vector<16xf32>
        %get3A_1173 = arith.index_cast %add3A_716 : i32 to index
        %get3A_1174 = arith.constant 224 : index
        %get3A_1175 = tpu.vector_load %arg8[%get3A_1173, %get3A_1174] {strides = array<i32>} : memref<32x512xf32, #tpu.memory_space<vmem>>, vector<1x16xf32>,
        %get3A_1176 = vector.shape_cast %get3A_1175 : vector<1x16xf32> to vector<16xf32>
        %get3A_1177 = arith.index_cast %add3A_716 : i32 to index
        %get3A_1178 = arith.constant 480 : index
        %get3A_1179 = tpu.vector_load %arg8[%get3A_1177, %get3A_1178] {strides = array<i32>} : memref<32x512xf32, #tpu.memory_space<vmem>>, vector<1x16xf32>,
        %get3A_1180 = vector.shape_cast %get3A_1179 : vector<1x16xf32> to vector<16xf32>
        %mul3A_1181 = arith.mulf %get3A_1168, %get3A_1176 : vector<16xf32>
        %mul3A_1182 = arith.mulf %get3A_1172, %get3A_1180 : vector<16xf32>
        %sub3A_1183 = arith.subf %mul3A_1181, %mul3A_1182 : vector<16xf32>
        %swap3A_1184 = arith.index_cast %scan3A_198 : i32 to index
        %swap3A_1185 = arith.constant 736 : index
        %swap3A_1186 = tpu.vector_load %arg10[%swap3A_1184, %swap3A_1185] {strides = array<i32>} : memref<16x1024xf32, #tpu.memory_space<vmem>>, vector<1x16xf32>,
        %swap3A_1187 = vector.shape_cast %swap3A_1186 : vector<1x16xf32> to vector<16xf32>
        %swap3A_1188 = vector.shape_cast %sub3A_1183 : vector<16xf32> to vector<1x16xf32>
        tpu.vector_store %arg10[%swap3A_1184, %swap3A_1185], %swap3A_1188 {strides = array<i32>} : memref<16x1024xf32, #tpu.memory_space<vmem>>, vector<1x16xf32>,
        %mul3A_1189 = arith.mulf %get3A_1172, %get3A_1176 : vector<16xf32>
        %mul3A_1190 = arith.mulf %get3A_1168, %get3A_1180 : vector<16xf32>
        %add3A_1191 = arith.addf %mul3A_1189, %mul3A_1190 : vector<16xf32>
        %swap3A_1192 = arith.index_cast %scan3A_198 : i32 to index
        %swap3A_1193 = arith.constant 992 : index
        %swap3A_1194 = tpu.vector_load %arg10[%swap3A_1192, %swap3A_1193] {strides = array<i32>} : memref<16x1024xf32, #tpu.memory_space<vmem>>, vector<1x16xf32>,
        %swap3A_1195 = vector.shape_cast %swap3A_1194 : vector<1x16xf32> to vector<16xf32>
        %swap3A_1196 = vector.shape_cast %add3A_1191 : vector<16xf32> to vector<1x16xf32>
        tpu.vector_store %arg10[%swap3A_1192, %swap3A_1193], %swap3A_1196 {strides = array<i32>} : memref<16x1024xf32, #tpu.memory_space<vmem>>, vector<1x16xf32>,
        %get3A_1197 = arith.index_cast %scan3A_198 : i32 to index
        %get3A_1198 = arith.constant 752 : index
        %get3A_1199 = tpu.vector_load %arg10[%get3A_1197, %get3A_1198] {strides = array<i32>} : memref<16x1024xf32, #tpu.memory_space<vmem>>, vector<1x16xf32>,
        %get3A_1200 = vector.shape_cast %get3A_1199 : vector<1x16xf32> to vector<16xf32>
        %get3A_1201 = arith.index_cast %scan3A_198 : i32 to index
        %get3A_1202 = arith.constant 1008 : index
        %get3A_1203 = tpu.vector_load %arg10[%get3A_1201, %get3A_1202] {strides = array<i32>} : memref<16x1024xf32, #tpu.memory_space<vmem>>, vector<1x16xf32>,
        %get3A_1204 = vector.shape_cast %get3A_1203 : vector<1x16xf32> to vector<16xf32>
        %get3A_1205 = arith.index_cast %add3A_716 : i32 to index
        %get3A_1206 = arith.constant 240 : index
        %get3A_1207 = tpu.vector_load %arg8[%get3A_1205, %get3A_1206] {strides = array<i32>} : memref<32x512xf32, #tpu.memory_space<vmem>>, vector<1x16xf32>,
        %get3A_1208 = vector.shape_cast %get3A_1207 : vector<1x16xf32> to vector<16xf32>
        %get3A_1209 = arith.index_cast %add3A_716 : i32 to index
        %get3A_1210 = arith.constant 496 : index
        %get3A_1211 = tpu.vector_load %arg8[%get3A_1209, %get3A_1210] {strides = array<i32>} : memref<32x512xf32, #tpu.memory_space<vmem>>, vector<1x16xf32>,
        %get3A_1212 = vector.shape_cast %get3A_1211 : vector<1x16xf32> to vector<16xf32>
        %mul3A_1213 = arith.mulf %get3A_1200, %get3A_1208 : vector<16xf32>
        %mul3A_1214 = arith.mulf %get3A_1204, %get3A_1212 : vector<16xf32>
        %sub3A_1215 = arith.subf %mul3A_1213, %mul3A_1214 : vector<16xf32>
        %swap3A_1216 = arith.index_cast %scan3A_198 : i32 to index
        %swap3A_1217 = arith.constant 752 : index
        %swap3A_1218 = tpu.vector_load %arg10[%swap3A_1216, %swap3A_1217] {strides = array<i32>} : memref<16x1024xf32, #tpu.memory_space<vmem>>, vector<1x16xf32>,
        %swap3A_1219 = vector.shape_cast %swap3A_1218 : vector<1x16xf32> to vector<16xf32>
        %swap3A_1220 = vector.shape_cast %sub3A_1215 : vector<16xf32> to vector<1x16xf32>
        tpu.vector_store %arg10[%swap3A_1216, %swap3A_1217], %swap3A_1220 {strides = array<i32>} : memref<16x1024xf32, #tpu.memory_space<vmem>>, vector<1x16xf32>,
        %mul3A_1221 = arith.mulf %get3A_1204, %get3A_1208 : vector<16xf32>
        %mul3A_1222 = arith.mulf %get3A_1200, %get3A_1212 : vector<16xf32>
        %add3A_1223 = arith.addf %mul3A_1221, %mul3A_1222 : vector<16xf32>
        %swap3A_1224 = arith.index_cast %scan3A_198 : i32 to index
        %swap3A_1225 = arith.constant 1008 : index
        %swap3A_1226 = tpu.vector_load %arg10[%swap3A_1224, %swap3A_1225] {strides = array<i32>} : memref<16x1024xf32, #tpu.memory_space<vmem>>, vector<1x16xf32>,
        %swap3A_1227 = vector.shape_cast %swap3A_1226 : vector<1x16xf32> to vector<16xf32>
        %swap3A_1228 = vector.shape_cast %add3A_1223 : vector<16xf32> to vector<1x16xf32>
        tpu.vector_store %arg10[%swap3A_1224, %swap3A_1225], %swap3A_1228 {strides = array<i32>} : memref<16x1024xf32, #tpu.memory_space<vmem>>, vector<1x16xf32>,
        %scan3A_1229 = arith.constant 0 : i32
        scf.yield %scan3A_1229 : i32
      }
      %scan3A_137 = arith.constant 16 : i32
      %mul3A_138 = arith.constant 16 : i32
      %mul3A_139 = arith.muli %add3A_96, %mul3A_138 : i32
      %add3A_140 = arith.addi %mul3A_2, %mul3A_139 : i32
      %dma_start3A_141 = arith.constant 0 : i32
      %dma_start3A_142 = tpu.memref_slice %arg5[%add3A_140, %dma_start3A_141] : memref<11264x1024xf32, #tpu.memory_space<hbm>> -> memref<16x1024xf32, #tpu.memory_space<hbm>>
      %dma_start3A_143 = arith.constant 0 : i32
      %dma_start3A_144 = tpu.memref_slice %arg5[%add3A_140, %dma_start3A_143] : memref<11264x1024xf32, #tpu.memory_space<hbm>> -> memref<16x1024xf32, #tpu.memory_space<hbm>>
      tpu.enqueue_dma source(%arg10 : memref<16x1024xf32, #tpu.memory_space<vmem>>) target(%dma_start3A_144 : memref<16x1024xf32, #tpu.memory_space<hbm>>) target_semaphore(%arg16 : memref<!tpu.dma_semaphore, #tpu.memory_space<semaphore_mem>>)
      %mul3A_145 = arith.constant 2 : i32
      %mul3A_146 = arith.muli %mul3A_145, %scan3A_91 : i32
      %add3A_147 = arith.constant 2 : i32
      %add3A_148 = arith.addi %mul3A_146, %add3A_147 : i32
      %dma_wait3A_149 = arith.constant 0 : i32
      %dma_wait3A_150 = arith.constant 0 : i32
      %dma_wait3A_151 = tpu.memref_slice %arg5[%dma_wait3A_149, %dma_wait3A_150] : memref<11264x1024xf32, #tpu.memory_space<hbm>> -> memref<16x1024xf32, #tpu.memory_space<hbm>>
      %dma_wait3A_152 = arith.constant 0 : i32
      %dma_wait3A_153 = arith.constant 0 : i32
      %dma_wait3A_154 = tpu.memref_slice %arg5[%dma_wait3A_152, %dma_wait3A_153] : memref<11264x1024xf32, #tpu.memory_space<hbm>> -> memref<16x1024xf32, #tpu.memory_space<hbm>>
      tpu.wait_dma2 semaphore(%arg16 : memref<!tpu.dma_semaphore, #tpu.memory_space<semaphore_mem>>) src(%arg10 : memref<16x1024xf32, #tpu.memory_space<vmem>>) dst(%dma_wait3A_154 : memref<16x1024xf32, #tpu.memory_space<hbm>>)
      %add3A_155 = arith.constant 1 : i32
      %add3A_156 = arith.addi %add3A_148, %add3A_155 : i32
      %mul3A_157 = arith.constant 2 : i32
      %mul3A_158 = arith.muli %add3A_156, %mul3A_157 : i32
      %mul3A_159 = arith.constant 16 : i32
      %mul3A_160 = arith.muli %mul3A_158, %mul3A_159 : i32
      %dma_start3A_161 = tpu.memref_slice %arg6[%mul3A_160] : memref<704xi32, #tpu.memory_space<vmem>> -> memref<32xi32, #tpu.memory_space<vmem>>
      %dma_start3A_162 = arith.constant 0 : i32
      %dma_start3A_163 = arith.constant 0 : i32
      %dma_start3A_164 = tpu.memref_slice %arg2[%dma_start3A_162, %dma_start3A_163] : memref<1200x512xf32, #tpu.memory_space<hbm>> -> memref<1200x512xf32, #tpu.memory_space<hbm>>
      tpu.enqueue_indirect_dma source(%dma_start3A_164 : memref<1200x512xf32, #tpu.memory_space<hbm>>) target(%arg8 : memref<32x512xf32, #tpu.memory_space<vmem>>) offsets(%dma_start3A_161 : memref<32xi32, #tpu.memory_space<vmem>>) semaphore(%arg12 : memref<!tpu.dma_semaphore, #tpu.memory_space<semaphore_mem>>)
      %mul3A_165 = arith.constant 16 : i32
      %mul3A_166 = arith.muli %add3A_156, %mul3A_165 : i32
      %add3A_167 = arith.addi %mul3A_2, %mul3A_166 : i32
      %dma_start3A_168 = arith.constant 0 : i32
      %dma_start3A_169 = tpu.memref_slice %arg3[%add3A_167, %dma_start3A_168] : memref<32768x1024xf32, #tpu.memory_space<hbm>> -> memref<16x1024xf32, #tpu.memory_space<hbm>>
      %dma_start3A_170 = arith.constant 0 : i32
      %dma_start3A_171 = tpu.memref_slice %arg3[%add3A_167, %dma_start3A_170] : memref<32768x1024xf32, #tpu.memory_space<hbm>> -> memref<16x1024xf32, #tpu.memory_space<hbm>>
      tpu.enqueue_dma source(%dma_start3A_171 : memref<16x1024xf32, #tpu.memory_space<hbm>>) target(%arg10 : memref<16x1024xf32, #tpu.memory_space<vmem>>) target_semaphore(%arg14 : memref<!tpu.dma_semaphore, #tpu.memory_space<semaphore_mem>>)
      %dma_wait3A_172 = arith.constant 0 : i32
      %dma_wait3A_173 = tpu.memref_slice %arg6[%dma_wait3A_172] : memref<704xi32, #tpu.memory_space<vmem>> -> memref<32xi32, #tpu.memory_space<vmem>>
      %dma_wait3A_174 = arith.constant 0 : i32
      %dma_wait3A_175 = arith.constant 0 : i32
      %dma_wait3A_176 = tpu.memref_slice %arg2[%dma_wait3A_174, %dma_wait3A_175] : memref<1200x512xf32, #tpu.memory_space<hbm>> -> memref<1200x512xf32, #tpu.memory_space<hbm>>
      tpu.wait_indirect_dma semaphore(%arg11 : memref<!tpu.dma_semaphore, #tpu.memory_space<semaphore_mem>>) src(%dma_wait3A_176 : memref<1200x512xf32, #tpu.memory_space<hbm>>) dst(%arg7 : memref<32x512xf32, #tpu.memory_space<vmem>>)
      %dma_wait3A_177 = arith.constant 0 : i32
      %dma_wait3A_178 = arith.constant 0 : i32
      %dma_wait3A_179 = tpu.memref_slice %arg3[%dma_wait3A_177, %dma_wait3A_178] : memref<32768x1024xf32, #tpu.memory_space<hbm>> -> memref<16x1024xf32, #tpu.memory_space<hbm>>
      %dma_wait3A_180 = arith.constant 0 : i32
      %dma_wait3A_181 = arith.constant 0 : i32
      %dma_wait3A_182 = tpu.memref_slice %arg3[%dma_wait3A_180, %dma_wait3A_181] : memref<32768x1024xf32, #tpu.memory_space<hbm>> -> memref<16x1024xf32, #tpu.memory_space<hbm>>
      tpu.wait_dma2 semaphore(%arg13 : memref<!tpu.dma_semaphore, #tpu.memory_space<semaphore_mem>>) src(%dma_wait3A_182 : memref<16x1024xf32, #tpu.memory_space<hbm>>) dst(%arg9 : memref<16x1024xf32, #tpu.memory_space<vmem>>)
      %scan3A_183 = arith.constant 0 : i32
      %scan3A_184 = arith.constant 0 : i32
      %scan3A_185 = arith.constant 16 : i32
      %scan3A_186 = arith.addi %scan3A_184, %scan3A_185 : i32
      %scan3A_187 = arith.constant 1 : i32
      %scan3A_188 = scf.for %scan3A_198 = %scan3A_184 to %scan3A_186 step %scan3A_187 iter_args(%scan3A_199 = %scan3A_183) -> (i32)  : i32 {
        %mul3A_200 = arith.constant 2 : i32
        %mul3A_201 = arith.muli %mul3A_200, %scan3A_198 : i32
        %add3A_202 = arith.constant 0 : i32
        %add3A_203 = arith.addi %mul3A_201, %add3A_202 : i32
        %get3A = arith.index_cast %scan3A_198 : i32 to index
        %get3A_204 = arith.constant 0 : index
        %get3A_205 = tpu.vector_load %arg9[%get3A, %get3A_204] {strides = array<i32>} : memref<16x1024xf32, #tpu.memory_space<vmem>>, vector<1x16xf32>,
        %get3A_206 = vector.shape_cast %get3A_205 : vector<1x16xf32> to vector<16xf32>
        %get3A_207 = arith.index_cast %scan3A_198 : i32 to index
        %get3A_208 = arith.constant 256 : index
        %get3A_209 = tpu.vector_load %arg9[%get3A_207, %get3A_208] {strides = array<i32>} : memref<16x1024xf32, #tpu.memory_space<vmem>>, vector<1x16xf32>,
        %get3A_210 = vector.shape_cast %get3A_209 : vector<1x16xf32> to vector<16xf32>
        %get3A_211 = arith.index_cast %add3A_203 : i32 to index
        %get3A_212 = arith.constant 0 : index
        %get3A_213 = tpu.vector_load %arg7[%get3A_211, %get3A_212] {strides = array<i32>} : memref<32x512xf32, #tpu.memory_space<vmem>>, vector<1x16xf32>,
        %get3A_214 = vector.shape_cast %get3A_213 : vector<1x16xf32> to vector<16xf32>
        %get3A_215 = arith.index_cast %add3A_203 : i32 to index
        %get3A_216 = arith.constant 256 : index
        %get3A_217 = tpu.vector_load %arg7[%get3A_215, %get3A_216] {strides = array<i32>} : memref<32x512xf32, #tpu.memory_space<vmem>>, vector<1x16xf32>,
        %get3A_218 = vector.shape_cast %get3A_217 : vector<1x16xf32> to vector<16xf32>
        %mul3A_219 = arith.mulf %get3A_206, %get3A_214 : vector<16xf32>
        %mul3A_220 = arith.mulf %get3A_210, %get3A_218 : vector<16xf32>
        %sub3A = arith.subf %mul3A_219, %mul3A_220 : vector<16xf32>
        %swap3A = arith.index_cast %scan3A_198 : i32 to index
        %swap3A_221 = arith.constant 0 : index
        %swap3A_222 = tpu.vector_load %arg9[%swap3A, %swap3A_221] {strides = array<i32>} : memref<16x1024xf32, #tpu.memory_space<vmem>>, vector<1x16xf32>,
        %swap3A_223 = vector.shape_cast %swap3A_222 : vector<1x16xf32> to vector<16xf32>
        %swap3A_224 = vector.shape_cast %sub3A : vector<16xf32> to vector<1x16xf32>
        tpu.vector_store %arg9[%swap3A, %swap3A_221], %swap3A_224 {strides = array<i32>} : memref<16x1024xf32, #tpu.memory_space<vmem>>, vector<1x16xf32>,
        %mul3A_225 = arith.mulf %get3A_210, %get3A_214 : vector<16xf32>
        %mul3A_226 = arith.mulf %get3A_206, %get3A_218 : vector<16xf32>
        %add3A_227 = arith.addf %mul3A_225, %mul3A_226 : vector<16xf32>
        %swap3A_228 = arith.index_cast %scan3A_198 : i32 to index
        %swap3A_229 = arith.constant 256 : index
        %swap3A_230 = tpu.vector_load %arg9[%swap3A_228, %swap3A_229] {strides = array<i32>} : memref<16x1024xf32, #tpu.memory_space<vmem>>, vector<1x16xf32>,
        %swap3A_231 = vector.shape_cast %swap3A_230 : vector<1x16xf32> to vector<16xf32>
        %swap3A_232 = vector.shape_cast %add3A_227 : vector<16xf32> to vector<1x16xf32>
        tpu.vector_store %arg9[%swap3A_228, %swap3A_229], %swap3A_232 {strides = array<i32>} : memref<16x1024xf32, #tpu.memory_space<vmem>>, vector<1x16xf32>,
        %get3A_233 = arith.index_cast %scan3A_198 : i32 to index
        %get3A_234 = arith.constant 16 : index
        %get3A_235 = tpu.vector_load %arg9[%get3A_233, %get3A_234] {strides = array<i32>} : memref<16x1024xf32, #tpu.memory_space<vmem>>, vector<1x16xf32>,
        %get3A_236 = vector.shape_cast %get3A_235 : vector<1x16xf32> to vector<16xf32>
        %get3A_237 = arith.index_cast %scan3A_198 : i32 to index
        %get3A_238 = arith.constant 272 : index
        %get3A_239 = tpu.vector_load %arg9[%get3A_237, %get3A_238] {strides = array<i32>} : memref<16x1024xf32, #tpu.memory_space<vmem>>, vector<1x16xf32>,
        %get3A_240 = vector.shape_cast %get3A_239 : vector<1x16xf32> to vector<16xf32>
        %get3A_241 = arith.index_cast %add3A_203 : i32 to index
        %get3A_242 = arith.constant 16 : index
        %get3A_243 = tpu.vector_load %arg7[%get3A_241, %get3A_242] {strides = array<i32>} : memref<32x512xf32, #tpu.memory_space<vmem>>, vector<1x16xf32>,
        %get3A_244 = vector.shape_cast %get3A_243 : vector<1x16xf32> to vector<16xf32>
        %get3A_245 = arith.index_cast %add3A_203 : i32 to index
        %get3A_246 = arith.constant 272 : index
        %get3A_247 = tpu.vector_load %arg7[%get3A_245, %get3A_246] {strides = array<i32>} : memref<32x512xf32, #tpu.memory_space<vmem>>, vector<1x16xf32>,
        %get3A_248 = vector.shape_cast %get3A_247 : vector<1x16xf32> to vector<16xf32>
        %mul3A_249 = arith.mulf %get3A_236, %get3A_244 : vector<16xf32>
        %mul3A_250 = arith.mulf %get3A_240, %get3A_248 : vector<16xf32>
        %sub3A_251 = arith.subf %mul3A_249, %mul3A_250 : vector<16xf32>
        %swap3A_252 = arith.index_cast %scan3A_198 : i32 to index
        %swap3A_253 = arith.constant 16 : index
        %swap3A_254 = tpu.vector_load %arg9[%swap3A_252, %swap3A_253] {strides = array<i32>} : memref<16x1024xf32, #tpu.memory_space<vmem>>, vector<1x16xf32>,
        %swap3A_255 = vector.shape_cast %swap3A_254 : vector<1x16xf32> to vector<16xf32>
        %swap3A_256 = vector.shape_cast %sub3A_251 : vector<16xf32> to vector<1x16xf32>
        tpu.vector_store %arg9[%swap3A_252, %swap3A_253], %swap3A_256 {strides = array<i32>} : memref<16x1024xf32, #tpu.memory_space<vmem>>, vector<1x16xf32>,
        %mul3A_257 = arith.mulf %get3A_240, %get3A_244 : vector<16xf32>
        %mul3A_258 = arith.mulf %get3A_236, %get3A_248 : vector<16xf32>
        %add3A_259 = arith.addf %mul3A_257, %mul3A_258 : vector<16xf32>
        %swap3A_260 = arith.index_cast %scan3A_198 : i32 to index
        %swap3A_261 = arith.constant 272 : index
        %swap3A_262 = tpu.vector_load %arg9[%swap3A_260, %swap3A_261] {strides = array<i32>} : memref<16x1024xf32, #tpu.memory_space<vmem>>, vector<1x16xf32>,
        %swap3A_263 = vector.shape_cast %swap3A_262 : vector<1x16xf32> to vector<16xf32>
        %swap3A_264 = vector.shape_cast %add3A_259 : vector<16xf32> to vector<1x16xf32>
        tpu.vector_store %arg9[%swap3A_260, %swap3A_261], %swap3A_264 {strides = array<i32>} : memref<16x1024xf32, #tpu.memory_space<vmem>>, vector<1x16xf32>,
        %get3A_265 = arith.index_cast %scan3A_198 : i32 to index
        %get3A_266 = arith.constant 32 : index
        %get3A_267 = tpu.vector_load %arg9[%get3A_265, %get3A_266] {strides = array<i32>} : memref<16x1024xf32, #tpu.memory_space<vmem>>, vector<1x16xf32>,
        %get3A_268 = vector.shape_cast %get3A_267 : vector<1x16xf32> to vector<16xf32>
        %get3A_269 = arith.index_cast %scan3A_198 : i32 to index
        %get3A_270 = arith.constant 288 : index
        %get3A_271 = tpu.vector_load %arg9[%get3A_269, %get3A_270] {strides = array<i32>} : memref<16x1024xf32, #tpu.memory_space<vmem>>, vector<1x16xf32>,
        %get3A_272 = vector.shape_cast %get3A_271 : vector<1x16xf32> to vector<16xf32>
        %get3A_273 = arith.index_cast %add3A_203 : i32 to index
        %get3A_274 = arith.constant 32 : index
        %get3A_275 = tpu.vector_load %arg7[%get3A_273, %get3A_274] {strides = array<i32>} : memref<32x512xf32, #tpu.memory_space<vmem>>, vector<1x16xf32>,
        %get3A_276 = vector.shape_cast %get3A_275 : vector<1x16xf32> to vector<16xf32>
        %get3A_277 = arith.index_cast %add3A_203 : i32 to index
        %get3A_278 = arith.constant 288 : index
        %get3A_279 = tpu.vector_load %arg7[%get3A_277, %get3A_278] {strides = array<i32>} : memref<32x512xf32, #tpu.memory_space<vmem>>, vector<1x16xf32>,
        %get3A_280 = vector.shape_cast %get3A_279 : vector<1x16xf32> to vector<16xf32>
        %mul3A_281 = arith.mulf %get3A_268, %get3A_276 : vector<16xf32>
        %mul3A_282 = arith.mulf %get3A_272, %get3A_280 : vector<16xf32>
        %sub3A_283 = arith.subf %mul3A_281, %mul3A_282 : vector<16xf32>
        %swap3A_284 = arith.index_cast %scan3A_198 : i32 to index
        %swap3A_285 = arith.constant 32 : index
        %swap3A_286 = tpu.vector_load %arg9[%swap3A_284, %swap3A_285] {strides = array<i32>} : memref<16x1024xf32, #tpu.memory_space<vmem>>, vector<1x16xf32>,
        %swap3A_287 = vector.shape_cast %swap3A_286 : vector<1x16xf32> to vector<16xf32>
        %swap3A_288 = vector.shape_cast %sub3A_283 : vector<16xf32> to vector<1x16xf32>
        tpu.vector_store %arg9[%swap3A_284, %swap3A_285], %swap3A_288 {strides = array<i32>} : memref<16x1024xf32, #tpu.memory_space<vmem>>, vector<1x16xf32>,
        %mul3A_289 = arith.mulf %get3A_272, %get3A_276 : vector<16xf32>
        %mul3A_290 = arith.mulf %get3A_268, %get3A_280 : vector<16xf32>
        %add3A_291 = arith.addf %mul3A_289, %mul3A_290 : vector<16xf32>
        %swap3A_292 = arith.index_cast %scan3A_198 : i32 to index
        %swap3A_293 = arith.constant 288 : index
        %swap3A_294 = tpu.vector_load %arg9[%swap3A_292, %swap3A_293] {strides = array<i32>} : memref<16x1024xf32, #tpu.memory_space<vmem>>, vector<1x16xf32>,
        %swap3A_295 = vector.shape_cast %swap3A_294 : vector<1x16xf32> to vector<16xf32>
        %swap3A_296 = vector.shape_cast %add3A_291 : vector<16xf32> to vector<1x16xf32>
        tpu.vector_store %arg9[%swap3A_292, %swap3A_293], %swap3A_296 {strides = array<i32>} : memref<16x1024xf32, #tpu.memory_space<vmem>>, vector<1x16xf32>,
        %get3A_297 = arith.index_cast %scan3A_198 : i32 to index
        %get3A_298 = arith.constant 48 : index
        %get3A_299 = tpu.vector_load %arg9[%get3A_297, %get3A_298] {strides = array<i32>} : memref<16x1024xf32, #tpu.memory_space<vmem>>, vector<1x16xf32>,
        %get3A_300 = vector.shape_cast %get3A_299 : vector<1x16xf32> to vector<16xf32>
        %get3A_301 = arith.index_cast %scan3A_198 : i32 to index
        %get3A_302 = arith.constant 304 : index
        %get3A_303 = tpu.vector_load %arg9[%get3A_301, %get3A_302] {strides = array<i32>} : memref<16x1024xf32, #tpu.memory_space<vmem>>, vector<1x16xf32>,
        %get3A_304 = vector.shape_cast %get3A_303 : vector<1x16xf32> to vector<16xf32>
        %get3A_305 = arith.index_cast %add3A_203 : i32 to index
        %get3A_306 = arith.constant 48 : index
        %get3A_307 = tpu.vector_load %arg7[%get3A_305, %get3A_306] {strides = array<i32>} : memref<32x512xf32, #tpu.memory_space<vmem>>, vector<1x16xf32>,
        %get3A_308 = vector.shape_cast %get3A_307 : vector<1x16xf32> to vector<16xf32>
        %get3A_309 = arith.index_cast %add3A_203 : i32 to index
        %get3A_310 = arith.constant 304 : index
        %get3A_311 = tpu.vector_load %arg7[%get3A_309, %get3A_310] {strides = array<i32>} : memref<32x512xf32, #tpu.memory_space<vmem>>, vector<1x16xf32>,
        %get3A_312 = vector.shape_cast %get3A_311 : vector<1x16xf32> to vector<16xf32>
        %mul3A_313 = arith.mulf %get3A_300, %get3A_308 : vector<16xf32>
        %mul3A_314 = arith.mulf %get3A_304, %get3A_312 : vector<16xf32>
        %sub3A_315 = arith.subf %mul3A_313, %mul3A_314 : vector<16xf32>
        %swap3A_316 = arith.index_cast %scan3A_198 : i32 to index
        %swap3A_317 = arith.constant 48 : index
        %swap3A_318 = tpu.vector_load %arg9[%swap3A_316, %swap3A_317] {strides = array<i32>} : memref<16x1024xf32, #tpu.memory_space<vmem>>, vector<1x16xf32>,
        %swap3A_319 = vector.shape_cast %swap3A_318 : vector<1x16xf32> to vector<16xf32>
        %swap3A_320 = vector.shape_cast %sub3A_315 : vector<16xf32> to vector<1x16xf32>
        tpu.vector_store %arg9[%swap3A_316, %swap3A_317], %swap3A_320 {strides = array<i32>} : memref<16x1024xf32, #tpu.memory_space<vmem>>, vector<1x16xf32>,
        %mul3A_321 = arith.mulf %get3A_304, %get3A_308 : vector<16xf32>
        %mul3A_322 = arith.mulf %get3A_300, %get3A_312 : vector<16xf32>
        %add3A_323 = arith.addf %mul3A_321, %mul3A_322 : vector<16xf32>
        %swap3A_324 = arith.index_cast %scan3A_198 : i32 to index
        %swap3A_325 = arith.constant 304 : index
        %swap3A_326 = tpu.vector_load %arg9[%swap3A_324, %swap3A_325] {strides = array<i32>} : memref<16x1024xf32, #tpu.memory_space<vmem>>, vector<1x16xf32>,
        %swap3A_327 = vector.shape_cast %swap3A_326 : vector<1x16xf32> to vector<16xf32>
        %swap3A_328 = vector.shape_cast %add3A_323 : vector<16xf32> to vector<1x16xf32>
        tpu.vector_store %arg9[%swap3A_324, %swap3A_325], %swap3A_328 {strides = array<i32>} : memref<16x1024xf32, #tpu.memory_space<vmem>>, vector<1x16xf32>,
        %get3A_329 = arith.index_cast %scan3A_198 : i32 to index
        %get3A_330 = arith.constant 64 : index
        %get3A_331 = tpu.vector_load %arg9[%get3A_329, %get3A_330] {strides = array<i32>} : memref<16x1024xf32, #tpu.memory_space<vmem>>, vector<1x16xf32>,
        %get3A_332 = vector.shape_cast %get3A_331 : vector<1x16xf32> to vector<16xf32>
        %get3A_333 = arith.index_cast %scan3A_198 : i32 to index
        %get3A_334 = arith.constant 320 : index
        %get3A_335 = tpu.vector_load %arg9[%get3A_333, %get3A_334] {strides = array<i32>} : memref<16x1024xf32, #tpu.memory_space<vmem>>, vector<1x16xf32>,
        %get3A_336 = vector.shape_cast %get3A_335 : vector<1x16xf32> to vector<16xf32>
        %get3A_337 = arith.index_cast %add3A_203 : i32 to index
        %get3A_338 = arith.constant 64 : index
        %get3A_339 = tpu.vector_load %arg7[%get3A_337, %get3A_338] {strides = array<i32>} : memref<32x512xf32, #tpu.memory_space<vmem>>, vector<1x16xf32>,
        %get3A_340 = vector.shape_cast %get3A_339 : vector<1x16xf32> to vector<16xf32>
        %get3A_341 = arith.index_cast %add3A_203 : i32 to index
        %get3A_342 = arith.constant 320 : index
        %get3A_343 = tpu.vector_load %arg7[%get3A_341, %get3A_342] {strides = array<i32>} : memref<32x512xf32, #tpu.memory_space<vmem>>, vector<1x16xf32>,
        %get3A_344 = vector.shape_cast %get3A_343 : vector<1x16xf32> to vector<16xf32>
        %mul3A_345 = arith.mulf %get3A_332, %get3A_340 : vector<16xf32>
        %mul3A_346 = arith.mulf %get3A_336, %get3A_344 : vector<16xf32>
        %sub3A_347 = arith.subf %mul3A_345, %mul3A_346 : vector<16xf32>
        %swap3A_348 = arith.index_cast %scan3A_198 : i32 to index
        %swap3A_349 = arith.constant 64 : index
        %swap3A_350 = tpu.vector_load %arg9[%swap3A_348, %swap3A_349] {strides = array<i32>} : memref<16x1024xf32, #tpu.memory_space<vmem>>, vector<1x16xf32>,
        %swap3A_351 = vector.shape_cast %swap3A_350 : vector<1x16xf32> to vector<16xf32>
        %swap3A_352 = vector.shape_cast %sub3A_347 : vector<16xf32> to vector<1x16xf32>
        tpu.vector_store %arg9[%swap3A_348, %swap3A_349], %swap3A_352 {strides = array<i32>} : memref<16x1024xf32, #tpu.memory_space<vmem>>, vector<1x16xf32>,
        %mul3A_353 = arith.mulf %get3A_336, %get3A_340 : vector<16xf32>
        %mul3A_354 = arith.mulf %get3A_332, %get3A_344 : vector<16xf32>
        %add3A_355 = arith.addf %mul3A_353, %mul3A_354 : vector<16xf32>
        %swap3A_356 = arith.index_cast %scan3A_198 : i32 to index
        %swap3A_357 = arith.constant 320 : index
        %swap3A_358 = tpu.vector_load %arg9[%swap3A_356, %swap3A_357] {strides = array<i32>} : memref<16x1024xf32, #tpu.memory_space<vmem>>, vector<1x16xf32>,
        %swap3A_359 = vector.shape_cast %swap3A_358 : vector<1x16xf32> to vector<16xf32>
        %swap3A_360 = vector.shape_cast %add3A_355 : vector<16xf32> to vector<1x16xf32>
        tpu.vector_store %arg9[%swap3A_356, %swap3A_357], %swap3A_360 {strides = array<i32>} : memref<16x1024xf32, #tpu.memory_space<vmem>>, vector<1x16xf32>,
        %get3A_361 = arith.index_cast %scan3A_198 : i32 to index
        %get3A_362 = arith.constant 80 : index
        %get3A_363 = tpu.vector_load %arg9[%get3A_361, %get3A_362] {strides = array<i32>} : memref<16x1024xf32, #tpu.memory_space<vmem>>, vector<1x16xf32>,
        %get3A_364 = vector.shape_cast %get3A_363 : vector<1x16xf32> to vector<16xf32>
        %get3A_365 = arith.index_cast %scan3A_198 : i32 to index
        %get3A_366 = arith.constant 336 : index
        %get3A_367 = tpu.vector_load %arg9[%get3A_365, %get3A_366] {strides = array<i32>} : memref<16x1024xf32, #tpu.memory_space<vmem>>, vector<1x16xf32>,
        %get3A_368 = vector.shape_cast %get3A_367 : vector<1x16xf32> to vector<16xf32>
        %get3A_369 = arith.index_cast %add3A_203 : i32 to index
        %get3A_370 = arith.constant 80 : index
        %get3A_371 = tpu.vector_load %arg7[%get3A_369, %get3A_370] {strides = array<i32>} : memref<32x512xf32, #tpu.memory_space<vmem>>, vector<1x16xf32>,
        %get3A_372 = vector.shape_cast %get3A_371 : vector<1x16xf32> to vector<16xf32>
        %get3A_373 = arith.index_cast %add3A_203 : i32 to index
        %get3A_374 = arith.constant 336 : index
        %get3A_375 = tpu.vector_load %arg7[%get3A_373, %get3A_374] {strides = array<i32>} : memref<32x512xf32, #tpu.memory_space<vmem>>, vector<1x16xf32>,
        %get3A_376 = vector.shape_cast %get3A_375 : vector<1x16xf32> to vector<16xf32>
        %mul3A_377 = arith.mulf %get3A_364, %get3A_372 : vector<16xf32>
        %mul3A_378 = arith.mulf %get3A_368, %get3A_376 : vector<16xf32>
        %sub3A_379 = arith.subf %mul3A_377, %mul3A_378 : vector<16xf32>
        %swap3A_380 = arith.index_cast %scan3A_198 : i32 to index
        %swap3A_381 = arith.constant 80 : index
        %swap3A_382 = tpu.vector_load %arg9[%swap3A_380, %swap3A_381] {strides = array<i32>} : memref<16x1024xf32, #tpu.memory_space<vmem>>, vector<1x16xf32>,
        %swap3A_383 = vector.shape_cast %swap3A_382 : vector<1x16xf32> to vector<16xf32>
        %swap3A_384 = vector.shape_cast %sub3A_379 : vector<16xf32> to vector<1x16xf32>
        tpu.vector_store %arg9[%swap3A_380, %swap3A_381], %swap3A_384 {strides = array<i32>} : memref<16x1024xf32, #tpu.memory_space<vmem>>, vector<1x16xf32>,
        %mul3A_385 = arith.mulf %get3A_368, %get3A_372 : vector<16xf32>
        %mul3A_386 = arith.mulf %get3A_364, %get3A_376 : vector<16xf32>
        %add3A_387 = arith.addf %mul3A_385, %mul3A_386 : vector<16xf32>
        %swap3A_388 = arith.index_cast %scan3A_198 : i32 to index
        %swap3A_389 = arith.constant 336 : index
        %swap3A_390 = tpu.vector_load %arg9[%swap3A_388, %swap3A_389] {strides = array<i32>} : memref<16x1024xf32, #tpu.memory_space<vmem>>, vector<1x16xf32>,
        %swap3A_391 = vector.shape_cast %swap3A_390 : vector<1x16xf32> to vector<16xf32>
        %swap3A_392 = vector.shape_cast %add3A_387 : vector<16xf32> to vector<1x16xf32>
        tpu.vector_store %arg9[%swap3A_388, %swap3A_389], %swap3A_392 {strides = array<i32>} : memref<16x1024xf32, #tpu.memory_space<vmem>>, vector<1x16xf32>,
        %get3A_393 = arith.index_cast %scan3A_198 : i32 to index
        %get3A_394 = arith.constant 96 : index
        %get3A_395 = tpu.vector_load %arg9[%get3A_393, %get3A_394] {strides = array<i32>} : memref<16x1024xf32, #tpu.memory_space<vmem>>, vector<1x16xf32>,
        %get3A_396 = vector.shape_cast %get3A_395 : vector<1x16xf32> to vector<16xf32>
        %get3A_397 = arith.index_cast %scan3A_198 : i32 to index
        %get3A_398 = arith.constant 352 : index
        %get3A_399 = tpu.vector_load %arg9[%get3A_397, %get3A_398] {strides = array<i32>} : memref<16x1024xf32, #tpu.memory_space<vmem>>, vector<1x16xf32>,
        %get3A_400 = vector.shape_cast %get3A_399 : vector<1x16xf32> to vector<16xf32>
        %get3A_401 = arith.index_cast %add3A_203 : i32 to index
        %get3A_402 = arith.constant 96 : index
        %get3A_403 = tpu.vector_load %arg7[%get3A_401, %get3A_402] {strides = array<i32>} : memref<32x512xf32, #tpu.memory_space<vmem>>, vector<1x16xf32>,
        %get3A_404 = vector.shape_cast %get3A_403 : vector<1x16xf32> to vector<16xf32>
        %get3A_405 = arith.index_cast %add3A_203 : i32 to index
        %get3A_406 = arith.constant 352 : index
        %get3A_407 = tpu.vector_load %arg7[%get3A_405, %get3A_406] {strides = array<i32>} : memref<32x512xf32, #tpu.memory_space<vmem>>, vector<1x16xf32>,
        %get3A_408 = vector.shape_cast %get3A_407 : vector<1x16xf32> to vector<16xf32>
        %mul3A_409 = arith.mulf %get3A_396, %get3A_404 : vector<16xf32>
        %mul3A_410 = arith.mulf %get3A_400, %get3A_408 : vector<16xf32>
        %sub3A_411 = arith.subf %mul3A_409, %mul3A_410 : vector<16xf32>
        %swap3A_412 = arith.index_cast %scan3A_198 : i32 to index
        %swap3A_413 = arith.constant 96 : index
        %swap3A_414 = tpu.vector_load %arg9[%swap3A_412, %swap3A_413] {strides = array<i32>} : memref<16x1024xf32, #tpu.memory_space<vmem>>, vector<1x16xf32>,
        %swap3A_415 = vector.shape_cast %swap3A_414 : vector<1x16xf32> to vector<16xf32>
        %swap3A_416 = vector.shape_cast %sub3A_411 : vector<16xf32> to vector<1x16xf32>
        tpu.vector_store %arg9[%swap3A_412, %swap3A_413], %swap3A_416 {strides = array<i32>} : memref<16x1024xf32, #tpu.memory_space<vmem>>, vector<1x16xf32>,
        %mul3A_417 = arith.mulf %get3A_400, %get3A_404 : vector<16xf32>
        %mul3A_418 = arith.mulf %get3A_396, %get3A_408 : vector<16xf32>
        %add3A_419 = arith.addf %mul3A_417, %mul3A_418 : vector<16xf32>
        %swap3A_420 = arith.index_cast %scan3A_198 : i32 to index
        %swap3A_421 = arith.constant 352 : index
        %swap3A_422 = tpu.vector_load %arg9[%swap3A_420, %swap3A_421] {strides = array<i32>} : memref<16x1024xf32, #tpu.memory_space<vmem>>, vector<1x16xf32>,
        %swap3A_423 = vector.shape_cast %swap3A_422 : vector<1x16xf32> to vector<16xf32>
        %swap3A_424 = vector.shape_cast %add3A_419 : vector<16xf32> to vector<1x16xf32>
        tpu.vector_store %arg9[%swap3A_420, %swap3A_421], %swap3A_424 {strides = array<i32>} : memref<16x1024xf32, #tpu.memory_space<vmem>>, vector<1x16xf32>,
        %get3A_425 = arith.index_cast %scan3A_198 : i32 to index
        %get3A_426 = arith.constant 112 : index
        %get3A_427 = tpu.vector_load %arg9[%get3A_425, %get3A_426] {strides = array<i32>} : memref<16x1024xf32, #tpu.memory_space<vmem>>, vector<1x16xf32>,
        %get3A_428 = vector.shape_cast %get3A_427 : vector<1x16xf32> to vector<16xf32>
        %get3A_429 = arith.index_cast %scan3A_198 : i32 to index
        %get3A_430 = arith.constant 368 : index
        %get3A_431 = tpu.vector_load %arg9[%get3A_429, %get3A_430] {strides = array<i32>} : memref<16x1024xf32, #tpu.memory_space<vmem>>, vector<1x16xf32>,
        %get3A_432 = vector.shape_cast %get3A_431 : vector<1x16xf32> to vector<16xf32>
        %get3A_433 = arith.index_cast %add3A_203 : i32 to index
        %get3A_434 = arith.constant 112 : index
        %get3A_435 = tpu.vector_load %arg7[%get3A_433, %get3A_434] {strides = array<i32>} : memref<32x512xf32, #tpu.memory_space<vmem>>, vector<1x16xf32>,
        %get3A_436 = vector.shape_cast %get3A_435 : vector<1x16xf32> to vector<16xf32>
        %get3A_437 = arith.index_cast %add3A_203 : i32 to index
        %get3A_438 = arith.constant 368 : index
        %get3A_439 = tpu.vector_load %arg7[%get3A_437, %get3A_438] {strides = array<i32>} : memref<32x512xf32, #tpu.memory_space<vmem>>, vector<1x16xf32>,
        %get3A_440 = vector.shape_cast %get3A_439 : vector<1x16xf32> to vector<16xf32>
        %mul3A_441 = arith.mulf %get3A_428, %get3A_436 : vector<16xf32>
        %mul3A_442 = arith.mulf %get3A_432, %get3A_440 : vector<16xf32>
        %sub3A_443 = arith.subf %mul3A_441, %mul3A_442 : vector<16xf32>
        %swap3A_444 = arith.index_cast %scan3A_198 : i32 to index
        %swap3A_445 = arith.constant 112 : index
        %swap3A_446 = tpu.vector_load %arg9[%swap3A_444, %swap3A_445] {strides = array<i32>} : memref<16x1024xf32, #tpu.memory_space<vmem>>, vector<1x16xf32>,
        %swap3A_447 = vector.shape_cast %swap3A_446 : vector<1x16xf32> to vector<16xf32>
        %swap3A_448 = vector.shape_cast %sub3A_443 : vector<16xf32> to vector<1x16xf32>
        tpu.vector_store %arg9[%swap3A_444, %swap3A_445], %swap3A_448 {strides = array<i32>} : memref<16x1024xf32, #tpu.memory_space<vmem>>, vector<1x16xf32>,
        %mul3A_449 = arith.mulf %get3A_432, %get3A_436 : vector<16xf32>
        %mul3A_450 = arith.mulf %get3A_428, %get3A_440 : vector<16xf32>
        %add3A_451 = arith.addf %mul3A_449, %mul3A_450 : vector<16xf32>
        %swap3A_452 = arith.index_cast %scan3A_198 : i32 to index
        %swap3A_453 = arith.constant 368 : index
        %swap3A_454 = tpu.vector_load %arg9[%swap3A_452, %swap3A_453] {strides = array<i32>} : memref<16x1024xf32, #tpu.memory_space<vmem>>, vector<1x16xf32>,
        %swap3A_455 = vector.shape_cast %swap3A_454 : vector<1x16xf32> to vector<16xf32>
        %swap3A_456 = vector.shape_cast %add3A_451 : vector<16xf32> to vector<1x16xf32>
        tpu.vector_store %arg9[%swap3A_452, %swap3A_453], %swap3A_456 {strides = array<i32>} : memref<16x1024xf32, #tpu.memory_space<vmem>>, vector<1x16xf32>,
        %get3A_457 = arith.index_cast %scan3A_198 : i32 to index
        %get3A_458 = arith.constant 128 : index
        %get3A_459 = tpu.vector_load %arg9[%get3A_457, %get3A_458] {strides = array<i32>} : memref<16x1024xf32, #tpu.memory_space<vmem>>, vector<1x16xf32>,
        %get3A_460 = vector.shape_cast %get3A_459 : vector<1x16xf32> to vector<16xf32>
        %get3A_461 = arith.index_cast %scan3A_198 : i32 to index
        %get3A_462 = arith.constant 384 : index
        %get3A_463 = tpu.vector_load %arg9[%get3A_461, %get3A_462] {strides = array<i32>} : memref<16x1024xf32, #tpu.memory_space<vmem>>, vector<1x16xf32>,
        %get3A_464 = vector.shape_cast %get3A_463 : vector<1x16xf32> to vector<16xf32>
        %get3A_465 = arith.index_cast %add3A_203 : i32 to index
        %get3A_466 = arith.constant 128 : index
        %get3A_467 = tpu.vector_load %arg7[%get3A_465, %get3A_466] {strides = array<i32>} : memref<32x512xf32, #tpu.memory_space<vmem>>, vector<1x16xf32>,
        %get3A_468 = vector.shape_cast %get3A_467 : vector<1x16xf32> to vector<16xf32>
        %get3A_469 = arith.index_cast %add3A_203 : i32 to index
        %get3A_470 = arith.constant 384 : index
        %get3A_471 = tpu.vector_load %arg7[%get3A_469, %get3A_470] {strides = array<i32>} : memref<32x512xf32, #tpu.memory_space<vmem>>, vector<1x16xf32>,
        %get3A_472 = vector.shape_cast %get3A_471 : vector<1x16xf32> to vector<16xf32>
        %mul3A_473 = arith.mulf %get3A_460, %get3A_468 : vector<16xf32>
        %mul3A_474 = arith.mulf %get3A_464, %get3A_472 : vector<16xf32>
        %sub3A_475 = arith.subf %mul3A_473, %mul3A_474 : vector<16xf32>
        %swap3A_476 = arith.index_cast %scan3A_198 : i32 to index
        %swap3A_477 = arith.constant 128 : index
        %swap3A_478 = tpu.vector_load %arg9[%swap3A_476, %swap3A_477] {strides = array<i32>} : memref<16x1024xf32, #tpu.memory_space<vmem>>, vector<1x16xf32>,
        %swap3A_479 = vector.shape_cast %swap3A_478 : vector<1x16xf32> to vector<16xf32>
        %swap3A_480 = vector.shape_cast %sub3A_475 : vector<16xf32> to vector<1x16xf32>
        tpu.vector_store %arg9[%swap3A_476, %swap3A_477], %swap3A_480 {strides = array<i32>} : memref<16x1024xf32, #tpu.memory_space<vmem>>, vector<1x16xf32>,
        %mul3A_481 = arith.mulf %get3A_464, %get3A_468 : vector<16xf32>
        %mul3A_482 = arith.mulf %get3A_460, %get3A_472 : vector<16xf32>
        %add3A_483 = arith.addf %mul3A_481, %mul3A_482 : vector<16xf32>
        %swap3A_484 = arith.index_cast %scan3A_198 : i32 to index
        %swap3A_485 = arith.constant 384 : index
        %swap3A_486 = tpu.vector_load %arg9[%swap3A_484, %swap3A_485] {strides = array<i32>} : memref<16x1024xf32, #tpu.memory_space<vmem>>, vector<1x16xf32>,
        %swap3A_487 = vector.shape_cast %swap3A_486 : vector<1x16xf32> to vector<16xf32>
        %swap3A_488 = vector.shape_cast %add3A_483 : vector<16xf32> to vector<1x16xf32>
        tpu.vector_store %arg9[%swap3A_484, %swap3A_485], %swap3A_488 {strides = array<i32>} : memref<16x1024xf32, #tpu.memory_space<vmem>>, vector<1x16xf32>,
        %get3A_489 = arith.index_cast %scan3A_198 : i32 to index
        %get3A_490 = arith.constant 144 : index
        %get3A_491 = tpu.vector_load %arg9[%get3A_489, %get3A_490] {strides = array<i32>} : memref<16x1024xf32, #tpu.memory_space<vmem>>, vector<1x16xf32>,
        %get3A_492 = vector.shape_cast %get3A_491 : vector<1x16xf32> to vector<16xf32>
        %get3A_493 = arith.index_cast %scan3A_198 : i32 to index
        %get3A_494 = arith.constant 400 : index
        %get3A_495 = tpu.vector_load %arg9[%get3A_493, %get3A_494] {strides = array<i32>} : memref<16x1024xf32, #tpu.memory_space<vmem>>, vector<1x16xf32>,
        %get3A_496 = vector.shape_cast %get3A_495 : vector<1x16xf32> to vector<16xf32>
        %get3A_497 = arith.index_cast %add3A_203 : i32 to index
        %get3A_498 = arith.constant 144 : index
        %get3A_499 = tpu.vector_load %arg7[%get3A_497, %get3A_498] {strides = array<i32>} : memref<32x512xf32, #tpu.memory_space<vmem>>, vector<1x16xf32>,
        %get3A_500 = vector.shape_cast %get3A_499 : vector<1x16xf32> to vector<16xf32>
        %get3A_501 = arith.index_cast %add3A_203 : i32 to index
        %get3A_502 = arith.constant 400 : index
        %get3A_503 = tpu.vector_load %arg7[%get3A_501, %get3A_502] {strides = array<i32>} : memref<32x512xf32, #tpu.memory_space<vmem>>, vector<1x16xf32>,
        %get3A_504 = vector.shape_cast %get3A_503 : vector<1x16xf32> to vector<16xf32>
        %mul3A_505 = arith.mulf %get3A_492, %get3A_500 : vector<16xf32>
        %mul3A_506 = arith.mulf %get3A_496, %get3A_504 : vector<16xf32>
        %sub3A_507 = arith.subf %mul3A_505, %mul3A_506 : vector<16xf32>
        %swap3A_508 = arith.index_cast %scan3A_198 : i32 to index
        %swap3A_509 = arith.constant 144 : index
        %swap3A_510 = tpu.vector_load %arg9[%swap3A_508, %swap3A_509] {strides = array<i32>} : memref<16x1024xf32, #tpu.memory_space<vmem>>, vector<1x16xf32>,
        %swap3A_511 = vector.shape_cast %swap3A_510 : vector<1x16xf32> to vector<16xf32>
        %swap3A_512 = vector.shape_cast %sub3A_507 : vector<16xf32> to vector<1x16xf32>
        tpu.vector_store %arg9[%swap3A_508, %swap3A_509], %swap3A_512 {strides = array<i32>} : memref<16x1024xf32, #tpu.memory_space<vmem>>, vector<1x16xf32>,
        %mul3A_513 = arith.mulf %get3A_496, %get3A_500 : vector<16xf32>
        %mul3A_514 = arith.mulf %get3A_492, %get3A_504 : vector<16xf32>
        %add3A_515 = arith.addf %mul3A_513, %mul3A_514 : vector<16xf32>
        %swap3A_516 = arith.index_cast %scan3A_198 : i32 to index
        %swap3A_517 = arith.constant 400 : index
        %swap3A_518 = tpu.vector_load %arg9[%swap3A_516, %swap3A_517] {strides = array<i32>} : memref<16x1024xf32, #tpu.memory_space<vmem>>, vector<1x16xf32>,
        %swap3A_519 = vector.shape_cast %swap3A_518 : vector<1x16xf32> to vector<16xf32>
        %swap3A_520 = vector.shape_cast %add3A_515 : vector<16xf32> to vector<1x16xf32>
        tpu.vector_store %arg9[%swap3A_516, %swap3A_517], %swap3A_520 {strides = array<i32>} : memref<16x1024xf32, #tpu.memory_space<vmem>>, vector<1x16xf32>,
        %get3A_521 = arith.index_cast %scan3A_198 : i32 to index
        %get3A_522 = arith.constant 160 : index
        %get3A_523 = tpu.vector_load %arg9[%get3A_521, %get3A_522] {strides = array<i32>} : memref<16x1024xf32, #tpu.memory_space<vmem>>, vector<1x16xf32>,
        %get3A_524 = vector.shape_cast %get3A_523 : vector<1x16xf32> to vector<16xf32>
        %get3A_525 = arith.index_cast %scan3A_198 : i32 to index
        %get3A_526 = arith.constant 416 : index
        %get3A_527 = tpu.vector_load %arg9[%get3A_525, %get3A_526] {strides = array<i32>} : memref<16x1024xf32, #tpu.memory_space<vmem>>, vector<1x16xf32>,
        %get3A_528 = vector.shape_cast %get3A_527 : vector<1x16xf32> to vector<16xf32>
        %get3A_529 = arith.index_cast %add3A_203 : i32 to index
        %get3A_530 = arith.constant 160 : index
        %get3A_531 = tpu.vector_load %arg7[%get3A_529, %get3A_530] {strides = array<i32>} : memref<32x512xf32, #tpu.memory_space<vmem>>, vector<1x16xf32>,
        %get3A_532 = vector.shape_cast %get3A_531 : vector<1x16xf32> to vector<16xf32>
        %get3A_533 = arith.index_cast %add3A_203 : i32 to index
        %get3A_534 = arith.constant 416 : index
        %get3A_535 = tpu.vector_load %arg7[%get3A_533, %get3A_534] {strides = array<i32>} : memref<32x512xf32, #tpu.memory_space<vmem>>, vector<1x16xf32>,
        %get3A_536 = vector.shape_cast %get3A_535 : vector<1x16xf32> to vector<16xf32>
        %mul3A_537 = arith.mulf %get3A_524, %get3A_532 : vector<16xf32>
        %mul3A_538 = arith.mulf %get3A_528, %get3A_536 : vector<16xf32>
        %sub3A_539 = arith.subf %mul3A_537, %mul3A_538 : vector<16xf32>
        %swap3A_540 = arith.index_cast %scan3A_198 : i32 to index
        %swap3A_541 = arith.constant 160 : index
        %swap3A_542 = tpu.vector_load %arg9[%swap3A_540, %swap3A_541] {strides = array<i32>} : memref<16x1024xf32, #tpu.memory_space<vmem>>, vector<1x16xf32>,
        %swap3A_543 = vector.shape_cast %swap3A_542 : vector<1x16xf32> to vector<16xf32>
        %swap3A_544 = vector.shape_cast %sub3A_539 : vector<16xf32> to vector<1x16xf32>
        tpu.vector_store %arg9[%swap3A_540, %swap3A_541], %swap3A_544 {strides = array<i32>} : memref<16x1024xf32, #tpu.memory_space<vmem>>, vector<1x16xf32>,
        %mul3A_545 = arith.mulf %get3A_528, %get3A_532 : vector<16xf32>
        %mul3A_546 = arith.mulf %get3A_524, %get3A_536 : vector<16xf32>
        %add3A_547 = arith.addf %mul3A_545, %mul3A_546 : vector<16xf32>
        %swap3A_548 = arith.index_cast %scan3A_198 : i32 to index
        %swap3A_549 = arith.constant 416 : index
        %swap3A_550 = tpu.vector_load %arg9[%swap3A_548, %swap3A_549] {strides = array<i32>} : memref<16x1024xf32, #tpu.memory_space<vmem>>, vector<1x16xf32>,
        %swap3A_551 = vector.shape_cast %swap3A_550 : vector<1x16xf32> to vector<16xf32>
        %swap3A_552 = vector.shape_cast %add3A_547 : vector<16xf32> to vector<1x16xf32>
        tpu.vector_store %arg9[%swap3A_548, %swap3A_549], %swap3A_552 {strides = array<i32>} : memref<16x1024xf32, #tpu.memory_space<vmem>>, vector<1x16xf32>,
        %get3A_553 = arith.index_cast %scan3A_198 : i32 to index
        %get3A_554 = arith.constant 176 : index
        %get3A_555 = tpu.vector_load %arg9[%get3A_553, %get3A_554] {strides = array<i32>} : memref<16x1024xf32, #tpu.memory_space<vmem>>, vector<1x16xf32>,
        %get3A_556 = vector.shape_cast %get3A_555 : vector<1x16xf32> to vector<16xf32>
        %get3A_557 = arith.index_cast %scan3A_198 : i32 to index
        %get3A_558 = arith.constant 432 : index
        %get3A_559 = tpu.vector_load %arg9[%get3A_557, %get3A_558] {strides = array<i32>} : memref<16x1024xf32, #tpu.memory_space<vmem>>, vector<1x16xf32>,
        %get3A_560 = vector.shape_cast %get3A_559 : vector<1x16xf32> to vector<16xf32>
        %get3A_561 = arith.index_cast %add3A_203 : i32 to index
        %get3A_562 = arith.constant 176 : index
        %get3A_563 = tpu.vector_load %arg7[%get3A_561, %get3A_562] {strides = array<i32>} : memref<32x512xf32, #tpu.memory_space<vmem>>, vector<1x16xf32>,
        %get3A_564 = vector.shape_cast %get3A_563 : vector<1x16xf32> to vector<16xf32>
        %get3A_565 = arith.index_cast %add3A_203 : i32 to index
        %get3A_566 = arith.constant 432 : index
        %get3A_567 = tpu.vector_load %arg7[%get3A_565, %get3A_566] {strides = array<i32>} : memref<32x512xf32, #tpu.memory_space<vmem>>, vector<1x16xf32>,
        %get3A_568 = vector.shape_cast %get3A_567 : vector<1x16xf32> to vector<16xf32>
        %mul3A_569 = arith.mulf %get3A_556, %get3A_564 : vector<16xf32>
        %mul3A_570 = arith.mulf %get3A_560, %get3A_568 : vector<16xf32>
        %sub3A_571 = arith.subf %mul3A_569, %mul3A_570 : vector<16xf32>
        %swap3A_572 = arith.index_cast %scan3A_198 : i32 to index
        %swap3A_573 = arith.constant 176 : index
        %swap3A_574 = tpu.vector_load %arg9[%swap3A_572, %swap3A_573] {strides = array<i32>} : memref<16x1024xf32, #tpu.memory_space<vmem>>, vector<1x16xf32>,
        %swap3A_575 = vector.shape_cast %swap3A_574 : vector<1x16xf32> to vector<16xf32>
        %swap3A_576 = vector.shape_cast %sub3A_571 : vector<16xf32> to vector<1x16xf32>
        tpu.vector_store %arg9[%swap3A_572, %swap3A_573], %swap3A_576 {strides = array<i32>} : memref<16x1024xf32, #tpu.memory_space<vmem>>, vector<1x16xf32>,
        %mul3A_577 = arith.mulf %get3A_560, %get3A_564 : vector<16xf32>
        %mul3A_578 = arith.mulf %get3A_556, %get3A_568 : vector<16xf32>
        %add3A_579 = arith.addf %mul3A_577, %mul3A_578 : vector<16xf32>
        %swap3A_580 = arith.index_cast %scan3A_198 : i32 to index
        %swap3A_581 = arith.constant 432 : index
        %swap3A_582 = tpu.vector_load %arg9[%swap3A_580, %swap3A_581] {strides = array<i32>} : memref<16x1024xf32, #tpu.memory_space<vmem>>, vector<1x16xf32>,
        %swap3A_583 = vector.shape_cast %swap3A_582 : vector<1x16xf32> to vector<16xf32>
        %swap3A_584 = vector.shape_cast %add3A_579 : vector<16xf32> to vector<1x16xf32>
        tpu.vector_store %arg9[%swap3A_580, %swap3A_581], %swap3A_584 {strides = array<i32>} : memref<16x1024xf32, #tpu.memory_space<vmem>>, vector<1x16xf32>,
        %get3A_585 = arith.index_cast %scan3A_198 : i32 to index
        %get3A_586 = arith.constant 192 : index
        %get3A_587 = tpu.vector_load %arg9[%get3A_585, %get3A_586] {strides = array<i32>} : memref<16x1024xf32, #tpu.memory_space<vmem>>, vector<1x16xf32>,
        %get3A_588 = vector.shape_cast %get3A_587 : vector<1x16xf32> to vector<16xf32>
        %get3A_589 = arith.index_cast %scan3A_198 : i32 to index
        %get3A_590 = arith.constant 448 : index
        %get3A_591 = tpu.vector_load %arg9[%get3A_589, %get3A_590] {strides = array<i32>} : memref<16x1024xf32, #tpu.memory_space<vmem>>, vector<1x16xf32>,
        %get3A_592 = vector.shape_cast %get3A_591 : vector<1x16xf32> to vector<16xf32>
        %get3A_593 = arith.index_cast %add3A_203 : i32 to index
        %get3A_594 = arith.constant 192 : index
        %get3A_595 = tpu.vector_load %arg7[%get3A_593, %get3A_594] {strides = array<i32>} : memref<32x512xf32, #tpu.memory_space<vmem>>, vector<1x16xf32>,
        %get3A_596 = vector.shape_cast %get3A_595 : vector<1x16xf32> to vector<16xf32>
        %get3A_597 = arith.index_cast %add3A_203 : i32 to index
        %get3A_598 = arith.constant 448 : index
        %get3A_599 = tpu.vector_load %arg7[%get3A_597, %get3A_598] {strides = array<i32>} : memref<32x512xf32, #tpu.memory_space<vmem>>, vector<1x16xf32>,
        %get3A_600 = vector.shape_cast %get3A_599 : vector<1x16xf32> to vector<16xf32>
        %mul3A_601 = arith.mulf %get3A_588, %get3A_596 : vector<16xf32>
        %mul3A_602 = arith.mulf %get3A_592, %get3A_600 : vector<16xf32>
        %sub3A_603 = arith.subf %mul3A_601, %mul3A_602 : vector<16xf32>
        %swap3A_604 = arith.index_cast %scan3A_198 : i32 to index
        %swap3A_605 = arith.constant 192 : index
        %swap3A_606 = tpu.vector_load %arg9[%swap3A_604, %swap3A_605] {strides = array<i32>} : memref<16x1024xf32, #tpu.memory_space<vmem>>, vector<1x16xf32>,
        %swap3A_607 = vector.shape_cast %swap3A_606 : vector<1x16xf32> to vector<16xf32>
        %swap3A_608 = vector.shape_cast %sub3A_603 : vector<16xf32> to vector<1x16xf32>
        tpu.vector_store %arg9[%swap3A_604, %swap3A_605], %swap3A_608 {strides = array<i32>} : memref<16x1024xf32, #tpu.memory_space<vmem>>, vector<1x16xf32>,
        %mul3A_609 = arith.mulf %get3A_592, %get3A_596 : vector<16xf32>
        %mul3A_610 = arith.mulf %get3A_588, %get3A_600 : vector<16xf32>
        %add3A_611 = arith.addf %mul3A_609, %mul3A_610 : vector<16xf32>
        %swap3A_612 = arith.index_cast %scan3A_198 : i32 to index
        %swap3A_613 = arith.constant 448 : index
        %swap3A_614 = tpu.vector_load %arg9[%swap3A_612, %swap3A_613] {strides = array<i32>} : memref<16x1024xf32, #tpu.memory_space<vmem>>, vector<1x16xf32>,
        %swap3A_615 = vector.shape_cast %swap3A_614 : vector<1x16xf32> to vector<16xf32>
        %swap3A_616 = vector.shape_cast %add3A_611 : vector<16xf32> to vector<1x16xf32>
        tpu.vector_store %arg9[%swap3A_612, %swap3A_613], %swap3A_616 {strides = array<i32>} : memref<16x1024xf32, #tpu.memory_space<vmem>>, vector<1x16xf32>,
        %get3A_617 = arith.index_cast %scan3A_198 : i32 to index
        %get3A_618 = arith.constant 208 : index
        %get3A_619 = tpu.vector_load %arg9[%get3A_617, %get3A_618] {strides = array<i32>} : memref<16x1024xf32, #tpu.memory_space<vmem>>, vector<1x16xf32>,
        %get3A_620 = vector.shape_cast %get3A_619 : vector<1x16xf32> to vector<16xf32>
        %get3A_621 = arith.index_cast %scan3A_198 : i32 to index
        %get3A_622 = arith.constant 464 : index
        %get3A_623 = tpu.vector_load %arg9[%get3A_621, %get3A_622] {strides = array<i32>} : memref<16x1024xf32, #tpu.memory_space<vmem>>, vector<1x16xf32>,
        %get3A_624 = vector.shape_cast %get3A_623 : vector<1x16xf32> to vector<16xf32>
        %get3A_625 = arith.index_cast %add3A_203 : i32 to index
        %get3A_626 = arith.constant 208 : index
        %get3A_627 = tpu.vector_load %arg7[%get3A_625, %get3A_626] {strides = array<i32>} : memref<32x512xf32, #tpu.memory_space<vmem>>, vector<1x16xf32>,
        %get3A_628 = vector.shape_cast %get3A_627 : vector<1x16xf32> to vector<16xf32>
        %get3A_629 = arith.index_cast %add3A_203 : i32 to index
        %get3A_630 = arith.constant 464 : index
        %get3A_631 = tpu.vector_load %arg7[%get3A_629, %get3A_630] {strides = array<i32>} : memref<32x512xf32, #tpu.memory_space<vmem>>, vector<1x16xf32>,
        %get3A_632 = vector.shape_cast %get3A_631 : vector<1x16xf32> to vector<16xf32>
        %mul3A_633 = arith.mulf %get3A_620, %get3A_628 : vector<16xf32>
        %mul3A_634 = arith.mulf %get3A_624, %get3A_632 : vector<16xf32>
        %sub3A_635 = arith.subf %mul3A_633, %mul3A_634 : vector<16xf32>
        %swap3A_636 = arith.index_cast %scan3A_198 : i32 to index
        %swap3A_637 = arith.constant 208 : index
        %swap3A_638 = tpu.vector_load %arg9[%swap3A_636, %swap3A_637] {strides = array<i32>} : memref<16x1024xf32, #tpu.memory_space<vmem>>, vector<1x16xf32>,
        %swap3A_639 = vector.shape_cast %swap3A_638 : vector<1x16xf32> to vector<16xf32>
        %swap3A_640 = vector.shape_cast %sub3A_635 : vector<16xf32> to vector<1x16xf32>
        tpu.vector_store %arg9[%swap3A_636, %swap3A_637], %swap3A_640 {strides = array<i32>} : memref<16x1024xf32, #tpu.memory_space<vmem>>, vector<1x16xf32>,
        %mul3A_641 = arith.mulf %get3A_624, %get3A_628 : vector<16xf32>
        %mul3A_642 = arith.mulf %get3A_620, %get3A_632 : vector<16xf32>
        %add3A_643 = arith.addf %mul3A_641, %mul3A_642 : vector<16xf32>
        %swap3A_644 = arith.index_cast %scan3A_198 : i32 to index
        %swap3A_645 = arith.constant 464 : index
        %swap3A_646 = tpu.vector_load %arg9[%swap3A_644, %swap3A_645] {strides = array<i32>} : memref<16x1024xf32, #tpu.memory_space<vmem>>, vector<1x16xf32>,
        %swap3A_647 = vector.shape_cast %swap3A_646 : vector<1x16xf32> to vector<16xf32>
        %swap3A_648 = vector.shape_cast %add3A_643 : vector<16xf32> to vector<1x16xf32>
        tpu.vector_store %arg9[%swap3A_644, %swap3A_645], %swap3A_648 {strides = array<i32>} : memref<16x1024xf32, #tpu.memory_space<vmem>>, vector<1x16xf32>,
        %get3A_649 = arith.index_cast %scan3A_198 : i32 to index
        %get3A_650 = arith.constant 224 : index
        %get3A_651 = tpu.vector_load %arg9[%get3A_649, %get3A_650] {strides = array<i32>} : memref<16x1024xf32, #tpu.memory_space<vmem>>, vector<1x16xf32>,
        %get3A_652 = vector.shape_cast %get3A_651 : vector<1x16xf32> to vector<16xf32>
        %get3A_653 = arith.index_cast %scan3A_198 : i32 to index
        %get3A_654 = arith.constant 480 : index
        %get3A_655 = tpu.vector_load %arg9[%get3A_653, %get3A_654] {strides = array<i32>} : memref<16x1024xf32, #tpu.memory_space<vmem>>, vector<1x16xf32>,
        %get3A_656 = vector.shape_cast %get3A_655 : vector<1x16xf32> to vector<16xf32>
        %get3A_657 = arith.index_cast %add3A_203 : i32 to index
        %get3A_658 = arith.constant 224 : index
        %get3A_659 = tpu.vector_load %arg7[%get3A_657, %get3A_658] {strides = array<i32>} : memref<32x512xf32, #tpu.memory_space<vmem>>, vector<1x16xf32>,
        %get3A_660 = vector.shape_cast %get3A_659 : vector<1x16xf32> to vector<16xf32>
        %get3A_661 = arith.index_cast %add3A_203 : i32 to index
        %get3A_662 = arith.constant 480 : index
        %get3A_663 = tpu.vector_load %arg7[%get3A_661, %get3A_662] {strides = array<i32>} : memref<32x512xf32, #tpu.memory_space<vmem>>, vector<1x16xf32>,
        %get3A_664 = vector.shape_cast %get3A_663 : vector<1x16xf32> to vector<16xf32>
        %mul3A_665 = arith.mulf %get3A_652, %get3A_660 : vector<16xf32>
        %mul3A_666 = arith.mulf %get3A_656, %get3A_664 : vector<16xf32>
        %sub3A_667 = arith.subf %mul3A_665, %mul3A_666 : vector<16xf32>
        %swap3A_668 = arith.index_cast %scan3A_198 : i32 to index
        %swap3A_669 = arith.constant 224 : index
        %swap3A_670 = tpu.vector_load %arg9[%swap3A_668, %swap3A_669] {strides = array<i32>} : memref<16x1024xf32, #tpu.memory_space<vmem>>, vector<1x16xf32>,
        %swap3A_671 = vector.shape_cast %swap3A_670 : vector<1x16xf32> to vector<16xf32>
        %swap3A_672 = vector.shape_cast %sub3A_667 : vector<16xf32> to vector<1x16xf32>
        tpu.vector_store %arg9[%swap3A_668, %swap3A_669], %swap3A_672 {strides = array<i32>} : memref<16x1024xf32, #tpu.memory_space<vmem>>, vector<1x16xf32>,
        %mul3A_673 = arith.mulf %get3A_656, %get3A_660 : vector<16xf32>
        %mul3A_674 = arith.mulf %get3A_652, %get3A_664 : vector<16xf32>
        %add3A_675 = arith.addf %mul3A_673, %mul3A_674 : vector<16xf32>
        %swap3A_676 = arith.index_cast %scan3A_198 : i32 to index
        %swap3A_677 = arith.constant 480 : index
        %swap3A_678 = tpu.vector_load %arg9[%swap3A_676, %swap3A_677] {strides = array<i32>} : memref<16x1024xf32, #tpu.memory_space<vmem>>, vector<1x16xf32>,
        %swap3A_679 = vector.shape_cast %swap3A_678 : vector<1x16xf32> to vector<16xf32>
        %swap3A_680 = vector.shape_cast %add3A_675 : vector<16xf32> to vector<1x16xf32>
        tpu.vector_store %arg9[%swap3A_676, %swap3A_677], %swap3A_680 {strides = array<i32>} : memref<16x1024xf32, #tpu.memory_space<vmem>>, vector<1x16xf32>,
        %get3A_681 = arith.index_cast %scan3A_198 : i32 to index
        %get3A_682 = arith.constant 240 : index
        %get3A_683 = tpu.vector_load %arg9[%get3A_681, %get3A_682] {strides = array<i32>} : memref<16x1024xf32, #tpu.memory_space<vmem>>, vector<1x16xf32>,
        %get3A_684 = vector.shape_cast %get3A_683 : vector<1x16xf32> to vector<16xf32>
        %get3A_685 = arith.index_cast %scan3A_198 : i32 to index
        %get3A_686 = arith.constant 496 : index
        %get3A_687 = tpu.vector_load %arg9[%get3A_685, %get3A_686] {strides = array<i32>} : memref<16x1024xf32, #tpu.memory_space<vmem>>, vector<1x16xf32>,
        %get3A_688 = vector.shape_cast %get3A_687 : vector<1x16xf32> to vector<16xf32>
        %get3A_689 = arith.index_cast %add3A_203 : i32 to index
        %get3A_690 = arith.constant 240 : index
        %get3A_691 = tpu.vector_load %arg7[%get3A_689, %get3A_690] {strides = array<i32>} : memref<32x512xf32, #tpu.memory_space<vmem>>, vector<1x16xf32>,
        %get3A_692 = vector.shape_cast %get3A_691 : vector<1x16xf32> to vector<16xf32>
        %get3A_693 = arith.index_cast %add3A_203 : i32 to index
        %get3A_694 = arith.constant 496 : index
        %get3A_695 = tpu.vector_load %arg7[%get3A_693, %get3A_694] {strides = array<i32>} : memref<32x512xf32, #tpu.memory_space<vmem>>, vector<1x16xf32>,
        %get3A_696 = vector.shape_cast %get3A_695 : vector<1x16xf32> to vector<16xf32>
        %mul3A_697 = arith.mulf %get3A_684, %get3A_692 : vector<16xf32>
        %mul3A_698 = arith.mulf %get3A_688, %get3A_696 : vector<16xf32>
        %sub3A_699 = arith.subf %mul3A_697, %mul3A_698 : vector<16xf32>
        %swap3A_700 = arith.index_cast %scan3A_198 : i32 to index
        %swap3A_701 = arith.constant 240 : index
        %swap3A_702 = tpu.vector_load %arg9[%swap3A_700, %swap3A_701] {strides = array<i32>} : memref<16x1024xf32, #tpu.memory_space<vmem>>, vector<1x16xf32>,
        %swap3A_703 = vector.shape_cast %swap3A_702 : vector<1x16xf32> to vector<16xf32>
        %swap3A_704 = vector.shape_cast %sub3A_699 : vector<16xf32> to vector<1x16xf32>
        tpu.vector_store %arg9[%swap3A_700, %swap3A_701], %swap3A_704 {strides = array<i32>} : memref<16x1024xf32, #tpu.memory_space<vmem>>, vector<1x16xf32>,
        %mul3A_705 = arith.mulf %get3A_688, %get3A_692 : vector<16xf32>
        %mul3A_706 = arith.mulf %get3A_684, %get3A_696 : vector<16xf32>
        %add3A_707 = arith.addf %mul3A_705, %mul3A_706 : vector<16xf32>
        %swap3A_708 = arith.index_cast %scan3A_198 : i32 to index
        %swap3A_709 = arith.constant 496 : index
        %swap3A_710 = tpu.vector_load %arg9[%swap3A_708, %swap3A_709] {strides = array<i32>} : memref<16x1024xf32, #tpu.memory_space<vmem>>, vector<1x16xf32>,
        %swap3A_711 = vector.shape_cast %swap3A_710 : vector<1x16xf32> to vector<16xf32>
        %swap3A_712 = vector.shape_cast %add3A_707 : vector<16xf32> to vector<1x16xf32>
        tpu.vector_store %arg9[%swap3A_708, %swap3A_709], %swap3A_712 {strides = array<i32>} : memref<16x1024xf32, #tpu.memory_space<vmem>>, vector<1x16xf32>,
        %mul3A_713 = arith.constant 2 : i32
        %mul3A_714 = arith.muli %mul3A_713, %scan3A_198 : i32
        %add3A_715 = arith.constant 1 : i32
        %add3A_716 = arith.addi %mul3A_714, %add3A_715 : i32
        %get3A_717 = arith.index_cast %scan3A_198 : i32 to index
        %get3A_718 = arith.constant 512 : index
        %get3A_719 = tpu.vector_load %arg9[%get3A_717, %get3A_718] {strides = array<i32>} : memref<16x1024xf32, #tpu.memory_space<vmem>>, vector<1x16xf32>,
        %get3A_720 = vector.shape_cast %get3A_719 : vector<1x16xf32> to vector<16xf32>
        %get3A_721 = arith.index_cast %scan3A_198 : i32 to index
        %get3A_722 = arith.constant 768 : index
        %get3A_723 = tpu.vector_load %arg9[%get3A_721, %get3A_722] {strides = array<i32>} : memref<16x1024xf32, #tpu.memory_space<vmem>>, vector<1x16xf32>,
        %get3A_724 = vector.shape_cast %get3A_723 : vector<1x16xf32> to vector<16xf32>
        %get3A_725 = arith.index_cast %add3A_716 : i32 to index
        %get3A_726 = arith.constant 0 : index
        %get3A_727 = tpu.vector_load %arg7[%get3A_725, %get3A_726] {strides = array<i32>} : memref<32x512xf32, #tpu.memory_space<vmem>>, vector<1x16xf32>,
        %get3A_728 = vector.shape_cast %get3A_727 : vector<1x16xf32> to vector<16xf32>
        %get3A_729 = arith.index_cast %add3A_716 : i32 to index
        %get3A_730 = arith.constant 256 : index
        %get3A_731 = tpu.vector_load %arg7[%get3A_729, %get3A_730] {strides = array<i32>} : memref<32x512xf32, #tpu.memory_space<vmem>>, vector<1x16xf32>,
        %get3A_732 = vector.shape_cast %get3A_731 : vector<1x16xf32> to vector<16xf32>
        %mul3A_733 = arith.mulf %get3A_720, %get3A_728 : vector<16xf32>
        %mul3A_734 = arith.mulf %get3A_724, %get3A_732 : vector<16xf32>
        %sub3A_735 = arith.subf %mul3A_733, %mul3A_734 : vector<16xf32>
        %swap3A_736 = arith.index_cast %scan3A_198 : i32 to index
        %swap3A_737 = arith.constant 512 : index
        %swap3A_738 = tpu.vector_load %arg9[%swap3A_736, %swap3A_737] {strides = array<i32>} : memref<16x1024xf32, #tpu.memory_space<vmem>>, vector<1x16xf32>,
        %swap3A_739 = vector.shape_cast %swap3A_738 : vector<1x16xf32> to vector<16xf32>
        %swap3A_740 = vector.shape_cast %sub3A_735 : vector<16xf32> to vector<1x16xf32>
        tpu.vector_store %arg9[%swap3A_736, %swap3A_737], %swap3A_740 {strides = array<i32>} : memref<16x1024xf32, #tpu.memory_space<vmem>>, vector<1x16xf32>,
        %mul3A_741 = arith.mulf %get3A_724, %get3A_728 : vector<16xf32>
        %mul3A_742 = arith.mulf %get3A_720, %get3A_732 : vector<16xf32>
        %add3A_743 = arith.addf %mul3A_741, %mul3A_742 : vector<16xf32>
        %swap3A_744 = arith.index_cast %scan3A_198 : i32 to index
        %swap3A_745 = arith.constant 768 : index
        %swap3A_746 = tpu.vector_load %arg9[%swap3A_744, %swap3A_745] {strides = array<i32>} : memref<16x1024xf32, #tpu.memory_space<vmem>>, vector<1x16xf32>,
        %swap3A_747 = vector.shape_cast %swap3A_746 : vector<1x16xf32> to vector<16xf32>
        %swap3A_748 = vector.shape_cast %add3A_743 : vector<16xf32> to vector<1x16xf32>
        tpu.vector_store %arg9[%swap3A_744, %swap3A_745], %swap3A_748 {strides = array<i32>} : memref<16x1024xf32, #tpu.memory_space<vmem>>, vector<1x16xf32>,
        %get3A_749 = arith.index_cast %scan3A_198 : i32 to index
        %get3A_750 = arith.constant 528 : index
        %get3A_751 = tpu.vector_load %arg9[%get3A_749, %get3A_750] {strides = array<i32>} : memref<16x1024xf32, #tpu.memory_space<vmem>>, vector<1x16xf32>,
        %get3A_752 = vector.shape_cast %get3A_751 : vector<1x16xf32> to vector<16xf32>
        %get3A_753 = arith.index_cast %scan3A_198 : i32 to index
        %get3A_754 = arith.constant 784 : index
        %get3A_755 = tpu.vector_load %arg9[%get3A_753, %get3A_754] {strides = array<i32>} : memref<16x1024xf32, #tpu.memory_space<vmem>>, vector<1x16xf32>,
        %get3A_756 = vector.shape_cast %get3A_755 : vector<1x16xf32> to vector<16xf32>
        %get3A_757 = arith.index_cast %add3A_716 : i32 to index
        %get3A_758 = arith.constant 16 : index
        %get3A_759 = tpu.vector_load %arg7[%get3A_757, %get3A_758] {strides = array<i32>} : memref<32x512xf32, #tpu.memory_space<vmem>>, vector<1x16xf32>,
        %get3A_760 = vector.shape_cast %get3A_759 : vector<1x16xf32> to vector<16xf32>
        %get3A_761 = arith.index_cast %add3A_716 : i32 to index
        %get3A_762 = arith.constant 272 : index
        %get3A_763 = tpu.vector_load %arg7[%get3A_761, %get3A_762] {strides = array<i32>} : memref<32x512xf32, #tpu.memory_space<vmem>>, vector<1x16xf32>,
        %get3A_764 = vector.shape_cast %get3A_763 : vector<1x16xf32> to vector<16xf32>
        %mul3A_765 = arith.mulf %get3A_752, %get3A_760 : vector<16xf32>
        %mul3A_766 = arith.mulf %get3A_756, %get3A_764 : vector<16xf32>
        %sub3A_767 = arith.subf %mul3A_765, %mul3A_766 : vector<16xf32>
        %swap3A_768 = arith.index_cast %scan3A_198 : i32 to index
        %swap3A_769 = arith.constant 528 : index
        %swap3A_770 = tpu.vector_load %arg9[%swap3A_768, %swap3A_769] {strides = array<i32>} : memref<16x1024xf32, #tpu.memory_space<vmem>>, vector<1x16xf32>,
        %swap3A_771 = vector.shape_cast %swap3A_770 : vector<1x16xf32> to vector<16xf32>
        %swap3A_772 = vector.shape_cast %sub3A_767 : vector<16xf32> to vector<1x16xf32>
        tpu.vector_store %arg9[%swap3A_768, %swap3A_769], %swap3A_772 {strides = array<i32>} : memref<16x1024xf32, #tpu.memory_space<vmem>>, vector<1x16xf32>,
        %mul3A_773 = arith.mulf %get3A_756, %get3A_760 : vector<16xf32>
        %mul3A_774 = arith.mulf %get3A_752, %get3A_764 : vector<16xf32>
        %add3A_775 = arith.addf %mul3A_773, %mul3A_774 : vector<16xf32>
        %swap3A_776 = arith.index_cast %scan3A_198 : i32 to index
        %swap3A_777 = arith.constant 784 : index
        %swap3A_778 = tpu.vector_load %arg9[%swap3A_776, %swap3A_777] {strides = array<i32>} : memref<16x1024xf32, #tpu.memory_space<vmem>>, vector<1x16xf32>,
        %swap3A_779 = vector.shape_cast %swap3A_778 : vector<1x16xf32> to vector<16xf32>
        %swap3A_780 = vector.shape_cast %add3A_775 : vector<16xf32> to vector<1x16xf32>
        tpu.vector_store %arg9[%swap3A_776, %swap3A_777], %swap3A_780 {strides = array<i32>} : memref<16x1024xf32, #tpu.memory_space<vmem>>, vector<1x16xf32>,
        %get3A_781 = arith.index_cast %scan3A_198 : i32 to index
        %get3A_782 = arith.constant 544 : index
        %get3A_783 = tpu.vector_load %arg9[%get3A_781, %get3A_782] {strides = array<i32>} : memref<16x1024xf32, #tpu.memory_space<vmem>>, vector<1x16xf32>,
        %get3A_784 = vector.shape_cast %get3A_783 : vector<1x16xf32> to vector<16xf32>
        %get3A_785 = arith.index_cast %scan3A_198 : i32 to index
        %get3A_786 = arith.constant 800 : index
        %get3A_787 = tpu.vector_load %arg9[%get3A_785, %get3A_786] {strides = array<i32>} : memref<16x1024xf32, #tpu.memory_space<vmem>>, vector<1x16xf32>,
        %get3A_788 = vector.shape_cast %get3A_787 : vector<1x16xf32> to vector<16xf32>
        %get3A_789 = arith.index_cast %add3A_716 : i32 to index
        %get3A_790 = arith.constant 32 : index
        %get3A_791 = tpu.vector_load %arg7[%get3A_789, %get3A_790] {strides = array<i32>} : memref<32x512xf32, #tpu.memory_space<vmem>>, vector<1x16xf32>,
        %get3A_792 = vector.shape_cast %get3A_791 : vector<1x16xf32> to vector<16xf32>
        %get3A_793 = arith.index_cast %add3A_716 : i32 to index
        %get3A_794 = arith.constant 288 : index
        %get3A_795 = tpu.vector_load %arg7[%get3A_793, %get3A_794] {strides = array<i32>} : memref<32x512xf32, #tpu.memory_space<vmem>>, vector<1x16xf32>,
        %get3A_796 = vector.shape_cast %get3A_795 : vector<1x16xf32> to vector<16xf32>
        %mul3A_797 = arith.mulf %get3A_784, %get3A_792 : vector<16xf32>
        %mul3A_798 = arith.mulf %get3A_788, %get3A_796 : vector<16xf32>
        %sub3A_799 = arith.subf %mul3A_797, %mul3A_798 : vector<16xf32>
        %swap3A_800 = arith.index_cast %scan3A_198 : i32 to index
        %swap3A_801 = arith.constant 544 : index
        %swap3A_802 = tpu.vector_load %arg9[%swap3A_800, %swap3A_801] {strides = array<i32>} : memref<16x1024xf32, #tpu.memory_space<vmem>>, vector<1x16xf32>,
        %swap3A_803 = vector.shape_cast %swap3A_802 : vector<1x16xf32> to vector<16xf32>
        %swap3A_804 = vector.shape_cast %sub3A_799 : vector<16xf32> to vector<1x16xf32>
        tpu.vector_store %arg9[%swap3A_800, %swap3A_801], %swap3A_804 {strides = array<i32>} : memref<16x1024xf32, #tpu.memory_space<vmem>>, vector<1x16xf32>,
        %mul3A_805 = arith.mulf %get3A_788, %get3A_792 : vector<16xf32>
        %mul3A_806 = arith.mulf %get3A_784, %get3A_796 : vector<16xf32>
        %add3A_807 = arith.addf %mul3A_805, %mul3A_806 : vector<16xf32>
        %swap3A_808 = arith.index_cast %scan3A_198 : i32 to index
        %swap3A_809 = arith.constant 800 : index
        %swap3A_810 = tpu.vector_load %arg9[%swap3A_808, %swap3A_809] {strides = array<i32>} : memref<16x1024xf32, #tpu.memory_space<vmem>>, vector<1x16xf32>,
        %swap3A_811 = vector.shape_cast %swap3A_810 : vector<1x16xf32> to vector<16xf32>
        %swap3A_812 = vector.shape_cast %add3A_807 : vector<16xf32> to vector<1x16xf32>
        tpu.vector_store %arg9[%swap3A_808, %swap3A_809], %swap3A_812 {strides = array<i32>} : memref<16x1024xf32, #tpu.memory_space<vmem>>, vector<1x16xf32>,
        %get3A_813 = arith.index_cast %scan3A_198 : i32 to index
        %get3A_814 = arith.constant 560 : index
        %get3A_815 = tpu.vector_load %arg9[%get3A_813, %get3A_814] {strides = array<i32>} : memref<16x1024xf32, #tpu.memory_space<vmem>>, vector<1x16xf32>,
        %get3A_816 = vector.shape_cast %get3A_815 : vector<1x16xf32> to vector<16xf32>
        %get3A_817 = arith.index_cast %scan3A_198 : i32 to index
        %get3A_818 = arith.constant 816 : index
        %get3A_819 = tpu.vector_load %arg9[%get3A_817, %get3A_818] {strides = array<i32>} : memref<16x1024xf32, #tpu.memory_space<vmem>>, vector<1x16xf32>,
        %get3A_820 = vector.shape_cast %get3A_819 : vector<1x16xf32> to vector<16xf32>
        %get3A_821 = arith.index_cast %add3A_716 : i32 to index
        %get3A_822 = arith.constant 48 : index
        %get3A_823 = tpu.vector_load %arg7[%get3A_821, %get3A_822] {strides = array<i32>} : memref<32x512xf32, #tpu.memory_space<vmem>>, vector<1x16xf32>,
        %get3A_824 = vector.shape_cast %get3A_823 : vector<1x16xf32> to vector<16xf32>
        %get3A_825 = arith.index_cast %add3A_716 : i32 to index
        %get3A_826 = arith.constant 304 : index
        %get3A_827 = tpu.vector_load %arg7[%get3A_825, %get3A_826] {strides = array<i32>} : memref<32x512xf32, #tpu.memory_space<vmem>>, vector<1x16xf32>,
        %get3A_828 = vector.shape_cast %get3A_827 : vector<1x16xf32> to vector<16xf32>
        %mul3A_829 = arith.mulf %get3A_816, %get3A_824 : vector<16xf32>
        %mul3A_830 = arith.mulf %get3A_820, %get3A_828 : vector<16xf32>
        %sub3A_831 = arith.subf %mul3A_829, %mul3A_830 : vector<16xf32>
        %swap3A_832 = arith.index_cast %scan3A_198 : i32 to index
        %swap3A_833 = arith.constant 560 : index
        %swap3A_834 = tpu.vector_load %arg9[%swap3A_832, %swap3A_833] {strides = array<i32>} : memref<16x1024xf32, #tpu.memory_space<vmem>>, vector<1x16xf32>,
        %swap3A_835 = vector.shape_cast %swap3A_834 : vector<1x16xf32> to vector<16xf32>
        %swap3A_836 = vector.shape_cast %sub3A_831 : vector<16xf32> to vector<1x16xf32>
        tpu.vector_store %arg9[%swap3A_832, %swap3A_833], %swap3A_836 {strides = array<i32>} : memref<16x1024xf32, #tpu.memory_space<vmem>>, vector<1x16xf32>,
        %mul3A_837 = arith.mulf %get3A_820, %get3A_824 : vector<16xf32>
        %mul3A_838 = arith.mulf %get3A_816, %get3A_828 : vector<16xf32>
        %add3A_839 = arith.addf %mul3A_837, %mul3A_838 : vector<16xf32>
        %swap3A_840 = arith.index_cast %scan3A_198 : i32 to index
        %swap3A_841 = arith.constant 816 : index
        %swap3A_842 = tpu.vector_load %arg9[%swap3A_840, %swap3A_841] {strides = array<i32>} : memref<16x1024xf32, #tpu.memory_space<vmem>>, vector<1x16xf32>,
        %swap3A_843 = vector.shape_cast %swap3A_842 : vector<1x16xf32> to vector<16xf32>
        %swap3A_844 = vector.shape_cast %add3A_839 : vector<16xf32> to vector<1x16xf32>
        tpu.vector_store %arg9[%swap3A_840, %swap3A_841], %swap3A_844 {strides = array<i32>} : memref<16x1024xf32, #tpu.memory_space<vmem>>, vector<1x16xf32>,
        %get3A_845 = arith.index_cast %scan3A_198 : i32 to index
        %get3A_846 = arith.constant 576 : index
        %get3A_847 = tpu.vector_load %arg9[%get3A_845, %get3A_846] {strides = array<i32>} : memref<16x1024xf32, #tpu.memory_space<vmem>>, vector<1x16xf32>,
        %get3A_848 = vector.shape_cast %get3A_847 : vector<1x16xf32> to vector<16xf32>
        %get3A_849 = arith.index_cast %scan3A_198 : i32 to index
        %get3A_850 = arith.constant 832 : index
        %get3A_851 = tpu.vector_load %arg9[%get3A_849, %get3A_850] {strides = array<i32>} : memref<16x1024xf32, #tpu.memory_space<vmem>>, vector<1x16xf32>,
        %get3A_852 = vector.shape_cast %get3A_851 : vector<1x16xf32> to vector<16xf32>
        %get3A_853 = arith.index_cast %add3A_716 : i32 to index
        %get3A_854 = arith.constant 64 : index
        %get3A_855 = tpu.vector_load %arg7[%get3A_853, %get3A_854] {strides = array<i32>} : memref<32x512xf32, #tpu.memory_space<vmem>>, vector<1x16xf32>,
        %get3A_856 = vector.shape_cast %get3A_855 : vector<1x16xf32> to vector<16xf32>
        %get3A_857 = arith.index_cast %add3A_716 : i32 to index
        %get3A_858 = arith.constant 320 : index
        %get3A_859 = tpu.vector_load %arg7[%get3A_857, %get3A_858] {strides = array<i32>} : memref<32x512xf32, #tpu.memory_space<vmem>>, vector<1x16xf32>,
        %get3A_860 = vector.shape_cast %get3A_859 : vector<1x16xf32> to vector<16xf32>
        %mul3A_861 = arith.mulf %get3A_848, %get3A_856 : vector<16xf32>
        %mul3A_862 = arith.mulf %get3A_852, %get3A_860 : vector<16xf32>
        %sub3A_863 = arith.subf %mul3A_861, %mul3A_862 : vector<16xf32>
        %swap3A_864 = arith.index_cast %scan3A_198 : i32 to index
        %swap3A_865 = arith.constant 576 : index
        %swap3A_866 = tpu.vector_load %arg9[%swap3A_864, %swap3A_865] {strides = array<i32>} : memref<16x1024xf32, #tpu.memory_space<vmem>>, vector<1x16xf32>,
        %swap3A_867 = vector.shape_cast %swap3A_866 : vector<1x16xf32> to vector<16xf32>
        %swap3A_868 = vector.shape_cast %sub3A_863 : vector<16xf32> to vector<1x16xf32>
        tpu.vector_store %arg9[%swap3A_864, %swap3A_865], %swap3A_868 {strides = array<i32>} : memref<16x1024xf32, #tpu.memory_space<vmem>>, vector<1x16xf32>,
        %mul3A_869 = arith.mulf %get3A_852, %get3A_856 : vector<16xf32>
        %mul3A_870 = arith.mulf %get3A_848, %get3A_860 : vector<16xf32>
        %add3A_871 = arith.addf %mul3A_869, %mul3A_870 : vector<16xf32>
        %swap3A_872 = arith.index_cast %scan3A_198 : i32 to index
        %swap3A_873 = arith.constant 832 : index
        %swap3A_874 = tpu.vector_load %arg9[%swap3A_872, %swap3A_873] {strides = array<i32>} : memref<16x1024xf32, #tpu.memory_space<vmem>>, vector<1x16xf32>,
        %swap3A_875 = vector.shape_cast %swap3A_874 : vector<1x16xf32> to vector<16xf32>
        %swap3A_876 = vector.shape_cast %add3A_871 : vector<16xf32> to vector<1x16xf32>
        tpu.vector_store %arg9[%swap3A_872, %swap3A_873], %swap3A_876 {strides = array<i32>} : memref<16x1024xf32, #tpu.memory_space<vmem>>, vector<1x16xf32>,
        %get3A_877 = arith.index_cast %scan3A_198 : i32 to index
        %get3A_878 = arith.constant 592 : index
        %get3A_879 = tpu.vector_load %arg9[%get3A_877, %get3A_878] {strides = array<i32>} : memref<16x1024xf32, #tpu.memory_space<vmem>>, vector<1x16xf32>,
        %get3A_880 = vector.shape_cast %get3A_879 : vector<1x16xf32> to vector<16xf32>
        %get3A_881 = arith.index_cast %scan3A_198 : i32 to index
        %get3A_882 = arith.constant 848 : index
        %get3A_883 = tpu.vector_load %arg9[%get3A_881, %get3A_882] {strides = array<i32>} : memref<16x1024xf32, #tpu.memory_space<vmem>>, vector<1x16xf32>,
        %get3A_884 = vector.shape_cast %get3A_883 : vector<1x16xf32> to vector<16xf32>
        %get3A_885 = arith.index_cast %add3A_716 : i32 to index
        %get3A_886 = arith.constant 80 : index
        %get3A_887 = tpu.vector_load %arg7[%get3A_885, %get3A_886] {strides = array<i32>} : memref<32x512xf32, #tpu.memory_space<vmem>>, vector<1x16xf32>,
        %get3A_888 = vector.shape_cast %get3A_887 : vector<1x16xf32> to vector<16xf32>
        %get3A_889 = arith.index_cast %add3A_716 : i32 to index
        %get3A_890 = arith.constant 336 : index
        %get3A_891 = tpu.vector_load %arg7[%get3A_889, %get3A_890] {strides = array<i32>} : memref<32x512xf32, #tpu.memory_space<vmem>>, vector<1x16xf32>,
        %get3A_892 = vector.shape_cast %get3A_891 : vector<1x16xf32> to vector<16xf32>
        %mul3A_893 = arith.mulf %get3A_880, %get3A_888 : vector<16xf32>
        %mul3A_894 = arith.mulf %get3A_884, %get3A_892 : vector<16xf32>
        %sub3A_895 = arith.subf %mul3A_893, %mul3A_894 : vector<16xf32>
        %swap3A_896 = arith.index_cast %scan3A_198 : i32 to index
        %swap3A_897 = arith.constant 592 : index
        %swap3A_898 = tpu.vector_load %arg9[%swap3A_896, %swap3A_897] {strides = array<i32>} : memref<16x1024xf32, #tpu.memory_space<vmem>>, vector<1x16xf32>,
        %swap3A_899 = vector.shape_cast %swap3A_898 : vector<1x16xf32> to vector<16xf32>
        %swap3A_900 = vector.shape_cast %sub3A_895 : vector<16xf32> to vector<1x16xf32>
        tpu.vector_store %arg9[%swap3A_896, %swap3A_897], %swap3A_900 {strides = array<i32>} : memref<16x1024xf32, #tpu.memory_space<vmem>>, vector<1x16xf32>,
        %mul3A_901 = arith.mulf %get3A_884, %get3A_888 : vector<16xf32>
        %mul3A_902 = arith.mulf %get3A_880, %get3A_892 : vector<16xf32>
        %add3A_903 = arith.addf %mul3A_901, %mul3A_902 : vector<16xf32>
        %swap3A_904 = arith.index_cast %scan3A_198 : i32 to index
        %swap3A_905 = arith.constant 848 : index
        %swap3A_906 = tpu.vector_load %arg9[%swap3A_904, %swap3A_905] {strides = array<i32>} : memref<16x1024xf32, #tpu.memory_space<vmem>>, vector<1x16xf32>,
        %swap3A_907 = vector.shape_cast %swap3A_906 : vector<1x16xf32> to vector<16xf32>
        %swap3A_908 = vector.shape_cast %add3A_903 : vector<16xf32> to vector<1x16xf32>
        tpu.vector_store %arg9[%swap3A_904, %swap3A_905], %swap3A_908 {strides = array<i32>} : memref<16x1024xf32, #tpu.memory_space<vmem>>, vector<1x16xf32>,
        %get3A_909 = arith.index_cast %scan3A_198 : i32 to index
        %get3A_910 = arith.constant 608 : index
        %get3A_911 = tpu.vector_load %arg9[%get3A_909, %get3A_910] {strides = array<i32>} : memref<16x1024xf32, #tpu.memory_space<vmem>>, vector<1x16xf32>,
        %get3A_912 = vector.shape_cast %get3A_911 : vector<1x16xf32> to vector<16xf32>
        %get3A_913 = arith.index_cast %scan3A_198 : i32 to index
        %get3A_914 = arith.constant 864 : index
        %get3A_915 = tpu.vector_load %arg9[%get3A_913, %get3A_914] {strides = array<i32>} : memref<16x1024xf32, #tpu.memory_space<vmem>>, vector<1x16xf32>,
        %get3A_916 = vector.shape_cast %get3A_915 : vector<1x16xf32> to vector<16xf32>
        %get3A_917 = arith.index_cast %add3A_716 : i32 to index
        %get3A_918 = arith.constant 96 : index
        %get3A_919 = tpu.vector_load %arg7[%get3A_917, %get3A_918] {strides = array<i32>} : memref<32x512xf32, #tpu.memory_space<vmem>>, vector<1x16xf32>,
        %get3A_920 = vector.shape_cast %get3A_919 : vector<1x16xf32> to vector<16xf32>
        %get3A_921 = arith.index_cast %add3A_716 : i32 to index
        %get3A_922 = arith.constant 352 : index
        %get3A_923 = tpu.vector_load %arg7[%get3A_921, %get3A_922] {strides = array<i32>} : memref<32x512xf32, #tpu.memory_space<vmem>>, vector<1x16xf32>,
        %get3A_924 = vector.shape_cast %get3A_923 : vector<1x16xf32> to vector<16xf32>
        %mul3A_925 = arith.mulf %get3A_912, %get3A_920 : vector<16xf32>
        %mul3A_926 = arith.mulf %get3A_916, %get3A_924 : vector<16xf32>
        %sub3A_927 = arith.subf %mul3A_925, %mul3A_926 : vector<16xf32>
        %swap3A_928 = arith.index_cast %scan3A_198 : i32 to index
        %swap3A_929 = arith.constant 608 : index
        %swap3A_930 = tpu.vector_load %arg9[%swap3A_928, %swap3A_929] {strides = array<i32>} : memref<16x1024xf32, #tpu.memory_space<vmem>>, vector<1x16xf32>,
        %swap3A_931 = vector.shape_cast %swap3A_930 : vector<1x16xf32> to vector<16xf32>
        %swap3A_932 = vector.shape_cast %sub3A_927 : vector<16xf32> to vector<1x16xf32>
        tpu.vector_store %arg9[%swap3A_928, %swap3A_929], %swap3A_932 {strides = array<i32>} : memref<16x1024xf32, #tpu.memory_space<vmem>>, vector<1x16xf32>,
        %mul3A_933 = arith.mulf %get3A_916, %get3A_920 : vector<16xf32>
        %mul3A_934 = arith.mulf %get3A_912, %get3A_924 : vector<16xf32>
        %add3A_935 = arith.addf %mul3A_933, %mul3A_934 : vector<16xf32>
        %swap3A_936 = arith.index_cast %scan3A_198 : i32 to index
        %swap3A_937 = arith.constant 864 : index
        %swap3A_938 = tpu.vector_load %arg9[%swap3A_936, %swap3A_937] {strides = array<i32>} : memref<16x1024xf32, #tpu.memory_space<vmem>>, vector<1x16xf32>,
        %swap3A_939 = vector.shape_cast %swap3A_938 : vector<1x16xf32> to vector<16xf32>
        %swap3A_940 = vector.shape_cast %add3A_935 : vector<16xf32> to vector<1x16xf32>
        tpu.vector_store %arg9[%swap3A_936, %swap3A_937], %swap3A_940 {strides = array<i32>} : memref<16x1024xf32, #tpu.memory_space<vmem>>, vector<1x16xf32>,
        %get3A_941 = arith.index_cast %scan3A_198 : i32 to index
        %get3A_942 = arith.constant 624 : index
        %get3A_943 = tpu.vector_load %arg9[%get3A_941, %get3A_942] {strides = array<i32>} : memref<16x1024xf32, #tpu.memory_space<vmem>>, vector<1x16xf32>,
        %get3A_944 = vector.shape_cast %get3A_943 : vector<1x16xf32> to vector<16xf32>
        %get3A_945 = arith.index_cast %scan3A_198 : i32 to index
        %get3A_946 = arith.constant 880 : index
        %get3A_947 = tpu.vector_load %arg9[%get3A_945, %get3A_946] {strides = array<i32>} : memref<16x1024xf32, #tpu.memory_space<vmem>>, vector<1x16xf32>,
        %get3A_948 = vector.shape_cast %get3A_947 : vector<1x16xf32> to vector<16xf32>
        %get3A_949 = arith.index_cast %add3A_716 : i32 to index
        %get3A_950 = arith.constant 112 : index
        %get3A_951 = tpu.vector_load %arg7[%get3A_949, %get3A_950] {strides = array<i32>} : memref<32x512xf32, #tpu.memory_space<vmem>>, vector<1x16xf32>,
        %get3A_952 = vector.shape_cast %get3A_951 : vector<1x16xf32> to vector<16xf32>
        %get3A_953 = arith.index_cast %add3A_716 : i32 to index
        %get3A_954 = arith.constant 368 : index
        %get3A_955 = tpu.vector_load %arg7[%get3A_953, %get3A_954] {strides = array<i32>} : memref<32x512xf32, #tpu.memory_space<vmem>>, vector<1x16xf32>,
        %get3A_956 = vector.shape_cast %get3A_955 : vector<1x16xf32> to vector<16xf32>
        %mul3A_957 = arith.mulf %get3A_944, %get3A_952 : vector<16xf32>
        %mul3A_958 = arith.mulf %get3A_948, %get3A_956 : vector<16xf32>
        %sub3A_959 = arith.subf %mul3A_957, %mul3A_958 : vector<16xf32>
        %swap3A_960 = arith.index_cast %scan3A_198 : i32 to index
        %swap3A_961 = arith.constant 624 : index
        %swap3A_962 = tpu.vector_load %arg9[%swap3A_960, %swap3A_961] {strides = array<i32>} : memref<16x1024xf32, #tpu.memory_space<vmem>>, vector<1x16xf32>,
        %swap3A_963 = vector.shape_cast %swap3A_962 : vector<1x16xf32> to vector<16xf32>
        %swap3A_964 = vector.shape_cast %sub3A_959 : vector<16xf32> to vector<1x16xf32>
        tpu.vector_store %arg9[%swap3A_960, %swap3A_961], %swap3A_964 {strides = array<i32>} : memref<16x1024xf32, #tpu.memory_space<vmem>>, vector<1x16xf32>,
        %mul3A_965 = arith.mulf %get3A_948, %get3A_952 : vector<16xf32>
        %mul3A_966 = arith.mulf %get3A_944, %get3A_956 : vector<16xf32>
        %add3A_967 = arith.addf %mul3A_965, %mul3A_966 : vector<16xf32>
        %swap3A_968 = arith.index_cast %scan3A_198 : i32 to index
        %swap3A_969 = arith.constant 880 : index
        %swap3A_970 = tpu.vector_load %arg9[%swap3A_968, %swap3A_969] {strides = array<i32>} : memref<16x1024xf32, #tpu.memory_space<vmem>>, vector<1x16xf32>,
        %swap3A_971 = vector.shape_cast %swap3A_970 : vector<1x16xf32> to vector<16xf32>
        %swap3A_972 = vector.shape_cast %add3A_967 : vector<16xf32> to vector<1x16xf32>
        tpu.vector_store %arg9[%swap3A_968, %swap3A_969], %swap3A_972 {strides = array<i32>} : memref<16x1024xf32, #tpu.memory_space<vmem>>, vector<1x16xf32>,
        %get3A_973 = arith.index_cast %scan3A_198 : i32 to index
        %get3A_974 = arith.constant 640 : index
        %get3A_975 = tpu.vector_load %arg9[%get3A_973, %get3A_974] {strides = array<i32>} : memref<16x1024xf32, #tpu.memory_space<vmem>>, vector<1x16xf32>,
        %get3A_976 = vector.shape_cast %get3A_975 : vector<1x16xf32> to vector<16xf32>
        %get3A_977 = arith.index_cast %scan3A_198 : i32 to index
        %get3A_978 = arith.constant 896 : index
        %get3A_979 = tpu.vector_load %arg9[%get3A_977, %get3A_978] {strides = array<i32>} : memref<16x1024xf32, #tpu.memory_space<vmem>>, vector<1x16xf32>,
        %get3A_980 = vector.shape_cast %get3A_979 : vector<1x16xf32> to vector<16xf32>
        %get3A_981 = arith.index_cast %add3A_716 : i32 to index
        %get3A_982 = arith.constant 128 : index
        %get3A_983 = tpu.vector_load %arg7[%get3A_981, %get3A_982] {strides = array<i32>} : memref<32x512xf32, #tpu.memory_space<vmem>>, vector<1x16xf32>,
        %get3A_984 = vector.shape_cast %get3A_983 : vector<1x16xf32> to vector<16xf32>
        %get3A_985 = arith.index_cast %add3A_716 : i32 to index
        %get3A_986 = arith.constant 384 : index
        %get3A_987 = tpu.vector_load %arg7[%get3A_985, %get3A_986] {strides = array<i32>} : memref<32x512xf32, #tpu.memory_space<vmem>>, vector<1x16xf32>,
        %get3A_988 = vector.shape_cast %get3A_987 : vector<1x16xf32> to vector<16xf32>
        %mul3A_989 = arith.mulf %get3A_976, %get3A_984 : vector<16xf32>
        %mul3A_990 = arith.mulf %get3A_980, %get3A_988 : vector<16xf32>
        %sub3A_991 = arith.subf %mul3A_989, %mul3A_990 : vector<16xf32>
        %swap3A_992 = arith.index_cast %scan3A_198 : i32 to index
        %swap3A_993 = arith.constant 640 : index
        %swap3A_994 = tpu.vector_load %arg9[%swap3A_992, %swap3A_993] {strides = array<i32>} : memref<16x1024xf32, #tpu.memory_space<vmem>>, vector<1x16xf32>,
        %swap3A_995 = vector.shape_cast %swap3A_994 : vector<1x16xf32> to vector<16xf32>
        %swap3A_996 = vector.shape_cast %sub3A_991 : vector<16xf32> to vector<1x16xf32>
        tpu.vector_store %arg9[%swap3A_992, %swap3A_993], %swap3A_996 {strides = array<i32>} : memref<16x1024xf32, #tpu.memory_space<vmem>>, vector<1x16xf32>,
        %mul3A_997 = arith.mulf %get3A_980, %get3A_984 : vector<16xf32>
        %mul3A_998 = arith.mulf %get3A_976, %get3A_988 : vector<16xf32>
        %add3A_999 = arith.addf %mul3A_997, %mul3A_998 : vector<16xf32>
        %swap3A_1000 = arith.index_cast %scan3A_198 : i32 to index
        %swap3A_1001 = arith.constant 896 : index
        %swap3A_1002 = tpu.vector_load %arg9[%swap3A_1000, %swap3A_1001] {strides = array<i32>} : memref<16x1024xf32, #tpu.memory_space<vmem>>, vector<1x16xf32>,
        %swap3A_1003 = vector.shape_cast %swap3A_1002 : vector<1x16xf32> to vector<16xf32>
        %swap3A_1004 = vector.shape_cast %add3A_999 : vector<16xf32> to vector<1x16xf32>
        tpu.vector_store %arg9[%swap3A_1000, %swap3A_1001], %swap3A_1004 {strides = array<i32>} : memref<16x1024xf32, #tpu.memory_space<vmem>>, vector<1x16xf32>,
        %get3A_1005 = arith.index_cast %scan3A_198 : i32 to index
        %get3A_1006 = arith.constant 656 : index
        %get3A_1007 = tpu.vector_load %arg9[%get3A_1005, %get3A_1006] {strides = array<i32>} : memref<16x1024xf32, #tpu.memory_space<vmem>>, vector<1x16xf32>,
        %get3A_1008 = vector.shape_cast %get3A_1007 : vector<1x16xf32> to vector<16xf32>
        %get3A_1009 = arith.index_cast %scan3A_198 : i32 to index
        %get3A_1010 = arith.constant 912 : index
        %get3A_1011 = tpu.vector_load %arg9[%get3A_1009, %get3A_1010] {strides = array<i32>} : memref<16x1024xf32, #tpu.memory_space<vmem>>, vector<1x16xf32>,
        %get3A_1012 = vector.shape_cast %get3A_1011 : vector<1x16xf32> to vector<16xf32>
        %get3A_1013 = arith.index_cast %add3A_716 : i32 to index
        %get3A_1014 = arith.constant 144 : index
        %get3A_1015 = tpu.vector_load %arg7[%get3A_1013, %get3A_1014] {strides = array<i32>} : memref<32x512xf32, #tpu.memory_space<vmem>>, vector<1x16xf32>,
        %get3A_1016 = vector.shape_cast %get3A_1015 : vector<1x16xf32> to vector<16xf32>
        %get3A_1017 = arith.index_cast %add3A_716 : i32 to index
        %get3A_1018 = arith.constant 400 : index
        %get3A_1019 = tpu.vector_load %arg7[%get3A_1017, %get3A_1018] {strides = array<i32>} : memref<32x512xf32, #tpu.memory_space<vmem>>, vector<1x16xf32>,
        %get3A_1020 = vector.shape_cast %get3A_1019 : vector<1x16xf32> to vector<16xf32>
        %mul3A_1021 = arith.mulf %get3A_1008, %get3A_1016 : vector<16xf32>
        %mul3A_1022 = arith.mulf %get3A_1012, %get3A_1020 : vector<16xf32>
        %sub3A_1023 = arith.subf %mul3A_1021, %mul3A_1022 : vector<16xf32>
        %swap3A_1024 = arith.index_cast %scan3A_198 : i32 to index
        %swap3A_1025 = arith.constant 656 : index
        %swap3A_1026 = tpu.vector_load %arg9[%swap3A_1024, %swap3A_1025] {strides = array<i32>} : memref<16x1024xf32, #tpu.memory_space<vmem>>, vector<1x16xf32>,
        %swap3A_1027 = vector.shape_cast %swap3A_1026 : vector<1x16xf32> to vector<16xf32>
        %swap3A_1028 = vector.shape_cast %sub3A_1023 : vector<16xf32> to vector<1x16xf32>
        tpu.vector_store %arg9[%swap3A_1024, %swap3A_1025], %swap3A_1028 {strides = array<i32>} : memref<16x1024xf32, #tpu.memory_space<vmem>>, vector<1x16xf32>,
        %mul3A_1029 = arith.mulf %get3A_1012, %get3A_1016 : vector<16xf32>
        %mul3A_1030 = arith.mulf %get3A_1008, %get3A_1020 : vector<16xf32>
        %add3A_1031 = arith.addf %mul3A_1029, %mul3A_1030 : vector<16xf32>
        %swap3A_1032 = arith.index_cast %scan3A_198 : i32 to index
        %swap3A_1033 = arith.constant 912 : index
        %swap3A_1034 = tpu.vector_load %arg9[%swap3A_1032, %swap3A_1033] {strides = array<i32>} : memref<16x1024xf32, #tpu.memory_space<vmem>>, vector<1x16xf32>,
        %swap3A_1035 = vector.shape_cast %swap3A_1034 : vector<1x16xf32> to vector<16xf32>
        %swap3A_1036 = vector.shape_cast %add3A_1031 : vector<16xf32> to vector<1x16xf32>
        tpu.vector_store %arg9[%swap3A_1032, %swap3A_1033], %swap3A_1036 {strides = array<i32>} : memref<16x1024xf32, #tpu.memory_space<vmem>>, vector<1x16xf32>,
        %get3A_1037 = arith.index_cast %scan3A_198 : i32 to index
        %get3A_1038 = arith.constant 672 : index
        %get3A_1039 = tpu.vector_load %arg9[%get3A_1037, %get3A_1038] {strides = array<i32>} : memref<16x1024xf32, #tpu.memory_space<vmem>>, vector<1x16xf32>,
        %get3A_1040 = vector.shape_cast %get3A_1039 : vector<1x16xf32> to vector<16xf32>
        %get3A_1041 = arith.index_cast %scan3A_198 : i32 to index
        %get3A_1042 = arith.constant 928 : index
        %get3A_1043 = tpu.vector_load %arg9[%get3A_1041, %get3A_1042] {strides = array<i32>} : memref<16x1024xf32, #tpu.memory_space<vmem>>, vector<1x16xf32>,
        %get3A_1044 = vector.shape_cast %get3A_1043 : vector<1x16xf32> to vector<16xf32>
        %get3A_1045 = arith.index_cast %add3A_716 : i32 to index
        %get3A_1046 = arith.constant 160 : index
        %get3A_1047 = tpu.vector_load %arg7[%get3A_1045, %get3A_1046] {strides = array<i32>} : memref<32x512xf32, #tpu.memory_space<vmem>>, vector<1x16xf32>,
        %get3A_1048 = vector.shape_cast %get3A_1047 : vector<1x16xf32> to vector<16xf32>
        %get3A_1049 = arith.index_cast %add3A_716 : i32 to index
        %get3A_1050 = arith.constant 416 : index
        %get3A_1051 = tpu.vector_load %arg7[%get3A_1049, %get3A_1050] {strides = array<i32>} : memref<32x512xf32, #tpu.memory_space<vmem>>, vector<1x16xf32>,
        %get3A_1052 = vector.shape_cast %get3A_1051 : vector<1x16xf32> to vector<16xf32>
        %mul3A_1053 = arith.mulf %get3A_1040, %get3A_1048 : vector<16xf32>
        %mul3A_1054 = arith.mulf %get3A_1044, %get3A_1052 : vector<16xf32>
        %sub3A_1055 = arith.subf %mul3A_1053, %mul3A_1054 : vector<16xf32>
        %swap3A_1056 = arith.index_cast %scan3A_198 : i32 to index
        %swap3A_1057 = arith.constant 672 : index
        %swap3A_1058 = tpu.vector_load %arg9[%swap3A_1056, %swap3A_1057] {strides = array<i32>} : memref<16x1024xf32, #tpu.memory_space<vmem>>, vector<1x16xf32>,
        %swap3A_1059 = vector.shape_cast %swap3A_1058 : vector<1x16xf32> to vector<16xf32>
        %swap3A_1060 = vector.shape_cast %sub3A_1055 : vector<16xf32> to vector<1x16xf32>
        tpu.vector_store %arg9[%swap3A_1056, %swap3A_1057], %swap3A_1060 {strides = array<i32>} : memref<16x1024xf32, #tpu.memory_space<vmem>>, vector<1x16xf32>,
        %mul3A_1061 = arith.mulf %get3A_1044, %get3A_1048 : vector<16xf32>
        %mul3A_1062 = arith.mulf %get3A_1040, %get3A_1052 : vector<16xf32>
        %add3A_1063 = arith.addf %mul3A_1061, %mul3A_1062 : vector<16xf32>
        %swap3A_1064 = arith.index_cast %scan3A_198 : i32 to index
        %swap3A_1065 = arith.constant 928 : index
        %swap3A_1066 = tpu.vector_load %arg9[%swap3A_1064, %swap3A_1065] {strides = array<i32>} : memref<16x1024xf32, #tpu.memory_space<vmem>>, vector<1x16xf32>,
        %swap3A_1067 = vector.shape_cast %swap3A_1066 : vector<1x16xf32> to vector<16xf32>
        %swap3A_1068 = vector.shape_cast %add3A_1063 : vector<16xf32> to vector<1x16xf32>
        tpu.vector_store %arg9[%swap3A_1064, %swap3A_1065], %swap3A_1068 {strides = array<i32>} : memref<16x1024xf32, #tpu.memory_space<vmem>>, vector<1x16xf32>,
        %get3A_1069 = arith.index_cast %scan3A_198 : i32 to index
        %get3A_1070 = arith.constant 688 : index
        %get3A_1071 = tpu.vector_load %arg9[%get3A_1069, %get3A_1070] {strides = array<i32>} : memref<16x1024xf32, #tpu.memory_space<vmem>>, vector<1x16xf32>,
        %get3A_1072 = vector.shape_cast %get3A_1071 : vector<1x16xf32> to vector<16xf32>
        %get3A_1073 = arith.index_cast %scan3A_198 : i32 to index
        %get3A_1074 = arith.constant 944 : index
        %get3A_1075 = tpu.vector_load %arg9[%get3A_1073, %get3A_1074] {strides = array<i32>} : memref<16x1024xf32, #tpu.memory_space<vmem>>, vector<1x16xf32>,
        %get3A_1076 = vector.shape_cast %get3A_1075 : vector<1x16xf32> to vector<16xf32>
        %get3A_1077 = arith.index_cast %add3A_716 : i32 to index
        %get3A_1078 = arith.constant 176 : index
        %get3A_1079 = tpu.vector_load %arg7[%get3A_1077, %get3A_1078] {strides = array<i32>} : memref<32x512xf32, #tpu.memory_space<vmem>>, vector<1x16xf32>,
        %get3A_1080 = vector.shape_cast %get3A_1079 : vector<1x16xf32> to vector<16xf32>
        %get3A_1081 = arith.index_cast %add3A_716 : i32 to index
        %get3A_1082 = arith.constant 432 : index
        %get3A_1083 = tpu.vector_load %arg7[%get3A_1081, %get3A_1082] {strides = array<i32>} : memref<32x512xf32, #tpu.memory_space<vmem>>, vector<1x16xf32>,
        %get3A_1084 = vector.shape_cast %get3A_1083 : vector<1x16xf32> to vector<16xf32>
        %mul3A_1085 = arith.mulf %get3A_1072, %get3A_1080 : vector<16xf32>
        %mul3A_1086 = arith.mulf %get3A_1076, %get3A_1084 : vector<16xf32>
        %sub3A_1087 = arith.subf %mul3A_1085, %mul3A_1086 : vector<16xf32>
        %swap3A_1088 = arith.index_cast %scan3A_198 : i32 to index
        %swap3A_1089 = arith.constant 688 : index
        %swap3A_1090 = tpu.vector_load %arg9[%swap3A_1088, %swap3A_1089] {strides = array<i32>} : memref<16x1024xf32, #tpu.memory_space<vmem>>, vector<1x16xf32>,
        %swap3A_1091 = vector.shape_cast %swap3A_1090 : vector<1x16xf32> to vector<16xf32>
        %swap3A_1092 = vector.shape_cast %sub3A_1087 : vector<16xf32> to vector<1x16xf32>
        tpu.vector_store %arg9[%swap3A_1088, %swap3A_1089], %swap3A_1092 {strides = array<i32>} : memref<16x1024xf32, #tpu.memory_space<vmem>>, vector<1x16xf32>,
        %mul3A_1093 = arith.mulf %get3A_1076, %get3A_1080 : vector<16xf32>
        %mul3A_1094 = arith.mulf %get3A_1072, %get3A_1084 : vector<16xf32>
        %add3A_1095 = arith.addf %mul3A_1093, %mul3A_1094 : vector<16xf32>
        %swap3A_1096 = arith.index_cast %scan3A_198 : i32 to index
        %swap3A_1097 = arith.constant 944 : index
        %swap3A_1098 = tpu.vector_load %arg9[%swap3A_1096, %swap3A_1097] {strides = array<i32>} : memref<16x1024xf32, #tpu.memory_space<vmem>>, vector<1x16xf32>,
        %swap3A_1099 = vector.shape_cast %swap3A_1098 : vector<1x16xf32> to vector<16xf32>
        %swap3A_1100 = vector.shape_cast %add3A_1095 : vector<16xf32> to vector<1x16xf32>
        tpu.vector_store %arg9[%swap3A_1096, %swap3A_1097], %swap3A_1100 {strides = array<i32>} : memref<16x1024xf32, #tpu.memory_space<vmem>>, vector<1x16xf32>,
        %get3A_1101 = arith.index_cast %scan3A_198 : i32 to index
        %get3A_1102 = arith.constant 704 : index
        %get3A_1103 = tpu.vector_load %arg9[%get3A_1101, %get3A_1102] {strides = array<i32>} : memref<16x1024xf32, #tpu.memory_space<vmem>>, vector<1x16xf32>,
        %get3A_1104 = vector.shape_cast %get3A_1103 : vector<1x16xf32> to vector<16xf32>
        %get3A_1105 = arith.index_cast %scan3A_198 : i32 to index
        %get3A_1106 = arith.constant 960 : index
        %get3A_1107 = tpu.vector_load %arg9[%get3A_1105, %get3A_1106] {strides = array<i32>} : memref<16x1024xf32, #tpu.memory_space<vmem>>, vector<1x16xf32>,
        %get3A_1108 = vector.shape_cast %get3A_1107 : vector<1x16xf32> to vector<16xf32>
        %get3A_1109 = arith.index_cast %add3A_716 : i32 to index
        %get3A_1110 = arith.constant 192 : index
        %get3A_1111 = tpu.vector_load %arg7[%get3A_1109, %get3A_1110] {strides = array<i32>} : memref<32x512xf32, #tpu.memory_space<vmem>>, vector<1x16xf32>,
        %get3A_1112 = vector.shape_cast %get3A_1111 : vector<1x16xf32> to vector<16xf32>
        %get3A_1113 = arith.index_cast %add3A_716 : i32 to index
        %get3A_1114 = arith.constant 448 : index
        %get3A_1115 = tpu.vector_load %arg7[%get3A_1113, %get3A_1114] {strides = array<i32>} : memref<32x512xf32, #tpu.memory_space<vmem>>, vector<1x16xf32>,
        %get3A_1116 = vector.shape_cast %get3A_1115 : vector<1x16xf32> to vector<16xf32>
        %mul3A_1117 = arith.mulf %get3A_1104, %get3A_1112 : vector<16xf32>
        %mul3A_1118 = arith.mulf %get3A_1108, %get3A_1116 : vector<16xf32>
        %sub3A_1119 = arith.subf %mul3A_1117, %mul3A_1118 : vector<16xf32>
        %swap3A_1120 = arith.index_cast %scan3A_198 : i32 to index
        %swap3A_1121 = arith.constant 704 : index
        %swap3A_1122 = tpu.vector_load %arg9[%swap3A_1120, %swap3A_1121] {strides = array<i32>} : memref<16x1024xf32, #tpu.memory_space<vmem>>, vector<1x16xf32>,
        %swap3A_1123 = vector.shape_cast %swap3A_1122 : vector<1x16xf32> to vector<16xf32>
        %swap3A_1124 = vector.shape_cast %sub3A_1119 : vector<16xf32> to vector<1x16xf32>
        tpu.vector_store %arg9[%swap3A_1120, %swap3A_1121], %swap3A_1124 {strides = array<i32>} : memref<16x1024xf32, #tpu.memory_space<vmem>>, vector<1x16xf32>,
        %mul3A_1125 = arith.mulf %get3A_1108, %get3A_1112 : vector<16xf32>
        %mul3A_1126 = arith.mulf %get3A_1104, %get3A_1116 : vector<16xf32>
        %add3A_1127 = arith.addf %mul3A_1125, %mul3A_1126 : vector<16xf32>
        %swap3A_1128 = arith.index_cast %scan3A_198 : i32 to index
        %swap3A_1129 = arith.constant 960 : index
        %swap3A_1130 = tpu.vector_load %arg9[%swap3A_1128, %swap3A_1129] {strides = array<i32>} : memref<16x1024xf32, #tpu.memory_space<vmem>>, vector<1x16xf32>,
        %swap3A_1131 = vector.shape_cast %swap3A_1130 : vector<1x16xf32> to vector<16xf32>
        %swap3A_1132 = vector.shape_cast %add3A_1127 : vector<16xf32> to vector<1x16xf32>
        tpu.vector_store %arg9[%swap3A_1128, %swap3A_1129], %swap3A_1132 {strides = array<i32>} : memref<16x1024xf32, #tpu.memory_space<vmem>>, vector<1x16xf32>,
        %get3A_1133 = arith.index_cast %scan3A_198 : i32 to index
        %get3A_1134 = arith.constant 720 : index
        %get3A_1135 = tpu.vector_load %arg9[%get3A_1133, %get3A_1134] {strides = array<i32>} : memref<16x1024xf32, #tpu.memory_space<vmem>>, vector<1x16xf32>,
        %get3A_1136 = vector.shape_cast %get3A_1135 : vector<1x16xf32> to vector<16xf32>
        %get3A_1137 = arith.index_cast %scan3A_198 : i32 to index
        %get3A_1138 = arith.constant 976 : index
        %get3A_1139 = tpu.vector_load %arg9[%get3A_1137, %get3A_1138] {strides = array<i32>} : memref<16x1024xf32, #tpu.memory_space<vmem>>, vector<1x16xf32>,
        %get3A_1140 = vector.shape_cast %get3A_1139 : vector<1x16xf32> to vector<16xf32>
        %get3A_1141 = arith.index_cast %add3A_716 : i32 to index
        %get3A_1142 = arith.constant 208 : index
        %get3A_1143 = tpu.vector_load %arg7[%get3A_1141, %get3A_1142] {strides = array<i32>} : memref<32x512xf32, #tpu.memory_space<vmem>>, vector<1x16xf32>,
        %get3A_1144 = vector.shape_cast %get3A_1143 : vector<1x16xf32> to vector<16xf32>
        %get3A_1145 = arith.index_cast %add3A_716 : i32 to index
        %get3A_1146 = arith.constant 464 : index
        %get3A_1147 = tpu.vector_load %arg7[%get3A_1145, %get3A_1146] {strides = array<i32>} : memref<32x512xf32, #tpu.memory_space<vmem>>, vector<1x16xf32>,
        %get3A_1148 = vector.shape_cast %get3A_1147 : vector<1x16xf32> to vector<16xf32>
        %mul3A_1149 = arith.mulf %get3A_1136, %get3A_1144 : vector<16xf32>
        %mul3A_1150 = arith.mulf %get3A_1140, %get3A_1148 : vector<16xf32>
        %sub3A_1151 = arith.subf %mul3A_1149, %mul3A_1150 : vector<16xf32>
        %swap3A_1152 = arith.index_cast %scan3A_198 : i32 to index
        %swap3A_1153 = arith.constant 720 : index
        %swap3A_1154 = tpu.vector_load %arg9[%swap3A_1152, %swap3A_1153] {strides = array<i32>} : memref<16x1024xf32, #tpu.memory_space<vmem>>, vector<1x16xf32>,
        %swap3A_1155 = vector.shape_cast %swap3A_1154 : vector<1x16xf32> to vector<16xf32>
        %swap3A_1156 = vector.shape_cast %sub3A_1151 : vector<16xf32> to vector<1x16xf32>
        tpu.vector_store %arg9[%swap3A_1152, %swap3A_1153], %swap3A_1156 {strides = array<i32>} : memref<16x1024xf32, #tpu.memory_space<vmem>>, vector<1x16xf32>,
        %mul3A_1157 = arith.mulf %get3A_1140, %get3A_1144 : vector<16xf32>
        %mul3A_1158 = arith.mulf %get3A_1136, %get3A_1148 : vector<16xf32>
        %add3A_1159 = arith.addf %mul3A_1157, %mul3A_1158 : vector<16xf32>
        %swap3A_1160 = arith.index_cast %scan3A_198 : i32 to index
        %swap3A_1161 = arith.constant 976 : index
        %swap3A_1162 = tpu.vector_load %arg9[%swap3A_1160, %swap3A_1161] {strides = array<i32>} : memref<16x1024xf32, #tpu.memory_space<vmem>>, vector<1x16xf32>,
        %swap3A_1163 = vector.shape_cast %swap3A_1162 : vector<1x16xf32> to vector<16xf32>
        %swap3A_1164 = vector.shape_cast %add3A_1159 : vector<16xf32> to vector<1x16xf32>
        tpu.vector_store %arg9[%swap3A_1160, %swap3A_1161], %swap3A_1164 {strides = array<i32>} : memref<16x1024xf32, #tpu.memory_space<vmem>>, vector<1x16xf32>,
        %get3A_1165 = arith.index_cast %scan3A_198 : i32 to index
        %get3A_1166 = arith.constant 736 : index
        %get3A_1167 = tpu.vector_load %arg9[%get3A_1165, %get3A_1166] {strides = array<i32>} : memref<16x1024xf32, #tpu.memory_space<vmem>>, vector<1x16xf32>,
        %get3A_1168 = vector.shape_cast %get3A_1167 : vector<1x16xf32> to vector<16xf32>
        %get3A_1169 = arith.index_cast %scan3A_198 : i32 to index
        %get3A_1170 = arith.constant 992 : index
        %get3A_1171 = tpu.vector_load %arg9[%get3A_1169, %get3A_1170] {strides = array<i32>} : memref<16x1024xf32, #tpu.memory_space<vmem>>, vector<1x16xf32>,
        %get3A_1172 = vector.shape_cast %get3A_1171 : vector<1x16xf32> to vector<16xf32>
        %get3A_1173 = arith.index_cast %add3A_716 : i32 to index
        %get3A_1174 = arith.constant 224 : index
        %get3A_1175 = tpu.vector_load %arg7[%get3A_1173, %get3A_1174] {strides = array<i32>} : memref<32x512xf32, #tpu.memory_space<vmem>>, vector<1x16xf32>,
        %get3A_1176 = vector.shape_cast %get3A_1175 : vector<1x16xf32> to vector<16xf32>
        %get3A_1177 = arith.index_cast %add3A_716 : i32 to index
        %get3A_1178 = arith.constant 480 : index
        %get3A_1179 = tpu.vector_load %arg7[%get3A_1177, %get3A_1178] {strides = array<i32>} : memref<32x512xf32, #tpu.memory_space<vmem>>, vector<1x16xf32>,
        %get3A_1180 = vector.shape_cast %get3A_1179 : vector<1x16xf32> to vector<16xf32>
        %mul3A_1181 = arith.mulf %get3A_1168, %get3A_1176 : vector<16xf32>
        %mul3A_1182 = arith.mulf %get3A_1172, %get3A_1180 : vector<16xf32>
        %sub3A_1183 = arith.subf %mul3A_1181, %mul3A_1182 : vector<16xf32>
        %swap3A_1184 = arith.index_cast %scan3A_198 : i32 to index
        %swap3A_1185 = arith.constant 736 : index
        %swap3A_1186 = tpu.vector_load %arg9[%swap3A_1184, %swap3A_1185] {strides = array<i32>} : memref<16x1024xf32, #tpu.memory_space<vmem>>, vector<1x16xf32>,
        %swap3A_1187 = vector.shape_cast %swap3A_1186 : vector<1x16xf32> to vector<16xf32>
        %swap3A_1188 = vector.shape_cast %sub3A_1183 : vector<16xf32> to vector<1x16xf32>
        tpu.vector_store %arg9[%swap3A_1184, %swap3A_1185], %swap3A_1188 {strides = array<i32>} : memref<16x1024xf32, #tpu.memory_space<vmem>>, vector<1x16xf32>,
        %mul3A_1189 = arith.mulf %get3A_1172, %get3A_1176 : vector<16xf32>
        %mul3A_1190 = arith.mulf %get3A_1168, %get3A_1180 : vector<16xf32>
        %add3A_1191 = arith.addf %mul3A_1189, %mul3A_1190 : vector<16xf32>
        %swap3A_1192 = arith.index_cast %scan3A_198 : i32 to index
        %swap3A_1193 = arith.constant 992 : index
        %swap3A_1194 = tpu.vector_load %arg9[%swap3A_1192, %swap3A_1193] {strides = array<i32>} : memref<16x1024xf32, #tpu.memory_space<vmem>>, vector<1x16xf32>,
        %swap3A_1195 = vector.shape_cast %swap3A_1194 : vector<1x16xf32> to vector<16xf32>
        %swap3A_1196 = vector.shape_cast %add3A_1191 : vector<16xf32> to vector<1x16xf32>
        tpu.vector_store %arg9[%swap3A_1192, %swap3A_1193], %swap3A_1196 {strides = array<i32>} : memref<16x1024xf32, #tpu.memory_space<vmem>>, vector<1x16xf32>,
        %get3A_1197 = arith.index_cast %scan3A_198 : i32 to index
        %get3A_1198 = arith.constant 752 : index
        %get3A_1199 = tpu.vector_load %arg9[%get3A_1197, %get3A_1198] {strides = array<i32>} : memref<16x1024xf32, #tpu.memory_space<vmem>>, vector<1x16xf32>,
        %get3A_1200 = vector.shape_cast %get3A_1199 : vector<1x16xf32> to vector<16xf32>
        %get3A_1201 = arith.index_cast %scan3A_198 : i32 to index
        %get3A_1202 = arith.constant 1008 : index
        %get3A_1203 = tpu.vector_load %arg9[%get3A_1201, %get3A_1202] {strides = array<i32>} : memref<16x1024xf32, #tpu.memory_space<vmem>>, vector<1x16xf32>,
        %get3A_1204 = vector.shape_cast %get3A_1203 : vector<1x16xf32> to vector<16xf32>
        %get3A_1205 = arith.index_cast %add3A_716 : i32 to index
        %get3A_1206 = arith.constant 240 : index
        %get3A_1207 = tpu.vector_load %arg7[%get3A_1205, %get3A_1206] {strides = array<i32>} : memref<32x512xf32, #tpu.memory_space<vmem>>, vector<1x16xf32>,
        %get3A_1208 = vector.shape_cast %get3A_1207 : vector<1x16xf32> to vector<16xf32>
        %get3A_1209 = arith.index_cast %add3A_716 : i32 to index
        %get3A_1210 = arith.constant 496 : index
        %get3A_1211 = tpu.vector_load %arg7[%get3A_1209, %get3A_1210] {strides = array<i32>} : memref<32x512xf32, #tpu.memory_space<vmem>>, vector<1x16xf32>,
        %get3A_1212 = vector.shape_cast %get3A_1211 : vector<1x16xf32> to vector<16xf32>
        %mul3A_1213 = arith.mulf %get3A_1200, %get3A_1208 : vector<16xf32>
        %mul3A_1214 = arith.mulf %get3A_1204, %get3A_1212 : vector<16xf32>
        %sub3A_1215 = arith.subf %mul3A_1213, %mul3A_1214 : vector<16xf32>
        %swap3A_1216 = arith.index_cast %scan3A_198 : i32 to index
        %swap3A_1217 = arith.constant 752 : index
        %swap3A_1218 = tpu.vector_load %arg9[%swap3A_1216, %swap3A_1217] {strides = array<i32>} : memref<16x1024xf32, #tpu.memory_space<vmem>>, vector<1x16xf32>,
        %swap3A_1219 = vector.shape_cast %swap3A_1218 : vector<1x16xf32> to vector<16xf32>
        %swap3A_1220 = vector.shape_cast %sub3A_1215 : vector<16xf32> to vector<1x16xf32>
        tpu.vector_store %arg9[%swap3A_1216, %swap3A_1217], %swap3A_1220 {strides = array<i32>} : memref<16x1024xf32, #tpu.memory_space<vmem>>, vector<1x16xf32>,
        %mul3A_1221 = arith.mulf %get3A_1204, %get3A_1208 : vector<16xf32>
        %mul3A_1222 = arith.mulf %get3A_1200, %get3A_1212 : vector<16xf32>
        %add3A_1223 = arith.addf %mul3A_1221, %mul3A_1222 : vector<16xf32>
        %swap3A_1224 = arith.index_cast %scan3A_198 : i32 to index
        %swap3A_1225 = arith.constant 1008 : index
        %swap3A_1226 = tpu.vector_load %arg9[%swap3A_1224, %swap3A_1225] {strides = array<i32>} : memref<16x1024xf32, #tpu.memory_space<vmem>>, vector<1x16xf32>,
        %swap3A_1227 = vector.shape_cast %swap3A_1226 : vector<1x16xf32> to vector<16xf32>
        %swap3A_1228 = vector.shape_cast %add3A_1223 : vector<16xf32> to vector<1x16xf32>
        tpu.vector_store %arg9[%swap3A_1224, %swap3A_1225], %swap3A_1228 {strides = array<i32>} : memref<16x1024xf32, #tpu.memory_space<vmem>>, vector<1x16xf32>,
        %scan3A_1229 = arith.constant 0 : i32
        scf.yield %scan3A_1229 : i32
      }
      %scan3A_189 = arith.constant 16 : i32
      %mul3A_190 = arith.constant 16 : i32
      %mul3A_191 = arith.muli %add3A_148, %mul3A_190 : i32
      %add3A_192 = arith.addi %mul3A_2, %mul3A_191 : i32
      %dma_start3A_193 = arith.constant 0 : i32
      %dma_start3A_194 = tpu.memref_slice %arg5[%add3A_192, %dma_start3A_193] : memref<11264x1024xf32, #tpu.memory_space<hbm>> -> memref<16x1024xf32, #tpu.memory_space<hbm>>
      %dma_start3A_195 = arith.constant 0 : i32
      %dma_start3A_196 = tpu.memref_slice %arg5[%add3A_192, %dma_start3A_195] : memref<11264x1024xf32, #tpu.memory_space<hbm>> -> memref<16x1024xf32, #tpu.memory_space<hbm>>
      tpu.enqueue_dma source(%arg9 : memref<16x1024xf32, #tpu.memory_space<vmem>>) target(%dma_start3A_196 : memref<16x1024xf32, #tpu.memory_space<hbm>>) target_semaphore(%arg15 : memref<!tpu.dma_semaphore, #tpu.memory_space<semaphore_mem>>)
      %scan3A_197 = arith.constant 0 : i32
      scf.yield %scan3A_197 : i32
    }
    %scan3A_54 = arith.constant 10 : i32
    %dma_wait3A_55 = arith.constant 0 : i32
    %dma_wait3A_56 = arith.constant 0 : i32
    %dma_wait3A_57 = tpu.memref_slice %arg5[%dma_wait3A_55, %dma_wait3A_56] : memref<11264x1024xf32, #tpu.memory_space<hbm>> -> memref<16x1024xf32, #tpu.memory_space<hbm>>
    %dma_wait3A_58 = arith.constant 0 : i32
    %dma_wait3A_59 = arith.constant 0 : i32
    %dma_wait3A_60 = tpu.memref_slice %arg5[%dma_wait3A_58, %dma_wait3A_59] : memref<11264x1024xf32, #tpu.memory_space<hbm>> -> memref<16x1024xf32, #tpu.memory_space<hbm>>
    tpu.wait_dma2 semaphore(%arg15 : memref<!tpu.dma_semaphore, #tpu.memory_space<semaphore_mem>>) src(%arg9 : memref<16x1024xf32, #tpu.memory_space<vmem>>) dst(%dma_wait3A_60 : memref<16x1024xf32, #tpu.memory_space<hbm>>)
    %dma_wait3A_61 = arith.constant 0 : i32
    %dma_wait3A_62 = tpu.memref_slice %arg6[%dma_wait3A_61] : memref<704xi32, #tpu.memory_space<vmem>> -> memref<32xi32, #tpu.memory_space<vmem>>
    %dma_wait3A_63 = arith.constant 0 : i32
    %dma_wait3A_64 = arith.constant 0 : i32
    %dma_wait3A_65 = tpu.memref_slice %arg2[%dma_wait3A_63, %dma_wait3A_64] : memref<1200x512xf32, #tpu.memory_space<hbm>> -> memref<1200x512xf32, #tpu.memory_space<hbm>>
    tpu.wait_indirect_dma semaphore(%arg12 : memref<!tpu.dma_semaphore, #tpu.memory_space<semaphore_mem>>) src(%dma_wait3A_65 : memref<1200x512xf32, #tpu.memory_space<hbm>>) dst(%arg8 : memref<32x512xf32, #tpu.memory_space<vmem>>)
    %dma_wait3A_66 = arith.constant 0 : i32
    %dma_wait3A_67 = arith.constant 0 : i32
    %dma_wait3A_68 = tpu.memref_slice %arg3[%dma_wait3A_66, %dma_wait3A_67] : memref<32768x1024xf32, #tpu.memory_space<hbm>> -> memref<16x1024xf32, #tpu.memory_space<hbm>>
    %dma_wait3A_69 = arith.constant 0 : i32
    %dma_wait3A_70 = arith.constant 0 : i32
    %dma_wait3A_71 = tpu.memref_slice %arg3[%dma_wait3A_69, %dma_wait3A_70] : memref<32768x1024xf32, #tpu.memory_space<hbm>> -> memref<16x1024xf32, #tpu.memory_space<hbm>>
    tpu.wait_dma2 semaphore(%arg14 : memref<!tpu.dma_semaphore, #tpu.memory_space<semaphore_mem>>) src(%dma_wait3A_71 : memref<16x1024xf32, #tpu.memory_space<hbm>>) dst(%arg10 : memref<16x1024xf32, #tpu.memory_space<vmem>>)
    %scan3A_72 = arith.constant 0 : i32
    %scan3A_73 = arith.constant 0 : i32
    %scan3A_74 = arith.constant 16 : i32
    %scan3A_75 = arith.addi %scan3A_73, %scan3A_74 : i32
    %scan3A_76 = arith.constant 1 : i32
    %scan3A_77 = scf.for %scan3A_91 = %scan3A_73 to %scan3A_75 step %scan3A_76 iter_args(%scan3A_92 = %scan3A_72) -> (i32)  : i32 {
      %mul3A_93 = arith.constant 2 : i32
      %mul3A_94 = arith.muli %mul3A_93, %scan3A_91 : i32
      %add3A_95 = arith.constant 0 : i32
      %add3A_96 = arith.addi %mul3A_94, %add3A_95 : i32
      %get3A = arith.index_cast %scan3A_91 : i32 to index
      %get3A_97 = arith.constant 0 : index
      %get3A_98 = tpu.vector_load %arg10[%get3A, %get3A_97] {strides = array<i32>} : memref<16x1024xf32, #tpu.memory_space<vmem>>, vector<1x16xf32>,
      %get3A_99 = vector.shape_cast %get3A_98 : vector<1x16xf32> to vector<16xf32>
      %get3A_100 = arith.index_cast %scan3A_91 : i32 to index
      %get3A_101 = arith.constant 256 : index
      %get3A_102 = tpu.vector_load %arg10[%get3A_100, %get3A_101] {strides = array<i32>} : memref<16x1024xf32, #tpu.memory_space<vmem>>, vector<1x16xf32>,
      %get3A_103 = vector.shape_cast %get3A_102 : vector<1x16xf32> to vector<16xf32>
      %get3A_104 = arith.index_cast %add3A_96 : i32 to index
      %get3A_105 = arith.constant 0 : index
      %get3A_106 = tpu.vector_load %arg8[%get3A_104, %get3A_105] {strides = array<i32>} : memref<32x512xf32, #tpu.memory_space<vmem>>, vector<1x16xf32>,
      %get3A_107 = vector.shape_cast %get3A_106 : vector<1x16xf32> to vector<16xf32>
      %get3A_108 = arith.index_cast %add3A_96 : i32 to index
      %get3A_109 = arith.constant 256 : index
      %get3A_110 = tpu.vector_load %arg8[%get3A_108, %get3A_109] {strides = array<i32>} : memref<32x512xf32, #tpu.memory_space<vmem>>, vector<1x16xf32>,
      %get3A_111 = vector.shape_cast %get3A_110 : vector<1x16xf32> to vector<16xf32>
      %mul3A_112 = arith.mulf %get3A_99, %get3A_107 : vector<16xf32>
      %mul3A_113 = arith.mulf %get3A_103, %get3A_111 : vector<16xf32>
      %sub3A = arith.subf %mul3A_112, %mul3A_113 : vector<16xf32>
      %swap3A = arith.index_cast %scan3A_91 : i32 to index
      %swap3A_114 = arith.constant 0 : index
      %swap3A_115 = tpu.vector_load %arg10[%swap3A, %swap3A_114] {strides = array<i32>} : memref<16x1024xf32, #tpu.memory_space<vmem>>, vector<1x16xf32>,
      %swap3A_116 = vector.shape_cast %swap3A_115 : vector<1x16xf32> to vector<16xf32>
      %swap3A_117 = vector.shape_cast %sub3A : vector<16xf32> to vector<1x16xf32>
      tpu.vector_store %arg10[%swap3A, %swap3A_114], %swap3A_117 {strides = array<i32>} : memref<16x1024xf32, #tpu.memory_space<vmem>>, vector<1x16xf32>,
      %mul3A_118 = arith.mulf %get3A_103, %get3A_107 : vector<16xf32>
      %mul3A_119 = arith.mulf %get3A_99, %get3A_111 : vector<16xf32>
      %add3A_120 = arith.addf %mul3A_118, %mul3A_119 : vector<16xf32>
      %swap3A_121 = arith.index_cast %scan3A_91 : i32 to index
      %swap3A_122 = arith.constant 256 : index
      %swap3A_123 = tpu.vector_load %arg10[%swap3A_121, %swap3A_122] {strides = array<i32>} : memref<16x1024xf32, #tpu.memory_space<vmem>>, vector<1x16xf32>,
      %swap3A_124 = vector.shape_cast %swap3A_123 : vector<1x16xf32> to vector<16xf32>
      %swap3A_125 = vector.shape_cast %add3A_120 : vector<16xf32> to vector<1x16xf32>
      tpu.vector_store %arg10[%swap3A_121, %swap3A_122], %swap3A_125 {strides = array<i32>} : memref<16x1024xf32, #tpu.memory_space<vmem>>, vector<1x16xf32>,
      %get3A_126 = arith.index_cast %scan3A_91 : i32 to index
      %get3A_127 = arith.constant 16 : index
      %get3A_128 = tpu.vector_load %arg10[%get3A_126, %get3A_127] {strides = array<i32>} : memref<16x1024xf32, #tpu.memory_space<vmem>>, vector<1x16xf32>,
      %get3A_129 = vector.shape_cast %get3A_128 : vector<1x16xf32> to vector<16xf32>
      %get3A_130 = arith.index_cast %scan3A_91 : i32 to index
      %get3A_131 = arith.constant 272 : index
      %get3A_132 = tpu.vector_load %arg10[%get3A_130, %get3A_131] {strides = array<i32>} : memref<16x1024xf32, #tpu.memory_space<vmem>>, vector<1x16xf32>,
      %get3A_133 = vector.shape_cast %get3A_132 : vector<1x16xf32> to vector<16xf32>
      %get3A_134 = arith.index_cast %add3A_96 : i32 to index
      %get3A_135 = arith.constant 16 : index
      %get3A_136 = tpu.vector_load %arg8[%get3A_134, %get3A_135] {strides = array<i32>} : memref<32x512xf32, #tpu.memory_space<vmem>>, vector<1x16xf32>,
      %get3A_137 = vector.shape_cast %get3A_136 : vector<1x16xf32> to vector<16xf32>
      %get3A_138 = arith.index_cast %add3A_96 : i32 to index
      %get3A_139 = arith.constant 272 : index
      %get3A_140 = tpu.vector_load %arg8[%get3A_138, %get3A_139] {strides = array<i32>} : memref<32x512xf32, #tpu.memory_space<vmem>>, vector<1x16xf32>,
      %get3A_141 = vector.shape_cast %get3A_140 : vector<1x16xf32> to vector<16xf32>
      %mul3A_142 = arith.mulf %get3A_129, %get3A_137 : vector<16xf32>
      %mul3A_143 = arith.mulf %get3A_133, %get3A_141 : vector<16xf32>
      %sub3A_144 = arith.subf %mul3A_142, %mul3A_143 : vector<16xf32>
      %swap3A_145 = arith.index_cast %scan3A_91 : i32 to index
      %swap3A_146 = arith.constant 16 : index
      %swap3A_147 = tpu.vector_load %arg10[%swap3A_145, %swap3A_146] {strides = array<i32>} : memref<16x1024xf32, #tpu.memory_space<vmem>>, vector<1x16xf32>,
      %swap3A_148 = vector.shape_cast %swap3A_147 : vector<1x16xf32> to vector<16xf32>
      %swap3A_149 = vector.shape_cast %sub3A_144 : vector<16xf32> to vector<1x16xf32>
      tpu.vector_store %arg10[%swap3A_145, %swap3A_146], %swap3A_149 {strides = array<i32>} : memref<16x1024xf32, #tpu.memory_space<vmem>>, vector<1x16xf32>,
      %mul3A_150 = arith.mulf %get3A_133, %get3A_137 : vector<16xf32>
      %mul3A_151 = arith.mulf %get3A_129, %get3A_141 : vector<16xf32>
      %add3A_152 = arith.addf %mul3A_150, %mul3A_151 : vector<16xf32>
      %swap3A_153 = arith.index_cast %scan3A_91 : i32 to index
      %swap3A_154 = arith.constant 272 : index
      %swap3A_155 = tpu.vector_load %arg10[%swap3A_153, %swap3A_154] {strides = array<i32>} : memref<16x1024xf32, #tpu.memory_space<vmem>>, vector<1x16xf32>,
      %swap3A_156 = vector.shape_cast %swap3A_155 : vector<1x16xf32> to vector<16xf32>
      %swap3A_157 = vector.shape_cast %add3A_152 : vector<16xf32> to vector<1x16xf32>
      tpu.vector_store %arg10[%swap3A_153, %swap3A_154], %swap3A_157 {strides = array<i32>} : memref<16x1024xf32, #tpu.memory_space<vmem>>, vector<1x16xf32>,
      %get3A_158 = arith.index_cast %scan3A_91 : i32 to index
      %get3A_159 = arith.constant 32 : index
      %get3A_160 = tpu.vector_load %arg10[%get3A_158, %get3A_159] {strides = array<i32>} : memref<16x1024xf32, #tpu.memory_space<vmem>>, vector<1x16xf32>,
      %get3A_161 = vector.shape_cast %get3A_160 : vector<1x16xf32> to vector<16xf32>
      %get3A_162 = arith.index_cast %scan3A_91 : i32 to index
      %get3A_163 = arith.constant 288 : index
      %get3A_164 = tpu.vector_load %arg10[%get3A_162, %get3A_163] {strides = array<i32>} : memref<16x1024xf32, #tpu.memory_space<vmem>>, vector<1x16xf32>,
      %get3A_165 = vector.shape_cast %get3A_164 : vector<1x16xf32> to vector<16xf32>
      %get3A_166 = arith.index_cast %add3A_96 : i32 to index
      %get3A_167 = arith.constant 32 : index
      %get3A_168 = tpu.vector_load %arg8[%get3A_166, %get3A_167] {strides = array<i32>} : memref<32x512xf32, #tpu.memory_space<vmem>>, vector<1x16xf32>,
      %get3A_169 = vector.shape_cast %get3A_168 : vector<1x16xf32> to vector<16xf32>
      %get3A_170 = arith.index_cast %add3A_96 : i32 to index
      %get3A_171 = arith.constant 288 : index
      %get3A_172 = tpu.vector_load %arg8[%get3A_170, %get3A_171] {strides = array<i32>} : memref<32x512xf32, #tpu.memory_space<vmem>>, vector<1x16xf32>,
      %get3A_173 = vector.shape_cast %get3A_172 : vector<1x16xf32> to vector<16xf32>
      %mul3A_174 = arith.mulf %get3A_161, %get3A_169 : vector<16xf32>
      %mul3A_175 = arith.mulf %get3A_165, %get3A_173 : vector<16xf32>
      %sub3A_176 = arith.subf %mul3A_174, %mul3A_175 : vector<16xf32>
      %swap3A_177 = arith.index_cast %scan3A_91 : i32 to index
      %swap3A_178 = arith.constant 32 : index
      %swap3A_179 = tpu.vector_load %arg10[%swap3A_177, %swap3A_178] {strides = array<i32>} : memref<16x1024xf32, #tpu.memory_space<vmem>>, vector<1x16xf32>,
      %swap3A_180 = vector.shape_cast %swap3A_179 : vector<1x16xf32> to vector<16xf32>
      %swap3A_181 = vector.shape_cast %sub3A_176 : vector<16xf32> to vector<1x16xf32>
      tpu.vector_store %arg10[%swap3A_177, %swap3A_178], %swap3A_181 {strides = array<i32>} : memref<16x1024xf32, #tpu.memory_space<vmem>>, vector<1x16xf32>,
      %mul3A_182 = arith.mulf %get3A_165, %get3A_169 : vector<16xf32>
      %mul3A_183 = arith.mulf %get3A_161, %get3A_173 : vector<16xf32>
      %add3A_184 = arith.addf %mul3A_182, %mul3A_183 : vector<16xf32>
      %swap3A_185 = arith.index_cast %scan3A_91 : i32 to index
      %swap3A_186 = arith.constant 288 : index
      %swap3A_187 = tpu.vector_load %arg10[%swap3A_185, %swap3A_186] {strides = array<i32>} : memref<16x1024xf32, #tpu.memory_space<vmem>>, vector<1x16xf32>,
      %swap3A_188 = vector.shape_cast %swap3A_187 : vector<1x16xf32> to vector<16xf32>
      %swap3A_189 = vector.shape_cast %add3A_184 : vector<16xf32> to vector<1x16xf32>
      tpu.vector_store %arg10[%swap3A_185, %swap3A_186], %swap3A_189 {strides = array<i32>} : memref<16x1024xf32, #tpu.memory_space<vmem>>, vector<1x16xf32>,
      %get3A_190 = arith.index_cast %scan3A_91 : i32 to index
      %get3A_191 = arith.constant 48 : index
      %get3A_192 = tpu.vector_load %arg10[%get3A_190, %get3A_191] {strides = array<i32>} : memref<16x1024xf32, #tpu.memory_space<vmem>>, vector<1x16xf32>,
      %get3A_193 = vector.shape_cast %get3A_192 : vector<1x16xf32> to vector<16xf32>
      %get3A_194 = arith.index_cast %scan3A_91 : i32 to index
      %get3A_195 = arith.constant 304 : index
      %get3A_196 = tpu.vector_load %arg10[%get3A_194, %get3A_195] {strides = array<i32>} : memref<16x1024xf32, #tpu.memory_space<vmem>>, vector<1x16xf32>,
      %get3A_197 = vector.shape_cast %get3A_196 : vector<1x16xf32> to vector<16xf32>
      %get3A_198 = arith.index_cast %add3A_96 : i32 to index
      %get3A_199 = arith.constant 48 : index
      %get3A_200 = tpu.vector_load %arg8[%get3A_198, %get3A_199] {strides = array<i32>} : memref<32x512xf32, #tpu.memory_space<vmem>>, vector<1x16xf32>,
      %get3A_201 = vector.shape_cast %get3A_200 : vector<1x16xf32> to vector<16xf32>
      %get3A_202 = arith.index_cast %add3A_96 : i32 to index
      %get3A_203 = arith.constant 304 : index
      %get3A_204 = tpu.vector_load %arg8[%get3A_202, %get3A_203] {strides = array<i32>} : memref<32x512xf32, #tpu.memory_space<vmem>>, vector<1x16xf32>,
      %get3A_205 = vector.shape_cast %get3A_204 : vector<1x16xf32> to vector<16xf32>
      %mul3A_206 = arith.mulf %get3A_193, %get3A_201 : vector<16xf32>
      %mul3A_207 = arith.mulf %get3A_197, %get3A_205 : vector<16xf32>
      %sub3A_208 = arith.subf %mul3A_206, %mul3A_207 : vector<16xf32>
      %swap3A_209 = arith.index_cast %scan3A_91 : i32 to index
      %swap3A_210 = arith.constant 48 : index
      %swap3A_211 = tpu.vector_load %arg10[%swap3A_209, %swap3A_210] {strides = array<i32>} : memref<16x1024xf32, #tpu.memory_space<vmem>>, vector<1x16xf32>,
      %swap3A_212 = vector.shape_cast %swap3A_211 : vector<1x16xf32> to vector<16xf32>
      %swap3A_213 = vector.shape_cast %sub3A_208 : vector<16xf32> to vector<1x16xf32>
      tpu.vector_store %arg10[%swap3A_209, %swap3A_210], %swap3A_213 {strides = array<i32>} : memref<16x1024xf32, #tpu.memory_space<vmem>>, vector<1x16xf32>,
      %mul3A_214 = arith.mulf %get3A_197, %get3A_201 : vector<16xf32>
      %mul3A_215 = arith.mulf %get3A_193, %get3A_205 : vector<16xf32>
      %add3A_216 = arith.addf %mul3A_214, %mul3A_215 : vector<16xf32>
      %swap3A_217 = arith.index_cast %scan3A_91 : i32 to index
      %swap3A_218 = arith.constant 304 : index
      %swap3A_219 = tpu.vector_load %arg10[%swap3A_217, %swap3A_218] {strides = array<i32>} : memref<16x1024xf32, #tpu.memory_space<vmem>>, vector<1x16xf32>,
      %swap3A_220 = vector.shape_cast %swap3A_219 : vector<1x16xf32> to vector<16xf32>
      %swap3A_221 = vector.shape_cast %add3A_216 : vector<16xf32> to vector<1x16xf32>
      tpu.vector_store %arg10[%swap3A_217, %swap3A_218], %swap3A_221 {strides = array<i32>} : memref<16x1024xf32, #tpu.memory_space<vmem>>, vector<1x16xf32>,
      %get3A_222 = arith.index_cast %scan3A_91 : i32 to index
      %get3A_223 = arith.constant 64 : index
      %get3A_224 = tpu.vector_load %arg10[%get3A_222, %get3A_223] {strides = array<i32>} : memref<16x1024xf32, #tpu.memory_space<vmem>>, vector<1x16xf32>,
      %get3A_225 = vector.shape_cast %get3A_224 : vector<1x16xf32> to vector<16xf32>
      %get3A_226 = arith.index_cast %scan3A_91 : i32 to index
      %get3A_227 = arith.constant 320 : index
      %get3A_228 = tpu.vector_load %arg10[%get3A_226, %get3A_227] {strides = array<i32>} : memref<16x1024xf32, #tpu.memory_space<vmem>>, vector<1x16xf32>,
      %get3A_229 = vector.shape_cast %get3A_228 : vector<1x16xf32> to vector<16xf32>
      %get3A_230 = arith.index_cast %add3A_96 : i32 to index
      %get3A_231 = arith.constant 64 : index
      %get3A_232 = tpu.vector_load %arg8[%get3A_230, %get3A_231] {strides = array<i32>} : memref<32x512xf32, #tpu.memory_space<vmem>>, vector<1x16xf32>,
      %get3A_233 = vector.shape_cast %get3A_232 : vector<1x16xf32> to vector<16xf32>
      %get3A_234 = arith.index_cast %add3A_96 : i32 to index
      %get3A_235 = arith.constant 320 : index
      %get3A_236 = tpu.vector_load %arg8[%get3A_234, %get3A_235] {strides = array<i32>} : memref<32x512xf32, #tpu.memory_space<vmem>>, vector<1x16xf32>,
      %get3A_237 = vector.shape_cast %get3A_236 : vector<1x16xf32> to vector<16xf32>
      %mul3A_238 = arith.mulf %get3A_225, %get3A_233 : vector<16xf32>
      %mul3A_239 = arith.mulf %get3A_229, %get3A_237 : vector<16xf32>
      %sub3A_240 = arith.subf %mul3A_238, %mul3A_239 : vector<16xf32>
      %swap3A_241 = arith.index_cast %scan3A_91 : i32 to index
      %swap3A_242 = arith.constant 64 : index
      %swap3A_243 = tpu.vector_load %arg10[%swap3A_241, %swap3A_242] {strides = array<i32>} : memref<16x1024xf32, #tpu.memory_space<vmem>>, vector<1x16xf32>,
      %swap3A_244 = vector.shape_cast %swap3A_243 : vector<1x16xf32> to vector<16xf32>
      %swap3A_245 = vector.shape_cast %sub3A_240 : vector<16xf32> to vector<1x16xf32>
      tpu.vector_store %arg10[%swap3A_241, %swap3A_242], %swap3A_245 {strides = array<i32>} : memref<16x1024xf32, #tpu.memory_space<vmem>>, vector<1x16xf32>,
      %mul3A_246 = arith.mulf %get3A_229, %get3A_233 : vector<16xf32>
      %mul3A_247 = arith.mulf %get3A_225, %get3A_237 : vector<16xf32>
      %add3A_248 = arith.addf %mul3A_246, %mul3A_247 : vector<16xf32>
      %swap3A_249 = arith.index_cast %scan3A_91 : i32 to index
      %swap3A_250 = arith.constant 320 : index
      %swap3A_251 = tpu.vector_load %arg10[%swap3A_249, %swap3A_250] {strides = array<i32>} : memref<16x1024xf32, #tpu.memory_space<vmem>>, vector<1x16xf32>,
      %swap3A_252 = vector.shape_cast %swap3A_251 : vector<1x16xf32> to vector<16xf32>
      %swap3A_253 = vector.shape_cast %add3A_248 : vector<16xf32> to vector<1x16xf32>
      tpu.vector_store %arg10[%swap3A_249, %swap3A_250], %swap3A_253 {strides = array<i32>} : memref<16x1024xf32, #tpu.memory_space<vmem>>, vector<1x16xf32>,
      %get3A_254 = arith.index_cast %scan3A_91 : i32 to index
      %get3A_255 = arith.constant 80 : index
      %get3A_256 = tpu.vector_load %arg10[%get3A_254, %get3A_255] {strides = array<i32>} : memref<16x1024xf32, #tpu.memory_space<vmem>>, vector<1x16xf32>,
      %get3A_257 = vector.shape_cast %get3A_256 : vector<1x16xf32> to vector<16xf32>
      %get3A_258 = arith.index_cast %scan3A_91 : i32 to index
      %get3A_259 = arith.constant 336 : index
      %get3A_260 = tpu.vector_load %arg10[%get3A_258, %get3A_259] {strides = array<i32>} : memref<16x1024xf32, #tpu.memory_space<vmem>>, vector<1x16xf32>,
      %get3A_261 = vector.shape_cast %get3A_260 : vector<1x16xf32> to vector<16xf32>
      %get3A_262 = arith.index_cast %add3A_96 : i32 to index
      %get3A_263 = arith.constant 80 : index
      %get3A_264 = tpu.vector_load %arg8[%get3A_262, %get3A_263] {strides = array<i32>} : memref<32x512xf32, #tpu.memory_space<vmem>>, vector<1x16xf32>,
      %get3A_265 = vector.shape_cast %get3A_264 : vector<1x16xf32> to vector<16xf32>
      %get3A_266 = arith.index_cast %add3A_96 : i32 to index
      %get3A_267 = arith.constant 336 : index
      %get3A_268 = tpu.vector_load %arg8[%get3A_266, %get3A_267] {strides = array<i32>} : memref<32x512xf32, #tpu.memory_space<vmem>>, vector<1x16xf32>,
      %get3A_269 = vector.shape_cast %get3A_268 : vector<1x16xf32> to vector<16xf32>
      %mul3A_270 = arith.mulf %get3A_257, %get3A_265 : vector<16xf32>
      %mul3A_271 = arith.mulf %get3A_261, %get3A_269 : vector<16xf32>
      %sub3A_272 = arith.subf %mul3A_270, %mul3A_271 : vector<16xf32>
      %swap3A_273 = arith.index_cast %scan3A_91 : i32 to index
      %swap3A_274 = arith.constant 80 : index
      %swap3A_275 = tpu.vector_load %arg10[%swap3A_273, %swap3A_274] {strides = array<i32>} : memref<16x1024xf32, #tpu.memory_space<vmem>>, vector<1x16xf32>,
      %swap3A_276 = vector.shape_cast %swap3A_275 : vector<1x16xf32> to vector<16xf32>
      %swap3A_277 = vector.shape_cast %sub3A_272 : vector<16xf32> to vector<1x16xf32>
      tpu.vector_store %arg10[%swap3A_273, %swap3A_274], %swap3A_277 {strides = array<i32>} : memref<16x1024xf32, #tpu.memory_space<vmem>>, vector<1x16xf32>,
      %mul3A_278 = arith.mulf %get3A_261, %get3A_265 : vector<16xf32>
      %mul3A_279 = arith.mulf %get3A_257, %get3A_269 : vector<16xf32>
      %add3A_280 = arith.addf %mul3A_278, %mul3A_279 : vector<16xf32>
      %swap3A_281 = arith.index_cast %scan3A_91 : i32 to index
      %swap3A_282 = arith.constant 336 : index
      %swap3A_283 = tpu.vector_load %arg10[%swap3A_281, %swap3A_282] {strides = array<i32>} : memref<16x1024xf32, #tpu.memory_space<vmem>>, vector<1x16xf32>,
      %swap3A_284 = vector.shape_cast %swap3A_283 : vector<1x16xf32> to vector<16xf32>
      %swap3A_285 = vector.shape_cast %add3A_280 : vector<16xf32> to vector<1x16xf32>
      tpu.vector_store %arg10[%swap3A_281, %swap3A_282], %swap3A_285 {strides = array<i32>} : memref<16x1024xf32, #tpu.memory_space<vmem>>, vector<1x16xf32>,
      %get3A_286 = arith.index_cast %scan3A_91 : i32 to index
      %get3A_287 = arith.constant 96 : index
      %get3A_288 = tpu.vector_load %arg10[%get3A_286, %get3A_287] {strides = array<i32>} : memref<16x1024xf32, #tpu.memory_space<vmem>>, vector<1x16xf32>,
      %get3A_289 = vector.shape_cast %get3A_288 : vector<1x16xf32> to vector<16xf32>
      %get3A_290 = arith.index_cast %scan3A_91 : i32 to index
      %get3A_291 = arith.constant 352 : index
      %get3A_292 = tpu.vector_load %arg10[%get3A_290, %get3A_291] {strides = array<i32>} : memref<16x1024xf32, #tpu.memory_space<vmem>>, vector<1x16xf32>,
      %get3A_293 = vector.shape_cast %get3A_292 : vector<1x16xf32> to vector<16xf32>
      %get3A_294 = arith.index_cast %add3A_96 : i32 to index
      %get3A_295 = arith.constant 96 : index
      %get3A_296 = tpu.vector_load %arg8[%get3A_294, %get3A_295] {strides = array<i32>} : memref<32x512xf32, #tpu.memory_space<vmem>>, vector<1x16xf32>,
      %get3A_297 = vector.shape_cast %get3A_296 : vector<1x16xf32> to vector<16xf32>
      %get3A_298 = arith.index_cast %add3A_96 : i32 to index
      %get3A_299 = arith.constant 352 : index
      %get3A_300 = tpu.vector_load %arg8[%get3A_298, %get3A_299] {strides = array<i32>} : memref<32x512xf32, #tpu.memory_space<vmem>>, vector<1x16xf32>,
      %get3A_301 = vector.shape_cast %get3A_300 : vector<1x16xf32> to vector<16xf32>
      %mul3A_302 = arith.mulf %get3A_289, %get3A_297 : vector<16xf32>
      %mul3A_303 = arith.mulf %get3A_293, %get3A_301 : vector<16xf32>
      %sub3A_304 = arith.subf %mul3A_302, %mul3A_303 : vector<16xf32>
      %swap3A_305 = arith.index_cast %scan3A_91 : i32 to index
      %swap3A_306 = arith.constant 96 : index
      %swap3A_307 = tpu.vector_load %arg10[%swap3A_305, %swap3A_306] {strides = array<i32>} : memref<16x1024xf32, #tpu.memory_space<vmem>>, vector<1x16xf32>,
      %swap3A_308 = vector.shape_cast %swap3A_307 : vector<1x16xf32> to vector<16xf32>
      %swap3A_309 = vector.shape_cast %sub3A_304 : vector<16xf32> to vector<1x16xf32>
      tpu.vector_store %arg10[%swap3A_305, %swap3A_306], %swap3A_309 {strides = array<i32>} : memref<16x1024xf32, #tpu.memory_space<vmem>>, vector<1x16xf32>,
      %mul3A_310 = arith.mulf %get3A_293, %get3A_297 : vector<16xf32>
      %mul3A_311 = arith.mulf %get3A_289, %get3A_301 : vector<16xf32>
      %add3A_312 = arith.addf %mul3A_310, %mul3A_311 : vector<16xf32>
      %swap3A_313 = arith.index_cast %scan3A_91 : i32 to index
      %swap3A_314 = arith.constant 352 : index
      %swap3A_315 = tpu.vector_load %arg10[%swap3A_313, %swap3A_314] {strides = array<i32>} : memref<16x1024xf32, #tpu.memory_space<vmem>>, vector<1x16xf32>,
      %swap3A_316 = vector.shape_cast %swap3A_315 : vector<1x16xf32> to vector<16xf32>
      %swap3A_317 = vector.shape_cast %add3A_312 : vector<16xf32> to vector<1x16xf32>
      tpu.vector_store %arg10[%swap3A_313, %swap3A_314], %swap3A_317 {strides = array<i32>} : memref<16x1024xf32, #tpu.memory_space<vmem>>, vector<1x16xf32>,
      %get3A_318 = arith.index_cast %scan3A_91 : i32 to index
      %get3A_319 = arith.constant 112 : index
      %get3A_320 = tpu.vector_load %arg10[%get3A_318, %get3A_319] {strides = array<i32>} : memref<16x1024xf32, #tpu.memory_space<vmem>>, vector<1x16xf32>,
      %get3A_321 = vector.shape_cast %get3A_320 : vector<1x16xf32> to vector<16xf32>
      %get3A_322 = arith.index_cast %scan3A_91 : i32 to index
      %get3A_323 = arith.constant 368 : index
      %get3A_324 = tpu.vector_load %arg10[%get3A_322, %get3A_323] {strides = array<i32>} : memref<16x1024xf32, #tpu.memory_space<vmem>>, vector<1x16xf32>,
      %get3A_325 = vector.shape_cast %get3A_324 : vector<1x16xf32> to vector<16xf32>
      %get3A_326 = arith.index_cast %add3A_96 : i32 to index
      %get3A_327 = arith.constant 112 : index
      %get3A_328 = tpu.vector_load %arg8[%get3A_326, %get3A_327] {strides = array<i32>} : memref<32x512xf32, #tpu.memory_space<vmem>>, vector<1x16xf32>,
      %get3A_329 = vector.shape_cast %get3A_328 : vector<1x16xf32> to vector<16xf32>
      %get3A_330 = arith.index_cast %add3A_96 : i32 to index
      %get3A_331 = arith.constant 368 : index
      %get3A_332 = tpu.vector_load %arg8[%get3A_330, %get3A_331] {strides = array<i32>} : memref<32x512xf32, #tpu.memory_space<vmem>>, vector<1x16xf32>,
      %get3A_333 = vector.shape_cast %get3A_332 : vector<1x16xf32> to vector<16xf32>
      %mul3A_334 = arith.mulf %get3A_321, %get3A_329 : vector<16xf32>
      %mul3A_335 = arith.mulf %get3A_325, %get3A_333 : vector<16xf32>
      %sub3A_336 = arith.subf %mul3A_334, %mul3A_335 : vector<16xf32>
      %swap3A_337 = arith.index_cast %scan3A_91 : i32 to index
      %swap3A_338 = arith.constant 112 : index
      %swap3A_339 = tpu.vector_load %arg10[%swap3A_337, %swap3A_338] {strides = array<i32>} : memref<16x1024xf32, #tpu.memory_space<vmem>>, vector<1x16xf32>,
      %swap3A_340 = vector.shape_cast %swap3A_339 : vector<1x16xf32> to vector<16xf32>
      %swap3A_341 = vector.shape_cast %sub3A_336 : vector<16xf32> to vector<1x16xf32>
      tpu.vector_store %arg10[%swap3A_337, %swap3A_338], %swap3A_341 {strides = array<i32>} : memref<16x1024xf32, #tpu.memory_space<vmem>>, vector<1x16xf32>,
      %mul3A_342 = arith.mulf %get3A_325, %get3A_329 : vector<16xf32>
      %mul3A_343 = arith.mulf %get3A_321, %get3A_333 : vector<16xf32>
      %add3A_344 = arith.addf %mul3A_342, %mul3A_343 : vector<16xf32>
      %swap3A_345 = arith.index_cast %scan3A_91 : i32 to index
      %swap3A_346 = arith.constant 368 : index
      %swap3A_347 = tpu.vector_load %arg10[%swap3A_345, %swap3A_346] {strides = array<i32>} : memref<16x1024xf32, #tpu.memory_space<vmem>>, vector<1x16xf32>,
      %swap3A_348 = vector.shape_cast %swap3A_347 : vector<1x16xf32> to vector<16xf32>
      %swap3A_349 = vector.shape_cast %add3A_344 : vector<16xf32> to vector<1x16xf32>
      tpu.vector_store %arg10[%swap3A_345, %swap3A_346], %swap3A_349 {strides = array<i32>} : memref<16x1024xf32, #tpu.memory_space<vmem>>, vector<1x16xf32>,
      %get3A_350 = arith.index_cast %scan3A_91 : i32 to index
      %get3A_351 = arith.constant 128 : index
      %get3A_352 = tpu.vector_load %arg10[%get3A_350, %get3A_351] {strides = array<i32>} : memref<16x1024xf32, #tpu.memory_space<vmem>>, vector<1x16xf32>,
      %get3A_353 = vector.shape_cast %get3A_352 : vector<1x16xf32> to vector<16xf32>
      %get3A_354 = arith.index_cast %scan3A_91 : i32 to index
      %get3A_355 = arith.constant 384 : index
      %get3A_356 = tpu.vector_load %arg10[%get3A_354, %get3A_355] {strides = array<i32>} : memref<16x1024xf32, #tpu.memory_space<vmem>>, vector<1x16xf32>,
      %get3A_357 = vector.shape_cast %get3A_356 : vector<1x16xf32> to vector<16xf32>
      %get3A_358 = arith.index_cast %add3A_96 : i32 to index
      %get3A_359 = arith.constant 128 : index
      %get3A_360 = tpu.vector_load %arg8[%get3A_358, %get3A_359] {strides = array<i32>} : memref<32x512xf32, #tpu.memory_space<vmem>>, vector<1x16xf32>,
      %get3A_361 = vector.shape_cast %get3A_360 : vector<1x16xf32> to vector<16xf32>
      %get3A_362 = arith.index_cast %add3A_96 : i32 to index
      %get3A_363 = arith.constant 384 : index
      %get3A_364 = tpu.vector_load %arg8[%get3A_362, %get3A_363] {strides = array<i32>} : memref<32x512xf32, #tpu.memory_space<vmem>>, vector<1x16xf32>,
      %get3A_365 = vector.shape_cast %get3A_364 : vector<1x16xf32> to vector<16xf32>
      %mul3A_366 = arith.mulf %get3A_353, %get3A_361 : vector<16xf32>
      %mul3A_367 = arith.mulf %get3A_357, %get3A_365 : vector<16xf32>
      %sub3A_368 = arith.subf %mul3A_366, %mul3A_367 : vector<16xf32>
      %swap3A_369 = arith.index_cast %scan3A_91 : i32 to index
      %swap3A_370 = arith.constant 128 : index
      %swap3A_371 = tpu.vector_load %arg10[%swap3A_369, %swap3A_370] {strides = array<i32>} : memref<16x1024xf32, #tpu.memory_space<vmem>>, vector<1x16xf32>,
      %swap3A_372 = vector.shape_cast %swap3A_371 : vector<1x16xf32> to vector<16xf32>
      %swap3A_373 = vector.shape_cast %sub3A_368 : vector<16xf32> to vector<1x16xf32>
      tpu.vector_store %arg10[%swap3A_369, %swap3A_370], %swap3A_373 {strides = array<i32>} : memref<16x1024xf32, #tpu.memory_space<vmem>>, vector<1x16xf32>,
      %mul3A_374 = arith.mulf %get3A_357, %get3A_361 : vector<16xf32>
      %mul3A_375 = arith.mulf %get3A_353, %get3A_365 : vector<16xf32>
      %add3A_376 = arith.addf %mul3A_374, %mul3A_375 : vector<16xf32>
      %swap3A_377 = arith.index_cast %scan3A_91 : i32 to index
      %swap3A_378 = arith.constant 384 : index
      %swap3A_379 = tpu.vector_load %arg10[%swap3A_377, %swap3A_378] {strides = array<i32>} : memref<16x1024xf32, #tpu.memory_space<vmem>>, vector<1x16xf32>,
      %swap3A_380 = vector.shape_cast %swap3A_379 : vector<1x16xf32> to vector<16xf32>
      %swap3A_381 = vector.shape_cast %add3A_376 : vector<16xf32> to vector<1x16xf32>
      tpu.vector_store %arg10[%swap3A_377, %swap3A_378], %swap3A_381 {strides = array<i32>} : memref<16x1024xf32, #tpu.memory_space<vmem>>, vector<1x16xf32>,
      %get3A_382 = arith.index_cast %scan3A_91 : i32 to index
      %get3A_383 = arith.constant 144 : index
      %get3A_384 = tpu.vector_load %arg10[%get3A_382, %get3A_383] {strides = array<i32>} : memref<16x1024xf32, #tpu.memory_space<vmem>>, vector<1x16xf32>,
      %get3A_385 = vector.shape_cast %get3A_384 : vector<1x16xf32> to vector<16xf32>
      %get3A_386 = arith.index_cast %scan3A_91 : i32 to index
      %get3A_387 = arith.constant 400 : index
      %get3A_388 = tpu.vector_load %arg10[%get3A_386, %get3A_387] {strides = array<i32>} : memref<16x1024xf32, #tpu.memory_space<vmem>>, vector<1x16xf32>,
      %get3A_389 = vector.shape_cast %get3A_388 : vector<1x16xf32> to vector<16xf32>
      %get3A_390 = arith.index_cast %add3A_96 : i32 to index
      %get3A_391 = arith.constant 144 : index
      %get3A_392 = tpu.vector_load %arg8[%get3A_390, %get3A_391] {strides = array<i32>} : memref<32x512xf32, #tpu.memory_space<vmem>>, vector<1x16xf32>,
      %get3A_393 = vector.shape_cast %get3A_392 : vector<1x16xf32> to vector<16xf32>
      %get3A_394 = arith.index_cast %add3A_96 : i32 to index
      %get3A_395 = arith.constant 400 : index
      %get3A_396 = tpu.vector_load %arg8[%get3A_394, %get3A_395] {strides = array<i32>} : memref<32x512xf32, #tpu.memory_space<vmem>>, vector<1x16xf32>,
      %get3A_397 = vector.shape_cast %get3A_396 : vector<1x16xf32> to vector<16xf32>
      %mul3A_398 = arith.mulf %get3A_385, %get3A_393 : vector<16xf32>
      %mul3A_399 = arith.mulf %get3A_389, %get3A_397 : vector<16xf32>
      %sub3A_400 = arith.subf %mul3A_398, %mul3A_399 : vector<16xf32>
      %swap3A_401 = arith.index_cast %scan3A_91 : i32 to index
      %swap3A_402 = arith.constant 144 : index
      %swap3A_403 = tpu.vector_load %arg10[%swap3A_401, %swap3A_402] {strides = array<i32>} : memref<16x1024xf32, #tpu.memory_space<vmem>>, vector<1x16xf32>,
      %swap3A_404 = vector.shape_cast %swap3A_403 : vector<1x16xf32> to vector<16xf32>
      %swap3A_405 = vector.shape_cast %sub3A_400 : vector<16xf32> to vector<1x16xf32>
      tpu.vector_store %arg10[%swap3A_401, %swap3A_402], %swap3A_405 {strides = array<i32>} : memref<16x1024xf32, #tpu.memory_space<vmem>>, vector<1x16xf32>,
      %mul3A_406 = arith.mulf %get3A_389, %get3A_393 : vector<16xf32>
      %mul3A_407 = arith.mulf %get3A_385, %get3A_397 : vector<16xf32>
      %add3A_408 = arith.addf %mul3A_406, %mul3A_407 : vector<16xf32>
      %swap3A_409 = arith.index_cast %scan3A_91 : i32 to index
      %swap3A_410 = arith.constant 400 : index
      %swap3A_411 = tpu.vector_load %arg10[%swap3A_409, %swap3A_410] {strides = array<i32>} : memref<16x1024xf32, #tpu.memory_space<vmem>>, vector<1x16xf32>,
      %swap3A_412 = vector.shape_cast %swap3A_411 : vector<1x16xf32> to vector<16xf32>
      %swap3A_413 = vector.shape_cast %add3A_408 : vector<16xf32> to vector<1x16xf32>
      tpu.vector_store %arg10[%swap3A_409, %swap3A_410], %swap3A_413 {strides = array<i32>} : memref<16x1024xf32, #tpu.memory_space<vmem>>, vector<1x16xf32>,
      %get3A_414 = arith.index_cast %scan3A_91 : i32 to index
      %get3A_415 = arith.constant 160 : index
      %get3A_416 = tpu.vector_load %arg10[%get3A_414, %get3A_415] {strides = array<i32>} : memref<16x1024xf32, #tpu.memory_space<vmem>>, vector<1x16xf32>,
      %get3A_417 = vector.shape_cast %get3A_416 : vector<1x16xf32> to vector<16xf32>
      %get3A_418 = arith.index_cast %scan3A_91 : i32 to index
      %get3A_419 = arith.constant 416 : index
      %get3A_420 = tpu.vector_load %arg10[%get3A_418, %get3A_419] {strides = array<i32>} : memref<16x1024xf32, #tpu.memory_space<vmem>>, vector<1x16xf32>,
      %get3A_421 = vector.shape_cast %get3A_420 : vector<1x16xf32> to vector<16xf32>
      %get3A_422 = arith.index_cast %add3A_96 : i32 to index
      %get3A_423 = arith.constant 160 : index
      %get3A_424 = tpu.vector_load %arg8[%get3A_422, %get3A_423] {strides = array<i32>} : memref<32x512xf32, #tpu.memory_space<vmem>>, vector<1x16xf32>,
      %get3A_425 = vector.shape_cast %get3A_424 : vector<1x16xf32> to vector<16xf32>
      %get3A_426 = arith.index_cast %add3A_96 : i32 to index
      %get3A_427 = arith.constant 416 : index
      %get3A_428 = tpu.vector_load %arg8[%get3A_426, %get3A_427] {strides = array<i32>} : memref<32x512xf32, #tpu.memory_space<vmem>>, vector<1x16xf32>,
      %get3A_429 = vector.shape_cast %get3A_428 : vector<1x16xf32> to vector<16xf32>
      %mul3A_430 = arith.mulf %get3A_417, %get3A_425 : vector<16xf32>
      %mul3A_431 = arith.mulf %get3A_421, %get3A_429 : vector<16xf32>
      %sub3A_432 = arith.subf %mul3A_430, %mul3A_431 : vector<16xf32>
      %swap3A_433 = arith.index_cast %scan3A_91 : i32 to index
      %swap3A_434 = arith.constant 160 : index
      %swap3A_435 = tpu.vector_load %arg10[%swap3A_433, %swap3A_434] {strides = array<i32>} : memref<16x1024xf32, #tpu.memory_space<vmem>>, vector<1x16xf32>,
      %swap3A_436 = vector.shape_cast %swap3A_435 : vector<1x16xf32> to vector<16xf32>
      %swap3A_437 = vector.shape_cast %sub3A_432 : vector<16xf32> to vector<1x16xf32>
      tpu.vector_store %arg10[%swap3A_433, %swap3A_434], %swap3A_437 {strides = array<i32>} : memref<16x1024xf32, #tpu.memory_space<vmem>>, vector<1x16xf32>,
      %mul3A_438 = arith.mulf %get3A_421, %get3A_425 : vector<16xf32>
      %mul3A_439 = arith.mulf %get3A_417, %get3A_429 : vector<16xf32>
      %add3A_440 = arith.addf %mul3A_438, %mul3A_439 : vector<16xf32>
      %swap3A_441 = arith.index_cast %scan3A_91 : i32 to index
      %swap3A_442 = arith.constant 416 : index
      %swap3A_443 = tpu.vector_load %arg10[%swap3A_441, %swap3A_442] {strides = array<i32>} : memref<16x1024xf32, #tpu.memory_space<vmem>>, vector<1x16xf32>,
      %swap3A_444 = vector.shape_cast %swap3A_443 : vector<1x16xf32> to vector<16xf32>
      %swap3A_445 = vector.shape_cast %add3A_440 : vector<16xf32> to vector<1x16xf32>
      tpu.vector_store %arg10[%swap3A_441, %swap3A_442], %swap3A_445 {strides = array<i32>} : memref<16x1024xf32, #tpu.memory_space<vmem>>, vector<1x16xf32>,
      %get3A_446 = arith.index_cast %scan3A_91 : i32 to index
      %get3A_447 = arith.constant 176 : index
      %get3A_448 = tpu.vector_load %arg10[%get3A_446, %get3A_447] {strides = array<i32>} : memref<16x1024xf32, #tpu.memory_space<vmem>>, vector<1x16xf32>,
      %get3A_449 = vector.shape_cast %get3A_448 : vector<1x16xf32> to vector<16xf32>
      %get3A_450 = arith.index_cast %scan3A_91 : i32 to index
      %get3A_451 = arith.constant 432 : index
      %get3A_452 = tpu.vector_load %arg10[%get3A_450, %get3A_451] {strides = array<i32>} : memref<16x1024xf32, #tpu.memory_space<vmem>>, vector<1x16xf32>,
      %get3A_453 = vector.shape_cast %get3A_452 : vector<1x16xf32> to vector<16xf32>
      %get3A_454 = arith.index_cast %add3A_96 : i32 to index
      %get3A_455 = arith.constant 176 : index
      %get3A_456 = tpu.vector_load %arg8[%get3A_454, %get3A_455] {strides = array<i32>} : memref<32x512xf32, #tpu.memory_space<vmem>>, vector<1x16xf32>,
      %get3A_457 = vector.shape_cast %get3A_456 : vector<1x16xf32> to vector<16xf32>
      %get3A_458 = arith.index_cast %add3A_96 : i32 to index
      %get3A_459 = arith.constant 432 : index
      %get3A_460 = tpu.vector_load %arg8[%get3A_458, %get3A_459] {strides = array<i32>} : memref<32x512xf32, #tpu.memory_space<vmem>>, vector<1x16xf32>,
      %get3A_461 = vector.shape_cast %get3A_460 : vector<1x16xf32> to vector<16xf32>
      %mul3A_462 = arith.mulf %get3A_449, %get3A_457 : vector<16xf32>
      %mul3A_463 = arith.mulf %get3A_453, %get3A_461 : vector<16xf32>
      %sub3A_464 = arith.subf %mul3A_462, %mul3A_463 : vector<16xf32>
      %swap3A_465 = arith.index_cast %scan3A_91 : i32 to index
      %swap3A_466 = arith.constant 176 : index
      %swap3A_467 = tpu.vector_load %arg10[%swap3A_465, %swap3A_466] {strides = array<i32>} : memref<16x1024xf32, #tpu.memory_space<vmem>>, vector<1x16xf32>,
      %swap3A_468 = vector.shape_cast %swap3A_467 : vector<1x16xf32> to vector<16xf32>
      %swap3A_469 = vector.shape_cast %sub3A_464 : vector<16xf32> to vector<1x16xf32>
      tpu.vector_store %arg10[%swap3A_465, %swap3A_466], %swap3A_469 {strides = array<i32>} : memref<16x1024xf32, #tpu.memory_space<vmem>>, vector<1x16xf32>,
      %mul3A_470 = arith.mulf %get3A_453, %get3A_457 : vector<16xf32>
      %mul3A_471 = arith.mulf %get3A_449, %get3A_461 : vector<16xf32>
      %add3A_472 = arith.addf %mul3A_470, %mul3A_471 : vector<16xf32>
      %swap3A_473 = arith.index_cast %scan3A_91 : i32 to index
      %swap3A_474 = arith.constant 432 : index
      %swap3A_475 = tpu.vector_load %arg10[%swap3A_473, %swap3A_474] {strides = array<i32>} : memref<16x1024xf32, #tpu.memory_space<vmem>>, vector<1x16xf32>,
      %swap3A_476 = vector.shape_cast %swap3A_475 : vector<1x16xf32> to vector<16xf32>
      %swap3A_477 = vector.shape_cast %add3A_472 : vector<16xf32> to vector<1x16xf32>
      tpu.vector_store %arg10[%swap3A_473, %swap3A_474], %swap3A_477 {strides = array<i32>} : memref<16x1024xf32, #tpu.memory_space<vmem>>, vector<1x16xf32>,
      %get3A_478 = arith.index_cast %scan3A_91 : i32 to index
      %get3A_479 = arith.constant 192 : index
      %get3A_480 = tpu.vector_load %arg10[%get3A_478, %get3A_479] {strides = array<i32>} : memref<16x1024xf32, #tpu.memory_space<vmem>>, vector<1x16xf32>,
      %get3A_481 = vector.shape_cast %get3A_480 : vector<1x16xf32> to vector<16xf32>
      %get3A_482 = arith.index_cast %scan3A_91 : i32 to index
      %get3A_483 = arith.constant 448 : index
      %get3A_484 = tpu.vector_load %arg10[%get3A_482, %get3A_483] {strides = array<i32>} : memref<16x1024xf32, #tpu.memory_space<vmem>>, vector<1x16xf32>,
      %get3A_485 = vector.shape_cast %get3A_484 : vector<1x16xf32> to vector<16xf32>
      %get3A_486 = arith.index_cast %add3A_96 : i32 to index
      %get3A_487 = arith.constant 192 : index
      %get3A_488 = tpu.vector_load %arg8[%get3A_486, %get3A_487] {strides = array<i32>} : memref<32x512xf32, #tpu.memory_space<vmem>>, vector<1x16xf32>,
      %get3A_489 = vector.shape_cast %get3A_488 : vector<1x16xf32> to vector<16xf32>
      %get3A_490 = arith.index_cast %add3A_96 : i32 to index
      %get3A_491 = arith.constant 448 : index
      %get3A_492 = tpu.vector_load %arg8[%get3A_490, %get3A_491] {strides = array<i32>} : memref<32x512xf32, #tpu.memory_space<vmem>>, vector<1x16xf32>,
      %get3A_493 = vector.shape_cast %get3A_492 : vector<1x16xf32> to vector<16xf32>
      %mul3A_494 = arith.mulf %get3A_481, %get3A_489 : vector<16xf32>
      %mul3A_495 = arith.mulf %get3A_485, %get3A_493 : vector<16xf32>
      %sub3A_496 = arith.subf %mul3A_494, %mul3A_495 : vector<16xf32>
      %swap3A_497 = arith.index_cast %scan3A_91 : i32 to index
      %swap3A_498 = arith.constant 192 : index
      %swap3A_499 = tpu.vector_load %arg10[%swap3A_497, %swap3A_498] {strides = array<i32>} : memref<16x1024xf32, #tpu.memory_space<vmem>>, vector<1x16xf32>,
      %swap3A_500 = vector.shape_cast %swap3A_499 : vector<1x16xf32> to vector<16xf32>
      %swap3A_501 = vector.shape_cast %sub3A_496 : vector<16xf32> to vector<1x16xf32>
      tpu.vector_store %arg10[%swap3A_497, %swap3A_498], %swap3A_501 {strides = array<i32>} : memref<16x1024xf32, #tpu.memory_space<vmem>>, vector<1x16xf32>,
      %mul3A_502 = arith.mulf %get3A_485, %get3A_489 : vector<16xf32>
      %mul3A_503 = arith.mulf %get3A_481, %get3A_493 : vector<16xf32>
      %add3A_504 = arith.addf %mul3A_502, %mul3A_503 : vector<16xf32>
      %swap3A_505 = arith.index_cast %scan3A_91 : i32 to index
      %swap3A_506 = arith.constant 448 : index
      %swap3A_507 = tpu.vector_load %arg10[%swap3A_505, %swap3A_506] {strides = array<i32>} : memref<16x1024xf32, #tpu.memory_space<vmem>>, vector<1x16xf32>,
      %swap3A_508 = vector.shape_cast %swap3A_507 : vector<1x16xf32> to vector<16xf32>
      %swap3A_509 = vector.shape_cast %add3A_504 : vector<16xf32> to vector<1x16xf32>
      tpu.vector_store %arg10[%swap3A_505, %swap3A_506], %swap3A_509 {strides = array<i32>} : memref<16x1024xf32, #tpu.memory_space<vmem>>, vector<1x16xf32>,
      %get3A_510 = arith.index_cast %scan3A_91 : i32 to index
      %get3A_511 = arith.constant 208 : index
      %get3A_512 = tpu.vector_load %arg10[%get3A_510, %get3A_511] {strides = array<i32>} : memref<16x1024xf32, #tpu.memory_space<vmem>>, vector<1x16xf32>,
      %get3A_513 = vector.shape_cast %get3A_512 : vector<1x16xf32> to vector<16xf32>
      %get3A_514 = arith.index_cast %scan3A_91 : i32 to index
      %get3A_515 = arith.constant 464 : index
      %get3A_516 = tpu.vector_load %arg10[%get3A_514, %get3A_515] {strides = array<i32>} : memref<16x1024xf32, #tpu.memory_space<vmem>>, vector<1x16xf32>,
      %get3A_517 = vector.shape_cast %get3A_516 : vector<1x16xf32> to vector<16xf32>
      %get3A_518 = arith.index_cast %add3A_96 : i32 to index
      %get3A_519 = arith.constant 208 : index
      %get3A_520 = tpu.vector_load %arg8[%get3A_518, %get3A_519] {strides = array<i32>} : memref<32x512xf32, #tpu.memory_space<vmem>>, vector<1x16xf32>,
      %get3A_521 = vector.shape_cast %get3A_520 : vector<1x16xf32> to vector<16xf32>
      %get3A_522 = arith.index_cast %add3A_96 : i32 to index
      %get3A_523 = arith.constant 464 : index
      %get3A_524 = tpu.vector_load %arg8[%get3A_522, %get3A_523] {strides = array<i32>} : memref<32x512xf32, #tpu.memory_space<vmem>>, vector<1x16xf32>,
      %get3A_525 = vector.shape_cast %get3A_524 : vector<1x16xf32> to vector<16xf32>
      %mul3A_526 = arith.mulf %get3A_513, %get3A_521 : vector<16xf32>
      %mul3A_527 = arith.mulf %get3A_517, %get3A_525 : vector<16xf32>
      %sub3A_528 = arith.subf %mul3A_526, %mul3A_527 : vector<16xf32>
      %swap3A_529 = arith.index_cast %scan3A_91 : i32 to index
      %swap3A_530 = arith.constant 208 : index
      %swap3A_531 = tpu.vector_load %arg10[%swap3A_529, %swap3A_530] {strides = array<i32>} : memref<16x1024xf32, #tpu.memory_space<vmem>>, vector<1x16xf32>,
      %swap3A_532 = vector.shape_cast %swap3A_531 : vector<1x16xf32> to vector<16xf32>
      %swap3A_533 = vector.shape_cast %sub3A_528 : vector<16xf32> to vector<1x16xf32>
      tpu.vector_store %arg10[%swap3A_529, %swap3A_530], %swap3A_533 {strides = array<i32>} : memref<16x1024xf32, #tpu.memory_space<vmem>>, vector<1x16xf32>,
      %mul3A_534 = arith.mulf %get3A_517, %get3A_521 : vector<16xf32>
      %mul3A_535 = arith.mulf %get3A_513, %get3A_525 : vector<16xf32>
      %add3A_536 = arith.addf %mul3A_534, %mul3A_535 : vector<16xf32>
      %swap3A_537 = arith.index_cast %scan3A_91 : i32 to index
      %swap3A_538 = arith.constant 464 : index
      %swap3A_539 = tpu.vector_load %arg10[%swap3A_537, %swap3A_538] {strides = array<i32>} : memref<16x1024xf32, #tpu.memory_space<vmem>>, vector<1x16xf32>,
      %swap3A_540 = vector.shape_cast %swap3A_539 : vector<1x16xf32> to vector<16xf32>
      %swap3A_541 = vector.shape_cast %add3A_536 : vector<16xf32> to vector<1x16xf32>
      tpu.vector_store %arg10[%swap3A_537, %swap3A_538], %swap3A_541 {strides = array<i32>} : memref<16x1024xf32, #tpu.memory_space<vmem>>, vector<1x16xf32>,
      %get3A_542 = arith.index_cast %scan3A_91 : i32 to index
      %get3A_543 = arith.constant 224 : index
      %get3A_544 = tpu.vector_load %arg10[%get3A_542, %get3A_543] {strides = array<i32>} : memref<16x1024xf32, #tpu.memory_space<vmem>>, vector<1x16xf32>,
      %get3A_545 = vector.shape_cast %get3A_544 : vector<1x16xf32> to vector<16xf32>
      %get3A_546 = arith.index_cast %scan3A_91 : i32 to index
      %get3A_547 = arith.constant 480 : index
      %get3A_548 = tpu.vector_load %arg10[%get3A_546, %get3A_547] {strides = array<i32>} : memref<16x1024xf32, #tpu.memory_space<vmem>>, vector<1x16xf32>,
      %get3A_549 = vector.shape_cast %get3A_548 : vector<1x16xf32> to vector<16xf32>
      %get3A_550 = arith.index_cast %add3A_96 : i32 to index
      %get3A_551 = arith.constant 224 : index
      %get3A_552 = tpu.vector_load %arg8[%get3A_550, %get3A_551] {strides = array<i32>} : memref<32x512xf32, #tpu.memory_space<vmem>>, vector<1x16xf32>,
      %get3A_553 = vector.shape_cast %get3A_552 : vector<1x16xf32> to vector<16xf32>
      %get3A_554 = arith.index_cast %add3A_96 : i32 to index
      %get3A_555 = arith.constant 480 : index
      %get3A_556 = tpu.vector_load %arg8[%get3A_554, %get3A_555] {strides = array<i32>} : memref<32x512xf32, #tpu.memory_space<vmem>>, vector<1x16xf32>,
      %get3A_557 = vector.shape_cast %get3A_556 : vector<1x16xf32> to vector<16xf32>
      %mul3A_558 = arith.mulf %get3A_545, %get3A_553 : vector<16xf32>
      %mul3A_559 = arith.mulf %get3A_549, %get3A_557 : vector<16xf32>
      %sub3A_560 = arith.subf %mul3A_558, %mul3A_559 : vector<16xf32>
      %swap3A_561 = arith.index_cast %scan3A_91 : i32 to index
      %swap3A_562 = arith.constant 224 : index
      %swap3A_563 = tpu.vector_load %arg10[%swap3A_561, %swap3A_562] {strides = array<i32>} : memref<16x1024xf32, #tpu.memory_space<vmem>>, vector<1x16xf32>,
      %swap3A_564 = vector.shape_cast %swap3A_563 : vector<1x16xf32> to vector<16xf32>
      %swap3A_565 = vector.shape_cast %sub3A_560 : vector<16xf32> to vector<1x16xf32>
      tpu.vector_store %arg10[%swap3A_561, %swap3A_562], %swap3A_565 {strides = array<i32>} : memref<16x1024xf32, #tpu.memory_space<vmem>>, vector<1x16xf32>,
      %mul3A_566 = arith.mulf %get3A_549, %get3A_553 : vector<16xf32>
      %mul3A_567 = arith.mulf %get3A_545, %get3A_557 : vector<16xf32>
      %add3A_568 = arith.addf %mul3A_566, %mul3A_567 : vector<16xf32>
      %swap3A_569 = arith.index_cast %scan3A_91 : i32 to index
      %swap3A_570 = arith.constant 480 : index
      %swap3A_571 = tpu.vector_load %arg10[%swap3A_569, %swap3A_570] {strides = array<i32>} : memref<16x1024xf32, #tpu.memory_space<vmem>>, vector<1x16xf32>,
      %swap3A_572 = vector.shape_cast %swap3A_571 : vector<1x16xf32> to vector<16xf32>
      %swap3A_573 = vector.shape_cast %add3A_568 : vector<16xf32> to vector<1x16xf32>
      tpu.vector_store %arg10[%swap3A_569, %swap3A_570], %swap3A_573 {strides = array<i32>} : memref<16x1024xf32, #tpu.memory_space<vmem>>, vector<1x16xf32>,
      %get3A_574 = arith.index_cast %scan3A_91 : i32 to index
      %get3A_575 = arith.constant 240 : index
      %get3A_576 = tpu.vector_load %arg10[%get3A_574, %get3A_575] {strides = array<i32>} : memref<16x1024xf32, #tpu.memory_space<vmem>>, vector<1x16xf32>,
      %get3A_577 = vector.shape_cast %get3A_576 : vector<1x16xf32> to vector<16xf32>
      %get3A_578 = arith.index_cast %scan3A_91 : i32 to index
      %get3A_579 = arith.constant 496 : index
      %get3A_580 = tpu.vector_load %arg10[%get3A_578, %get3A_579] {strides = array<i32>} : memref<16x1024xf32, #tpu.memory_space<vmem>>, vector<1x16xf32>,
      %get3A_581 = vector.shape_cast %get3A_580 : vector<1x16xf32> to vector<16xf32>
      %get3A_582 = arith.index_cast %add3A_96 : i32 to index
      %get3A_583 = arith.constant 240 : index
      %get3A_584 = tpu.vector_load %arg8[%get3A_582, %get3A_583] {strides = array<i32>} : memref<32x512xf32, #tpu.memory_space<vmem>>, vector<1x16xf32>,
      %get3A_585 = vector.shape_cast %get3A_584 : vector<1x16xf32> to vector<16xf32>
      %get3A_586 = arith.index_cast %add3A_96 : i32 to index
      %get3A_587 = arith.constant 496 : index
      %get3A_588 = tpu.vector_load %arg8[%get3A_586, %get3A_587] {strides = array<i32>} : memref<32x512xf32, #tpu.memory_space<vmem>>, vector<1x16xf32>,
      %get3A_589 = vector.shape_cast %get3A_588 : vector<1x16xf32> to vector<16xf32>
      %mul3A_590 = arith.mulf %get3A_577, %get3A_585 : vector<16xf32>
      %mul3A_591 = arith.mulf %get3A_581, %get3A_589 : vector<16xf32>
      %sub3A_592 = arith.subf %mul3A_590, %mul3A_591 : vector<16xf32>
      %swap3A_593 = arith.index_cast %scan3A_91 : i32 to index
      %swap3A_594 = arith.constant 240 : index
      %swap3A_595 = tpu.vector_load %arg10[%swap3A_593, %swap3A_594] {strides = array<i32>} : memref<16x1024xf32, #tpu.memory_space<vmem>>, vector<1x16xf32>,
      %swap3A_596 = vector.shape_cast %swap3A_595 : vector<1x16xf32> to vector<16xf32>
      %swap3A_597 = vector.shape_cast %sub3A_592 : vector<16xf32> to vector<1x16xf32>
      tpu.vector_store %arg10[%swap3A_593, %swap3A_594], %swap3A_597 {strides = array<i32>} : memref<16x1024xf32, #tpu.memory_space<vmem>>, vector<1x16xf32>,
      %mul3A_598 = arith.mulf %get3A_581, %get3A_585 : vector<16xf32>
      %mul3A_599 = arith.mulf %get3A_577, %get3A_589 : vector<16xf32>
      %add3A_600 = arith.addf %mul3A_598, %mul3A_599 : vector<16xf32>
      %swap3A_601 = arith.index_cast %scan3A_91 : i32 to index
      %swap3A_602 = arith.constant 496 : index
      %swap3A_603 = tpu.vector_load %arg10[%swap3A_601, %swap3A_602] {strides = array<i32>} : memref<16x1024xf32, #tpu.memory_space<vmem>>, vector<1x16xf32>,
      %swap3A_604 = vector.shape_cast %swap3A_603 : vector<1x16xf32> to vector<16xf32>
      %swap3A_605 = vector.shape_cast %add3A_600 : vector<16xf32> to vector<1x16xf32>
      tpu.vector_store %arg10[%swap3A_601, %swap3A_602], %swap3A_605 {strides = array<i32>} : memref<16x1024xf32, #tpu.memory_space<vmem>>, vector<1x16xf32>,
      %mul3A_606 = arith.constant 2 : i32
      %mul3A_607 = arith.muli %mul3A_606, %scan3A_91 : i32
      %add3A_608 = arith.constant 1 : i32
      %add3A_609 = arith.addi %mul3A_607, %add3A_608 : i32
      %get3A_610 = arith.index_cast %scan3A_91 : i32 to index
      %get3A_611 = arith.constant 512 : index
      %get3A_612 = tpu.vector_load %arg10[%get3A_610, %get3A_611] {strides = array<i32>} : memref<16x1024xf32, #tpu.memory_space<vmem>>, vector<1x16xf32>,
      %get3A_613 = vector.shape_cast %get3A_612 : vector<1x16xf32> to vector<16xf32>
      %get3A_614 = arith.index_cast %scan3A_91 : i32 to index
      %get3A_615 = arith.constant 768 : index
      %get3A_616 = tpu.vector_load %arg10[%get3A_614, %get3A_615] {strides = array<i32>} : memref<16x1024xf32, #tpu.memory_space<vmem>>, vector<1x16xf32>,
      %get3A_617 = vector.shape_cast %get3A_616 : vector<1x16xf32> to vector<16xf32>
      %get3A_618 = arith.index_cast %add3A_609 : i32 to index
      %get3A_619 = arith.constant 0 : index
      %get3A_620 = tpu.vector_load %arg8[%get3A_618, %get3A_619] {strides = array<i32>} : memref<32x512xf32, #tpu.memory_space<vmem>>, vector<1x16xf32>,
      %get3A_621 = vector.shape_cast %get3A_620 : vector<1x16xf32> to vector<16xf32>
      %get3A_622 = arith.index_cast %add3A_609 : i32 to index
      %get3A_623 = arith.constant 256 : index
      %get3A_624 = tpu.vector_load %arg8[%get3A_622, %get3A_623] {strides = array<i32>} : memref<32x512xf32, #tpu.memory_space<vmem>>, vector<1x16xf32>,
      %get3A_625 = vector.shape_cast %get3A_624 : vector<1x16xf32> to vector<16xf32>
      %mul3A_626 = arith.mulf %get3A_613, %get3A_621 : vector<16xf32>
      %mul3A_627 = arith.mulf %get3A_617, %get3A_625 : vector<16xf32>
      %sub3A_628 = arith.subf %mul3A_626, %mul3A_627 : vector<16xf32>
      %swap3A_629 = arith.index_cast %scan3A_91 : i32 to index
      %swap3A_630 = arith.constant 512 : index
      %swap3A_631 = tpu.vector_load %arg10[%swap3A_629, %swap3A_630] {strides = array<i32>} : memref<16x1024xf32, #tpu.memory_space<vmem>>, vector<1x16xf32>,
      %swap3A_632 = vector.shape_cast %swap3A_631 : vector<1x16xf32> to vector<16xf32>
      %swap3A_633 = vector.shape_cast %sub3A_628 : vector<16xf32> to vector<1x16xf32>
      tpu.vector_store %arg10[%swap3A_629, %swap3A_630], %swap3A_633 {strides = array<i32>} : memref<16x1024xf32, #tpu.memory_space<vmem>>, vector<1x16xf32>,
      %mul3A_634 = arith.mulf %get3A_617, %get3A_621 : vector<16xf32>
      %mul3A_635 = arith.mulf %get3A_613, %get3A_625 : vector<16xf32>
      %add3A_636 = arith.addf %mul3A_634, %mul3A_635 : vector<16xf32>
      %swap3A_637 = arith.index_cast %scan3A_91 : i32 to index
      %swap3A_638 = arith.constant 768 : index
      %swap3A_639 = tpu.vector_load %arg10[%swap3A_637, %swap3A_638] {strides = array<i32>} : memref<16x1024xf32, #tpu.memory_space<vmem>>, vector<1x16xf32>,
      %swap3A_640 = vector.shape_cast %swap3A_639 : vector<1x16xf32> to vector<16xf32>
      %swap3A_641 = vector.shape_cast %add3A_636 : vector<16xf32> to vector<1x16xf32>
      tpu.vector_store %arg10[%swap3A_637, %swap3A_638], %swap3A_641 {strides = array<i32>} : memref<16x1024xf32, #tpu.memory_space<vmem>>, vector<1x16xf32>,
      %get3A_642 = arith.index_cast %scan3A_91 : i32 to index
      %get3A_643 = arith.constant 528 : index
      %get3A_644 = tpu.vector_load %arg10[%get3A_642, %get3A_643] {strides = array<i32>} : memref<16x1024xf32, #tpu.memory_space<vmem>>, vector<1x16xf32>,
      %get3A_645 = vector.shape_cast %get3A_644 : vector<1x16xf32> to vector<16xf32>
      %get3A_646 = arith.index_cast %scan3A_91 : i32 to index
      %get3A_647 = arith.constant 784 : index
      %get3A_648 = tpu.vector_load %arg10[%get3A_646, %get3A_647] {strides = array<i32>} : memref<16x1024xf32, #tpu.memory_space<vmem>>, vector<1x16xf32>,
      %get3A_649 = vector.shape_cast %get3A_648 : vector<1x16xf32> to vector<16xf32>
      %get3A_650 = arith.index_cast %add3A_609 : i32 to index
      %get3A_651 = arith.constant 16 : index
      %get3A_652 = tpu.vector_load %arg8[%get3A_650, %get3A_651] {strides = array<i32>} : memref<32x512xf32, #tpu.memory_space<vmem>>, vector<1x16xf32>,
      %get3A_653 = vector.shape_cast %get3A_652 : vector<1x16xf32> to vector<16xf32>
      %get3A_654 = arith.index_cast %add3A_609 : i32 to index
      %get3A_655 = arith.constant 272 : index
      %get3A_656 = tpu.vector_load %arg8[%get3A_654, %get3A_655] {strides = array<i32>} : memref<32x512xf32, #tpu.memory_space<vmem>>, vector<1x16xf32>,
      %get3A_657 = vector.shape_cast %get3A_656 : vector<1x16xf32> to vector<16xf32>
      %mul3A_658 = arith.mulf %get3A_645, %get3A_653 : vector<16xf32>
      %mul3A_659 = arith.mulf %get3A_649, %get3A_657 : vector<16xf32>
      %sub3A_660 = arith.subf %mul3A_658, %mul3A_659 : vector<16xf32>
      %swap3A_661 = arith.index_cast %scan3A_91 : i32 to index
      %swap3A_662 = arith.constant 528 : index
      %swap3A_663 = tpu.vector_load %arg10[%swap3A_661, %swap3A_662] {strides = array<i32>} : memref<16x1024xf32, #tpu.memory_space<vmem>>, vector<1x16xf32>,
      %swap3A_664 = vector.shape_cast %swap3A_663 : vector<1x16xf32> to vector<16xf32>
      %swap3A_665 = vector.shape_cast %sub3A_660 : vector<16xf32> to vector<1x16xf32>
      tpu.vector_store %arg10[%swap3A_661, %swap3A_662], %swap3A_665 {strides = array<i32>} : memref<16x1024xf32, #tpu.memory_space<vmem>>, vector<1x16xf32>,
      %mul3A_666 = arith.mulf %get3A_649, %get3A_653 : vector<16xf32>
      %mul3A_667 = arith.mulf %get3A_645, %get3A_657 : vector<16xf32>
      %add3A_668 = arith.addf %mul3A_666, %mul3A_667 : vector<16xf32>
      %swap3A_669 = arith.index_cast %scan3A_91 : i32 to index
      %swap3A_670 = arith.constant 784 : index
      %swap3A_671 = tpu.vector_load %arg10[%swap3A_669, %swap3A_670] {strides = array<i32>} : memref<16x1024xf32, #tpu.memory_space<vmem>>, vector<1x16xf32>,
      %swap3A_672 = vector.shape_cast %swap3A_671 : vector<1x16xf32> to vector<16xf32>
      %swap3A_673 = vector.shape_cast %add3A_668 : vector<16xf32> to vector<1x16xf32>
      tpu.vector_store %arg10[%swap3A_669, %swap3A_670], %swap3A_673 {strides = array<i32>} : memref<16x1024xf32, #tpu.memory_space<vmem>>, vector<1x16xf32>,
      %get3A_674 = arith.index_cast %scan3A_91 : i32 to index
      %get3A_675 = arith.constant 544 : index
      %get3A_676 = tpu.vector_load %arg10[%get3A_674, %get3A_675] {strides = array<i32>} : memref<16x1024xf32, #tpu.memory_space<vmem>>, vector<1x16xf32>,
      %get3A_677 = vector.shape_cast %get3A_676 : vector<1x16xf32> to vector<16xf32>
      %get3A_678 = arith.index_cast %scan3A_91 : i32 to index
      %get3A_679 = arith.constant 800 : index
      %get3A_680 = tpu.vector_load %arg10[%get3A_678, %get3A_679] {strides = array<i32>} : memref<16x1024xf32, #tpu.memory_space<vmem>>, vector<1x16xf32>,
      %get3A_681 = vector.shape_cast %get3A_680 : vector<1x16xf32> to vector<16xf32>
      %get3A_682 = arith.index_cast %add3A_609 : i32 to index
      %get3A_683 = arith.constant 32 : index
      %get3A_684 = tpu.vector_load %arg8[%get3A_682, %get3A_683] {strides = array<i32>} : memref<32x512xf32, #tpu.memory_space<vmem>>, vector<1x16xf32>,
      %get3A_685 = vector.shape_cast %get3A_684 : vector<1x16xf32> to vector<16xf32>
      %get3A_686 = arith.index_cast %add3A_609 : i32 to index
      %get3A_687 = arith.constant 288 : index
      %get3A_688 = tpu.vector_load %arg8[%get3A_686, %get3A_687] {strides = array<i32>} : memref<32x512xf32, #tpu.memory_space<vmem>>, vector<1x16xf32>,
      %get3A_689 = vector.shape_cast %get3A_688 : vector<1x16xf32> to vector<16xf32>
      %mul3A_690 = arith.mulf %get3A_677, %get3A_685 : vector<16xf32>
      %mul3A_691 = arith.mulf %get3A_681, %get3A_689 : vector<16xf32>
      %sub3A_692 = arith.subf %mul3A_690, %mul3A_691 : vector<16xf32>
      %swap3A_693 = arith.index_cast %scan3A_91 : i32 to index
      %swap3A_694 = arith.constant 544 : index
      %swap3A_695 = tpu.vector_load %arg10[%swap3A_693, %swap3A_694] {strides = array<i32>} : memref<16x1024xf32, #tpu.memory_space<vmem>>, vector<1x16xf32>,
      %swap3A_696 = vector.shape_cast %swap3A_695 : vector<1x16xf32> to vector<16xf32>
      %swap3A_697 = vector.shape_cast %sub3A_692 : vector<16xf32> to vector<1x16xf32>
      tpu.vector_store %arg10[%swap3A_693, %swap3A_694], %swap3A_697 {strides = array<i32>} : memref<16x1024xf32, #tpu.memory_space<vmem>>, vector<1x16xf32>,
      %mul3A_698 = arith.mulf %get3A_681, %get3A_685 : vector<16xf32>
      %mul3A_699 = arith.mulf %get3A_677, %get3A_689 : vector<16xf32>
      %add3A_700 = arith.addf %mul3A_698, %mul3A_699 : vector<16xf32>
      %swap3A_701 = arith.index_cast %scan3A_91 : i32 to index
      %swap3A_702 = arith.constant 800 : index
      %swap3A_703 = tpu.vector_load %arg10[%swap3A_701, %swap3A_702] {strides = array<i32>} : memref<16x1024xf32, #tpu.memory_space<vmem>>, vector<1x16xf32>,
      %swap3A_704 = vector.shape_cast %swap3A_703 : vector<1x16xf32> to vector<16xf32>
      %swap3A_705 = vector.shape_cast %add3A_700 : vector<16xf32> to vector<1x16xf32>
      tpu.vector_store %arg10[%swap3A_701, %swap3A_702], %swap3A_705 {strides = array<i32>} : memref<16x1024xf32, #tpu.memory_space<vmem>>, vector<1x16xf32>,
      %get3A_706 = arith.index_cast %scan3A_91 : i32 to index
      %get3A_707 = arith.constant 560 : index
      %get3A_708 = tpu.vector_load %arg10[%get3A_706, %get3A_707] {strides = array<i32>} : memref<16x1024xf32, #tpu.memory_space<vmem>>, vector<1x16xf32>,
      %get3A_709 = vector.shape_cast %get3A_708 : vector<1x16xf32> to vector<16xf32>
      %get3A_710 = arith.index_cast %scan3A_91 : i32 to index
      %get3A_711 = arith.constant 816 : index
      %get3A_712 = tpu.vector_load %arg10[%get3A_710, %get3A_711] {strides = array<i32>} : memref<16x1024xf32, #tpu.memory_space<vmem>>, vector<1x16xf32>,
      %get3A_713 = vector.shape_cast %get3A_712 : vector<1x16xf32> to vector<16xf32>
      %get3A_714 = arith.index_cast %add3A_609 : i32 to index
      %get3A_715 = arith.constant 48 : index
      %get3A_716 = tpu.vector_load %arg8[%get3A_714, %get3A_715] {strides = array<i32>} : memref<32x512xf32, #tpu.memory_space<vmem>>, vector<1x16xf32>,
      %get3A_717 = vector.shape_cast %get3A_716 : vector<1x16xf32> to vector<16xf32>
      %get3A_718 = arith.index_cast %add3A_609 : i32 to index
      %get3A_719 = arith.constant 304 : index
      %get3A_720 = tpu.vector_load %arg8[%get3A_718, %get3A_719] {strides = array<i32>} : memref<32x512xf32, #tpu.memory_space<vmem>>, vector<1x16xf32>,
      %get3A_721 = vector.shape_cast %get3A_720 : vector<1x16xf32> to vector<16xf32>
      %mul3A_722 = arith.mulf %get3A_709, %get3A_717 : vector<16xf32>
      %mul3A_723 = arith.mulf %get3A_713, %get3A_721 : vector<16xf32>
      %sub3A_724 = arith.subf %mul3A_722, %mul3A_723 : vector<16xf32>
      %swap3A_725 = arith.index_cast %scan3A_91 : i32 to index
      %swap3A_726 = arith.constant 560 : index
      %swap3A_727 = tpu.vector_load %arg10[%swap3A_725, %swap3A_726] {strides = array<i32>} : memref<16x1024xf32, #tpu.memory_space<vmem>>, vector<1x16xf32>,
      %swap3A_728 = vector.shape_cast %swap3A_727 : vector<1x16xf32> to vector<16xf32>
      %swap3A_729 = vector.shape_cast %sub3A_724 : vector<16xf32> to vector<1x16xf32>
      tpu.vector_store %arg10[%swap3A_725, %swap3A_726], %swap3A_729 {strides = array<i32>} : memref<16x1024xf32, #tpu.memory_space<vmem>>, vector<1x16xf32>,
      %mul3A_730 = arith.mulf %get3A_713, %get3A_717 : vector<16xf32>
      %mul3A_731 = arith.mulf %get3A_709, %get3A_721 : vector<16xf32>
      %add3A_732 = arith.addf %mul3A_730, %mul3A_731 : vector<16xf32>
      %swap3A_733 = arith.index_cast %scan3A_91 : i32 to index
      %swap3A_734 = arith.constant 816 : index
      %swap3A_735 = tpu.vector_load %arg10[%swap3A_733, %swap3A_734] {strides = array<i32>} : memref<16x1024xf32, #tpu.memory_space<vmem>>, vector<1x16xf32>,
      %swap3A_736 = vector.shape_cast %swap3A_735 : vector<1x16xf32> to vector<16xf32>
      %swap3A_737 = vector.shape_cast %add3A_732 : vector<16xf32> to vector<1x16xf32>
      tpu.vector_store %arg10[%swap3A_733, %swap3A_734], %swap3A_737 {strides = array<i32>} : memref<16x1024xf32, #tpu.memory_space<vmem>>, vector<1x16xf32>,
      %get3A_738 = arith.index_cast %scan3A_91 : i32 to index
      %get3A_739 = arith.constant 576 : index
      %get3A_740 = tpu.vector_load %arg10[%get3A_738, %get3A_739] {strides = array<i32>} : memref<16x1024xf32, #tpu.memory_space<vmem>>, vector<1x16xf32>,
      %get3A_741 = vector.shape_cast %get3A_740 : vector<1x16xf32> to vector<16xf32>
      %get3A_742 = arith.index_cast %scan3A_91 : i32 to index
      %get3A_743 = arith.constant 832 : index
      %get3A_744 = tpu.vector_load %arg10[%get3A_742, %get3A_743] {strides = array<i32>} : memref<16x1024xf32, #tpu.memory_space<vmem>>, vector<1x16xf32>,
      %get3A_745 = vector.shape_cast %get3A_744 : vector<1x16xf32> to vector<16xf32>
      %get3A_746 = arith.index_cast %add3A_609 : i32 to index
      %get3A_747 = arith.constant 64 : index
      %get3A_748 = tpu.vector_load %arg8[%get3A_746, %get3A_747] {strides = array<i32>} : memref<32x512xf32, #tpu.memory_space<vmem>>, vector<1x16xf32>,
      %get3A_749 = vector.shape_cast %get3A_748 : vector<1x16xf32> to vector<16xf32>
      %get3A_750 = arith.index_cast %add3A_609 : i32 to index
      %get3A_751 = arith.constant 320 : index
      %get3A_752 = tpu.vector_load %arg8[%get3A_750, %get3A_751] {strides = array<i32>} : memref<32x512xf32, #tpu.memory_space<vmem>>, vector<1x16xf32>,
      %get3A_753 = vector.shape_cast %get3A_752 : vector<1x16xf32> to vector<16xf32>
      %mul3A_754 = arith.mulf %get3A_741, %get3A_749 : vector<16xf32>
      %mul3A_755 = arith.mulf %get3A_745, %get3A_753 : vector<16xf32>
      %sub3A_756 = arith.subf %mul3A_754, %mul3A_755 : vector<16xf32>
      %swap3A_757 = arith.index_cast %scan3A_91 : i32 to index
      %swap3A_758 = arith.constant 576 : index
      %swap3A_759 = tpu.vector_load %arg10[%swap3A_757, %swap3A_758] {strides = array<i32>} : memref<16x1024xf32, #tpu.memory_space<vmem>>, vector<1x16xf32>,
      %swap3A_760 = vector.shape_cast %swap3A_759 : vector<1x16xf32> to vector<16xf32>
      %swap3A_761 = vector.shape_cast %sub3A_756 : vector<16xf32> to vector<1x16xf32>
      tpu.vector_store %arg10[%swap3A_757, %swap3A_758], %swap3A_761 {strides = array<i32>} : memref<16x1024xf32, #tpu.memory_space<vmem>>, vector<1x16xf32>,
      %mul3A_762 = arith.mulf %get3A_745, %get3A_749 : vector<16xf32>
      %mul3A_763 = arith.mulf %get3A_741, %get3A_753 : vector<16xf32>
      %add3A_764 = arith.addf %mul3A_762, %mul3A_763 : vector<16xf32>
      %swap3A_765 = arith.index_cast %scan3A_91 : i32 to index
      %swap3A_766 = arith.constant 832 : index
      %swap3A_767 = tpu.vector_load %arg10[%swap3A_765, %swap3A_766] {strides = array<i32>} : memref<16x1024xf32, #tpu.memory_space<vmem>>, vector<1x16xf32>,
      %swap3A_768 = vector.shape_cast %swap3A_767 : vector<1x16xf32> to vector<16xf32>
      %swap3A_769 = vector.shape_cast %add3A_764 : vector<16xf32> to vector<1x16xf32>
      tpu.vector_store %arg10[%swap3A_765, %swap3A_766], %swap3A_769 {strides = array<i32>} : memref<16x1024xf32, #tpu.memory_space<vmem>>, vector<1x16xf32>,
      %get3A_770 = arith.index_cast %scan3A_91 : i32 to index
      %get3A_771 = arith.constant 592 : index
      %get3A_772 = tpu.vector_load %arg10[%get3A_770, %get3A_771] {strides = array<i32>} : memref<16x1024xf32, #tpu.memory_space<vmem>>, vector<1x16xf32>,
      %get3A_773 = vector.shape_cast %get3A_772 : vector<1x16xf32> to vector<16xf32>
      %get3A_774 = arith.index_cast %scan3A_91 : i32 to index
      %get3A_775 = arith.constant 848 : index
      %get3A_776 = tpu.vector_load %arg10[%get3A_774, %get3A_775] {strides = array<i32>} : memref<16x1024xf32, #tpu.memory_space<vmem>>, vector<1x16xf32>,
      %get3A_777 = vector.shape_cast %get3A_776 : vector<1x16xf32> to vector<16xf32>
      %get3A_778 = arith.index_cast %add3A_609 : i32 to index
      %get3A_779 = arith.constant 80 : index
      %get3A_780 = tpu.vector_load %arg8[%get3A_778, %get3A_779] {strides = array<i32>} : memref<32x512xf32, #tpu.memory_space<vmem>>, vector<1x16xf32>,
      %get3A_781 = vector.shape_cast %get3A_780 : vector<1x16xf32> to vector<16xf32>
      %get3A_782 = arith.index_cast %add3A_609 : i32 to index
      %get3A_783 = arith.constant 336 : index
      %get3A_784 = tpu.vector_load %arg8[%get3A_782, %get3A_783] {strides = array<i32>} : memref<32x512xf32, #tpu.memory_space<vmem>>, vector<1x16xf32>,
      %get3A_785 = vector.shape_cast %get3A_784 : vector<1x16xf32> to vector<16xf32>
      %mul3A_786 = arith.mulf %get3A_773, %get3A_781 : vector<16xf32>
      %mul3A_787 = arith.mulf %get3A_777, %get3A_785 : vector<16xf32>
      %sub3A_788 = arith.subf %mul3A_786, %mul3A_787 : vector<16xf32>
      %swap3A_789 = arith.index_cast %scan3A_91 : i32 to index
      %swap3A_790 = arith.constant 592 : index
      %swap3A_791 = tpu.vector_load %arg10[%swap3A_789, %swap3A_790] {strides = array<i32>} : memref<16x1024xf32, #tpu.memory_space<vmem>>, vector<1x16xf32>,
      %swap3A_792 = vector.shape_cast %swap3A_791 : vector<1x16xf32> to vector<16xf32>
      %swap3A_793 = vector.shape_cast %sub3A_788 : vector<16xf32> to vector<1x16xf32>
      tpu.vector_store %arg10[%swap3A_789, %swap3A_790], %swap3A_793 {strides = array<i32>} : memref<16x1024xf32, #tpu.memory_space<vmem>>, vector<1x16xf32>,
      %mul3A_794 = arith.mulf %get3A_777, %get3A_781 : vector<16xf32>
      %mul3A_795 = arith.mulf %get3A_773, %get3A_785 : vector<16xf32>
      %add3A_796 = arith.addf %mul3A_794, %mul3A_795 : vector<16xf32>
      %swap3A_797 = arith.index_cast %scan3A_91 : i32 to index
      %swap3A_798 = arith.constant 848 : index
      %swap3A_799 = tpu.vector_load %arg10[%swap3A_797, %swap3A_798] {strides = array<i32>} : memref<16x1024xf32, #tpu.memory_space<vmem>>, vector<1x16xf32>,
      %swap3A_800 = vector.shape_cast %swap3A_799 : vector<1x16xf32> to vector<16xf32>
      %swap3A_801 = vector.shape_cast %add3A_796 : vector<16xf32> to vector<1x16xf32>
      tpu.vector_store %arg10[%swap3A_797, %swap3A_798], %swap3A_801 {strides = array<i32>} : memref<16x1024xf32, #tpu.memory_space<vmem>>, vector<1x16xf32>,
      %get3A_802 = arith.index_cast %scan3A_91 : i32 to index
      %get3A_803 = arith.constant 608 : index
      %get3A_804 = tpu.vector_load %arg10[%get3A_802, %get3A_803] {strides = array<i32>} : memref<16x1024xf32, #tpu.memory_space<vmem>>, vector<1x16xf32>,
      %get3A_805 = vector.shape_cast %get3A_804 : vector<1x16xf32> to vector<16xf32>
      %get3A_806 = arith.index_cast %scan3A_91 : i32 to index
      %get3A_807 = arith.constant 864 : index
      %get3A_808 = tpu.vector_load %arg10[%get3A_806, %get3A_807] {strides = array<i32>} : memref<16x1024xf32, #tpu.memory_space<vmem>>, vector<1x16xf32>,
      %get3A_809 = vector.shape_cast %get3A_808 : vector<1x16xf32> to vector<16xf32>
      %get3A_810 = arith.index_cast %add3A_609 : i32 to index
      %get3A_811 = arith.constant 96 : index
      %get3A_812 = tpu.vector_load %arg8[%get3A_810, %get3A_811] {strides = array<i32>} : memref<32x512xf32, #tpu.memory_space<vmem>>, vector<1x16xf32>,
      %get3A_813 = vector.shape_cast %get3A_812 : vector<1x16xf32> to vector<16xf32>
      %get3A_814 = arith.index_cast %add3A_609 : i32 to index
      %get3A_815 = arith.constant 352 : index
      %get3A_816 = tpu.vector_load %arg8[%get3A_814, %get3A_815] {strides = array<i32>} : memref<32x512xf32, #tpu.memory_space<vmem>>, vector<1x16xf32>,
      %get3A_817 = vector.shape_cast %get3A_816 : vector<1x16xf32> to vector<16xf32>
      %mul3A_818 = arith.mulf %get3A_805, %get3A_813 : vector<16xf32>
      %mul3A_819 = arith.mulf %get3A_809, %get3A_817 : vector<16xf32>
      %sub3A_820 = arith.subf %mul3A_818, %mul3A_819 : vector<16xf32>
      %swap3A_821 = arith.index_cast %scan3A_91 : i32 to index
      %swap3A_822 = arith.constant 608 : index
      %swap3A_823 = tpu.vector_load %arg10[%swap3A_821, %swap3A_822] {strides = array<i32>} : memref<16x1024xf32, #tpu.memory_space<vmem>>, vector<1x16xf32>,
      %swap3A_824 = vector.shape_cast %swap3A_823 : vector<1x16xf32> to vector<16xf32>
      %swap3A_825 = vector.shape_cast %sub3A_820 : vector<16xf32> to vector<1x16xf32>
      tpu.vector_store %arg10[%swap3A_821, %swap3A_822], %swap3A_825 {strides = array<i32>} : memref<16x1024xf32, #tpu.memory_space<vmem>>, vector<1x16xf32>,
      %mul3A_826 = arith.mulf %get3A_809, %get3A_813 : vector<16xf32>
      %mul3A_827 = arith.mulf %get3A_805, %get3A_817 : vector<16xf32>
      %add3A_828 = arith.addf %mul3A_826, %mul3A_827 : vector<16xf32>
      %swap3A_829 = arith.index_cast %scan3A_91 : i32 to index
      %swap3A_830 = arith.constant 864 : index
      %swap3A_831 = tpu.vector_load %arg10[%swap3A_829, %swap3A_830] {strides = array<i32>} : memref<16x1024xf32, #tpu.memory_space<vmem>>, vector<1x16xf32>,
      %swap3A_832 = vector.shape_cast %swap3A_831 : vector<1x16xf32> to vector<16xf32>
      %swap3A_833 = vector.shape_cast %add3A_828 : vector<16xf32> to vector<1x16xf32>
      tpu.vector_store %arg10[%swap3A_829, %swap3A_830], %swap3A_833 {strides = array<i32>} : memref<16x1024xf32, #tpu.memory_space<vmem>>, vector<1x16xf32>,
      %get3A_834 = arith.index_cast %scan3A_91 : i32 to index
      %get3A_835 = arith.constant 624 : index
      %get3A_836 = tpu.vector_load %arg10[%get3A_834, %get3A_835] {strides = array<i32>} : memref<16x1024xf32, #tpu.memory_space<vmem>>, vector<1x16xf32>,
      %get3A_837 = vector.shape_cast %get3A_836 : vector<1x16xf32> to vector<16xf32>
      %get3A_838 = arith.index_cast %scan3A_91 : i32 to index
      %get3A_839 = arith.constant 880 : index
      %get3A_840 = tpu.vector_load %arg10[%get3A_838, %get3A_839] {strides = array<i32>} : memref<16x1024xf32, #tpu.memory_space<vmem>>, vector<1x16xf32>,
      %get3A_841 = vector.shape_cast %get3A_840 : vector<1x16xf32> to vector<16xf32>
      %get3A_842 = arith.index_cast %add3A_609 : i32 to index
      %get3A_843 = arith.constant 112 : index
      %get3A_844 = tpu.vector_load %arg8[%get3A_842, %get3A_843] {strides = array<i32>} : memref<32x512xf32, #tpu.memory_space<vmem>>, vector<1x16xf32>,
      %get3A_845 = vector.shape_cast %get3A_844 : vector<1x16xf32> to vector<16xf32>
      %get3A_846 = arith.index_cast %add3A_609 : i32 to index
      %get3A_847 = arith.constant 368 : index
      %get3A_848 = tpu.vector_load %arg8[%get3A_846, %get3A_847] {strides = array<i32>} : memref<32x512xf32, #tpu.memory_space<vmem>>, vector<1x16xf32>,
      %get3A_849 = vector.shape_cast %get3A_848 : vector<1x16xf32> to vector<16xf32>
      %mul3A_850 = arith.mulf %get3A_837, %get3A_845 : vector<16xf32>
      %mul3A_851 = arith.mulf %get3A_841, %get3A_849 : vector<16xf32>
      %sub3A_852 = arith.subf %mul3A_850, %mul3A_851 : vector<16xf32>
      %swap3A_853 = arith.index_cast %scan3A_91 : i32 to index
      %swap3A_854 = arith.constant 624 : index
      %swap3A_855 = tpu.vector_load %arg10[%swap3A_853, %swap3A_854] {strides = array<i32>} : memref<16x1024xf32, #tpu.memory_space<vmem>>, vector<1x16xf32>,
      %swap3A_856 = vector.shape_cast %swap3A_855 : vector<1x16xf32> to vector<16xf32>
      %swap3A_857 = vector.shape_cast %sub3A_852 : vector<16xf32> to vector<1x16xf32>
      tpu.vector_store %arg10[%swap3A_853, %swap3A_854], %swap3A_857 {strides = array<i32>} : memref<16x1024xf32, #tpu.memory_space<vmem>>, vector<1x16xf32>,
      %mul3A_858 = arith.mulf %get3A_841, %get3A_845 : vector<16xf32>
      %mul3A_859 = arith.mulf %get3A_837, %get3A_849 : vector<16xf32>
      %add3A_860 = arith.addf %mul3A_858, %mul3A_859 : vector<16xf32>
      %swap3A_861 = arith.index_cast %scan3A_91 : i32 to index
      %swap3A_862 = arith.constant 880 : index
      %swap3A_863 = tpu.vector_load %arg10[%swap3A_861, %swap3A_862] {strides = array<i32>} : memref<16x1024xf32, #tpu.memory_space<vmem>>, vector<1x16xf32>,
      %swap3A_864 = vector.shape_cast %swap3A_863 : vector<1x16xf32> to vector<16xf32>
      %swap3A_865 = vector.shape_cast %add3A_860 : vector<16xf32> to vector<1x16xf32>
      tpu.vector_store %arg10[%swap3A_861, %swap3A_862], %swap3A_865 {strides = array<i32>} : memref<16x1024xf32, #tpu.memory_space<vmem>>, vector<1x16xf32>,
      %get3A_866 = arith.index_cast %scan3A_91 : i32 to index
      %get3A_867 = arith.constant 640 : index
      %get3A_868 = tpu.vector_load %arg10[%get3A_866, %get3A_867] {strides = array<i32>} : memref<16x1024xf32, #tpu.memory_space<vmem>>, vector<1x16xf32>,
      %get3A_869 = vector.shape_cast %get3A_868 : vector<1x16xf32> to vector<16xf32>
      %get3A_870 = arith.index_cast %scan3A_91 : i32 to index
      %get3A_871 = arith.constant 896 : index
      %get3A_872 = tpu.vector_load %arg10[%get3A_870, %get3A_871] {strides = array<i32>} : memref<16x1024xf32, #tpu.memory_space<vmem>>, vector<1x16xf32>,
      %get3A_873 = vector.shape_cast %get3A_872 : vector<1x16xf32> to vector<16xf32>
      %get3A_874 = arith.index_cast %add3A_609 : i32 to index
      %get3A_875 = arith.constant 128 : index
      %get3A_876 = tpu.vector_load %arg8[%get3A_874, %get3A_875] {strides = array<i32>} : memref<32x512xf32, #tpu.memory_space<vmem>>, vector<1x16xf32>,
      %get3A_877 = vector.shape_cast %get3A_876 : vector<1x16xf32> to vector<16xf32>
      %get3A_878 = arith.index_cast %add3A_609 : i32 to index
      %get3A_879 = arith.constant 384 : index
      %get3A_880 = tpu.vector_load %arg8[%get3A_878, %get3A_879] {strides = array<i32>} : memref<32x512xf32, #tpu.memory_space<vmem>>, vector<1x16xf32>,
      %get3A_881 = vector.shape_cast %get3A_880 : vector<1x16xf32> to vector<16xf32>
      %mul3A_882 = arith.mulf %get3A_869, %get3A_877 : vector<16xf32>
      %mul3A_883 = arith.mulf %get3A_873, %get3A_881 : vector<16xf32>
      %sub3A_884 = arith.subf %mul3A_882, %mul3A_883 : vector<16xf32>
      %swap3A_885 = arith.index_cast %scan3A_91 : i32 to index
      %swap3A_886 = arith.constant 640 : index
      %swap3A_887 = tpu.vector_load %arg10[%swap3A_885, %swap3A_886] {strides = array<i32>} : memref<16x1024xf32, #tpu.memory_space<vmem>>, vector<1x16xf32>,
      %swap3A_888 = vector.shape_cast %swap3A_887 : vector<1x16xf32> to vector<16xf32>
      %swap3A_889 = vector.shape_cast %sub3A_884 : vector<16xf32> to vector<1x16xf32>
      tpu.vector_store %arg10[%swap3A_885, %swap3A_886], %swap3A_889 {strides = array<i32>} : memref<16x1024xf32, #tpu.memory_space<vmem>>, vector<1x16xf32>,
      %mul3A_890 = arith.mulf %get3A_873, %get3A_877 : vector<16xf32>
      %mul3A_891 = arith.mulf %get3A_869, %get3A_881 : vector<16xf32>
      %add3A_892 = arith.addf %mul3A_890, %mul3A_891 : vector<16xf32>
      %swap3A_893 = arith.index_cast %scan3A_91 : i32 to index
      %swap3A_894 = arith.constant 896 : index
      %swap3A_895 = tpu.vector_load %arg10[%swap3A_893, %swap3A_894] {strides = array<i32>} : memref<16x1024xf32, #tpu.memory_space<vmem>>, vector<1x16xf32>,
      %swap3A_896 = vector.shape_cast %swap3A_895 : vector<1x16xf32> to vector<16xf32>
      %swap3A_897 = vector.shape_cast %add3A_892 : vector<16xf32> to vector<1x16xf32>
      tpu.vector_store %arg10[%swap3A_893, %swap3A_894], %swap3A_897 {strides = array<i32>} : memref<16x1024xf32, #tpu.memory_space<vmem>>, vector<1x16xf32>,
      %get3A_898 = arith.index_cast %scan3A_91 : i32 to index
      %get3A_899 = arith.constant 656 : index
      %get3A_900 = tpu.vector_load %arg10[%get3A_898, %get3A_899] {strides = array<i32>} : memref<16x1024xf32, #tpu.memory_space<vmem>>, vector<1x16xf32>,
      %get3A_901 = vector.shape_cast %get3A_900 : vector<1x16xf32> to vector<16xf32>
      %get3A_902 = arith.index_cast %scan3A_91 : i32 to index
      %get3A_903 = arith.constant 912 : index
      %get3A_904 = tpu.vector_load %arg10[%get3A_902, %get3A_903] {strides = array<i32>} : memref<16x1024xf32, #tpu.memory_space<vmem>>, vector<1x16xf32>,
      %get3A_905 = vector.shape_cast %get3A_904 : vector<1x16xf32> to vector<16xf32>
      %get3A_906 = arith.index_cast %add3A_609 : i32 to index
      %get3A_907 = arith.constant 144 : index
      %get3A_908 = tpu.vector_load %arg8[%get3A_906, %get3A_907] {strides = array<i32>} : memref<32x512xf32, #tpu.memory_space<vmem>>, vector<1x16xf32>,
      %get3A_909 = vector.shape_cast %get3A_908 : vector<1x16xf32> to vector<16xf32>
      %get3A_910 = arith.index_cast %add3A_609 : i32 to index
      %get3A_911 = arith.constant 400 : index
      %get3A_912 = tpu.vector_load %arg8[%get3A_910, %get3A_911] {strides = array<i32>} : memref<32x512xf32, #tpu.memory_space<vmem>>, vector<1x16xf32>,
      %get3A_913 = vector.shape_cast %get3A_912 : vector<1x16xf32> to vector<16xf32>
      %mul3A_914 = arith.mulf %get3A_901, %get3A_909 : vector<16xf32>
      %mul3A_915 = arith.mulf %get3A_905, %get3A_913 : vector<16xf32>
      %sub3A_916 = arith.subf %mul3A_914, %mul3A_915 : vector<16xf32>
      %swap3A_917 = arith.index_cast %scan3A_91 : i32 to index
      %swap3A_918 = arith.constant 656 : index
      %swap3A_919 = tpu.vector_load %arg10[%swap3A_917, %swap3A_918] {strides = array<i32>} : memref<16x1024xf32, #tpu.memory_space<vmem>>, vector<1x16xf32>,
      %swap3A_920 = vector.shape_cast %swap3A_919 : vector<1x16xf32> to vector<16xf32>
      %swap3A_921 = vector.shape_cast %sub3A_916 : vector<16xf32> to vector<1x16xf32>
      tpu.vector_store %arg10[%swap3A_917, %swap3A_918], %swap3A_921 {strides = array<i32>} : memref<16x1024xf32, #tpu.memory_space<vmem>>, vector<1x16xf32>,
      %mul3A_922 = arith.mulf %get3A_905, %get3A_909 : vector<16xf32>
      %mul3A_923 = arith.mulf %get3A_901, %get3A_913 : vector<16xf32>
      %add3A_924 = arith.addf %mul3A_922, %mul3A_923 : vector<16xf32>
      %swap3A_925 = arith.index_cast %scan3A_91 : i32 to index
      %swap3A_926 = arith.constant 912 : index
      %swap3A_927 = tpu.vector_load %arg10[%swap3A_925, %swap3A_926] {strides = array<i32>} : memref<16x1024xf32, #tpu.memory_space<vmem>>, vector<1x16xf32>,
      %swap3A_928 = vector.shape_cast %swap3A_927 : vector<1x16xf32> to vector<16xf32>
      %swap3A_929 = vector.shape_cast %add3A_924 : vector<16xf32> to vector<1x16xf32>
      tpu.vector_store %arg10[%swap3A_925, %swap3A_926], %swap3A_929 {strides = array<i32>} : memref<16x1024xf32, #tpu.memory_space<vmem>>, vector<1x16xf32>,
      %get3A_930 = arith.index_cast %scan3A_91 : i32 to index
      %get3A_931 = arith.constant 672 : index
      %get3A_932 = tpu.vector_load %arg10[%get3A_930, %get3A_931] {strides = array<i32>} : memref<16x1024xf32, #tpu.memory_space<vmem>>, vector<1x16xf32>,
      %get3A_933 = vector.shape_cast %get3A_932 : vector<1x16xf32> to vector<16xf32>
      %get3A_934 = arith.index_cast %scan3A_91 : i32 to index
      %get3A_935 = arith.constant 928 : index
      %get3A_936 = tpu.vector_load %arg10[%get3A_934, %get3A_935] {strides = array<i32>} : memref<16x1024xf32, #tpu.memory_space<vmem>>, vector<1x16xf32>,
      %get3A_937 = vector.shape_cast %get3A_936 : vector<1x16xf32> to vector<16xf32>
      %get3A_938 = arith.index_cast %add3A_609 : i32 to index
      %get3A_939 = arith.constant 160 : index
      %get3A_940 = tpu.vector_load %arg8[%get3A_938, %get3A_939] {strides = array<i32>} : memref<32x512xf32, #tpu.memory_space<vmem>>, vector<1x16xf32>,
      %get3A_941 = vector.shape_cast %get3A_940 : vector<1x16xf32> to vector<16xf32>
      %get3A_942 = arith.index_cast %add3A_609 : i32 to index
      %get3A_943 = arith.constant 416 : index
      %get3A_944 = tpu.vector_load %arg8[%get3A_942, %get3A_943] {strides = array<i32>} : memref<32x512xf32, #tpu.memory_space<vmem>>, vector<1x16xf32>,
      %get3A_945 = vector.shape_cast %get3A_944 : vector<1x16xf32> to vector<16xf32>
      %mul3A_946 = arith.mulf %get3A_933, %get3A_941 : vector<16xf32>
      %mul3A_947 = arith.mulf %get3A_937, %get3A_945 : vector<16xf32>
      %sub3A_948 = arith.subf %mul3A_946, %mul3A_947 : vector<16xf32>
      %swap3A_949 = arith.index_cast %scan3A_91 : i32 to index
      %swap3A_950 = arith.constant 672 : index
      %swap3A_951 = tpu.vector_load %arg10[%swap3A_949, %swap3A_950] {strides = array<i32>} : memref<16x1024xf32, #tpu.memory_space<vmem>>, vector<1x16xf32>,
      %swap3A_952 = vector.shape_cast %swap3A_951 : vector<1x16xf32> to vector<16xf32>
      %swap3A_953 = vector.shape_cast %sub3A_948 : vector<16xf32> to vector<1x16xf32>
      tpu.vector_store %arg10[%swap3A_949, %swap3A_950], %swap3A_953 {strides = array<i32>} : memref<16x1024xf32, #tpu.memory_space<vmem>>, vector<1x16xf32>,
      %mul3A_954 = arith.mulf %get3A_937, %get3A_941 : vector<16xf32>
      %mul3A_955 = arith.mulf %get3A_933, %get3A_945 : vector<16xf32>
      %add3A_956 = arith.addf %mul3A_954, %mul3A_955 : vector<16xf32>
      %swap3A_957 = arith.index_cast %scan3A_91 : i32 to index
      %swap3A_958 = arith.constant 928 : index
      %swap3A_959 = tpu.vector_load %arg10[%swap3A_957, %swap3A_958] {strides = array<i32>} : memref<16x1024xf32, #tpu.memory_space<vmem>>, vector<1x16xf32>,
      %swap3A_960 = vector.shape_cast %swap3A_959 : vector<1x16xf32> to vector<16xf32>
      %swap3A_961 = vector.shape_cast %add3A_956 : vector<16xf32> to vector<1x16xf32>
      tpu.vector_store %arg10[%swap3A_957, %swap3A_958], %swap3A_961 {strides = array<i32>} : memref<16x1024xf32, #tpu.memory_space<vmem>>, vector<1x16xf32>,
      %get3A_962 = arith.index_cast %scan3A_91 : i32 to index
      %get3A_963 = arith.constant 688 : index
      %get3A_964 = tpu.vector_load %arg10[%get3A_962, %get3A_963] {strides = array<i32>} : memref<16x1024xf32, #tpu.memory_space<vmem>>, vector<1x16xf32>,
      %get3A_965 = vector.shape_cast %get3A_964 : vector<1x16xf32> to vector<16xf32>
      %get3A_966 = arith.index_cast %scan3A_91 : i32 to index
      %get3A_967 = arith.constant 944 : index
      %get3A_968 = tpu.vector_load %arg10[%get3A_966, %get3A_967] {strides = array<i32>} : memref<16x1024xf32, #tpu.memory_space<vmem>>, vector<1x16xf32>,
      %get3A_969 = vector.shape_cast %get3A_968 : vector<1x16xf32> to vector<16xf32>
      %get3A_970 = arith.index_cast %add3A_609 : i32 to index
      %get3A_971 = arith.constant 176 : index
      %get3A_972 = tpu.vector_load %arg8[%get3A_970, %get3A_971] {strides = array<i32>} : memref<32x512xf32, #tpu.memory_space<vmem>>, vector<1x16xf32>,
      %get3A_973 = vector.shape_cast %get3A_972 : vector<1x16xf32> to vector<16xf32>
      %get3A_974 = arith.index_cast %add3A_609 : i32 to index
      %get3A_975 = arith.constant 432 : index
      %get3A_976 = tpu.vector_load %arg8[%get3A_974, %get3A_975] {strides = array<i32>} : memref<32x512xf32, #tpu.memory_space<vmem>>, vector<1x16xf32>,
      %get3A_977 = vector.shape_cast %get3A_976 : vector<1x16xf32> to vector<16xf32>
      %mul3A_978 = arith.mulf %get3A_965, %get3A_973 : vector<16xf32>
      %mul3A_979 = arith.mulf %get3A_969, %get3A_977 : vector<16xf32>
      %sub3A_980 = arith.subf %mul3A_978, %mul3A_979 : vector<16xf32>
      %swap3A_981 = arith.index_cast %scan3A_91 : i32 to index
      %swap3A_982 = arith.constant 688 : index
      %swap3A_983 = tpu.vector_load %arg10[%swap3A_981, %swap3A_982] {strides = array<i32>} : memref<16x1024xf32, #tpu.memory_space<vmem>>, vector<1x16xf32>,
      %swap3A_984 = vector.shape_cast %swap3A_983 : vector<1x16xf32> to vector<16xf32>
      %swap3A_985 = vector.shape_cast %sub3A_980 : vector<16xf32> to vector<1x16xf32>
      tpu.vector_store %arg10[%swap3A_981, %swap3A_982], %swap3A_985 {strides = array<i32>} : memref<16x1024xf32, #tpu.memory_space<vmem>>, vector<1x16xf32>,
      %mul3A_986 = arith.mulf %get3A_969, %get3A_973 : vector<16xf32>
      %mul3A_987 = arith.mulf %get3A_965, %get3A_977 : vector<16xf32>
      %add3A_988 = arith.addf %mul3A_986, %mul3A_987 : vector<16xf32>
      %swap3A_989 = arith.index_cast %scan3A_91 : i32 to index
      %swap3A_990 = arith.constant 944 : index
      %swap3A_991 = tpu.vector_load %arg10[%swap3A_989, %swap3A_990] {strides = array<i32>} : memref<16x1024xf32, #tpu.memory_space<vmem>>, vector<1x16xf32>,
      %swap3A_992 = vector.shape_cast %swap3A_991 : vector<1x16xf32> to vector<16xf32>
      %swap3A_993 = vector.shape_cast %add3A_988 : vector<16xf32> to vector<1x16xf32>
      tpu.vector_store %arg10[%swap3A_989, %swap3A_990], %swap3A_993 {strides = array<i32>} : memref<16x1024xf32, #tpu.memory_space<vmem>>, vector<1x16xf32>,
      %get3A_994 = arith.index_cast %scan3A_91 : i32 to index
      %get3A_995 = arith.constant 704 : index
      %get3A_996 = tpu.vector_load %arg10[%get3A_994, %get3A_995] {strides = array<i32>} : memref<16x1024xf32, #tpu.memory_space<vmem>>, vector<1x16xf32>,
      %get3A_997 = vector.shape_cast %get3A_996 : vector<1x16xf32> to vector<16xf32>
      %get3A_998 = arith.index_cast %scan3A_91 : i32 to index
      %get3A_999 = arith.constant 960 : index
      %get3A_1000 = tpu.vector_load %arg10[%get3A_998, %get3A_999] {strides = array<i32>} : memref<16x1024xf32, #tpu.memory_space<vmem>>, vector<1x16xf32>,
      %get3A_1001 = vector.shape_cast %get3A_1000 : vector<1x16xf32> to vector<16xf32>
      %get3A_1002 = arith.index_cast %add3A_609 : i32 to index
      %get3A_1003 = arith.constant 192 : index
      %get3A_1004 = tpu.vector_load %arg8[%get3A_1002, %get3A_1003] {strides = array<i32>} : memref<32x512xf32, #tpu.memory_space<vmem>>, vector<1x16xf32>,
      %get3A_1005 = vector.shape_cast %get3A_1004 : vector<1x16xf32> to vector<16xf32>
      %get3A_1006 = arith.index_cast %add3A_609 : i32 to index
      %get3A_1007 = arith.constant 448 : index
      %get3A_1008 = tpu.vector_load %arg8[%get3A_1006, %get3A_1007] {strides = array<i32>} : memref<32x512xf32, #tpu.memory_space<vmem>>, vector<1x16xf32>,
      %get3A_1009 = vector.shape_cast %get3A_1008 : vector<1x16xf32> to vector<16xf32>
      %mul3A_1010 = arith.mulf %get3A_997, %get3A_1005 : vector<16xf32>
      %mul3A_1011 = arith.mulf %get3A_1001, %get3A_1009 : vector<16xf32>
      %sub3A_1012 = arith.subf %mul3A_1010, %mul3A_1011 : vector<16xf32>
      %swap3A_1013 = arith.index_cast %scan3A_91 : i32 to index
      %swap3A_1014 = arith.constant 704 : index
      %swap3A_1015 = tpu.vector_load %arg10[%swap3A_1013, %swap3A_1014] {strides = array<i32>} : memref<16x1024xf32, #tpu.memory_space<vmem>>, vector<1x16xf32>,
      %swap3A_1016 = vector.shape_cast %swap3A_1015 : vector<1x16xf32> to vector<16xf32>
      %swap3A_1017 = vector.shape_cast %sub3A_1012 : vector<16xf32> to vector<1x16xf32>
      tpu.vector_store %arg10[%swap3A_1013, %swap3A_1014], %swap3A_1017 {strides = array<i32>} : memref<16x1024xf32, #tpu.memory_space<vmem>>, vector<1x16xf32>,
      %mul3A_1018 = arith.mulf %get3A_1001, %get3A_1005 : vector<16xf32>
      %mul3A_1019 = arith.mulf %get3A_997, %get3A_1009 : vector<16xf32>
      %add3A_1020 = arith.addf %mul3A_1018, %mul3A_1019 : vector<16xf32>
      %swap3A_1021 = arith.index_cast %scan3A_91 : i32 to index
      %swap3A_1022 = arith.constant 960 : index
      %swap3A_1023 = tpu.vector_load %arg10[%swap3A_1021, %swap3A_1022] {strides = array<i32>} : memref<16x1024xf32, #tpu.memory_space<vmem>>, vector<1x16xf32>,
      %swap3A_1024 = vector.shape_cast %swap3A_1023 : vector<1x16xf32> to vector<16xf32>
      %swap3A_1025 = vector.shape_cast %add3A_1020 : vector<16xf32> to vector<1x16xf32>
      tpu.vector_store %arg10[%swap3A_1021, %swap3A_1022], %swap3A_1025 {strides = array<i32>} : memref<16x1024xf32, #tpu.memory_space<vmem>>, vector<1x16xf32>,
      %get3A_1026 = arith.index_cast %scan3A_91 : i32 to index
      %get3A_1027 = arith.constant 720 : index
      %get3A_1028 = tpu.vector_load %arg10[%get3A_1026, %get3A_1027] {strides = array<i32>} : memref<16x1024xf32, #tpu.memory_space<vmem>>, vector<1x16xf32>,
      %get3A_1029 = vector.shape_cast %get3A_1028 : vector<1x16xf32> to vector<16xf32>
      %get3A_1030 = arith.index_cast %scan3A_91 : i32 to index
      %get3A_1031 = arith.constant 976 : index
      %get3A_1032 = tpu.vector_load %arg10[%get3A_1030, %get3A_1031] {strides = array<i32>} : memref<16x1024xf32, #tpu.memory_space<vmem>>, vector<1x16xf32>,
      %get3A_1033 = vector.shape_cast %get3A_1032 : vector<1x16xf32> to vector<16xf32>
      %get3A_1034 = arith.index_cast %add3A_609 : i32 to index
      %get3A_1035 = arith.constant 208 : index
      %get3A_1036 = tpu.vector_load %arg8[%get3A_1034, %get3A_1035] {strides = array<i32>} : memref<32x512xf32, #tpu.memory_space<vmem>>, vector<1x16xf32>,
      %get3A_1037 = vector.shape_cast %get3A_1036 : vector<1x16xf32> to vector<16xf32>
      %get3A_1038 = arith.index_cast %add3A_609 : i32 to index
      %get3A_1039 = arith.constant 464 : index
      %get3A_1040 = tpu.vector_load %arg8[%get3A_1038, %get3A_1039] {strides = array<i32>} : memref<32x512xf32, #tpu.memory_space<vmem>>, vector<1x16xf32>,
      %get3A_1041 = vector.shape_cast %get3A_1040 : vector<1x16xf32> to vector<16xf32>
      %mul3A_1042 = arith.mulf %get3A_1029, %get3A_1037 : vector<16xf32>
      %mul3A_1043 = arith.mulf %get3A_1033, %get3A_1041 : vector<16xf32>
      %sub3A_1044 = arith.subf %mul3A_1042, %mul3A_1043 : vector<16xf32>
      %swap3A_1045 = arith.index_cast %scan3A_91 : i32 to index
      %swap3A_1046 = arith.constant 720 : index
      %swap3A_1047 = tpu.vector_load %arg10[%swap3A_1045, %swap3A_1046] {strides = array<i32>} : memref<16x1024xf32, #tpu.memory_space<vmem>>, vector<1x16xf32>,
      %swap3A_1048 = vector.shape_cast %swap3A_1047 : vector<1x16xf32> to vector<16xf32>
      %swap3A_1049 = vector.shape_cast %sub3A_1044 : vector<16xf32> to vector<1x16xf32>
      tpu.vector_store %arg10[%swap3A_1045, %swap3A_1046], %swap3A_1049 {strides = array<i32>} : memref<16x1024xf32, #tpu.memory_space<vmem>>, vector<1x16xf32>,
      %mul3A_1050 = arith.mulf %get3A_1033, %get3A_1037 : vector<16xf32>
      %mul3A_1051 = arith.mulf %get3A_1029, %get3A_1041 : vector<16xf32>
      %add3A_1052 = arith.addf %mul3A_1050, %mul3A_1051 : vector<16xf32>
      %swap3A_1053 = arith.index_cast %scan3A_91 : i32 to index
      %swap3A_1054 = arith.constant 976 : index
      %swap3A_1055 = tpu.vector_load %arg10[%swap3A_1053, %swap3A_1054] {strides = array<i32>} : memref<16x1024xf32, #tpu.memory_space<vmem>>, vector<1x16xf32>,
      %swap3A_1056 = vector.shape_cast %swap3A_1055 : vector<1x16xf32> to vector<16xf32>
      %swap3A_1057 = vector.shape_cast %add3A_1052 : vector<16xf32> to vector<1x16xf32>
      tpu.vector_store %arg10[%swap3A_1053, %swap3A_1054], %swap3A_1057 {strides = array<i32>} : memref<16x1024xf32, #tpu.memory_space<vmem>>, vector<1x16xf32>,
      %get3A_1058 = arith.index_cast %scan3A_91 : i32 to index
      %get3A_1059 = arith.constant 736 : index
      %get3A_1060 = tpu.vector_load %arg10[%get3A_1058, %get3A_1059] {strides = array<i32>} : memref<16x1024xf32, #tpu.memory_space<vmem>>, vector<1x16xf32>,
      %get3A_1061 = vector.shape_cast %get3A_1060 : vector<1x16xf32> to vector<16xf32>
      %get3A_1062 = arith.index_cast %scan3A_91 : i32 to index
      %get3A_1063 = arith.constant 992 : index
      %get3A_1064 = tpu.vector_load %arg10[%get3A_1062, %get3A_1063] {strides = array<i32>} : memref<16x1024xf32, #tpu.memory_space<vmem>>, vector<1x16xf32>,
      %get3A_1065 = vector.shape_cast %get3A_1064 : vector<1x16xf32> to vector<16xf32>
      %get3A_1066 = arith.index_cast %add3A_609 : i32 to index
      %get3A_1067 = arith.constant 224 : index
      %get3A_1068 = tpu.vector_load %arg8[%get3A_1066, %get3A_1067] {strides = array<i32>} : memref<32x512xf32, #tpu.memory_space<vmem>>, vector<1x16xf32>,
      %get3A_1069 = vector.shape_cast %get3A_1068 : vector<1x16xf32> to vector<16xf32>
      %get3A_1070 = arith.index_cast %add3A_609 : i32 to index
      %get3A_1071 = arith.constant 480 : index
      %get3A_1072 = tpu.vector_load %arg8[%get3A_1070, %get3A_1071] {strides = array<i32>} : memref<32x512xf32, #tpu.memory_space<vmem>>, vector<1x16xf32>,
      %get3A_1073 = vector.shape_cast %get3A_1072 : vector<1x16xf32> to vector<16xf32>
      %mul3A_1074 = arith.mulf %get3A_1061, %get3A_1069 : vector<16xf32>
      %mul3A_1075 = arith.mulf %get3A_1065, %get3A_1073 : vector<16xf32>
      %sub3A_1076 = arith.subf %mul3A_1074, %mul3A_1075 : vector<16xf32>
      %swap3A_1077 = arith.index_cast %scan3A_91 : i32 to index
      %swap3A_1078 = arith.constant 736 : index
      %swap3A_1079 = tpu.vector_load %arg10[%swap3A_1077, %swap3A_1078] {strides = array<i32>} : memref<16x1024xf32, #tpu.memory_space<vmem>>, vector<1x16xf32>,
      %swap3A_1080 = vector.shape_cast %swap3A_1079 : vector<1x16xf32> to vector<16xf32>
      %swap3A_1081 = vector.shape_cast %sub3A_1076 : vector<16xf32> to vector<1x16xf32>
      tpu.vector_store %arg10[%swap3A_1077, %swap3A_1078], %swap3A_1081 {strides = array<i32>} : memref<16x1024xf32, #tpu.memory_space<vmem>>, vector<1x16xf32>,
      %mul3A_1082 = arith.mulf %get3A_1065, %get3A_1069 : vector<16xf32>
      %mul3A_1083 = arith.mulf %get3A_1061, %get3A_1073 : vector<16xf32>
      %add3A_1084 = arith.addf %mul3A_1082, %mul3A_1083 : vector<16xf32>
      %swap3A_1085 = arith.index_cast %scan3A_91 : i32 to index
      %swap3A_1086 = arith.constant 992 : index
      %swap3A_1087 = tpu.vector_load %arg10[%swap3A_1085, %swap3A_1086] {strides = array<i32>} : memref<16x1024xf32, #tpu.memory_space<vmem>>, vector<1x16xf32>,
      %swap3A_1088 = vector.shape_cast %swap3A_1087 : vector<1x16xf32> to vector<16xf32>
      %swap3A_1089 = vector.shape_cast %add3A_1084 : vector<16xf32> to vector<1x16xf32>
      tpu.vector_store %arg10[%swap3A_1085, %swap3A_1086], %swap3A_1089 {strides = array<i32>} : memref<16x1024xf32, #tpu.memory_space<vmem>>, vector<1x16xf32>,
      %get3A_1090 = arith.index_cast %scan3A_91 : i32 to index
      %get3A_1091 = arith.constant 752 : index
      %get3A_1092 = tpu.vector_load %arg10[%get3A_1090, %get3A_1091] {strides = array<i32>} : memref<16x1024xf32, #tpu.memory_space<vmem>>, vector<1x16xf32>,
      %get3A_1093 = vector.shape_cast %get3A_1092 : vector<1x16xf32> to vector<16xf32>
      %get3A_1094 = arith.index_cast %scan3A_91 : i32 to index
      %get3A_1095 = arith.constant 1008 : index
      %get3A_1096 = tpu.vector_load %arg10[%get3A_1094, %get3A_1095] {strides = array<i32>} : memref<16x1024xf32, #tpu.memory_space<vmem>>, vector<1x16xf32>,
      %get3A_1097 = vector.shape_cast %get3A_1096 : vector<1x16xf32> to vector<16xf32>
      %get3A_1098 = arith.index_cast %add3A_609 : i32 to index
      %get3A_1099 = arith.constant 240 : index
      %get3A_1100 = tpu.vector_load %arg8[%get3A_1098, %get3A_1099] {strides = array<i32>} : memref<32x512xf32, #tpu.memory_space<vmem>>, vector<1x16xf32>,
      %get3A_1101 = vector.shape_cast %get3A_1100 : vector<1x16xf32> to vector<16xf32>
      %get3A_1102 = arith.index_cast %add3A_609 : i32 to index
      %get3A_1103 = arith.constant 496 : index
      %get3A_1104 = tpu.vector_load %arg8[%get3A_1102, %get3A_1103] {strides = array<i32>} : memref<32x512xf32, #tpu.memory_space<vmem>>, vector<1x16xf32>,
      %get3A_1105 = vector.shape_cast %get3A_1104 : vector<1x16xf32> to vector<16xf32>
      %mul3A_1106 = arith.mulf %get3A_1093, %get3A_1101 : vector<16xf32>
      %mul3A_1107 = arith.mulf %get3A_1097, %get3A_1105 : vector<16xf32>
      %sub3A_1108 = arith.subf %mul3A_1106, %mul3A_1107 : vector<16xf32>
      %swap3A_1109 = arith.index_cast %scan3A_91 : i32 to index
      %swap3A_1110 = arith.constant 752 : index
      %swap3A_1111 = tpu.vector_load %arg10[%swap3A_1109, %swap3A_1110] {strides = array<i32>} : memref<16x1024xf32, #tpu.memory_space<vmem>>, vector<1x16xf32>,
      %swap3A_1112 = vector.shape_cast %swap3A_1111 : vector<1x16xf32> to vector<16xf32>
      %swap3A_1113 = vector.shape_cast %sub3A_1108 : vector<16xf32> to vector<1x16xf32>
      tpu.vector_store %arg10[%swap3A_1109, %swap3A_1110], %swap3A_1113 {strides = array<i32>} : memref<16x1024xf32, #tpu.memory_space<vmem>>, vector<1x16xf32>,
      %mul3A_1114 = arith.mulf %get3A_1097, %get3A_1101 : vector<16xf32>
      %mul3A_1115 = arith.mulf %get3A_1093, %get3A_1105 : vector<16xf32>
      %add3A_1116 = arith.addf %mul3A_1114, %mul3A_1115 : vector<16xf32>
      %swap3A_1117 = arith.index_cast %scan3A_91 : i32 to index
      %swap3A_1118 = arith.constant 1008 : index
      %swap3A_1119 = tpu.vector_load %arg10[%swap3A_1117, %swap3A_1118] {strides = array<i32>} : memref<16x1024xf32, #tpu.memory_space<vmem>>, vector<1x16xf32>,
      %swap3A_1120 = vector.shape_cast %swap3A_1119 : vector<1x16xf32> to vector<16xf32>
      %swap3A_1121 = vector.shape_cast %add3A_1116 : vector<16xf32> to vector<1x16xf32>
      tpu.vector_store %arg10[%swap3A_1117, %swap3A_1118], %swap3A_1121 {strides = array<i32>} : memref<16x1024xf32, #tpu.memory_space<vmem>>, vector<1x16xf32>,
      %scan3A_1122 = arith.constant 0 : i32
      scf.yield %scan3A_1122 : i32
    }
    %scan3A_78 = arith.constant 16 : i32
    %add3A_79 = arith.constant 336 : i32
    %add3A_80 = arith.addi %mul3A_2, %add3A_79 : i32
    %dma_start3A_81 = arith.constant 0 : i32
    %dma_start3A_82 = tpu.memref_slice %arg5[%add3A_80, %dma_start3A_81] : memref<11264x1024xf32, #tpu.memory_space<hbm>> -> memref<16x1024xf32, #tpu.memory_space<hbm>>
    %dma_start3A_83 = arith.constant 0 : i32
    %dma_start3A_84 = tpu.memref_slice %arg5[%add3A_80, %dma_start3A_83] : memref<11264x1024xf32, #tpu.memory_space<hbm>> -> memref<16x1024xf32, #tpu.memory_space<hbm>>
    tpu.enqueue_dma source(%arg10 : memref<16x1024xf32, #tpu.memory_space<vmem>>) target(%dma_start3A_84 : memref<16x1024xf32, #tpu.memory_space<hbm>>) target_semaphore(%arg16 : memref<!tpu.dma_semaphore, #tpu.memory_space<semaphore_mem>>)
    %dma_wait3A_85 = arith.constant 0 : i32
    %dma_wait3A_86 = arith.constant 0 : i32
    %dma_wait3A_87 = tpu.memref_slice %arg5[%dma_wait3A_85, %dma_wait3A_86] : memref<11264x1024xf32, #tpu.memory_space<hbm>> -> memref<16x1024xf32, #tpu.memory_space<hbm>>
    %dma_wait3A_88 = arith.constant 0 : i32
    %dma_wait3A_89 = arith.constant 0 : i32
    %dma_wait3A_90 = tpu.memref_slice %arg5[%dma_wait3A_88, %dma_wait3A_89] : memref<11264x1024xf32, #tpu.memory_space<hbm>> -> memref<16x1024xf32, #tpu.memory_space<hbm>>
    tpu.wait_dma2 semaphore(%arg16 : memref<!tpu.dma_semaphore, #tpu.memory_space<semaphore_mem>>) src(%arg10 : memref<16x1024xf32, #tpu.memory_space<vmem>>) dst(%dma_wait3A_90 : memref<16x1024xf32, #tpu.memory_space<hbm>>)
    return
  }
}

module attributes {stable_mosaic.version = 14 : i64} {
  func.func @_tc_body(%arg0: i32, %arg1: memref<512x1024xf32, #tpu.memory_space<vmem>>, %arg2: memref<512x2xi32, #tpu.memory_space<vmem>>, %arg3: memref<1280x512xbf16, #tpu.memory_space<vmem>>, %arg4: memref<512x1024xf32, #tpu.memory_space<vmem>>) attributes {dimension_semantics = [#tpu.dimension_semantics<arbitrary>], iteration_bounds = array<i64: 42>, scalar_prefetch = 0 : i64, scratch_operands = 0 : i64, tpu.core_type = #tpu.core_type<tc>, window_params = [{transform_indices = @transform_0, window_bounds = array<i64: 512, 1024>}, {transform_indices = @transform_1, window_bounds = array<i64: 512, 2>}, {pipeline_mode = #tpu.pipeline_mode<synchronous>, transform_indices = @transform_2, window_bounds = array<i64: 1280, 512>}, {transform_indices = @transform_3, window_bounds = array<i64: 512, 1024>}]} {
    %get3A = arith.constant 0 : index
    %get3A_0 = arith.constant 0 : index
    %get3A_1 = vector.load %arg1[%get3A, %get3A_0] : memref<512x1024xf32, #tpu.memory_space<vmem>>, vector<512x1024xf32>
    %get3A_2 = arith.constant 0 : index
    %get3A_3 = arith.constant 0 : index
    %get3A_4 = vector.load %arg2[%get3A_2, %get3A_3] : memref<512x2xi32, #tpu.memory_space<vmem>>, vector<512x2xi32>
    %iota3A = tpu.iota {dimensions = array<i32: 1>} : vector<1x1280xi32>
    %slice3A = vector.extract_strided_slice %get3A_4 {offsets = [0, 0], sizes = [512, 1], strides = [1, 1]} : vector<512x2xi32> to vector<512x1xi32>
    %slice3A_5 = vector.extract_strided_slice %get3A_1 {offsets = [0, 0], sizes = [512, 512], strides = [1, 1]} : vector<512x1024xf32> to vector<512x512xf32>
    %eq3A = vector.broadcast %slice3A : vector<512x1xi32> to vector<512x1280xi32>
    %eq3A_6 = vector.broadcast %iota3A : vector<1x1280xi32> to vector<512x1280xi32>
    %eq3A_7 = arith.cmpi eq, %eq3A, %eq3A_6 : vector<512x1280xi32>
    %convert_element_type3A = arith.extui %eq3A_7 : vector<512x1280xi1> to vector<512x1280xi32>
    %convert_element_type3A_8 = arith.sitofp %convert_element_type3A : vector<512x1280xi32> to vector<512x1280xf32>
    %convert_element_type3A_9 = arith.truncf %convert_element_type3A_8 : vector<512x1280xf32> to vector<512x1280xbf16>
    %get3A_10 = arith.constant 0 : index
    %get3A_11 = arith.constant 0 : index
    %get3A_12 = vector.load %arg3[%get3A_10, %get3A_11] : memref<1280x512xbf16, #tpu.memory_space<vmem>>, vector<1280x512xbf16>
    %dot_general3A = arith.constant dense<0.000000e+00> : vector<512x512xf32>
    %dot_general3A_13 = tpu.matmul %convert_element_type3A_9, %get3A_12, %dot_general3A {dimension_numbers = #tpu.dot_dimension_numbers<[1], [0], [0], [1], [0, 0, 1, 1], [], []>, transpose_lhs_hint = false} : vector<512x1280xbf16>, vector<1280x512xbf16>, vector<512x512xf32> -> vector<512x512xf32>
    %slice3A_14 = vector.extract_strided_slice %dot_general3A_13 {offsets = [0, 0], sizes = [512, 256], strides = [1, 1]} : vector<512x512xf32> to vector<512x256xf32>
    %slice3A_15 = vector.extract_strided_slice %dot_general3A_13 {offsets = [0, 256], sizes = [512, 256], strides = [1, 1]} : vector<512x512xf32> to vector<512x256xf32>
    %slice3A_16 = vector.extract_strided_slice %slice3A_5 {offsets = [0, 0], sizes = [512, 256], strides = [1, 1]} : vector<512x512xf32> to vector<512x256xf32>
    %slice3A_17 = vector.extract_strided_slice %slice3A_5 {offsets = [0, 256], sizes = [512, 256], strides = [1, 1]} : vector<512x512xf32> to vector<512x256xf32>
    %mul3A = arith.mulf %slice3A_16, %slice3A_14 : vector<512x256xf32>
    %mul3A_18 = arith.mulf %slice3A_17, %slice3A_15 : vector<512x256xf32>
    %sub3A = arith.subf %mul3A, %mul3A_18 : vector<512x256xf32>
    %mul3A_19 = arith.mulf %slice3A_17, %slice3A_14 : vector<512x256xf32>
    %mul3A_20 = arith.mulf %slice3A_16, %slice3A_15 : vector<512x256xf32>
    %add3A = arith.addf %mul3A_19, %mul3A_20 : vector<512x256xf32>
    %concatenate3A = tpu.concatenate %sub3A, %add3A in 1 : vector<512x256xf32>, vector<512x256xf32> -> vector<512x512xf32>
    %slice3A_21 = vector.extract_strided_slice %get3A_4 {offsets = [0, 1], sizes = [512, 1], strides = [1, 1]} : vector<512x2xi32> to vector<512x1xi32>
    %slice3A_22 = vector.extract_strided_slice %get3A_1 {offsets = [0, 512], sizes = [512, 512], strides = [1, 1]} : vector<512x1024xf32> to vector<512x512xf32>
    %eq3A_23 = vector.broadcast %slice3A_21 : vector<512x1xi32> to vector<512x1280xi32>
    %eq3A_24 = vector.broadcast %iota3A : vector<1x1280xi32> to vector<512x1280xi32>
    %eq3A_25 = arith.cmpi eq, %eq3A_23, %eq3A_24 : vector<512x1280xi32>
    %convert_element_type3A_26 = arith.extui %eq3A_25 : vector<512x1280xi1> to vector<512x1280xi32>
    %convert_element_type3A_27 = arith.sitofp %convert_element_type3A_26 : vector<512x1280xi32> to vector<512x1280xf32>
    %convert_element_type3A_28 = arith.truncf %convert_element_type3A_27 : vector<512x1280xf32> to vector<512x1280xbf16>
    %get3A_29 = arith.constant 0 : index
    %get3A_30 = arith.constant 0 : index
    %get3A_31 = vector.load %arg3[%get3A_29, %get3A_30] : memref<1280x512xbf16, #tpu.memory_space<vmem>>, vector<1280x512xbf16>
    %dot_general3A_32 = arith.constant dense<0.000000e+00> : vector<512x512xf32>
    %dot_general3A_33 = tpu.matmul %convert_element_type3A_28, %get3A_31, %dot_general3A_32 {dimension_numbers = #tpu.dot_dimension_numbers<[1], [0], [0], [1], [0, 0, 1, 1], [], []>, transpose_lhs_hint = false} : vector<512x1280xbf16>, vector<1280x512xbf16>, vector<512x512xf32> -> vector<512x512xf32>
    %slice3A_34 = vector.extract_strided_slice %dot_general3A_33 {offsets = [0, 0], sizes = [512, 256], strides = [1, 1]} : vector<512x512xf32> to vector<512x256xf32>
    %slice3A_35 = vector.extract_strided_slice %dot_general3A_33 {offsets = [0, 256], sizes = [512, 256], strides = [1, 1]} : vector<512x512xf32> to vector<512x256xf32>
    %slice3A_36 = vector.extract_strided_slice %slice3A_22 {offsets = [0, 0], sizes = [512, 256], strides = [1, 1]} : vector<512x512xf32> to vector<512x256xf32>
    %slice3A_37 = vector.extract_strided_slice %slice3A_22 {offsets = [0, 256], sizes = [512, 256], strides = [1, 1]} : vector<512x512xf32> to vector<512x256xf32>
    %mul3A_38 = arith.mulf %slice3A_36, %slice3A_34 : vector<512x256xf32>
    %mul3A_39 = arith.mulf %slice3A_37, %slice3A_35 : vector<512x256xf32>
    %sub3A_40 = arith.subf %mul3A_38, %mul3A_39 : vector<512x256xf32>
    %mul3A_41 = arith.mulf %slice3A_37, %slice3A_34 : vector<512x256xf32>
    %mul3A_42 = arith.mulf %slice3A_36, %slice3A_35 : vector<512x256xf32>
    %add3A_43 = arith.addf %mul3A_41, %mul3A_42 : vector<512x256xf32>
    %concatenate3A_44 = tpu.concatenate %sub3A_40, %add3A_43 in 1 : vector<512x256xf32>, vector<512x256xf32> -> vector<512x512xf32>
    %concatenate3A_45 = tpu.concatenate %concatenate3A, %concatenate3A_44 in 1 : vector<512x512xf32>, vector<512x512xf32> -> vector<512x1024xf32>
    %swap3A = arith.constant 0 : index
    %swap3A_46 = arith.constant 0 : index
    %swap3A_47 = vector.load %arg4[%swap3A, %swap3A_46] : memref<512x1024xf32, #tpu.memory_space<vmem>>, vector<512x1024xf32>
    tpu.vector_store %arg4[%swap3A, %swap3A_46], %concatenate3A_45 {strides = array<i32>} : memref<512x1024xf32, #tpu.memory_space<vmem>>, vector<512x1024xf32>,
    return
  }
  func.func @transform_0(%arg0: i32) -> (i32, i32) {
    %add3A = arith.constant 22 : i32
    %add3A_0 = arith.addi %add3A, %arg0 : i32
    %c0_i32 = arith.constant 0 : i32
    %c0_i32_1 = arith.constant 0 : i32
    return %add3A_0, %c0_i32 : i32, i32
  }
  func.func @transform_1(%arg0: i32) -> (i32, i32) {
    %add3A = arith.constant 22 : i32
    %add3A_0 = arith.addi %add3A, %arg0 : i32
    %c0_i32 = arith.constant 0 : i32
    %c0_i32_1 = arith.constant 0 : i32
    return %add3A_0, %c0_i32 : i32, i32
  }
  func.func @transform_2(%arg0: i32) -> (i32, i32) {
    %c0_i32 = arith.constant 0 : i32
    %c0_i32_0 = arith.constant 0 : i32
    %c0_i32_1 = arith.constant 0 : i32
    return %c0_i32, %c0_i32_0 : i32, i32
  }
  func.func @transform_3(%arg0: i32) -> (i32, i32) {
    %add3A = arith.constant 22 : i32
    %add3A_0 = arith.addi %add3A, %arg0 : i32
    %c0_i32 = arith.constant 0 : i32
    %c0_i32_1 = arith.constant 0 : i32
    return %add3A_0, %c0_i32 : i32, i32
  }
}

</mosaic_0001>

<sc_bundles>
// kernel: kernel.4.cloned.1.call-start
scs
__scs_entry_jumppad:
0x0: {  	(pc) =	sbr.rel $0x88, $3  }
0x1: {  	(tag) =	ssettag $0x0;
	lr =	simm.s32 $0x1  }
0x2: {  	[smem:$0x3F9F] =	sst lr;
	_ =	strace $0xD0000000  }
0x3: {  	_ = 	snop  }
0x4: {  	_ = 	snop  }
0x5: {  	_ = 	snop  }
0x6: {  	_ = 	snop  }
0x7: {  	_ = 	snop  }
__scs_overlays_trampoline_lowered:
0x8: {  	[smem:$0x3FAE] =	sst s0  }
0x9: {  	[smem:$0x3FAF] =	sst s1  }
0xa: {  	[smem:$0x3FB0] =	sst s2  }
0xb: {  	[smem:$0x3FB1] =	sst s3  }
0xc: {  	[smem:$0x3FB2] =	sst s4  }
0xd: {  	[smem:$0x3FB3] =	sst s5  }
0xe: {  	[smem:$0x3FB4] =	sst s6  }
0xf: {  	[smem:$0x3FB5] =	sst s7  }
0x10: {  	[smem:$0x3FB6] =	sst s8  }
0x11: {  	[smem:$0x3FB7] =	sst s9;
	s0 =	simm.s32 @!p0 $0x0  }
0x12: {  	s1 =	sld [smem:$0x3F9D];
	s0 =	simm.s32 @p0 $0x1  }
0x13: {  	[smem:$0x3FB8] =	sst s0;
	s0 =	simm.s32 @!p1 $0x0  }
0x14: {  	s2 =	sld [smem:$0x3F9C];
	s0 =	simm.s32 @p1 $0x1  }
0x15: {  	[smem:$0x3FB9] =	sst s0;
	s0 =	simm.s32 @!p2 $0x0  }
0x16: {  	s3 =	sld [smem:$0x3FDB];
	s0 =	simm.s32 @p2 $0x1  }
0x17: {  	s4 =	simm.s32 $0x1BF5;
	[smem:$0x3FBB] =	sst s0  }
0x18: {  	s0 =	sld [smem:$0x3F9E];
	_ =	swait.ge [sflag:s4], $0x0  }
0x19: {  	s7 =	sld [smem:$0x3F9F]  }
0x1a: {  	s8 =	sadd.s32 $0xFFFFE003, lr  }
0x1b: {  	s9 =	sadd.s32 $0xFFFFFEF7, lr;
	s5 =	simm.s32 $0xFFFFFFFF;
	p2 =	slt.u32 s8, $0xFFFFF086  }
0x1c: {  	p1 =	slt.u32 s9, $0xF7A;
	s5 =	simm.s32 @!p2 $0x0  }
0x1d: {  	s5 =	simm.s32 @p1 $0x1;
	p0 =	seq.s32 s7, s2  }
0x1e: {  	s7 =	smul.u32 @!p0 $0xF7A, s2;
	p2 =	seq.s32 @!p0 s5, $0x0  }
0x1f: {  	s9 =	smul.u32 $0xF7A, s1;
	s8 =	simm.s32 @!p0 $0x1BF5;
	p2 =	por !p2, p0  }
0x20: {  	[sflag:s8] =	ssyncset.s32 @!p0 $0xFFFFF086;
	s6 =	sadd.s32 @!p0 s3, s7;
	s7 =	simm.s32 @!p0 $0x108  }
0x21: {  	s3 =	sadd.s32 s3, s9;
	s6 =	sadd.s32 @!p0 $0x88, s6;
	s7 =	simm.s32 @p2 $0x1082  }
0x22: {  	[simem:s7], [sflag:s8] =	dma.local @!p0 [hbm:s6], $0xF7A  }
0x23: {  	s9 =	sor.u32 $0xD0000000, s2;
	s6 =	simm.s32 $0x108;
	_ =	swait.ge @!p0 [sflag:s8], $0x0  }
0x24: {  	s3 =	sadd.s32 $0x88, s3;
	s6 =	simm.s32 @!p1 $0x1082;
	[sflag:s4] =	ssyncset.s32 $0xFFFFF086  }
0x25: {  	[simem:s6], [sflag:s4] =	dma.local [hbm:s3], $0xF7A  }
0x26: {  	[smem:$0x3F9F] =	sst s1;
	(tag) =	ssettag s2;
	_ =	strace s9  }
0x27: {  	s1 =	sld [smem:$0x3FAF]  }
0x28: {  	s2 =	sld [smem:$0x3FB0]  }
0x29: {  	s4 =	sld [smem:$0x3FB2]  }
0x2a: {  	p0 =	seq.s32 s5, $0x0;
	s5 =	sld [smem:$0x3FB3]  }
0x2b: {  	s6 =	sld [smem:$0x3FB4]  }
0x2c: {  	s7 =	sld [smem:$0x3FB5]  }
0x2d: {  	s3 =	simm.s32 $0x108;
	s8 =	sld [smem:$0x3FB6]  }
0x2e: {  	s3 =	simm.s32 @!p0 $0x1082;
	s9 =	sld [smem:$0x3FB7]  }
0x2f: {  	lr =	sadd.s32 s0, s3;
	s0 =	sld [smem:$0x3FAE]  }
0x30: {  	s3 =	sld [smem:$0x3FB1]  }
0x31: {  	[smem:$0x3FBA] =	sst s10  }
0x32: {  	s10 =	sld [smem:$0x3FB8];
	_ =	sdelay $0x3  }
0x33: {  	p0 =	seq.s32 s10, $0x1;
	s10 =	sld [smem:$0x3FBA];
	_ =	sdelay $0x3  }
0x34: {  	[smem:$0x3FBA] =	sst s10  }
0x35: {  	s10 =	sld [smem:$0x3FB9];
	_ =	sdelay $0x3  }
0x36: {  	p1 =	seq.s32 s10, $0x1;
	s10 =	sld [smem:$0x3FBA];
	_ =	sdelay $0x3  }
0x37: {  	[smem:$0x3FBA] =	sst s10  }
0x38: {  	s10 =	sld [smem:$0x3FBB]  }
0x39: {  	_ = 	snop;
	(pc) =	sbr.ind lr, $3  }
0x3a: {  	_ = 	snop  }
0x3b: {  	_ = 	snop  }
0x3c: {  	p2 =	seq.s32 s10, $0x1;
	s10 =	sld [smem:$0x3FBA]  }
0x3d: {  	_ =	shalt  }
0x3e: {  	_ =	shalt  }
0x3f: {  	_ =	shalt  }
0x40: {  	_ =	shalt  }
0x41: {  	_ =	shalt  }
0x42: {  	_ =	shalt  }
0x43: {  	_ =	shalt  }
0x44: {  	_ =	shalt  }
0x45: {  	_ =	shalt  }
0x46: {  	_ =	shalt  }
0x47: {  	_ =	shalt  }
0x48: {  	_ =	shalt  }
0x49: {  	_ =	shalt  }
0x4a: {  	_ =	shalt  }
0x4b: {  	_ =	shalt  }
0x4c: {  	_ =	shalt  }
0x4d: {  	_ =	shalt  }
0x4e: {  	_ =	shalt  }
0x4f: {  	_ =	shalt  }
0x50: {  	_ =	shalt  }
0x51: {  	_ =	shalt  }
0x52: {  	_ =	shalt  }
0x53: {  	_ =	shalt  }
0x54: {  	_ =	shalt  }
0x55: {  	_ =	shalt  }
0x56: {  	_ =	shalt  }
0x57: {  	_ =	shalt  }
0x58: {  	_ =	shalt  }
0x59: {  	_ =	shalt  }
0x5a: {  	_ =	shalt  }
0x5b: {  	_ =	shalt  }
0x5c: {  	_ =	shalt  }
0x5d: {  	_ =	shalt  }
0x5e: {  	_ =	shalt  }
0x5f: {  	_ =	shalt  }
0x60: {  	_ =	shalt  }
0x61: {  	_ =	shalt  }
0x62: {  	_ =	shalt  }
0x63: {  	_ =	shalt  }
0x64: {  	_ =	shalt  }
0x65: {  	_ =	shalt  }
0x66: {  	_ =	shalt  }
0x67: {  	_ =	shalt  }
0x68: {  	_ =	shalt  }
0x69: {  	_ =	shalt  }
0x6a: {  	_ =	shalt  }
0x6b: {  	_ =	shalt  }
0x6c: {  	_ =	shalt  }
0x6d: {  	_ =	shalt  }
0x6e: {  	_ =	shalt  }
0x6f: {  	_ =	shalt  }
0x70: {  	_ =	shalt  }
0x71: {  	_ =	shalt  }
0x72: {  	_ =	shalt  }
0x73: {  	_ =	shalt  }
0x74: {  	_ =	shalt  }
0x75: {  	_ =	shalt  }
0x76: {  	_ =	shalt  }
0x77: {  	_ =	shalt  }
0x78: {  	_ =	shalt  }
0x79: {  	_ =	shalt  }
0x7a: {  	_ =	shalt  }
0x7b: {  	_ =	shalt  }
0x7c: {  	_ =	shalt  }
0x7d: {  	_ =	shalt  }
0x7e: {  	_ =	shalt  }
0x7f: {  	_ =	shalt  }
0x80: {  	_ =	shalt  }
0x81: {  	_ =	shalt  }
0x82: {  	_ =	shalt  }
0x83: {  	_ =	shalt  }
0x84: {  	_ =	shalt  }
0x85: {  	_ =	shalt  }
0x86: {  	_ =	shalt  }
0x87: {  	_ =	shalt  }
.Lfunc_end0:
.L_simem_size_0:
called_computation_lowered:
.L_overlay_start_0:
0x88: {  	s2 =	sld [smem:$0x3FD9]  }
0x89: {  	s3 =	sld [smem:$0x3FFE];
	_ =	sdelay $0x1  }
0x8a: {  	s1 =	srdreg.scid  }
0x8b: {  	s0 =	sand.u32 $0x1, s1  }
0x8c: {  	s17 =	sshll.u32 s0, $0xA;
	s2 =	sadd.s32 s3, s2  }
0x8d: {  	s2 =	sadd.s32 s2, s17  }
0x8e: {  	[smem:$0x3FC6] =	sst s2  }
0x8f: {  	_ = 	snop  }
0x90: {  	s2 =	sld [smem:$0x3FC9];
	(tm) =	ssettm $0x1  }
0x91: {  	s18 =	sld [smem:$0x3FFB];
	_ =	sdelay $0x3  }
0x92: {  	_ =	strace s18  }
0x93: {  	s3 =	sld [smem:$0x3FFC];
	_ =	sdelay $0x3  }
0x94: {  	_ =	strace s3  }
0x95: {  	s3 =	sld [smem:$0x3FFD];
	_ =	sdelay $0x3  }
0x96: {  	_ =	strace s3  }
0x97: {  	_ =	strace $0x8FFFFFFF  }
0x98: {  	s19 =	sld [smem:$0x3FDB];
	_ =	sdelay $0x1  }
0x99: {  	s4 =	simm.s32 $_scs_section_size  }
0x9a: {  	s5 =	simm.s32 $_size__tile_overlayer_lowered;
	s6 =	simm.s32 $_tile_overlayer_lowered  }
0x9b: {  	s22 =	simm.s32 $0x1BFF;
	s21 =	sshll.u32 s6, $0x1;
	s3 =	sadd.s32 s4, s19  }
0x9c: {  	s7 =	simm.s32 $0x0;
	s20 =	sshll.u32 s5, $0x1;
	s5 =	sadd.s32 s21, s3  }
0x9d: {  	[timem:s7], [sflag:s22] =	dma.local [hbm:s5], s20  }
0x9e: {  	_ =	swait.ge [sflag:s22], s20  }
0x9f: {  	s4 =	ssub.s32 $0x0, s20;
	[sflag:s22] =	ssyncset.done $0x0  }
0xa0: {  	[sflag:s22] =	ssyncadd.s32 s4;
	_ =	sdelay $0x1  }
0xa1: {  	s23 =	simm.s32 $0x1B8B  }
0xa2: {  	_ =	swait.ge [sflag:s23], $0x1  }
0xa3: {  	[sflag:s23] =	ssyncset.done $0x0  }
0xa4: {  	s25 =	simm.s32 $0x1B8E;
	s24 =	sld [smem:$0x3FFE];
	[sflag:s23] =	ssyncadd.s32 $0xFFFFFFFF  }
0xa5: {  	s26 =	simm.s32 $execute0_lowered;
	[smem:$0x3FD2] =	sst s25  }
0xa6: {  	s5 =	sshll.u32 s26, $0x1;
	_ =	strace $0x80000046;
	[dreg:$0x1] =	wrdreg $0xFFFFFFFF  }
0xa7: {  	s28 =	simm.s32 $_size_execute0_lowered;
	s3 =	sadd.s32 s3, s5;
	[dreg:$0x0] =	wrdreg $0x0  }
0xa8: {  	s5 =	sshll.u32 s28, $0x1;
	[dreg:$0x2] =	wrdreg s3  }
0xa9: {  	[dreg:$0x3] =	wrdreg s5  }
0xaa: {  	[dreg:$0x4] =	wrdreg $0xC0  }
0xab: {  	_ =	task [dreg:s7], $0x5FFFF  }
0xac: {  	[dreg:$0x1] =	wrdreg $0xFFFFFFFF  }
0xad: {  	[dreg:$0x0] =	wrdreg $0x60  }
0xae: {  	[dreg:$0x2] =	wrdreg s24  }
0xaf: {  	[dreg:$0x3] =	wrdreg s2  }
0xb0: {  	[dreg:$0x4] =	wrdreg $0x9  }
0xb1: {  	_ =	task.clear_ibuf [dreg:s7], $0x5FFFF;
	_ =	strace $0x90000046  }
0xb2: {  	s29 =	simm.s32 $0x9;
	_ =	strace $0x80000048  }
0xb3: {  	_ =	swait.ge [sflag:s29], $0x1  }
0xb4: {  	[sflag:s29] =	ssyncadd.s32 $0xFFFFFFFF  }
0xb5: {  	_ =	strace $0x90000048  }
0xb6: {  	_ =	sfence  }
0xb7: {  	s30 =	sld [smem:$0x0];
	_ =	sdelay $0x2  }
0xb8: {  	s31 =	sshll.u32 s1, $0xD;
	s1 =	sshrl.u32 s1, $0x2  }
0xb9: {  	s3 =	sand.u32 $0x4000, s31;
	s1 =	sadd.s32 s1, s30  }
0xba: {  	s0 =	sor.u32 s3, s0;
	s1 =	sshll.u32 s1, $0x11  }
0xbb: {  	s0 =	sor.u32 s1, s0  }
0xbc: {  	s0 =	sadd.s32 $0x8F2B, s0  }
0xbd: {  	[sflag:s0] =	ssyncadd.remote.s32 $0x1  }
0xbe: {  	_ =	sfence.sel $0xFFFF  }
0xbf: {  	[dreg:$0x0] =	wrdreg $0xFFFFFFFF;
	(pc) =	sbr.abs _section_cstart, $3  }
0xc0: {  	[dreg:$0x1] =	wrdreg $0xFFFFFFFF  }
0xc1: {  	_ =	task.clear_ibuf [dreg:s7], $0x2FFFF;
	_ =	strace $0x9FFFFFFF  }
0xc2: {  	(tm) =	ssettm $0x7FFFFFFF  }
0xc3: {  	_ =	shalt  }
tec
execute0_lowered:
.L_overlay_start_1:
0x0: {  	(tag) =	ssettag $0x1  }
0x1: {  	s0 =	rddreg [dreg:$0x0]  }
0x2: {  	s1 =	srdreg.scid;
	s3 =	stileid.u32  }
0x3: {  	s2 =	rddreg [dreg:$0x1];
	s24 =	simm.s32 $0x8300;
	s12 =	simm.s32 $0x3  }
0x4: {  	s13 =	simm.s32 $0x5;
	s11 =	simm.s32 $0x4;
	s15 =	simm.s32 $0x6  }
0x5: {  	s1 =	sand.u32 $0x1, s1;
	s4 =	sshll.u32 s3, $0x1;
	s3 =	simm.s32 $0x0  }
0x6: {  	s16 =	simm.s32 $0x0;
	s5 =	sor.u32 s1, s4;
	[smem:$0x7FF] =	sst s3  }
0x7: {  	s1 =	ssub.s32 $0x2, s1;
	s4 =	sadd.s32 $0x2A00, s0;
	s6 =	smul.u32 $0x58, s5  }
0x8: {  	_ =	strace $0x80000047;
	s7 =	smul.u32 $0xB000, s5;
	s8 =	sshrl.u32 s1, $0x1  }
0x9: {  	s5 =	smul.u32 $0x58000, s5;
	s1 =	ssub.s32 s1, s8;
	s8 =	simm.s32 $0x2  }
0xa: {  	s9 =	sadd.s32 s6, s0;
	s6 =	sadd.s32 $0x15600, s0;
	s10 =	sadd.s32 s2, s7  }
0xb: {  	s28 =	sshrl.u32 s5, $0x3;
	s31 =	smax.u32 s1, $0x1;
	[dreg:$0x4] =	wrdreg s10  }
0xc: {  	s26 =	sadd.s32 $0xA00, s9;
	s9 =	sadd.s32 $0x2B00, s0;
	[dreg:$0x8] =	wrdreg s31  }
0xd: {  	s29 =	sadd.s32 $0x800, s10;
	s30 =	sadd.s32 s6, s28;
	[dreg:$0x3] =	wrdreg s26  }
0xe: {  	v2 =	vlaneseq.u32;
	s7 =	sadd.s32 s6, s7;
	s10 =	simm.s32 $0x1;
	[dreg:$0x5] =	wrdreg s29  }
0xf: {  	vm0 =	vmmov $0xffff;
	v1 =	vshrl.u32 v2, $0x3;
	s0 =	sadd.s32 $0xA800, s30;
	[dreg:$0x6] =	wrdreg s7;
	s14 =	sadd.s32 $0x800, s7  }
0x10: {  	v0 =	vand.u32 $0x7, v2;
	v2 =	vor.u32 $0x8, v2;
	v1 =	vmul.u32 $0x8, v1;
	s7 =	simm.s32 $0xC300;
	[dreg:$0x7] =	wrdreg s0;
	s0 =	simm.s32 $0x7B00  }
.LBB2_1:
0x11: {  	[dreg:$0x9] =	wrdreg s16  }
0x12: {  	s1 =	rddreg [dreg:$0x3];
	s28 =	simm.s32 $0x7  }
0x13: {  	[tilespmem:s3], [sflag:$0x7] =	stream.linear.gather [hbm4b:s1+s3], $0x2C0, $0x38;
	[tilespmem:$0x10300] =	vst v63  }
0x14: {  	_ =	swait.ge [sflag:s28], $0x2C0  }
0x15: {  	[sflag:s28] =	ssyncset.done $0x0  }
0x16: {  	[sflag:s28] =	ssyncadd.s32 $0xFFFFFD40  }
0x17: {  	v3 =	vld [tilespmem:$0x0];
	_ =	sdelay $0x4  }
0x18: {  	v4 =	vshll.u32 v3, $0x2  }
0x19: {  	v3 =	vand.u32 $0x7, v3;
	v4 =	vand.u32 $0xFFFFFFE0, v4  }
0x1a: {  	v3 =	vor.u32 v3, v4  }
0x1b: {  	v4 =	vperm.xlane v3, v0;
	_ =	sdelay $0x1  }
0x1c: {  	v4 =	vadd.s32 v1, v4;
	_ =	sdelay $0x1  }
0x1d: {  	v3 =	vperm.xlane v3, v2;
	_ =	sdelay $0x1  }
0x1e: {  	s29 =	simm.s32 $0x300;
	v3 =	vadd.s32 v1, v3  }
0x1f: {  	[tilespmem:s29], [sflag:$0x1] =	stream.indirect_vreg.gather [hbm4b:s4+s3], $0x80, v4, vm0, $0xb8;
	[tilespmem:$0x10300] =	vst v63  }
0x20: {  	s30 =	simm.s32 $0xB00  }
0x21: {  	[tilespmem:s30], [sflag:$0x1] =	stream.indirect_vreg.gather [hbm4b:s9+s3], $0x80, v4, vm0, $0xb8;
	[tilespmem:$0x10300] =	vst v63  }
0x22: {  	s31 =	simm.s32 $0x1300  }
0x23: {  	[tilespmem:s31], [sflag:$0x1] =	stream.indirect_vreg.gather [hbm4b:s4+s3], $0x80, v3, vm0, $0xb8;
	[tilespmem:$0x10300] =	vst v63  }
0x24: {  	s16 =	simm.s32 $0x1B00  }
0x25: {  	[tilespmem:s16], [sflag:$0x1] =	stream.indirect_vreg.gather [hbm4b:s9+s3], $0x80, v3, vm0, $0xb8;
	[tilespmem:$0x10300] =	vst v63  }
0x26: {  	v3 =	vld [tilespmem:$0x10];
	_ =	sdelay $0x4  }
0x27: {  	v61 =	vshll.u32 v3, $0x2  }
0x28: {  	v3 =	vand.u32 $0x7, v3;
	v4 =	vand.u32 $0xFFFFFFE0, v61  }
0x29: {  	v3 =	vor.u32 v3, v4  }
0x2a: {  	v4 =	vperm.xlane v3, v0;
	_ =	sdelay $0x1  }
0x2b: {  	v4 =	vadd.s32 v1, v4;
	_ =	sdelay $0x1  }
0x2c: {  	v3 =	vperm.xlane v3, v2;
	_ =	sdelay $0x1  }
0x2d: {  	s17 =	simm.s32 $0x2300;
	v3 =	vadd.s32 v1, v3  }
0x2e: {  	[tilespmem:s17], [sflag:$0x1] =	stream.indirect_vreg.gather [hbm4b:s4+s3], $0x80, v4, vm0, $0xb8;
	[tilespmem:$0x10300] =	vst v63  }
0x2f: {  	s18 =	simm.s32 $0x2B00  }
0x30: {  	[tilespmem:s18], [sflag:$0x1] =	stream.indirect_vreg.gather [hbm4b:s9+s3], $0x80, v4, vm0, $0xb8;
	[tilespmem:$0x10300] =	vst v63  }
0x31: {  	s19 =	simm.s32 $0x3300  }
0x32: {  	[tilespmem:s19], [sflag:$0x1] =	stream.indirect_vreg.gather [hbm4b:s4+s3], $0x80, v3, vm0, $0xb8;
	[tilespmem:$0x10300] =	vst v63  }
0x33: {  	s20 =	simm.s32 $0x3B00  }
0x34: {  	[tilespmem:s20], [sflag:$0x1] =	stream.indirect_vreg.gather [hbm4b:s9+s3], $0x80, v3, vm0, $0xb8;
	[tilespmem:$0x10300] =	vst v63  }
0x35: {  	s21 =	rddreg [dreg:$0x4]  }
0x36: {  	[tilespmem:s24], [sflag:$0x3] =	stream.linear.gather [hbm4b:s21+s3], $0x4000, $0x38;
	[tilespmem:$0x10300] =	vst v63  }
0x37: {  	v3 =	vld [tilespmem:$0x20];
	_ =	sdelay $0x4  }
0x38: {  	v62 =	vshll.u32 v3, $0x2  }
0x39: {  	v3 =	vand.u32 $0x7, v3;
	v4 =	vand.u32 $0xFFFFFFE0, v62  }
0x3a: {  	v3 =	vor.u32 v3, v4  }
0x3b: {  	v4 =	vperm.xlane v3, v0;
	_ =	sdelay $0x1  }
0x3c: {  	v4 =	vadd.s32 v1, v4;
	_ =	sdelay $0x1  }
0x3d: {  	v3 =	vperm.xlane v3, v2;
	_ =	sdelay $0x1  }
0x3e: {  	s22 =	simm.s32 $0x4300;
	v3 =	vadd.s32 v1, v3  }
0x3f: {  	[tilespmem:s22], [sflag:$0x2] =	stream.indirect_vreg.gather [hbm4b:s4+s3], $0x80, v4, vm0, $0xb8;
	[tilespmem:$0x10300] =	vst v63  }
0x40: {  	s23 =	simm.s32 $0x4B00  }
0x41: {  	[tilespmem:s23], [sflag:$0x2] =	stream.indirect_vreg.gather [hbm4b:s9+s3], $0x80, v4, vm0, $0xb8;
	[tilespmem:$0x10300] =	vst v63  }
0x42: {  	s25 =	simm.s32 $0x5300  }
0x43: {  	[tilespmem:s25], [sflag:$0x2] =	stream.indirect_vreg.gather [hbm4b:s4+s3], $0x80, v3, vm0, $0xb8;
	[tilespmem:$0x10300] =	vst v63  }
0x44: {  	s26 =	simm.s32 $0x5B00  }
0x45: {  	[tilespmem:s26], [sflag:$0x2] =	stream.indirect_vreg.gather [hbm4b:s9+s3], $0x80, v3, vm0, $0xb8;
	[tilespmem:$0x10300] =	vst v63  }
0x46: {  	v3 =	vld [tilespmem:$0x30];
	_ =	sdelay $0x4  }
0x47: {  	v63 =	vshll.u32 v3, $0x2  }
0x48: {  	v3 =	vand.u32 $0x7, v3;
	v4 =	vand.u32 $0xFFFFFFE0, v63  }
0x49: {  	v3 =	vor.u32 v3, v4  }
0x4a: {  	v4 =	vperm.xlane v3, v0;
	_ =	sdelay $0x1  }
0x4b: {  	v4 =	vadd.s32 v1, v4;
	_ =	sdelay $0x1  }
0x4c: {  	v3 =	vperm.xlane v3, v2;
	_ =	sdelay $0x1  }
0x4d: {  	s28 =	simm.s32 $0x6300;
	v3 =	vadd.s32 v1, v3  }
0x4e: {  	[tilespmem:s28], [sflag:$0x2] =	stream.indirect_vreg.gather [hbm4b:s4+s3], $0x80, v4, vm0, $0xb8;
	[tilespmem:$0x10300] =	vst v63  }
0x4f: {  	s29 =	simm.s32 $0x6B00  }
0x50: {  	[tilespmem:s29], [sflag:$0x2] =	stream.indirect_vreg.gather [hbm4b:s9+s3], $0x80, v4, vm0, $0xb8;
	[tilespmem:$0x10300] =	vst v63  }
0x51: {  	s30 =	simm.s32 $0x7300  }
0x52: {  	[tilespmem:s30], [sflag:$0x2] =	stream.indirect_vreg.gather [hbm4b:s4+s3], $0x80, v3, vm0, $0xb8;
	[tilespmem:$0x10300] =	vst v63  }
0x53: {  	_ = 	snop  }
0x54: {  	[tilespmem:s0], [sflag:$0x2] =	stream.indirect_vreg.gather [hbm4b:s9+s3], $0x80, v3, vm0, $0xb8;
	[tilespmem:$0x10300] =	vst v63  }
0x55: {  	s31 =	rddreg [dreg:$0x5]  }
0x56: {  	[tilespmem:s7], [sflag:$0x4] =	stream.linear.gather [hbm4b:s31+s3], $0x4000, $0x38;
	[tilespmem:$0x10300] =	vst v63  }
0x57: {  	_ =	swait.ge [sflag:s10], $0x4000  }
0x58: {  	[sflag:s10] =	ssyncset.done $0x0  }
0x59: {  	[sflag:s10] =	ssyncadd.s32 $0xFFFFC000  }
0x5a: {  	s16 =	simm.s32 $0x0;
	_ =	swait.ge [sflag:s12], $0x4000  }
0x5b: {  	s17 =	simm.s32 $0x0;
	s18 =	simm.s32 $0x0;
	[sflag:s12] =	ssyncset.done $0x0  }
0x5c: {  	s19 =	simm.s32 $0x0;
	s20 =	simm.s32 $0x0;
	[sflag:s12] =	ssyncadd.s32 $0xFFFFC000  }
.LBB2_2:
0x5d: {  	s21 =	sand.u32 $0x2000, s18;
	s22 =	sand.u32 $0x380, s19  }
0x5e: {  	s21 =	sor.u32 s22, s21  }
0x5f: {  	s26 =	sand.u32 $0x3000, s18;
	s23 =	sand.u32 $0x300, s20;
	v3 =	vld [tilespmem:s21+$0x8300]  }
0x60: {  	s22 =	sor.u32 s23, s26;
	v4 =	vld [tilespmem:s21+$0x8B00]  }
0x61: {  	v5 =	vld [tilespmem:s22+$0x300]  }
0x62: {  	v6 =	vld [tilespmem:s22+$0xB00];
	_ =	sdelay $0x4  }
0x63: {  	v7 =	vmul.f32 v5, v3;
	v8 =	vmul.f32 v6, v4  }
0x64: {  	v4 =	vmul.f32 v5, v4;
	v3 =	vmul.f32 v6, v3  }
0x65: {  	v12 =	vsub.f32 v7, v8  }
0x66: {  	v3 =	vadd.f32 v3, v4  }
0x67: {  	v13 =	vld [tilespmem:s21+$0x8310];
	[tilespmem:s21+$0x8300] =	vst v12  }
0x68: {  	[tilespmem:s21+$0x8B00] =	vst v3;
	v3 =	vld [tilespmem:s21+$0x8B10]  }
0x69: {  	v5 =	vld [tilespmem:s22+$0x310]  }
0x6a: {  	v14 =	vld [tilespmem:s22+$0xB10];
	_ =	sdelay $0x4  }
0x6b: {  	v15 =	vmul.f32 v5, v13;
	v16 =	vmul.f32 v14, v3  }
0x6c: {  	v3 =	vmul.f32 v5, v3;
	v4 =	vmul.f32 v14, v13  }
0x6d: {  	v17 =	vsub.f32 v15, v16  }
0x6e: {  	v3 =	vadd.f32 v4, v3  }
0x6f: {  	v18 =	vld [tilespmem:s21+$0x8320];
	[tilespmem:s21+$0x8310] =	vst v17  }
0x70: {  	[tilespmem:s21+$0x8B10] =	vst v3;
	v3 =	vld [tilespmem:s21+$0x8B20]  }
0x71: {  	v5 =	vld [tilespmem:s22+$0x320]  }
0x72: {  	v19 =	vld [tilespmem:s22+$0xB20];
	_ =	sdelay $0x4  }
0x73: {  	v20 =	vmul.f32 v5, v18;
	v21 =	vmul.f32 v19, v3  }
0x74: {  	v3 =	vmul.f32 v5, v3;
	v4 =	vmul.f32 v19, v18  }
0x75: {  	v22 =	vsub.f32 v20, v21  }
0x76: {  	v3 =	vadd.f32 v4, v3  }
0x77: {  	v23 =	vld [tilespmem:s21+$0x8330];
	[tilespmem:s21+$0x8320] =	vst v22  }
0x78: {  	[tilespmem:s21+$0x8B20] =	vst v3;
	v3 =	vld [tilespmem:s21+$0x8B30]  }
0x79: {  	v5 =	vld [tilespmem:s22+$0x330]  }
0x7a: {  	v24 =	vld [tilespmem:s22+$0xB30];
	_ =	sdelay $0x4  }
0x7b: {  	v25 =	vmul.f32 v5, v23;
	v26 =	vmul.f32 v24, v3  }
0x7c: {  	v3 =	vmul.f32 v5, v3;
	v4 =	vmul.f32 v24, v23  }
0x7d: {  	v27 =	vsub.f32 v25, v26  }
0x7e: {  	v3 =	vadd.f32 v4, v3  }
0x7f: {  	v28 =	vld [tilespmem:s21+$0x8340];
	[tilespmem:s21+$0x8330] =	vst v27  }
0x80: {  	[tilespmem:s21+$0x8B30] =	vst v3;
	v3 =	vld [tilespmem:s21+$0x8B40]  }
0x81: {  	v5 =	vld [tilespmem:s22+$0x340]  }
0x82: {  	v29 =	vld [tilespmem:s22+$0xB40];
	_ =	sdelay $0x4  }
0x83: {  	v30 =	vmul.f32 v5, v28;
	v31 =	vmul.f32 v29, v3  }
0x84: {  	v3 =	vmul.f32 v5, v3;
	v4 =	vmul.f32 v29, v28  }
0x85: {  	v32 =	vsub.f32 v30, v31  }
0x86: {  	v3 =	vadd.f32 v4, v3  }
0x87: {  	v33 =	vld [tilespmem:s21+$0x8350];
	[tilespmem:s21+$0x8340] =	vst v32  }
0x88: {  	[tilespmem:s21+$0x8B40] =	vst v3;
	v3 =	vld [tilespmem:s21+$0x8B50]  }
0x89: {  	v5 =	vld [tilespmem:s22+$0x350]  }
0x8a: {  	v34 =	vld [tilespmem:s22+$0xB50];
	_ =	sdelay $0x4  }
0x8b: {  	v35 =	vmul.f32 v5, v33;
	v36 =	vmul.f32 v34, v3  }
0x8c: {  	v3 =	vmul.f32 v5, v3;
	v4 =	vmul.f32 v34, v33  }
0x8d: {  	v37 =	vsub.f32 v35, v36  }
0x8e: {  	v3 =	vadd.f32 v4, v3  }
0x8f: {  	v38 =	vld [tilespmem:s21+$0x8360];
	[tilespmem:s21+$0x8350] =	vst v37  }
0x90: {  	[tilespmem:s21+$0x8B50] =	vst v3;
	v3 =	vld [tilespmem:s21+$0x8B60]  }
0x91: {  	v5 =	vld [tilespmem:s22+$0x360]  }
0x92: {  	v39 =	vld [tilespmem:s22+$0xB60];
	_ =	sdelay $0x4  }
0x93: {  	v40 =	vmul.f32 v5, v38;
	v41 =	vmul.f32 v39, v3  }
0x94: {  	v3 =	vmul.f32 v5, v3;
	v4 =	vmul.f32 v39, v38  }
0x95: {  	v42 =	vsub.f32 v40, v41  }
0x96: {  	v3 =	vadd.f32 v4, v3  }
0x97: {  	v43 =	vld [tilespmem:s21+$0x8370];
	[tilespmem:s21+$0x8360] =	vst v42  }
0x98: {  	[tilespmem:s21+$0x8B60] =	vst v3;
	v3 =	vld [tilespmem:s21+$0x8B70]  }
0x99: {  	v5 =	vld [tilespmem:s22+$0x370]  }
0x9a: {  	v44 =	vld [tilespmem:s22+$0xB70];
	_ =	sdelay $0x4  }
0x9b: {  	v45 =	vmul.f32 v5, v43;
	v46 =	vmul.f32 v44, v3  }
0x9c: {  	v3 =	vmul.f32 v5, v3;
	v4 =	vmul.f32 v44, v43  }
0x9d: {  	v47 =	vsub.f32 v45, v46  }
0x9e: {  	s28 =	sand.u32 $0x3, s17;
	v3 =	vadd.f32 v4, v3  }
0x9f: {  	s23 =	sshll.u32 s28, $0x8;
	v48 =	vld [tilespmem:s21+$0x8700];
	[tilespmem:s21+$0x8370] =	vst v47  }
0xa0: {  	s23 =	sadd.s32 s23, s18;
	[tilespmem:s21+$0x8B70] =	vst v3;
	v3 =	vld [tilespmem:s21+$0x8F00]  }
0xa1: {  	s25 =	sor.u32 $0xC00, s23;
	v5 =	vld [tilespmem:s22+$0x700]  }
0xa2: {  	v49 =	vld [tilespmem:s25+$0x300];
	_ =	sdelay $0x4  }
0xa3: {  	v50 =	vmul.f32 v5, v48;
	v51 =	vmul.f32 v49, v3  }
0xa4: {  	v3 =	vmul.f32 v5, v3;
	v4 =	vmul.f32 v49, v48  }
0xa5: {  	v52 =	vsub.f32 v50, v51  }
0xa6: {  	v3 =	vadd.f32 v4, v3  }
0xa7: {  	v53 =	vld [tilespmem:s21+$0x8710];
	[tilespmem:s21+$0x8700] =	vst v52  }
0xa8: {  	[tilespmem:s21+$0x8F00] =	vst v3;
	v3 =	vld [tilespmem:s21+$0x8F10]  }
0xa9: {  	s29 =	sor.u32 $0xC10, s23;
	v5 =	vld [tilespmem:s22+$0x710]  }
0xaa: {  	v54 =	vld [tilespmem:s29+$0x300];
	_ =	sdelay $0x4  }
0xab: {  	v55 =	vmul.f32 v5, v53;
	v56 =	vmul.f32 v54, v3  }
0xac: {  	v3 =	vmul.f32 v5, v3;
	v4 =	vmul.f32 v54, v53  }
0xad: {  	v57 =	vsub.f32 v55, v56  }
0xae: {  	v3 =	vadd.f32 v4, v3  }
0xaf: {  	v58 =	vld [tilespmem:s21+$0x8720];
	[tilespmem:s21+$0x8710] =	vst v57  }
0xb0: {  	[tilespmem:s21+$0x8F10] =	vst v3;
	v3 =	vld [tilespmem:s21+$0x8F20]  }
0xb1: {  	s30 =	sor.u32 $0xC20, s23;
	v5 =	vld [tilespmem:s22+$0x720]  }
0xb2: {  	v59 =	vld [tilespmem:s30+$0x300];
	_ =	sdelay $0x4  }
0xb3: {  	v60 =	vmul.f32 v5, v58;
	v61 =	vmul.f32 v59, v3  }
0xb4: {  	v3 =	vmul.f32 v5, v3;
	v4 =	vmul.f32 v59, v58  }
0xb5: {  	v62 =	vsub.f32 v60, v61  }
0xb6: {  	v3 =	vadd.f32 v4, v3  }
0xb7: {  	v63 =	vld [tilespmem:s21+$0x8730];
	[tilespmem:s21+$0x8720] =	vst v62  }
0xb8: {  	[tilespmem:s21+$0x8F20] =	vst v3;
	v3 =	vld [tilespmem:s21+$0x8F30]  }
0xb9: {  	s31 =	sor.u32 $0xC30, s23;
	v5 =	vld [tilespmem:s22+$0x730]  }
0xba: {  	v12 =	vld [tilespmem:s31+$0x300];
	_ =	sdelay $0x4  }
0xbb: {  	v13 =	vmul.f32 v5, v63;
	v14 =	vmul.f32 v12, v3  }
0xbc: {  	v3 =	vmul.f32 v5, v3;
	v4 =	vmul.f32 v12, v63  }
0xbd: {  	v15 =	vsub.f32 v13, v14  }
0xbe: {  	v3 =	vadd.f32 v4, v3  }
0xbf: {  	v16 =	vld [tilespmem:s21+$0x8740];
	[tilespmem:s21+$0x8730] =	vst v15  }
0xc0: {  	[tilespmem:s21+$0x8F30] =	vst v3;
	v3 =	vld [tilespmem:s21+$0x8F40]  }
0xc1: {  	s1 =	sor.u32 $0xC40, s23;
	v5 =	vld [tilespmem:s22+$0x740]  }
0xc2: {  	v17 =	vld [tilespmem:s1+$0x300];
	_ =	sdelay $0x4  }
0xc3: {  	v18 =	vmul.f32 v5, v16;
	v19 =	vmul.f32 v17, v3  }
0xc4: {  	v3 =	vmul.f32 v5, v3;
	v4 =	vmul.f32 v17, v16  }
0xc5: {  	v20 =	vsub.f32 v18, v19  }
0xc6: {  	v3 =	vadd.f32 v4, v3  }
0xc7: {  	v21 =	vld [tilespmem:s21+$0x8750];
	[tilespmem:s21+$0x8740] =	vst v20  }
0xc8: {  	[tilespmem:s21+$0x8F40] =	vst v3;
	v3 =	vld [tilespmem:s21+$0x8F50]  }
0xc9: {  	s26 =	sor.u32 $0xC50, s23;
	v5 =	vld [tilespmem:s22+$0x750]  }
0xca: {  	v22 =	vld [tilespmem:s26+$0x300];
	_ =	sdelay $0x4  }
0xcb: {  	v23 =	vmul.f32 v5, v21;
	v24 =	vmul.f32 v22, v3  }
0xcc: {  	v3 =	vmul.f32 v5, v3;
	v4 =	vmul.f32 v22, v21  }
0xcd: {  	v25 =	vsub.f32 v23, v24  }
0xce: {  	v3 =	vadd.f32 v4, v3  }
0xcf: {  	v26 =	vld [tilespmem:s21+$0x8760];
	[tilespmem:s21+$0x8750] =	vst v25  }
0xd0: {  	[tilespmem:s21+$0x8F50] =	vst v3;
	v3 =	vld [tilespmem:s21+$0x8F60]  }
0xd1: {  	s28 =	sor.u32 $0xC60, s23;
	v5 =	vld [tilespmem:s22+$0x760]  }
0xd2: {  	v27 =	vld [tilespmem:s28+$0x300];
	_ =	sdelay $0x4  }
0xd3: {  	v28 =	vmul.f32 v5, v26;
	v29 =	vmul.f32 v27, v3  }
0xd4: {  	v3 =	vmul.f32 v5, v3;
	v4 =	vmul.f32 v27, v26  }
0xd5: {  	v30 =	vsub.f32 v28, v29  }
0xd6: {  	v3 =	vadd.f32 v4, v3  }
0xd7: {  	v31 =	vld [tilespmem:s21+$0x8770];
	[tilespmem:s21+$0x8760] =	vst v30  }
0xd8: {  	[tilespmem:s21+$0x8F60] =	vst v3;
	v3 =	vld [tilespmem:s21+$0x8F70]  }
0xd9: {  	s29 =	sor.u32 $0xC70, s23;
	v5 =	vld [tilespmem:s22+$0x770]  }
0xda: {  	v32 =	vld [tilespmem:s29+$0x300];
	_ =	sdelay $0x4  }
0xdb: {  	v33 =	vmul.f32 v5, v31;
	v34 =	vmul.f32 v32, v3  }
0xdc: {  	v3 =	vmul.f32 v5, v3;
	v4 =	vmul.f32 v32, v31  }
0xdd: {  	v35 =	vsub.f32 v33, v34  }
0xde: {  	v3 =	vadd.f32 v4, v3  }
0xdf: {  	v36 =	vld [tilespmem:s21+$0x9300];
	[tilespmem:s21+$0x8770] =	vst v35  }
0xe0: {  	[tilespmem:s21+$0x8F70] =	vst v3;
	v3 =	vld [tilespmem:s21+$0x9B00]  }
0xe1: {  	v5 =	vld [tilespmem:s22+$0x380]  }
0xe2: {  	v37 =	vld [tilespmem:s22+$0xB80];
	_ =	sdelay $0x4  }
0xe3: {  	v38 =	vmul.f32 v5, v36;
	v39 =	vmul.f32 v37, v3  }
0xe4: {  	v3 =	vmul.f32 v5, v3;
	v4 =	vmul.f32 v37, v36  }
0xe5: {  	v40 =	vsub.f32 v38, v39  }
0xe6: {  	v3 =	vadd.f32 v4, v3  }
0xe7: {  	v41 =	vld [tilespmem:s21+$0x9310];
	[tilespmem:s21+$0x9300] =	vst v40  }
0xe8: {  	[tilespmem:s21+$0x9B00] =	vst v3;
	v3 =	vld [tilespmem:s21+$0x9B10]  }
0xe9: {  	v5 =	vld [tilespmem:s22+$0x390]  }
0xea: {  	v42 =	vld [tilespmem:s22+$0xB90];
	_ =	sdelay $0x4  }
0xeb: {  	v43 =	vmul.f32 v5, v41;
	v44 =	vmul.f32 v42, v3  }
0xec: {  	v3 =	vmul.f32 v5, v3;
	v4 =	vmul.f32 v42, v41  }
0xed: {  	v45 =	vsub.f32 v43, v44  }
0xee: {  	v3 =	vadd.f32 v4, v3  }
0xef: {  	v46 =	vld [tilespmem:s21+$0x9320];
	[tilespmem:s21+$0x9310] =	vst v45  }
0xf0: {  	[tilespmem:s21+$0x9B10] =	vst v3;
	v3 =	vld [tilespmem:s21+$0x9B20]  }
0xf1: {  	v5 =	vld [tilespmem:s22+$0x3A0]  }
0xf2: {  	v47 =	vld [tilespmem:s22+$0xBA0];
	_ =	sdelay $0x4  }
0xf3: {  	v48 =	vmul.f32 v5, v46;
	v49 =	vmul.f32 v47, v3  }
0xf4: {  	v3 =	vmul.f32 v5, v3;
	v4 =	vmul.f32 v47, v46  }
0xf5: {  	v50 =	vsub.f32 v48, v49  }
0xf6: {  	v3 =	vadd.f32 v4, v3  }
0xf7: {  	v51 =	vld [tilespmem:s21+$0x9330];
	[tilespmem:s21+$0x9320] =	vst v50  }
0xf8: {  	[tilespmem:s21+$0x9B20] =	vst v3;
	v3 =	vld [tilespmem:s21+$0x9B30]  }
0xf9: {  	v5 =	vld [tilespmem:s22+$0x3B0]  }
0xfa: {  	v52 =	vld [tilespmem:s22+$0xBB0];
	_ =	sdelay $0x4  }
0xfb: {  	v53 =	vmul.f32 v5, v51;
	v54 =	vmul.f32 v52, v3  }
0xfc: {  	v3 =	vmul.f32 v5, v3;
	v4 =	vmul.f32 v52, v51  }
0xfd: {  	v55 =	vsub.f32 v53, v54  }
0xfe: {  	v3 =	vadd.f32 v4, v3  }
0xff: {  	v56 =	vld [tilespmem:s21+$0x9340];
	[tilespmem:s21+$0x9330] =	vst v55  }
0x100: {  	[tilespmem:s21+$0x9B30] =	vst v3;
	v3 =	vld [tilespmem:s21+$0x9B40]  }
0x101: {  	v5 =	vld [tilespmem:s22+$0x3C0]  }
0x102: {  	v57 =	vld [tilespmem:s22+$0xBC0];
	_ =	sdelay $0x4  }
0x103: {  	v58 =	vmul.f32 v5, v56;
	v59 =	vmul.f32 v57, v3  }
0x104: {  	v3 =	vmul.f32 v5, v3;
	v4 =	vmul.f32 v57, v56  }
0x105: {  	v60 =	vsub.f32 v58, v59  }
0x106: {  	v3 =	vadd.f32 v4, v3  }
0x107: {  	v61 =	vld [tilespmem:s21+$0x9350];
	[tilespmem:s21+$0x9340] =	vst v60  }
0x108: {  	[tilespmem:s21+$0x9B40] =	vst v3;
	v3 =	vld [tilespmem:s21+$0x9B50]  }
0x109: {  	v5 =	vld [tilespmem:s22+$0x3D0]  }
0x10a: {  	v62 =	vld [tilespmem:s22+$0xBD0];
	_ =	sdelay $0x4  }
0x10b: {  	v63 =	vmul.f32 v5, v61;
	v12 =	vmul.f32 v62, v3  }
0x10c: {  	v3 =	vmul.f32 v5, v3;
	v4 =	vmul.f32 v62, v61  }
0x10d: {  	v13 =	vsub.f32 v63, v12  }
0x10e: {  	v3 =	vadd.f32 v4, v3  }
0x10f: {  	v14 =	vld [tilespmem:s21+$0x9360];
	[tilespmem:s21+$0x9350] =	vst v13  }
0x110: {  	[tilespmem:s21+$0x9B50] =	vst v3;
	v3 =	vld [tilespmem:s21+$0x9B60]  }
0x111: {  	v5 =	vld [tilespmem:s22+$0x3E0]  }
0x112: {  	v15 =	vld [tilespmem:s22+$0xBE0];
	_ =	sdelay $0x4  }
0x113: {  	v16 =	vmul.f32 v5, v14;
	v17 =	vmul.f32 v15, v3  }
0x114: {  	v3 =	vmul.f32 v5, v3;
	v4 =	vmul.f32 v15, v14  }
0x115: {  	v18 =	vsub.f32 v16, v17  }
0x116: {  	v3 =	vadd.f32 v4, v3  }
0x117: {  	v19 =	vld [tilespmem:s21+$0x9370];
	[tilespmem:s21+$0x9360] =	vst v18  }
0x118: {  	[tilespmem:s21+$0x9B60] =	vst v3;
	v3 =	vld [tilespmem:s21+$0x9B70]  }
0x119: {  	v5 =	vld [tilespmem:s22+$0x3F0]  }
0x11a: {  	v20 =	vld [tilespmem:s22+$0xBF0];
	_ =	sdelay $0x4  }
0x11b: {  	v21 =	vmul.f32 v5, v19;
	v22 =	vmul.f32 v20, v3  }
0x11c: {  	v3 =	vmul.f32 v5, v3;
	v4 =	vmul.f32 v20, v19  }
0x11d: {  	s30 =	sand.u32 $0x7, s16;
	v23 =	vsub.f32 v21, v22  }
0x11e: {  	s25 =	sshll.u32 s30, $0x7;
	v3 =	vadd.f32 v4, v3  }
0x11f: {  	s25 =	sadd.s32 s25, s18;
	[tilespmem:s21+$0x9370] =	vst v23  }
0x120: {  	s26 =	sor.u32 $0x1C00, s25;
	[tilespmem:s21+$0x9B70] =	vst v3;
	v3 =	vld [tilespmem:s21+$0x9700]  }
0x121: {  	s23 =	sadd.s32 $0x80, s23;
	v24 =	vld [tilespmem:s26+$0x8300]  }
0x122: {  	s28 =	sor.u32 $0xC00, s23;
	v5 =	vld [tilespmem:s22+$0x780]  }
0x123: {  	v25 =	vld [tilespmem:s28+$0x300];
	_ =	sdelay $0x4  }
0x124: {  	v26 =	vmul.f32 v5, v3;
	v27 =	vmul.f32 v25, v24  }
0x125: {  	v4 =	vmul.f32 v5, v24;
	v3 =	vmul.f32 v25, v3  }
0x126: {  	v28 =	vsub.f32 v26, v27  }
0x127: {  	v3 =	vadd.f32 v3, v4  }
0x128: {  	[tilespmem:s21+$0x9700] =	vst v28  }
0x129: {  	[tilespmem:s26+$0x8300] =	vst v3  }
0x12a: {  	s31 =	sor.u32 $0x1C10, s25;
	v3 =	vld [tilespmem:s21+$0x9710]  }
0x12b: {  	v29 =	vld [tilespmem:s31+$0x8300]  }
0x12c: {  	s1 =	sor.u32 $0xC10, s23;
	v5 =	vld [tilespmem:s22+$0x790]  }
0x12d: {  	v30 =	vld [tilespmem:s1+$0x300];
	_ =	sdelay $0x4  }
0x12e: {  	v31 =	vmul.f32 v5, v3;
	v32 =	vmul.f32 v30, v29  }
0x12f: {  	v4 =	vmul.f32 v5, v29;
	v3 =	vmul.f32 v30, v3  }
0x130: {  	v33 =	vsub.f32 v31, v32  }
0x131: {  	v3 =	vadd.f32 v3, v4  }
0x132: {  	[tilespmem:s21+$0x9710] =	vst v33  }
0x133: {  	[tilespmem:s31+$0x8300] =	vst v3  }
0x134: {  	s29 =	sor.u32 $0x1C20, s25;
	v3 =	vld [tilespmem:s21+$0x9720]  }
0x135: {  	v34 =	vld [tilespmem:s29+$0x8300]  }
0x136: {  	s30 =	sor.u32 $0xC20, s23;
	v5 =	vld [tilespmem:s22+$0x7A0]  }
0x137: {  	v35 =	vld [tilespmem:s30+$0x300];
	_ =	sdelay $0x4  }
0x138: {  	v36 =	vmul.f32 v5, v3;
	v37 =	vmul.f32 v35, v34  }
0x139: {  	v4 =	vmul.f32 v5, v34;
	v3 =	vmul.f32 v35, v3  }
0x13a: {  	v38 =	vsub.f32 v36, v37  }
0x13b: {  	v3 =	vadd.f32 v3, v4  }
0x13c: {  	[tilespmem:s21+$0x9720] =	vst v38  }
0x13d: {  	[tilespmem:s29+$0x8300] =	vst v3  }
0x13e: {  	s31 =	sor.u32 $0x1C30, s25;
	v3 =	vld [tilespmem:s21+$0x9730]  }
0x13f: {  	v39 =	vld [tilespmem:s31+$0x8300]  }
0x140: {  	s1 =	sor.u32 $0xC30, s23;
	v5 =	vld [tilespmem:s22+$0x7B0]  }
0x141: {  	v40 =	vld [tilespmem:s1+$0x300];
	_ =	sdelay $0x4  }
0x142: {  	v41 =	vmul.f32 v5, v3;
	v42 =	vmul.f32 v40, v39  }
0x143: {  	v4 =	vmul.f32 v5, v39;
	v3 =	vmul.f32 v40, v3  }
0x144: {  	v43 =	vsub.f32 v41, v42  }
0x145: {  	v3 =	vadd.f32 v3, v4  }
0x146: {  	[tilespmem:s21+$0x9730] =	vst v43  }
0x147: {  	[tilespmem:s31+$0x8300] =	vst v3  }
0x148: {  	s29 =	sor.u32 $0x1C40, s25;
	v3 =	vld [tilespmem:s21+$0x9740]  }
0x149: {  	v44 =	vld [tilespmem:s29+$0x8300]  }
0x14a: {  	s30 =	sor.u32 $0xC40, s23;
	v5 =	vld [tilespmem:s22+$0x7C0]  }
0x14b: {  	v45 =	vld [tilespmem:s30+$0x300];
	_ =	sdelay $0x4  }
0x14c: {  	v46 =	vmul.f32 v5, v3;
	v47 =	vmul.f32 v45, v44  }
0x14d: {  	v4 =	vmul.f32 v5, v44;
	v3 =	vmul.f32 v45, v3  }
0x14e: {  	v48 =	vsub.f32 v46, v47  }
0x14f: {  	v3 =	vadd.f32 v3, v4  }
0x150: {  	[tilespmem:s21+$0x9740] =	vst v48  }
0x151: {  	[tilespmem:s29+$0x8300] =	vst v3  }
0x152: {  	s31 =	sor.u32 $0x1C50, s25;
	v3 =	vld [tilespmem:s21+$0x9750]  }
0x153: {  	v49 =	vld [tilespmem:s31+$0x8300]  }
0x154: {  	s1 =	sor.u32 $0xC50, s23;
	v5 =	vld [tilespmem:s22+$0x7D0]  }
0x155: {  	v50 =	vld [tilespmem:s1+$0x300];
	_ =	sdelay $0x4  }
0x156: {  	v51 =	vmul.f32 v5, v3;
	v52 =	vmul.f32 v50, v49  }
0x157: {  	v4 =	vmul.f32 v5, v49;
	v3 =	vmul.f32 v50, v3  }
0x158: {  	v53 =	vsub.f32 v51, v52  }
0x159: {  	v3 =	vadd.f32 v3, v4  }
0x15a: {  	[tilespmem:s21+$0x9750] =	vst v53  }
0x15b: {  	[tilespmem:s31+$0x8300] =	vst v3  }
0x15c: {  	s29 =	sor.u32 $0x1C60, s25;
	v3 =	vld [tilespmem:s21+$0x9760]  }
0x15d: {  	v54 =	vld [tilespmem:s29+$0x8300]  }
0x15e: {  	s30 =	sor.u32 $0xC60, s23;
	v5 =	vld [tilespmem:s22+$0x7E0]  }
0x15f: {  	v55 =	vld [tilespmem:s30+$0x300];
	_ =	sdelay $0x4  }
0x160: {  	v56 =	vmul.f32 v5, v3;
	v57 =	vmul.f32 v55, v54  }
0x161: {  	v4 =	vmul.f32 v5, v54;
	v3 =	vmul.f32 v55, v3  }
0x162: {  	v58 =	vsub.f32 v56, v57  }
0x163: {  	v3 =	vadd.f32 v3, v4  }
0x164: {  	[tilespmem:s21+$0x9760] =	vst v58  }
0x165: {  	[tilespmem:s29+$0x8300] =	vst v3  }
0x166: {  	s25 =	sor.u32 $0x1C70, s25;
	v3 =	vld [tilespmem:s21+$0x9770]  }
0x167: {  	v59 =	vld [tilespmem:s25+$0x8300]  }
0x168: {  	s31 =	sor.u32 $0xC70, s23;
	v5 =	vld [tilespmem:s22+$0x7F0]  }
0x169: {  	v60 =	vld [tilespmem:s31+$0x300];
	_ =	sdelay $0x4  }
0x16a: {  	p0 =	sne.s32 s20, $0xF00;
	v61 =	vmul.f32 v5, v3;
	v62 =	vmul.f32 v60, v59  }
.Ltmp0:
0x16b: {  	v4 =	vmul.f32 v5, v59;
	v3 =	vmul.f32 v60, v3;
	(pc) =	sbr.rel @p0 .LBB2_2-.Ltmp0, $4  }
0x16c: {  	v63 =	vsub.f32 v61, v62  }
0x16d: {  	v3 =	vadd.f32 v3, v4  }
0x16e: {  	s19 =	sadd.s32 $0x80, s19;
	s17 =	sadd.s32 $0x1, s17;
	[tilespmem:s21+$0x9770] =	vst v63  }
0x16f: {  	s20 =	sadd.s32 $0x100, s20;
	s16 =	sadd.s32 $0x1, s16;
	s18 =	sadd.s32 $0x400, s18;
	[tilespmem:s25+$0x8300] =	vst v3  }
0x170: {  	s16 =	simm.s32 $0x0;
	s1 =	rddreg [dreg:$0x6];
	s17 =	simm.s32 $0x0  }
0x171: {  	[hbm4b:s1+s16] =	stream.linear.scatter [tilespmem:s24], [sflag:$0x5], $0x4000, $0x38;
	[tilespmem:$0x10300] =	vst v63  }
.LBB2_4:
0x172: {  	s19 =	sshll.u32 s17, $0x1  }
0x173: {  	_ =	swait.ge [sflag:s13], $0x4000;
	s18 =	sadd.s32 $0x2, s19  }
0x174: {  	[sflag:s13] =	ssyncset.done $0x0;
	s20 =	sshll.u32 s18, $0x5  }
0x175: {  	[sflag:s13] =	ssyncadd.s32 $0xFFFFC000;
	s20 =	sand.u32 $0x3FFFFFC0, s20  }
0x176: {  	v3 =	vld [tilespmem:s20+$0x0];
	_ =	sdelay $0x4  }
0x177: {  	v4 =	vshll.u32 v3, $0x2  }
0x178: {  	v3 =	vand.u32 $0x7, v3;
	v4 =	vand.u32 $0xFFFFFFE0, v4  }
0x179: {  	v3 =	vor.u32 v3, v4  }
0x17a: {  	v4 =	vperm.xlane v3, v0;
	_ =	sdelay $0x1  }
0x17b: {  	v4 =	vadd.s32 v1, v4;
	_ =	sdelay $0x1  }
0x17c: {  	v3 =	vperm.xlane v3, v2;
	_ =	sdelay $0x1  }
0x17d: {  	s1 =	simm.s32 $0x300;
	v3 =	vadd.s32 v1, v3  }
0x17e: {  	[tilespmem:s1], [sflag:$0x1] =	stream.indirect_vreg.gather [hbm4b:s4+s16], $0x80, v4, vm0, $0xb8;
	[tilespmem:$0x10300] =	vst v63  }
0x17f: {  	s22 =	simm.s32 $0xB00  }
0x180: {  	[tilespmem:s22], [sflag:$0x1] =	stream.indirect_vreg.gather [hbm4b:s9+s16], $0x80, v4, vm0, $0xb8;
	[tilespmem:$0x10300] =	vst v63  }
0x181: {  	s23 =	simm.s32 $0x1300  }
0x182: {  	[tilespmem:s23], [sflag:$0x1] =	stream.indirect_vreg.gather [hbm4b:s4+s16], $0x80, v3, vm0, $0xb8;
	[tilespmem:$0x10300] =	vst v63  }
0x183: {  	s25 =	simm.s32 $0x1B00  }
0x184: {  	[tilespmem:s25], [sflag:$0x1] =	stream.indirect_vreg.gather [hbm4b:s9+s16], $0x80, v3, vm0, $0xb8;
	[tilespmem:$0x10300] =	vst v63  }
0x185: {  	v3 =	vld [tilespmem:s20+$0x10];
	_ =	sdelay $0x4  }
0x186: {  	v63 =	vshll.u32 v3, $0x2  }
0x187: {  	v3 =	vand.u32 $0x7, v3;
	v4 =	vand.u32 $0xFFFFFFE0, v63  }
0x188: {  	v3 =	vor.u32 v3, v4  }
0x189: {  	v4 =	vperm.xlane v3, v0;
	_ =	sdelay $0x1  }
0x18a: {  	v4 =	vadd.s32 v1, v4;
	_ =	sdelay $0x1  }
0x18b: {  	v3 =	vperm.xlane v3, v2;
	_ =	sdelay $0x1  }
0x18c: {  	s26 =	simm.s32 $0x2300;
	v3 =	vadd.s32 v1, v3  }
0x18d: {  	[tilespmem:s26], [sflag:$0x1] =	stream.indirect_vreg.gather [hbm4b:s4+s16], $0x80, v4, vm0, $0xb8;
	[tilespmem:$0x10300] =	vst v63  }
0x18e: {  	s28 =	simm.s32 $0x2B00;
	s18 =	sshll.u32 s18, $0xE  }
0x18f: {  	[tilespmem:s28], [sflag:$0x1] =	stream.indirect_vreg.gather [hbm4b:s9+s16], $0x80, v4, vm0, $0xb8;
	[tilespmem:$0x10300] =	vst v63  }
0x190: {  	s29 =	simm.s32 $0x3300;
	s18 =	sadd.s32 s5, s18  }
0x191: {  	[tilespmem:s29], [sflag:$0x1] =	stream.indirect_vreg.gather [hbm4b:s4+s16], $0x80, v3, vm0, $0xb8;
	[tilespmem:$0x10300] =	vst v63  }
0x192: {  	s30 =	simm.s32 $0x3B00;
	s18 =	sshrl.u32 s18, $0x3  }
0x193: {  	[tilespmem:s30], [sflag:$0x1] =	stream.indirect_vreg.gather [hbm4b:s9+s16], $0x80, v3, vm0, $0xb8;
	[tilespmem:$0x10300] =	vst v63  }
0x194: {  	s31 =	sadd.s32 s2, s18  }
0x195: {  	[tilespmem:s24], [sflag:$0x3] =	stream.linear.gather [hbm4b:s31+s16], $0x4000, $0x38;
	[tilespmem:$0x10300] =	vst v63  }
0x196: {  	_ =	swait.ge [sflag:s8], $0x4000  }
0x197: {  	[sflag:s8] =	ssyncset.done $0x0  }
0x198: {  	[sflag:s8] =	ssyncadd.s32 $0xFFFFC000  }
0x199: {  	s21 =	simm.s32 $0x0;
	_ =	swait.ge [sflag:s11], $0x4000  }
0x19a: {  	s22 =	simm.s32 $0x0;
	s23 =	simm.s32 $0x0;
	[sflag:s11] =	ssyncset.done $0x0  }
0x19b: {  	s25 =	simm.s32 $0x0;
	s20 =	simm.s32 $0x0;
	[sflag:s11] =	ssyncadd.s32 $0xFFFFC000  }
.LBB2_5:
0x19c: {  	s26 =	sand.u32 $0x2000, s22;
	s28 =	sand.u32 $0x380, s23  }
0x19d: {  	s26 =	sor.u32 s28, s26  }
0x19e: {  	s1 =	sand.u32 $0x3000, s22;
	s29 =	sand.u32 $0x300, s25;
	v3 =	vld [tilespmem:s26+$0xC300]  }
0x19f: {  	s28 =	sor.u32 s29, s1;
	v4 =	vld [tilespmem:s26+$0xCB00]  }
0x1a0: {  	v5 =	vld [tilespmem:s28+$0x4300]  }
0x1a1: {  	v6 =	vld [tilespmem:s28+$0x4B00];
	_ =	sdelay $0x4  }
0x1a2: {  	v7 =	vmul.f32 v5, v3;
	v8 =	vmul.f32 v6, v4  }
0x1a3: {  	v4 =	vmul.f32 v5, v4;
	v3 =	vmul.f32 v6, v3  }
0x1a4: {  	v12 =	vsub.f32 v7, v8  }
0x1a5: {  	v3 =	vadd.f32 v3, v4  }
0x1a6: {  	v13 =	vld [tilespmem:s26+$0xC310];
	[tilespmem:s26+$0xC300] =	vst v12  }
0x1a7: {  	[tilespmem:s26+$0xCB00] =	vst v3;
	v3 =	vld [tilespmem:s26+$0xCB10]  }
0x1a8: {  	v5 =	vld [tilespmem:s28+$0x4310]  }
0x1a9: {  	v14 =	vld [tilespmem:s28+$0x4B10];
	_ =	sdelay $0x4  }
0x1aa: {  	v15 =	vmul.f32 v5, v13;
	v16 =	vmul.f32 v14, v3  }
0x1ab: {  	v3 =	vmul.f32 v5, v3;
	v4 =	vmul.f32 v14, v13  }
0x1ac: {  	v17 =	vsub.f32 v15, v16  }
0x1ad: {  	v3 =	vadd.f32 v4, v3  }
0x1ae: {  	v18 =	vld [tilespmem:s26+$0xC320];
	[tilespmem:s26+$0xC310] =	vst v17  }
0x1af: {  	[tilespmem:s26+$0xCB10] =	vst v3;
	v3 =	vld [tilespmem:s26+$0xCB20]  }
0x1b0: {  	v5 =	vld [tilespmem:s28+$0x4320]  }
0x1b1: {  	v19 =	vld [tilespmem:s28+$0x4B20];
	_ =	sdelay $0x4  }
0x1b2: {  	v20 =	vmul.f32 v5, v18;
	v21 =	vmul.f32 v19, v3  }
0x1b3: {  	v3 =	vmul.f32 v5, v3;
	v4 =	vmul.f32 v19, v18  }
0x1b4: {  	v22 =	vsub.f32 v20, v21  }
0x1b5: {  	v3 =	vadd.f32 v4, v3  }
0x1b6: {  	v23 =	vld [tilespmem:s26+$0xC330];
	[tilespmem:s26+$0xC320] =	vst v22  }
0x1b7: {  	[tilespmem:s26+$0xCB20] =	vst v3;
	v3 =	vld [tilespmem:s26+$0xCB30]  }
0x1b8: {  	v5 =	vld [tilespmem:s28+$0x4330]  }
0x1b9: {  	v24 =	vld [tilespmem:s28+$0x4B30];
	_ =	sdelay $0x4  }
0x1ba: {  	v25 =	vmul.f32 v5, v23;
	v26 =	vmul.f32 v24, v3  }
0x1bb: {  	v3 =	vmul.f32 v5, v3;
	v4 =	vmul.f32 v24, v23  }
0x1bc: {  	v27 =	vsub.f32 v25, v26  }
0x1bd: {  	v3 =	vadd.f32 v4, v3  }
0x1be: {  	v28 =	vld [tilespmem:s26+$0xC340];
	[tilespmem:s26+$0xC330] =	vst v27  }
0x1bf: {  	[tilespmem:s26+$0xCB30] =	vst v3;
	v3 =	vld [tilespmem:s26+$0xCB40]  }
0x1c0: {  	v5 =	vld [tilespmem:s28+$0x4340]  }
0x1c1: {  	v29 =	vld [tilespmem:s28+$0x4B40];
	_ =	sdelay $0x4  }
0x1c2: {  	v30 =	vmul.f32 v5, v28;
	v31 =	vmul.f32 v29, v3  }
0x1c3: {  	v3 =	vmul.f32 v5, v3;
	v4 =	vmul.f32 v29, v28  }
0x1c4: {  	v32 =	vsub.f32 v30, v31  }
0x1c5: {  	v3 =	vadd.f32 v4, v3  }
0x1c6: {  	v33 =	vld [tilespmem:s26+$0xC350];
	[tilespmem:s26+$0xC340] =	vst v32  }
0x1c7: {  	[tilespmem:s26+$0xCB40] =	vst v3;
	v3 =	vld [tilespmem:s26+$0xCB50]  }
0x1c8: {  	v5 =	vld [tilespmem:s28+$0x4350]  }
0x1c9: {  	v34 =	vld [tilespmem:s28+$0x4B50];
	_ =	sdelay $0x4  }
0x1ca: {  	v35 =	vmul.f32 v5, v33;
	v36 =	vmul.f32 v34, v3  }
0x1cb: {  	v3 =	vmul.f32 v5, v3;
	v4 =	vmul.f32 v34, v33  }
0x1cc: {  	v37 =	vsub.f32 v35, v36  }
0x1cd: {  	v3 =	vadd.f32 v4, v3  }
0x1ce: {  	v38 =	vld [tilespmem:s26+$0xC360];
	[tilespmem:s26+$0xC350] =	vst v37  }
0x1cf: {  	[tilespmem:s26+$0xCB50] =	vst v3;
	v3 =	vld [tilespmem:s26+$0xCB60]  }
0x1d0: {  	v5 =	vld [tilespmem:s28+$0x4360]  }
0x1d1: {  	v39 =	vld [tilespmem:s28+$0x4B60];
	_ =	sdelay $0x4  }
0x1d2: {  	v40 =	vmul.f32 v5, v38;
	v41 =	vmul.f32 v39, v3  }
0x1d3: {  	v3 =	vmul.f32 v5, v3;
	v4 =	vmul.f32 v39, v38  }
0x1d4: {  	v42 =	vsub.f32 v40, v41  }
0x1d5: {  	v3 =	vadd.f32 v4, v3  }
0x1d6: {  	v43 =	vld [tilespmem:s26+$0xC370];
	[tilespmem:s26+$0xC360] =	vst v42  }
0x1d7: {  	[tilespmem:s26+$0xCB60] =	vst v3;
	v3 =	vld [tilespmem:s26+$0xCB70]  }
0x1d8: {  	v5 =	vld [tilespmem:s28+$0x4370]  }
0x1d9: {  	v44 =	vld [tilespmem:s28+$0x4B70];
	_ =	sdelay $0x4  }
0x1da: {  	v45 =	vmul.f32 v5, v43;
	v46 =	vmul.f32 v44, v3  }
0x1db: {  	v3 =	vmul.f32 v5, v3;
	v4 =	vmul.f32 v44, v43  }
0x1dc: {  	v47 =	vsub.f32 v45, v46  }
0x1dd: {  	s30 =	sand.u32 $0x3, s21;
	v3 =	vadd.f32 v4, v3  }
0x1de: {  	s29 =	sshll.u32 s30, $0x8;
	v48 =	vld [tilespmem:s26+$0xC700];
	[tilespmem:s26+$0xC370] =	vst v47  }
0x1df: {  	s29 =	sadd.s32 s29, s22;
	[tilespmem:s26+$0xCB70] =	vst v3;
	v3 =	vld [tilespmem:s26+$0xCF00]  }
0x1e0: {  	s30 =	sor.u32 $0xC00, s29;
	v5 =	vld [tilespmem:s28+$0x4700]  }
0x1e1: {  	v49 =	vld [tilespmem:s30+$0x4300];
	_ =	sdelay $0x4  }
0x1e2: {  	v50 =	vmul.f32 v5, v48;
	v51 =	vmul.f32 v49, v3  }
0x1e3: {  	v3 =	vmul.f32 v5, v3;
	v4 =	vmul.f32 v49, v48  }
0x1e4: {  	v52 =	vsub.f32 v50, v51  }
0x1e5: {  	v3 =	vadd.f32 v4, v3  }
0x1e6: {  	v53 =	vld [tilespmem:s26+$0xC710];
	[tilespmem:s26+$0xC700] =	vst v52  }
0x1e7: {  	[tilespmem:s26+$0xCF00] =	vst v3;
	v3 =	vld [tilespmem:s26+$0xCF10]  }
0x1e8: {  	s31 =	sor.u32 $0xC10, s29;
	v5 =	vld [tilespmem:s28+$0x4710]  }
0x1e9: {  	v54 =	vld [tilespmem:s31+$0x4300];
	_ =	sdelay $0x4  }
0x1ea: {  	v55 =	vmul.f32 v5, v53;
	v56 =	vmul.f32 v54, v3  }
0x1eb: {  	v3 =	vmul.f32 v5, v3;
	v4 =	vmul.f32 v54, v53  }
0x1ec: {  	v57 =	vsub.f32 v55, v56  }
0x1ed: {  	v3 =	vadd.f32 v4, v3  }
0x1ee: {  	v58 =	vld [tilespmem:s26+$0xC720];
	[tilespmem:s26+$0xC710] =	vst v57  }
0x1ef: {  	[tilespmem:s26+$0xCF10] =	vst v3;
	v3 =	vld [tilespmem:s26+$0xCF20]  }
0x1f0: {  	s1 =	sor.u32 $0xC20, s29;
	v5 =	vld [tilespmem:s28+$0x4720]  }
0x1f1: {  	v59 =	vld [tilespmem:s1+$0x4300];
	_ =	sdelay $0x4  }
0x1f2: {  	v60 =	vmul.f32 v5, v58;
	v61 =	vmul.f32 v59, v3  }
0x1f3: {  	v3 =	vmul.f32 v5, v3;
	v4 =	vmul.f32 v59, v58  }
0x1f4: {  	v62 =	vsub.f32 v60, v61  }
0x1f5: {  	v3 =	vadd.f32 v4, v3  }
0x1f6: {  	v63 =	vld [tilespmem:s26+$0xC730];
	[tilespmem:s26+$0xC720] =	vst v62  }
0x1f7: {  	[tilespmem:s26+$0xCF20] =	vst v3;
	v3 =	vld [tilespmem:s26+$0xCF30]  }
0x1f8: {  	s31 =	sor.u32 $0xC30, s29;
	v5 =	vld [tilespmem:s28+$0x4730]  }
0x1f9: {  	v12 =	vld [tilespmem:s31+$0x4300];
	_ =	sdelay $0x4  }
0x1fa: {  	v13 =	vmul.f32 v5, v63;
	v14 =	vmul.f32 v12, v3  }
0x1fb: {  	v3 =	vmul.f32 v5, v3;
	v4 =	vmul.f32 v12, v63  }
0x1fc: {  	v15 =	vsub.f32 v13, v14  }
0x1fd: {  	v3 =	vadd.f32 v4, v3  }
0x1fe: {  	v16 =	vld [tilespmem:s26+$0xC740];
	[tilespmem:s26+$0xC730] =	vst v15  }
0x1ff: {  	[tilespmem:s26+$0xCF30] =	vst v3;
	v3 =	vld [tilespmem:s26+$0xCF40]  }
0x200: {  	s1 =	sor.u32 $0xC40, s29;
	v5 =	vld [tilespmem:s28+$0x4740]  }
0x201: {  	v17 =	vld [tilespmem:s1+$0x4300];
	_ =	sdelay $0x4  }
0x202: {  	v18 =	vmul.f32 v5, v16;
	v19 =	vmul.f32 v17, v3  }
0x203: {  	v3 =	vmul.f32 v5, v3;
	v4 =	vmul.f32 v17, v16  }
0x204: {  	v20 =	vsub.f32 v18, v19  }
0x205: {  	v3 =	vadd.f32 v4, v3  }
0x206: {  	v21 =	vld [tilespmem:s26+$0xC750];
	[tilespmem:s26+$0xC740] =	vst v20  }
0x207: {  	[tilespmem:s26+$0xCF40] =	vst v3;
	v3 =	vld [tilespmem:s26+$0xCF50]  }
0x208: {  	s31 =	sor.u32 $0xC50, s29;
	v5 =	vld [tilespmem:s28+$0x4750]  }
0x209: {  	v22 =	vld [tilespmem:s31+$0x4300];
	_ =	sdelay $0x4  }
0x20a: {  	v23 =	vmul.f32 v5, v21;
	v24 =	vmul.f32 v22, v3  }
0x20b: {  	v3 =	vmul.f32 v5, v3;
	v4 =	vmul.f32 v22, v21  }
0x20c: {  	v25 =	vsub.f32 v23, v24  }
0x20d: {  	v3 =	vadd.f32 v4, v3  }
0x20e: {  	v26 =	vld [tilespmem:s26+$0xC760];
	[tilespmem:s26+$0xC750] =	vst v25  }
0x20f: {  	[tilespmem:s26+$0xCF50] =	vst v3;
	v3 =	vld [tilespmem:s26+$0xCF60]  }
0x210: {  	s1 =	sor.u32 $0xC60, s29;
	v5 =	vld [tilespmem:s28+$0x4760]  }
0x211: {  	v27 =	vld [tilespmem:s1+$0x4300];
	_ =	sdelay $0x4  }
0x212: {  	v28 =	vmul.f32 v5, v26;
	v29 =	vmul.f32 v27, v3  }
0x213: {  	v3 =	vmul.f32 v5, v3;
	v4 =	vmul.f32 v27, v26  }
0x214: {  	v30 =	vsub.f32 v28, v29  }
0x215: {  	v3 =	vadd.f32 v4, v3  }
0x216: {  	v31 =	vld [tilespmem:s26+$0xC770];
	[tilespmem:s26+$0xC760] =	vst v30  }
0x217: {  	[tilespmem:s26+$0xCF60] =	vst v3;
	v3 =	vld [tilespmem:s26+$0xCF70]  }
0x218: {  	s31 =	sor.u32 $0xC70, s29;
	v5 =	vld [tilespmem:s28+$0x4770]  }
0x219: {  	v32 =	vld [tilespmem:s31+$0x4300];
	_ =	sdelay $0x4  }
0x21a: {  	v33 =	vmul.f32 v5, v31;
	v34 =	vmul.f32 v32, v3  }
0x21b: {  	v3 =	vmul.f32 v5, v3;
	v4 =	vmul.f32 v32, v31  }
0x21c: {  	v35 =	vsub.f32 v33, v34  }
0x21d: {  	v3 =	vadd.f32 v4, v3  }
0x21e: {  	v36 =	vld [tilespmem:s26+$0xD300];
	[tilespmem:s26+$0xC770] =	vst v35  }
0x21f: {  	[tilespmem:s26+$0xCF70] =	vst v3;
	v3 =	vld [tilespmem:s26+$0xDB00]  }
0x220: {  	v5 =	vld [tilespmem:s28+$0x4380]  }
0x221: {  	v37 =	vld [tilespmem:s28+$0x4B80];
	_ =	sdelay $0x4  }
0x222: {  	v38 =	vmul.f32 v5, v36;
	v39 =	vmul.f32 v37, v3  }
0x223: {  	v3 =	vmul.f32 v5, v3;
	v4 =	vmul.f32 v37, v36  }
0x224: {  	v40 =	vsub.f32 v38, v39  }
0x225: {  	v3 =	vadd.f32 v4, v3  }
0x226: {  	v41 =	vld [tilespmem:s26+$0xD310];
	[tilespmem:s26+$0xD300] =	vst v40  }
0x227: {  	[tilespmem:s26+$0xDB00] =	vst v3;
	v3 =	vld [tilespmem:s26+$0xDB10]  }
0x228: {  	v5 =	vld [tilespmem:s28+$0x4390]  }
0x229: {  	v42 =	vld [tilespmem:s28+$0x4B90];
	_ =	sdelay $0x4  }
0x22a: {  	v43 =	vmul.f32 v5, v41;
	v44 =	vmul.f32 v42, v3  }
0x22b: {  	v3 =	vmul.f32 v5, v3;
	v4 =	vmul.f32 v42, v41  }
0x22c: {  	v45 =	vsub.f32 v43, v44  }
0x22d: {  	v3 =	vadd.f32 v4, v3  }
0x22e: {  	v46 =	vld [tilespmem:s26+$0xD320];
	[tilespmem:s26+$0xD310] =	vst v45  }
0x22f: {  	[tilespmem:s26+$0xDB10] =	vst v3;
	v3 =	vld [tilespmem:s26+$0xDB20]  }
0x230: {  	v5 =	vld [tilespmem:s28+$0x43A0]  }
0x231: {  	v47 =	vld [tilespmem:s28+$0x4BA0];
	_ =	sdelay $0x4  }
0x232: {  	v48 =	vmul.f32 v5, v46;
	v49 =	vmul.f32 v47, v3  }
0x233: {  	v3 =	vmul.f32 v5, v3;
	v4 =	vmul.f32 v47, v46  }
0x234: {  	v50 =	vsub.f32 v48, v49  }
0x235: {  	v3 =	vadd.f32 v4, v3  }
0x236: {  	v51 =	vld [tilespmem:s26+$0xD330];
	[tilespmem:s26+$0xD320] =	vst v50  }
0x237: {  	[tilespmem:s26+$0xDB20] =	vst v3;
	v3 =	vld [tilespmem:s26+$0xDB30]  }
0x238: {  	v5 =	vld [tilespmem:s28+$0x43B0]  }
0x239: {  	v52 =	vld [tilespmem:s28+$0x4BB0];
	_ =	sdelay $0x4  }
0x23a: {  	v53 =	vmul.f32 v5, v51;
	v54 =	vmul.f32 v52, v3  }
0x23b: {  	v3 =	vmul.f32 v5, v3;
	v4 =	vmul.f32 v52, v51  }
0x23c: {  	v55 =	vsub.f32 v53, v54  }
0x23d: {  	v3 =	vadd.f32 v4, v3  }
0x23e: {  	v56 =	vld [tilespmem:s26+$0xD340];
	[tilespmem:s26+$0xD330] =	vst v55  }
0x23f: {  	[tilespmem:s26+$0xDB30] =	vst v3;
	v3 =	vld [tilespmem:s26+$0xDB40]  }
0x240: {  	v5 =	vld [tilespmem:s28+$0x43C0]  }
0x241: {  	v57 =	vld [tilespmem:s28+$0x4BC0];
	_ =	sdelay $0x4  }
0x242: {  	v58 =	vmul.f32 v5, v56;
	v59 =	vmul.f32 v57, v3  }
0x243: {  	v3 =	vmul.f32 v5, v3;
	v4 =	vmul.f32 v57, v56  }
0x244: {  	v60 =	vsub.f32 v58, v59  }
0x245: {  	v3 =	vadd.f32 v4, v3  }
0x246: {  	v61 =	vld [tilespmem:s26+$0xD350];
	[tilespmem:s26+$0xD340] =	vst v60  }
0x247: {  	[tilespmem:s26+$0xDB40] =	vst v3;
	v3 =	vld [tilespmem:s26+$0xDB50]  }
0x248: {  	v5 =	vld [tilespmem:s28+$0x43D0]  }
0x249: {  	v62 =	vld [tilespmem:s28+$0x4BD0];
	_ =	sdelay $0x4  }
0x24a: {  	v63 =	vmul.f32 v5, v61;
	v12 =	vmul.f32 v62, v3  }
0x24b: {  	v3 =	vmul.f32 v5, v3;
	v4 =	vmul.f32 v62, v61  }
0x24c: {  	v13 =	vsub.f32 v63, v12  }
0x24d: {  	v3 =	vadd.f32 v4, v3  }
0x24e: {  	v14 =	vld [tilespmem:s26+$0xD360];
	[tilespmem:s26+$0xD350] =	vst v13  }
0x24f: {  	[tilespmem:s26+$0xDB50] =	vst v3;
	v3 =	vld [tilespmem:s26+$0xDB60]  }
0x250: {  	v5 =	vld [tilespmem:s28+$0x43E0]  }
0x251: {  	v15 =	vld [tilespmem:s28+$0x4BE0];
	_ =	sdelay $0x4  }
0x252: {  	v16 =	vmul.f32 v5, v14;
	v17 =	vmul.f32 v15, v3  }
0x253: {  	v3 =	vmul.f32 v5, v3;
	v4 =	vmul.f32 v15, v14  }
0x254: {  	v18 =	vsub.f32 v16, v17  }
0x255: {  	v3 =	vadd.f32 v4, v3  }
0x256: {  	v19 =	vld [tilespmem:s26+$0xD370];
	[tilespmem:s26+$0xD360] =	vst v18  }
0x257: {  	[tilespmem:s26+$0xDB60] =	vst v3;
	v3 =	vld [tilespmem:s26+$0xDB70]  }
0x258: {  	v5 =	vld [tilespmem:s28+$0x43F0]  }
0x259: {  	v20 =	vld [tilespmem:s28+$0x4BF0];
	_ =	sdelay $0x4  }
0x25a: {  	v21 =	vmul.f32 v5, v19;
	v22 =	vmul.f32 v20, v3  }
0x25b: {  	v3 =	vmul.f32 v5, v3;
	v4 =	vmul.f32 v20, v19  }
0x25c: {  	s1 =	sand.u32 $0x7, s20;
	v23 =	vsub.f32 v21, v22  }
0x25d: {  	s30 =	sshll.u32 s1, $0x7;
	v3 =	vadd.f32 v4, v3  }
0x25e: {  	s30 =	sadd.s32 s30, s22;
	[tilespmem:s26+$0xD370] =	vst v23  }
0x25f: {  	s31 =	sor.u32 $0x1C00, s30;
	[tilespmem:s26+$0xDB70] =	vst v3;
	v3 =	vld [tilespmem:s26+$0xD700]  }
0x260: {  	s29 =	sadd.s32 $0x80, s29;
	v24 =	vld [tilespmem:s31+$0xC300]  }
0x261: {  	s1 =	sor.u32 $0xC00, s29;
	v5 =	vld [tilespmem:s28+$0x4780]  }
0x262: {  	v25 =	vld [tilespmem:s1+$0x4300];
	_ =	sdelay $0x4  }
0x263: {  	v26 =	vmul.f32 v5, v3;
	v27 =	vmul.f32 v25, v24  }
0x264: {  	v4 =	vmul.f32 v5, v24;
	v3 =	vmul.f32 v25, v3  }
0x265: {  	v28 =	vsub.f32 v26, v27  }
0x266: {  	v3 =	vadd.f32 v3, v4  }
0x267: {  	[tilespmem:s26+$0xD700] =	vst v28  }
0x268: {  	[tilespmem:s31+$0xC300] =	vst v3  }
0x269: {  	s1 =	sor.u32 $0x1C10, s30;
	v3 =	vld [tilespmem:s26+$0xD710]  }
0x26a: {  	v29 =	vld [tilespmem:s1+$0xC300]  }
0x26b: {  	s31 =	sor.u32 $0xC10, s29;
	v5 =	vld [tilespmem:s28+$0x4790]  }
0x26c: {  	v30 =	vld [tilespmem:s31+$0x4300];
	_ =	sdelay $0x4  }
0x26d: {  	v31 =	vmul.f32 v5, v3;
	v32 =	vmul.f32 v30, v29  }
0x26e: {  	v4 =	vmul.f32 v5, v29;
	v3 =	vmul.f32 v30, v3  }
0x26f: {  	v33 =	vsub.f32 v31, v32  }
0x270: {  	v3 =	vadd.f32 v3, v4  }
0x271: {  	[tilespmem:s26+$0xD710] =	vst v33  }
0x272: {  	[tilespmem:s1+$0xC300] =	vst v3  }
0x273: {  	s1 =	sor.u32 $0x1C20, s30;
	v3 =	vld [tilespmem:s26+$0xD720]  }
0x274: {  	v34 =	vld [tilespmem:s1+$0xC300]  }
0x275: {  	s31 =	sor.u32 $0xC20, s29;
	v5 =	vld [tilespmem:s28+$0x47A0]  }
0x276: {  	v35 =	vld [tilespmem:s31+$0x4300];
	_ =	sdelay $0x4  }
0x277: {  	v36 =	vmul.f32 v5, v3;
	v37 =	vmul.f32 v35, v34  }
0x278: {  	v4 =	vmul.f32 v5, v34;
	v3 =	vmul.f32 v35, v3  }
0x279: {  	v38 =	vsub.f32 v36, v37  }
0x27a: {  	v3 =	vadd.f32 v3, v4  }
0x27b: {  	[tilespmem:s26+$0xD720] =	vst v38  }
0x27c: {  	[tilespmem:s1+$0xC300] =	vst v3  }
0x27d: {  	s1 =	sor.u32 $0x1C30, s30;
	v3 =	vld [tilespmem:s26+$0xD730]  }
0x27e: {  	v39 =	vld [tilespmem:s1+$0xC300]  }
0x27f: {  	s31 =	sor.u32 $0xC30, s29;
	v5 =	vld [tilespmem:s28+$0x47B0]  }
0x280: {  	v40 =	vld [tilespmem:s31+$0x4300];
	_ =	sdelay $0x4  }
0x281: {  	v41 =	vmul.f32 v5, v3;
	v42 =	vmul.f32 v40, v39  }
0x282: {  	v4 =	vmul.f32 v5, v39;
	v3 =	vmul.f32 v40, v3  }
0x283: {  	v43 =	vsub.f32 v41, v42  }
0x284: {  	v3 =	vadd.f32 v3, v4  }
0x285: {  	[tilespmem:s26+$0xD730] =	vst v43  }
0x286: {  	[tilespmem:s1+$0xC300] =	vst v3  }
0x287: {  	s1 =	sor.u32 $0x1C40, s30;
	v3 =	vld [tilespmem:s26+$0xD740]  }
0x288: {  	v44 =	vld [tilespmem:s1+$0xC300]  }
0x289: {  	s31 =	sor.u32 $0xC40, s29;
	v5 =	vld [tilespmem:s28+$0x47C0]  }
0x28a: {  	v45 =	vld [tilespmem:s31+$0x4300];
	_ =	sdelay $0x4  }
0x28b: {  	v46 =	vmul.f32 v5, v3;
	v47 =	vmul.f32 v45, v44  }
0x28c: {  	v4 =	vmul.f32 v5, v44;
	v3 =	vmul.f32 v45, v3  }
0x28d: {  	v48 =	vsub.f32 v46, v47  }
0x28e: {  	v3 =	vadd.f32 v3, v4  }
0x28f: {  	[tilespmem:s26+$0xD740] =	vst v48  }
0x290: {  	[tilespmem:s1+$0xC300] =	vst v3  }
0x291: {  	s1 =	sor.u32 $0x1C50, s30;
	v3 =	vld [tilespmem:s26+$0xD750]  }
0x292: {  	v49 =	vld [tilespmem:s1+$0xC300]  }
0x293: {  	s31 =	sor.u32 $0xC50, s29;
	v5 =	vld [tilespmem:s28+$0x47D0]  }
0x294: {  	v50 =	vld [tilespmem:s31+$0x4300];
	_ =	sdelay $0x4  }
0x295: {  	v51 =	vmul.f32 v5, v3;
	v52 =	vmul.f32 v50, v49  }
0x296: {  	v4 =	vmul.f32 v5, v49;
	v3 =	vmul.f32 v50, v3  }
0x297: {  	v53 =	vsub.f32 v51, v52  }
0x298: {  	v3 =	vadd.f32 v3, v4  }
0x299: {  	[tilespmem:s26+$0xD750] =	vst v53  }
0x29a: {  	[tilespmem:s1+$0xC300] =	vst v3  }
0x29b: {  	s1 =	sor.u32 $0x1C60, s30;
	v3 =	vld [tilespmem:s26+$0xD760]  }
0x29c: {  	v54 =	vld [tilespmem:s1+$0xC300]  }
0x29d: {  	s31 =	sor.u32 $0xC60, s29;
	v5 =	vld [tilespmem:s28+$0x47E0]  }
0x29e: {  	v55 =	vld [tilespmem:s31+$0x4300];
	_ =	sdelay $0x4  }
0x29f: {  	v56 =	vmul.f32 v5, v3;
	v57 =	vmul.f32 v55, v54  }
0x2a0: {  	v4 =	vmul.f32 v5, v54;
	v3 =	vmul.f32 v55, v3  }
0x2a1: {  	v58 =	vsub.f32 v56, v57  }
0x2a2: {  	v3 =	vadd.f32 v3, v4  }
0x2a3: {  	[tilespmem:s26+$0xD760] =	vst v58  }
0x2a4: {  	[tilespmem:s1+$0xC300] =	vst v3  }
0x2a5: {  	s30 =	sor.u32 $0x1C70, s30;
	v3 =	vld [tilespmem:s26+$0xD770]  }
0x2a6: {  	v59 =	vld [tilespmem:s30+$0xC300]  }
0x2a7: {  	s31 =	sor.u32 $0xC70, s29;
	v5 =	vld [tilespmem:s28+$0x47F0]  }
0x2a8: {  	v60 =	vld [tilespmem:s31+$0x4300];
	_ =	sdelay $0x4  }
0x2a9: {  	p0 =	sne.s32 s25, $0xF00;
	v61 =	vmul.f32 v5, v3;
	v62 =	vmul.f32 v60, v59  }
.Ltmp1:
0x2aa: {  	v4 =	vmul.f32 v5, v59;
	v3 =	vmul.f32 v60, v3;
	(pc) =	sbr.rel @p0 .LBB2_5-.Ltmp1, $4  }
0x2ab: {  	v63 =	vsub.f32 v61, v62  }
0x2ac: {  	v3 =	vadd.f32 v3, v4  }
0x2ad: {  	s23 =	sadd.s32 $0x80, s23;
	s21 =	sadd.s32 $0x1, s21;
	[tilespmem:s26+$0xD770] =	vst v63  }
0x2ae: {  	s25 =	sadd.s32 $0x100, s25;
	s20 =	sadd.s32 $0x1, s20;
	s22 =	sadd.s32 $0x400, s22;
	[tilespmem:s30+$0xC300] =	vst v3  }
0x2af: {  	s1 =	sshll.u32 s17, $0xC  }
0x2b0: {  	s20 =	simm.s32 $0x0;
	s1 =	sadd.s32 s14, s1  }
0x2b1: {  	[hbm4b:s1+s20] =	stream.linear.scatter [tilespmem:s7], [sflag:$0x6], $0x4000, $0x38;
	[tilespmem:$0x10300] =	vst v63  }
0x2b2: {  	s23 =	sadd.s32 $0x3, s19;
	_ =	swait.ge [sflag:s15], $0x4000  }
0x2b3: {  	s19 =	sshll.u32 s23, $0x5;
	[sflag:s15] =	ssyncset.done $0x0  }
0x2b4: {  	s19 =	sand.u32 $0x3FFFFFE0, s19;
	[sflag:s15] =	ssyncadd.s32 $0xFFFFC000  }
0x2b5: {  	v3 =	vld [tilespmem:s19+$0x0];
	_ =	sdelay $0x4  }
0x2b6: {  	v4 =	vshll.u32 v3, $0x2  }
0x2b7: {  	v3 =	vand.u32 $0x7, v3;
	v4 =	vand.u32 $0xFFFFFFE0, v4  }
0x2b8: {  	v3 =	vor.u32 v3, v4  }
0x2b9: {  	v4 =	vperm.xlane v3, v0;
	_ =	sdelay $0x1  }
0x2ba: {  	v4 =	vadd.s32 v1, v4;
	_ =	sdelay $0x1  }
0x2bb: {  	v3 =	vperm.xlane v3, v2;
	_ =	sdelay $0x1  }
0x2bc: {  	s21 =	simm.s32 $0x4300;
	v3 =	vadd.s32 v1, v3  }
0x2bd: {  	[tilespmem:s21], [sflag:$0x2] =	stream.indirect_vreg.gather [hbm4b:s4+s20], $0x80, v4, vm0, $0xb8;
	[tilespmem:$0x10300] =	vst v63  }
0x2be: {  	s25 =	simm.s32 $0x4B00  }
0x2bf: {  	[tilespmem:s25], [sflag:$0x2] =	stream.indirect_vreg.gather [hbm4b:s9+s20], $0x80, v4, vm0, $0xb8;
	[tilespmem:$0x10300] =	vst v63  }
0x2c0: {  	s26 =	simm.s32 $0x5300  }
0x2c1: {  	[tilespmem:s26], [sflag:$0x2] =	stream.indirect_vreg.gather [hbm4b:s4+s20], $0x80, v3, vm0, $0xb8;
	[tilespmem:$0x10300] =	vst v63  }
0x2c2: {  	s28 =	simm.s32 $0x5B00  }
0x2c3: {  	[tilespmem:s28], [sflag:$0x2] =	stream.indirect_vreg.gather [hbm4b:s9+s20], $0x80, v3, vm0, $0xb8;
	[tilespmem:$0x10300] =	vst v63  }
0x2c4: {  	v3 =	vld [tilespmem:s19+$0x10];
	_ =	sdelay $0x4  }
0x2c5: {  	v63 =	vshll.u32 v3, $0x2  }
0x2c6: {  	v3 =	vand.u32 $0x7, v3;
	v4 =	vand.u32 $0xFFFFFFE0, v63  }
0x2c7: {  	v3 =	vor.u32 v3, v4  }
0x2c8: {  	v4 =	vperm.xlane v3, v0;
	_ =	sdelay $0x1  }
0x2c9: {  	v4 =	vadd.s32 v1, v4;
	_ =	sdelay $0x1  }
0x2ca: {  	v3 =	vperm.xlane v3, v2;
	_ =	sdelay $0x1  }
0x2cb: {  	s29 =	simm.s32 $0x6300;
	v3 =	vadd.s32 v1, v3  }
0x2cc: {  	[tilespmem:s29], [sflag:$0x2] =	stream.indirect_vreg.gather [hbm4b:s4+s20], $0x80, v4, vm0, $0xb8;
	[tilespmem:$0x10300] =	vst v63  }
0x2cd: {  	s30 =	simm.s32 $0x6B00;
	s1 =	sshll.u32 s23, $0xE  }
0x2ce: {  	[tilespmem:s30], [sflag:$0x2] =	stream.indirect_vreg.gather [hbm4b:s9+s20], $0x80, v4, vm0, $0xb8;
	[tilespmem:$0x10300] =	vst v63  }
0x2cf: {  	s31 =	simm.s32 $0x7300;
	s1 =	sadd.s32 s5, s1  }
0x2d0: {  	[tilespmem:s31], [sflag:$0x2] =	stream.indirect_vreg.gather [hbm4b:s4+s20], $0x80, v3, vm0, $0xb8;
	[tilespmem:$0x10300] =	vst v63  }
0x2d1: {  	s1 =	sshrl.u32 s1, $0x3  }
0x2d2: {  	[tilespmem:s0], [sflag:$0x2] =	stream.indirect_vreg.gather [hbm4b:s9+s20], $0x80, v3, vm0, $0xb8;
	[tilespmem:$0x10300] =	vst v63  }
0x2d3: {  	s1 =	sadd.s32 s2, s1  }
0x2d4: {  	[tilespmem:s7], [sflag:$0x4] =	stream.linear.gather [hbm4b:s1+s20], $0x4000, $0x38;
	[tilespmem:$0x10300] =	vst v63  }
0x2d5: {  	_ =	swait.ge [sflag:s10], $0x4000  }
0x2d6: {  	[sflag:s10] =	ssyncset.done $0x0  }
0x2d7: {  	[sflag:s10] =	ssyncadd.s32 $0xFFFFC000  }
0x2d8: {  	_ =	swait.ge [sflag:s12], $0x4000  }
0x2d9: {  	s22 =	simm.s32 $0x0;
	s23 =	simm.s32 $0x0;
	[sflag:s12] =	ssyncset.done $0x0  }
0x2da: {  	s21 =	simm.s32 $0x0;
	s19 =	simm.s32 $0x0;
	[sflag:s12] =	ssyncadd.s32 $0xFFFFC000  }
.LBB2_7:
0x2db: {  	s1 =	sand.u32 $0x2000, s21;
	s25 =	sand.u32 $0x380, s22  }
0x2dc: {  	s25 =	sor.u32 s25, s1  }
0x2dd: {  	s31 =	sand.u32 $0x3000, s21;
	s26 =	sand.u32 $0x300, s23;
	v3 =	vld [tilespmem:s25+$0x8300]  }
0x2de: {  	s26 =	sor.u32 s26, s31;
	v4 =	vld [tilespmem:s25+$0x8B00]  }
0x2df: {  	v5 =	vld [tilespmem:s26+$0x300]  }
0x2e0: {  	v6 =	vld [tilespmem:s26+$0xB00];
	_ =	sdelay $0x4  }
0x2e1: {  	v7 =	vmul.f32 v5, v3;
	v8 =	vmul.f32 v6, v4  }
0x2e2: {  	v4 =	vmul.f32 v5, v4;
	v3 =	vmul.f32 v6, v3  }
0x2e3: {  	v12 =	vsub.f32 v7, v8  }
0x2e4: {  	v3 =	vadd.f32 v3, v4  }
0x2e5: {  	v13 =	vld [tilespmem:s25+$0x8310];
	[tilespmem:s25+$0x8300] =	vst v12  }
0x2e6: {  	[tilespmem:s25+$0x8B00] =	vst v3;
	v3 =	vld [tilespmem:s25+$0x8B10]  }
0x2e7: {  	v5 =	vld [tilespmem:s26+$0x310]  }
0x2e8: {  	v14 =	vld [tilespmem:s26+$0xB10];
	_ =	sdelay $0x4  }
0x2e9: {  	v15 =	vmul.f32 v5, v13;
	v16 =	vmul.f32 v14, v3  }
0x2ea: {  	v3 =	vmul.f32 v5, v3;
	v4 =	vmul.f32 v14, v13  }
0x2eb: {  	v17 =	vsub.f32 v15, v16  }
0x2ec: {  	v3 =	vadd.f32 v4, v3  }
0x2ed: {  	v18 =	vld [tilespmem:s25+$0x8320];
	[tilespmem:s25+$0x8310] =	vst v17  }
0x2ee: {  	[tilespmem:s25+$0x8B10] =	vst v3;
	v3 =	vld [tilespmem:s25+$0x8B20]  }
0x2ef: {  	v5 =	vld [tilespmem:s26+$0x320]  }
0x2f0: {  	v19 =	vld [tilespmem:s26+$0xB20];
	_ =	sdelay $0x4  }
0x2f1: {  	v20 =	vmul.f32 v5, v18;
	v21 =	vmul.f32 v19, v3  }
0x2f2: {  	v3 =	vmul.f32 v5, v3;
	v4 =	vmul.f32 v19, v18  }
0x2f3: {  	v22 =	vsub.f32 v20, v21  }
0x2f4: {  	v3 =	vadd.f32 v4, v3  }
0x2f5: {  	v23 =	vld [tilespmem:s25+$0x8330];
	[tilespmem:s25+$0x8320] =	vst v22  }
0x2f6: {  	[tilespmem:s25+$0x8B20] =	vst v3;
	v3 =	vld [tilespmem:s25+$0x8B30]  }
0x2f7: {  	v5 =	vld [tilespmem:s26+$0x330]  }
0x2f8: {  	v24 =	vld [tilespmem:s26+$0xB30];
	_ =	sdelay $0x4  }
0x2f9: {  	v25 =	vmul.f32 v5, v23;
	v26 =	vmul.f32 v24, v3  }
0x2fa: {  	v3 =	vmul.f32 v5, v3;
	v4 =	vmul.f32 v24, v23  }
0x2fb: {  	v27 =	vsub.f32 v25, v26  }
0x2fc: {  	v3 =	vadd.f32 v4, v3  }
0x2fd: {  	v28 =	vld [tilespmem:s25+$0x8340];
	[tilespmem:s25+$0x8330] =	vst v27  }
0x2fe: {  	[tilespmem:s25+$0x8B30] =	vst v3;
	v3 =	vld [tilespmem:s25+$0x8B40]  }
0x2ff: {  	v5 =	vld [tilespmem:s26+$0x340]  }
0x300: {  	v29 =	vld [tilespmem:s26+$0xB40];
	_ =	sdelay $0x4  }
0x301: {  	v30 =	vmul.f32 v5, v28;
	v31 =	vmul.f32 v29, v3  }
0x302: {  	v3 =	vmul.f32 v5, v3;
	v4 =	vmul.f32 v29, v28  }
0x303: {  	v32 =	vsub.f32 v30, v31  }
0x304: {  	v3 =	vadd.f32 v4, v3  }
0x305: {  	v33 =	vld [tilespmem:s25+$0x8350];
	[tilespmem:s25+$0x8340] =	vst v32  }
0x306: {  	[tilespmem:s25+$0x8B40] =	vst v3;
	v3 =	vld [tilespmem:s25+$0x8B50]  }
0x307: {  	v5 =	vld [tilespmem:s26+$0x350]  }
0x308: {  	v34 =	vld [tilespmem:s26+$0xB50];
	_ =	sdelay $0x4  }
0x309: {  	v35 =	vmul.f32 v5, v33;
	v36 =	vmul.f32 v34, v3  }
0x30a: {  	v3 =	vmul.f32 v5, v3;
	v4 =	vmul.f32 v34, v33  }
0x30b: {  	v37 =	vsub.f32 v35, v36  }
0x30c: {  	v3 =	vadd.f32 v4, v3  }
0x30d: {  	v38 =	vld [tilespmem:s25+$0x8360];
	[tilespmem:s25+$0x8350] =	vst v37  }
0x30e: {  	[tilespmem:s25+$0x8B50] =	vst v3;
	v3 =	vld [tilespmem:s25+$0x8B60]  }
0x30f: {  	v5 =	vld [tilespmem:s26+$0x360]  }
0x310: {  	v39 =	vld [tilespmem:s26+$0xB60];
	_ =	sdelay $0x4  }
0x311: {  	v40 =	vmul.f32 v5, v38;
	v41 =	vmul.f32 v39, v3  }
0x312: {  	v3 =	vmul.f32 v5, v3;
	v4 =	vmul.f32 v39, v38  }
0x313: {  	v42 =	vsub.f32 v40, v41  }
0x314: {  	v3 =	vadd.f32 v4, v3  }
0x315: {  	v43 =	vld [tilespmem:s25+$0x8370];
	[tilespmem:s25+$0x8360] =	vst v42  }
0x316: {  	[tilespmem:s25+$0x8B60] =	vst v3;
	v3 =	vld [tilespmem:s25+$0x8B70]  }
0x317: {  	v5 =	vld [tilespmem:s26+$0x370]  }
0x318: {  	v44 =	vld [tilespmem:s26+$0xB70];
	_ =	sdelay $0x4  }
0x319: {  	v45 =	vmul.f32 v5, v43;
	v46 =	vmul.f32 v44, v3  }
0x31a: {  	v3 =	vmul.f32 v5, v3;
	v4 =	vmul.f32 v44, v43  }
0x31b: {  	v47 =	vsub.f32 v45, v46  }
0x31c: {  	s28 =	sand.u32 $0x3, s19;
	v3 =	vadd.f32 v4, v3  }
0x31d: {  	s1 =	sshll.u32 s28, $0x8;
	v48 =	vld [tilespmem:s25+$0x8700];
	[tilespmem:s25+$0x8370] =	vst v47  }
0x31e: {  	s28 =	sadd.s32 s1, s21;
	[tilespmem:s25+$0x8B70] =	vst v3;
	v3 =	vld [tilespmem:s25+$0x8F00]  }
0x31f: {  	s1 =	sor.u32 $0xC00, s28;
	v5 =	vld [tilespmem:s26+$0x700]  }
0x320: {  	v49 =	vld [tilespmem:s1+$0x300];
	_ =	sdelay $0x4  }
0x321: {  	v50 =	vmul.f32 v5, v48;
	v51 =	vmul.f32 v49, v3  }
0x322: {  	v3 =	vmul.f32 v5, v3;
	v4 =	vmul.f32 v49, v48  }
0x323: {  	v52 =	vsub.f32 v50, v51  }
0x324: {  	v3 =	vadd.f32 v4, v3  }
0x325: {  	v53 =	vld [tilespmem:s25+$0x8710];
	[tilespmem:s25+$0x8700] =	vst v52  }
0x326: {  	[tilespmem:s25+$0x8F00] =	vst v3;
	v3 =	vld [tilespmem:s25+$0x8F10]  }
0x327: {  	s29 =	sor.u32 $0xC10, s28;
	v5 =	vld [tilespmem:s26+$0x710]  }
0x328: {  	v54 =	vld [tilespmem:s29+$0x300];
	_ =	sdelay $0x4  }
0x329: {  	v55 =	vmul.f32 v5, v53;
	v56 =	vmul.f32 v54, v3  }
0x32a: {  	v3 =	vmul.f32 v5, v3;
	v4 =	vmul.f32 v54, v53  }
0x32b: {  	v57 =	vsub.f32 v55, v56  }
0x32c: {  	v3 =	vadd.f32 v4, v3  }
0x32d: {  	v58 =	vld [tilespmem:s25+$0x8720];
	[tilespmem:s25+$0x8710] =	vst v57  }
0x32e: {  	[tilespmem:s25+$0x8F10] =	vst v3;
	v3 =	vld [tilespmem:s25+$0x8F20]  }
0x32f: {  	s30 =	sor.u32 $0xC20, s28;
	v5 =	vld [tilespmem:s26+$0x720]  }
0x330: {  	v59 =	vld [tilespmem:s30+$0x300];
	_ =	sdelay $0x4  }
0x331: {  	v60 =	vmul.f32 v5, v58;
	v61 =	vmul.f32 v59, v3  }
0x332: {  	v3 =	vmul.f32 v5, v3;
	v4 =	vmul.f32 v59, v58  }
0x333: {  	v62 =	vsub.f32 v60, v61  }
0x334: {  	v3 =	vadd.f32 v4, v3  }
0x335: {  	v63 =	vld [tilespmem:s25+$0x8730];
	[tilespmem:s25+$0x8720] =	vst v62  }
0x336: {  	[tilespmem:s25+$0x8F20] =	vst v3;
	v3 =	vld [tilespmem:s25+$0x8F30]  }
0x337: {  	s31 =	sor.u32 $0xC30, s28;
	v5 =	vld [tilespmem:s26+$0x730]  }
0x338: {  	v12 =	vld [tilespmem:s31+$0x300];
	_ =	sdelay $0x4  }
0x339: {  	v13 =	vmul.f32 v5, v63;
	v14 =	vmul.f32 v12, v3  }
0x33a: {  	v3 =	vmul.f32 v5, v3;
	v4 =	vmul.f32 v12, v63  }
0x33b: {  	v15 =	vsub.f32 v13, v14  }
0x33c: {  	v3 =	vadd.f32 v4, v3  }
0x33d: {  	v16 =	vld [tilespmem:s25+$0x8740];
	[tilespmem:s25+$0x8730] =	vst v15  }
0x33e: {  	[tilespmem:s25+$0x8F30] =	vst v3;
	v3 =	vld [tilespmem:s25+$0x8F40]  }
0x33f: {  	s29 =	sor.u32 $0xC40, s28;
	v5 =	vld [tilespmem:s26+$0x740]  }
0x340: {  	v17 =	vld [tilespmem:s29+$0x300];
	_ =	sdelay $0x4  }
0x341: {  	v18 =	vmul.f32 v5, v16;
	v19 =	vmul.f32 v17, v3  }
0x342: {  	v3 =	vmul.f32 v5, v3;
	v4 =	vmul.f32 v17, v16  }
0x343: {  	v20 =	vsub.f32 v18, v19  }
0x344: {  	v3 =	vadd.f32 v4, v3  }
0x345: {  	v21 =	vld [tilespmem:s25+$0x8750];
	[tilespmem:s25+$0x8740] =	vst v20  }
0x346: {  	[tilespmem:s25+$0x8F40] =	vst v3;
	v3 =	vld [tilespmem:s25+$0x8F50]  }
0x347: {  	s30 =	sor.u32 $0xC50, s28;
	v5 =	vld [tilespmem:s26+$0x750]  }
0x348: {  	v22 =	vld [tilespmem:s30+$0x300];
	_ =	sdelay $0x4  }
0x349: {  	v23 =	vmul.f32 v5, v21;
	v24 =	vmul.f32 v22, v3  }
0x34a: {  	v3 =	vmul.f32 v5, v3;
	v4 =	vmul.f32 v22, v21  }
0x34b: {  	v25 =	vsub.f32 v23, v24  }
0x34c: {  	v3 =	vadd.f32 v4, v3  }
0x34d: {  	v26 =	vld [tilespmem:s25+$0x8760];
	[tilespmem:s25+$0x8750] =	vst v25  }
0x34e: {  	[tilespmem:s25+$0x8F50] =	vst v3;
	v3 =	vld [tilespmem:s25+$0x8F60]  }
0x34f: {  	s31 =	sor.u32 $0xC60, s28;
	v5 =	vld [tilespmem:s26+$0x760]  }
0x350: {  	v27 =	vld [tilespmem:s31+$0x300];
	_ =	sdelay $0x4  }
0x351: {  	v28 =	vmul.f32 v5, v26;
	v29 =	vmul.f32 v27, v3  }
0x352: {  	v3 =	vmul.f32 v5, v3;
	v4 =	vmul.f32 v27, v26  }
0x353: {  	v30 =	vsub.f32 v28, v29  }
0x354: {  	v3 =	vadd.f32 v4, v3  }
0x355: {  	v31 =	vld [tilespmem:s25+$0x8770];
	[tilespmem:s25+$0x8760] =	vst v30  }
0x356: {  	[tilespmem:s25+$0x8F60] =	vst v3;
	v3 =	vld [tilespmem:s25+$0x8F70]  }
0x357: {  	s29 =	sor.u32 $0xC70, s28;
	v5 =	vld [tilespmem:s26+$0x770]  }
0x358: {  	v32 =	vld [tilespmem:s29+$0x300];
	_ =	sdelay $0x4  }
0x359: {  	v33 =	vmul.f32 v5, v31;
	v34 =	vmul.f32 v32, v3  }
0x35a: {  	v3 =	vmul.f32 v5, v3;
	v4 =	vmul.f32 v32, v31  }
0x35b: {  	v35 =	vsub.f32 v33, v34  }
0x35c: {  	v3 =	vadd.f32 v4, v3  }
0x35d: {  	v36 =	vld [tilespmem:s25+$0x9300];
	[tilespmem:s25+$0x8770] =	vst v35  }
0x35e: {  	[tilespmem:s25+$0x8F70] =	vst v3;
	v3 =	vld [tilespmem:s25+$0x9B00]  }
0x35f: {  	v5 =	vld [tilespmem:s26+$0x380]  }
0x360: {  	v37 =	vld [tilespmem:s26+$0xB80];
	_ =	sdelay $0x4  }
0x361: {  	v38 =	vmul.f32 v5, v36;
	v39 =	vmul.f32 v37, v3  }
0x362: {  	v3 =	vmul.f32 v5, v3;
	v4 =	vmul.f32 v37, v36  }
0x363: {  	v40 =	vsub.f32 v38, v39  }
0x364: {  	v3 =	vadd.f32 v4, v3  }
0x365: {  	v41 =	vld [tilespmem:s25+$0x9310];
	[tilespmem:s25+$0x9300] =	vst v40  }
0x366: {  	[tilespmem:s25+$0x9B00] =	vst v3;
	v3 =	vld [tilespmem:s25+$0x9B10]  }
0x367: {  	v5 =	vld [tilespmem:s26+$0x390]  }
0x368: {  	v42 =	vld [tilespmem:s26+$0xB90];
	_ =	sdelay $0x4  }
0x369: {  	v43 =	vmul.f32 v5, v41;
	v44 =	vmul.f32 v42, v3  }
0x36a: {  	v3 =	vmul.f32 v5, v3;
	v4 =	vmul.f32 v42, v41  }
0x36b: {  	v45 =	vsub.f32 v43, v44  }
0x36c: {  	v3 =	vadd.f32 v4, v3  }
0x36d: {  	v46 =	vld [tilespmem:s25+$0x9320];
	[tilespmem:s25+$0x9310] =	vst v45  }
0x36e: {  	[tilespmem:s25+$0x9B10] =	vst v3;
	v3 =	vld [tilespmem:s25+$0x9B20]  }
0x36f: {  	v5 =	vld [tilespmem:s26+$0x3A0]  }
0x370: {  	v47 =	vld [tilespmem:s26+$0xBA0];
	_ =	sdelay $0x4  }
0x371: {  	v48 =	vmul.f32 v5, v46;
	v49 =	vmul.f32 v47, v3  }
0x372: {  	v3 =	vmul.f32 v5, v3;
	v4 =	vmul.f32 v47, v46  }
0x373: {  	v50 =	vsub.f32 v48, v49  }
0x374: {  	v3 =	vadd.f32 v4, v3  }
0x375: {  	v51 =	vld [tilespmem:s25+$0x9330];
	[tilespmem:s25+$0x9320] =	vst v50  }
0x376: {  	[tilespmem:s25+$0x9B20] =	vst v3;
	v3 =	vld [tilespmem:s25+$0x9B30]  }
0x377: {  	v5 =	vld [tilespmem:s26+$0x3B0]  }
0x378: {  	v52 =	vld [tilespmem:s26+$0xBB0];
	_ =	sdelay $0x4  }
0x379: {  	v53 =	vmul.f32 v5, v51;
	v54 =	vmul.f32 v52, v3  }
0x37a: {  	v3 =	vmul.f32 v5, v3;
	v4 =	vmul.f32 v52, v51  }
0x37b: {  	v55 =	vsub.f32 v53, v54  }
0x37c: {  	v3 =	vadd.f32 v4, v3  }
0x37d: {  	v56 =	vld [tilespmem:s25+$0x9340];
	[tilespmem:s25+$0x9330] =	vst v55  }
0x37e: {  	[tilespmem:s25+$0x9B30] =	vst v3;
	v3 =	vld [tilespmem:s25+$0x9B40]  }
0x37f: {  	v5 =	vld [tilespmem:s26+$0x3C0]  }
0x380: {  	v57 =	vld [tilespmem:s26+$0xBC0];
	_ =	sdelay $0x4  }
0x381: {  	v58 =	vmul.f32 v5, v56;
	v59 =	vmul.f32 v57, v3  }
0x382: {  	v3 =	vmul.f32 v5, v3;
	v4 =	vmul.f32 v57, v56  }
0x383: {  	v60 =	vsub.f32 v58, v59  }
0x384: {  	v3 =	vadd.f32 v4, v3  }
0x385: {  	v61 =	vld [tilespmem:s25+$0x9350];
	[tilespmem:s25+$0x9340] =	vst v60  }
0x386: {  	[tilespmem:s25+$0x9B40] =	vst v3;
	v3 =	vld [tilespmem:s25+$0x9B50]  }
0x387: {  	v5 =	vld [tilespmem:s26+$0x3D0]  }
0x388: {  	v62 =	vld [tilespmem:s26+$0xBD0];
	_ =	sdelay $0x4  }
0x389: {  	v63 =	vmul.f32 v5, v61;
	v12 =	vmul.f32 v62, v3  }
0x38a: {  	v3 =	vmul.f32 v5, v3;
	v4 =	vmul.f32 v62, v61  }
0x38b: {  	v13 =	vsub.f32 v63, v12  }
0x38c: {  	v3 =	vadd.f32 v4, v3  }
0x38d: {  	v14 =	vld [tilespmem:s25+$0x9360];
	[tilespmem:s25+$0x9350] =	vst v13  }
0x38e: {  	[tilespmem:s25+$0x9B50] =	vst v3;
	v3 =	vld [tilespmem:s25+$0x9B60]  }
0x38f: {  	v5 =	vld [tilespmem:s26+$0x3E0]  }
0x390: {  	v15 =	vld [tilespmem:s26+$0xBE0];
	_ =	sdelay $0x4  }
0x391: {  	v16 =	vmul.f32 v5, v14;
	v17 =	vmul.f32 v15, v3  }
0x392: {  	v3 =	vmul.f32 v5, v3;
	v4 =	vmul.f32 v15, v14  }
0x393: {  	v18 =	vsub.f32 v16, v17  }
0x394: {  	v3 =	vadd.f32 v4, v3  }
0x395: {  	v19 =	vld [tilespmem:s25+$0x9370];
	[tilespmem:s25+$0x9360] =	vst v18  }
0x396: {  	[tilespmem:s25+$0x9B60] =	vst v3;
	v3 =	vld [tilespmem:s25+$0x9B70]  }
0x397: {  	v5 =	vld [tilespmem:s26+$0x3F0]  }
0x398: {  	v20 =	vld [tilespmem:s26+$0xBF0];
	_ =	sdelay $0x4  }
0x399: {  	v21 =	vmul.f32 v5, v19;
	v22 =	vmul.f32 v20, v3  }
0x39a: {  	v3 =	vmul.f32 v5, v3;
	v4 =	vmul.f32 v20, v19  }
0x39b: {  	s30 =	sand.u32 $0x7, s20;
	v23 =	vsub.f32 v21, v22  }
0x39c: {  	s1 =	sshll.u32 s30, $0x7;
	v3 =	vadd.f32 v4, v3  }
0x39d: {  	s29 =	sadd.s32 s1, s21;
	[tilespmem:s25+$0x9370] =	vst v23  }
0x39e: {  	s1 =	sor.u32 $0x1C00, s29;
	[tilespmem:s25+$0x9B70] =	vst v3;
	v3 =	vld [tilespmem:s25+$0x9700]  }
0x39f: {  	s28 =	sadd.s32 $0x80, s28;
	v24 =	vld [tilespmem:s1+$0x8300]  }
0x3a0: {  	s30 =	sor.u32 $0xC00, s28;
	v5 =	vld [tilespmem:s26+$0x780]  }
0x3a1: {  	v25 =	vld [tilespmem:s30+$0x300];
	_ =	sdelay $0x4  }
0x3a2: {  	v26 =	vmul.f32 v5, v3;
	v27 =	vmul.f32 v25, v24  }
0x3a3: {  	v4 =	vmul.f32 v5, v24;
	v3 =	vmul.f32 v25, v3  }
0x3a4: {  	v28 =	vsub.f32 v26, v27  }
0x3a5: {  	v3 =	vadd.f32 v3, v4  }
0x3a6: {  	[tilespmem:s25+$0x9700] =	vst v28  }
0x3a7: {  	[tilespmem:s1+$0x8300] =	vst v3  }
0x3a8: {  	s1 =	sor.u32 $0x1C10, s29;
	v3 =	vld [tilespmem:s25+$0x9710]  }
0x3a9: {  	v29 =	vld [tilespmem:s1+$0x8300]  }
0x3aa: {  	s31 =	sor.u32 $0xC10, s28;
	v5 =	vld [tilespmem:s26+$0x790]  }
0x3ab: {  	v30 =	vld [tilespmem:s31+$0x300];
	_ =	sdelay $0x4  }
0x3ac: {  	v31 =	vmul.f32 v5, v3;
	v32 =	vmul.f32 v30, v29  }
0x3ad: {  	v4 =	vmul.f32 v5, v29;
	v3 =	vmul.f32 v30, v3  }
0x3ae: {  	v33 =	vsub.f32 v31, v32  }
0x3af: {  	v3 =	vadd.f32 v3, v4  }
0x3b0: {  	[tilespmem:s25+$0x9710] =	vst v33  }
0x3b1: {  	[tilespmem:s1+$0x8300] =	vst v3  }
0x3b2: {  	s1 =	sor.u32 $0x1C20, s29;
	v3 =	vld [tilespmem:s25+$0x9720]  }
0x3b3: {  	v34 =	vld [tilespmem:s1+$0x8300]  }
0x3b4: {  	s31 =	sor.u32 $0xC20, s28;
	v5 =	vld [tilespmem:s26+$0x7A0]  }
0x3b5: {  	v35 =	vld [tilespmem:s31+$0x300];
	_ =	sdelay $0x4  }
0x3b6: {  	v36 =	vmul.f32 v5, v3;
	v37 =	vmul.f32 v35, v34  }
0x3b7: {  	v4 =	vmul.f32 v5, v34;
	v3 =	vmul.f32 v35, v3  }
0x3b8: {  	v38 =	vsub.f32 v36, v37  }
0x3b9: {  	v3 =	vadd.f32 v3, v4  }
0x3ba: {  	[tilespmem:s25+$0x9720] =	vst v38  }
0x3bb: {  	[tilespmem:s1+$0x8300] =	vst v3  }
0x3bc: {  	s1 =	sor.u32 $0x1C30, s29;
	v3 =	vld [tilespmem:s25+$0x9730]  }
0x3bd: {  	v39 =	vld [tilespmem:s1+$0x8300]  }
0x3be: {  	s31 =	sor.u32 $0xC30, s28;
	v5 =	vld [tilespmem:s26+$0x7B0]  }
0x3bf: {  	v40 =	vld [tilespmem:s31+$0x300];
	_ =	sdelay $0x4  }
0x3c0: {  	v41 =	vmul.f32 v5, v3;
	v42 =	vmul.f32 v40, v39  }
0x3c1: {  	v4 =	vmul.f32 v5, v39;
	v3 =	vmul.f32 v40, v3  }
0x3c2: {  	v43 =	vsub.f32 v41, v42  }
0x3c3: {  	v3 =	vadd.f32 v3, v4  }
0x3c4: {  	[tilespmem:s25+$0x9730] =	vst v43  }
0x3c5: {  	[tilespmem:s1+$0x8300] =	vst v3  }
0x3c6: {  	s1 =	sor.u32 $0x1C40, s29;
	v3 =	vld [tilespmem:s25+$0x9740]  }
0x3c7: {  	v44 =	vld [tilespmem:s1+$0x8300]  }
0x3c8: {  	s31 =	sor.u32 $0xC40, s28;
	v5 =	vld [tilespmem:s26+$0x7C0]  }
0x3c9: {  	v45 =	vld [tilespmem:s31+$0x300];
	_ =	sdelay $0x4  }
0x3ca: {  	v46 =	vmul.f32 v5, v3;
	v47 =	vmul.f32 v45, v44  }
0x3cb: {  	v4 =	vmul.f32 v5, v44;
	v3 =	vmul.f32 v45, v3  }
0x3cc: {  	v48 =	vsub.f32 v46, v47  }
0x3cd: {  	v3 =	vadd.f32 v3, v4  }
0x3ce: {  	[tilespmem:s25+$0x9740] =	vst v48  }
0x3cf: {  	[tilespmem:s1+$0x8300] =	vst v3  }
0x3d0: {  	s1 =	sor.u32 $0x1C50, s29;
	v3 =	vld [tilespmem:s25+$0x9750]  }
0x3d1: {  	v49 =	vld [tilespmem:s1+$0x8300]  }
0x3d2: {  	s31 =	sor.u32 $0xC50, s28;
	v5 =	vld [tilespmem:s26+$0x7D0]  }
0x3d3: {  	v50 =	vld [tilespmem:s31+$0x300];
	_ =	sdelay $0x4  }
0x3d4: {  	v51 =	vmul.f32 v5, v3;
	v52 =	vmul.f32 v50, v49  }
0x3d5: {  	v4 =	vmul.f32 v5, v49;
	v3 =	vmul.f32 v50, v3  }
0x3d6: {  	v53 =	vsub.f32 v51, v52  }
0x3d7: {  	v3 =	vadd.f32 v3, v4  }
0x3d8: {  	[tilespmem:s25+$0x9750] =	vst v53  }
0x3d9: {  	[tilespmem:s1+$0x8300] =	vst v3  }
0x3da: {  	s1 =	sor.u32 $0x1C60, s29;
	v3 =	vld [tilespmem:s25+$0x9760]  }
0x3db: {  	v54 =	vld [tilespmem:s1+$0x8300]  }
0x3dc: {  	s31 =	sor.u32 $0xC60, s28;
	v5 =	vld [tilespmem:s26+$0x7E0]  }
0x3dd: {  	v55 =	vld [tilespmem:s31+$0x300];
	_ =	sdelay $0x4  }
0x3de: {  	v56 =	vmul.f32 v5, v3;
	v57 =	vmul.f32 v55, v54  }
0x3df: {  	v4 =	vmul.f32 v5, v54;
	v3 =	vmul.f32 v55, v3  }
0x3e0: {  	v58 =	vsub.f32 v56, v57  }
0x3e1: {  	v3 =	vadd.f32 v3, v4  }
0x3e2: {  	[tilespmem:s25+$0x9760] =	vst v58  }
0x3e3: {  	[tilespmem:s1+$0x8300] =	vst v3  }
0x3e4: {  	s30 =	sor.u32 $0x1C70, s29;
	v3 =	vld [tilespmem:s25+$0x9770]  }
0x3e5: {  	v59 =	vld [tilespmem:s30+$0x8300]  }
0x3e6: {  	s31 =	sor.u32 $0xC70, s28;
	v5 =	vld [tilespmem:s26+$0x7F0]  }
0x3e7: {  	v60 =	vld [tilespmem:s31+$0x300];
	_ =	sdelay $0x4  }
0x3e8: {  	p0 =	sne.s32 s23, $0xF00;
	v61 =	vmul.f32 v5, v3;
	v62 =	vmul.f32 v60, v59  }
.Ltmp2:
0x3e9: {  	v4 =	vmul.f32 v5, v59;
	v3 =	vmul.f32 v60, v3;
	(pc) =	sbr.rel @p0 .LBB2_7-.Ltmp2, $4  }
0x3ea: {  	v63 =	vsub.f32 v61, v62  }
0x3eb: {  	v3 =	vadd.f32 v3, v4  }
0x3ec: {  	s22 =	sadd.s32 $0x80, s22;
	s19 =	sadd.s32 $0x1, s19;
	[tilespmem:s25+$0x9770] =	vst v63  }
0x3ed: {  	s23 =	sadd.s32 $0x100, s23;
	s20 =	sadd.s32 $0x1, s20;
	s21 =	sadd.s32 $0x400, s21;
	[tilespmem:s30+$0x8300] =	vst v3  }
0x3ee: {  	s17 =	sadd.s32 $0x1, s17  }
0x3ef: {  	p0 =	sne.s32 s17, $0xA  }
.Ltmp3:
0x3f0: {  	_ = 	snop;
	(pc) =	sbr.rel @p0 .LBB2_4-.Ltmp3, $3  }
0x3f1: {  	_ =	sdelay $0x1  }
0x3f2: {  	s1 =	sadd.s32 s6, s18  }
0x3f3: {  	[hbm4b:s1+s3] =	stream.linear.scatter [tilespmem:s24], [sflag:$0x5], $0x4000, $0x38;
	[tilespmem:$0x10300] =	vst v63  }
0x3f4: {  	_ =	swait.ge [sflag:s13], $0x4000  }
0x3f5: {  	[sflag:s13] =	ssyncset.done $0x0  }
0x3f6: {  	[sflag:s13] =	ssyncadd.s32 $0xFFFFC000  }
0x3f7: {  	_ =	swait.ge [sflag:s8], $0x4000  }
0x3f8: {  	[sflag:s8] =	ssyncset.done $0x0  }
0x3f9: {  	[sflag:s8] =	ssyncadd.s32 $0xFFFFC000  }
0x3fa: {  	s16 =	simm.s32 $0x0;
	_ =	swait.ge [sflag:s11], $0x4000  }
0x3fb: {  	s17 =	simm.s32 $0x0;
	s18 =	simm.s32 $0x0;
	[sflag:s11] =	ssyncset.done $0x0  }
0x3fc: {  	s19 =	simm.s32 $0x0;
	s20 =	simm.s32 $0x0;
	[sflag:s11] =	ssyncadd.s32 $0xFFFFC000  }
.LBB2_10:
0x3fd: {  	s1 =	sand.u32 $0x2000, s18;
	s21 =	sand.u32 $0x380, s19  }
0x3fe: {  	s21 =	sor.u32 s21, s1  }
0x3ff: {  	s25 =	sand.u32 $0x3000, s18;
	s22 =	sand.u32 $0x300, s20;
	v3 =	vld [tilespmem:s21+$0xC300]  }
0x400: {  	s22 =	sor.u32 s22, s25;
	v4 =	vld [tilespmem:s21+$0xCB00]  }
0x401: {  	v5 =	vld [tilespmem:s22+$0x4300]  }
0x402: {  	v6 =	vld [tilespmem:s22+$0x4B00];
	_ =	sdelay $0x4  }
0x403: {  	v7 =	vmul.f32 v5, v3;
	v8 =	vmul.f32 v6, v4  }
0x404: {  	v4 =	vmul.f32 v5, v4;
	v3 =	vmul.f32 v6, v3  }
0x405: {  	v12 =	vsub.f32 v7, v8  }
0x406: {  	v3 =	vadd.f32 v3, v4  }
0x407: {  	v13 =	vld [tilespmem:s21+$0xC310];
	[tilespmem:s21+$0xC300] =	vst v12  }
0x408: {  	[tilespmem:s21+$0xCB00] =	vst v3;
	v3 =	vld [tilespmem:s21+$0xCB10]  }
0x409: {  	v5 =	vld [tilespmem:s22+$0x4310]  }
0x40a: {  	v14 =	vld [tilespmem:s22+$0x4B10];
	_ =	sdelay $0x4  }
0x40b: {  	v15 =	vmul.f32 v5, v13;
	v16 =	vmul.f32 v14, v3  }
0x40c: {  	v3 =	vmul.f32 v5, v3;
	v4 =	vmul.f32 v14, v13  }
0x40d: {  	v17 =	vsub.f32 v15, v16  }
0x40e: {  	v3 =	vadd.f32 v4, v3  }
0x40f: {  	v18 =	vld [tilespmem:s21+$0xC320];
	[tilespmem:s21+$0xC310] =	vst v17  }
0x410: {  	[tilespmem:s21+$0xCB10] =	vst v3;
	v3 =	vld [tilespmem:s21+$0xCB20]  }
0x411: {  	v5 =	vld [tilespmem:s22+$0x4320]  }
0x412: {  	v19 =	vld [tilespmem:s22+$0x4B20];
	_ =	sdelay $0x4  }
0x413: {  	v20 =	vmul.f32 v5, v18;
	v21 =	vmul.f32 v19, v3  }
0x414: {  	v3 =	vmul.f32 v5, v3;
	v4 =	vmul.f32 v19, v18  }
0x415: {  	v22 =	vsub.f32 v20, v21  }
0x416: {  	v3 =	vadd.f32 v4, v3  }
0x417: {  	v23 =	vld [tilespmem:s21+$0xC330];
	[tilespmem:s21+$0xC320] =	vst v22  }
0x418: {  	[tilespmem:s21+$0xCB20] =	vst v3;
	v3 =	vld [tilespmem:s21+$0xCB30]  }
0x419: {  	v5 =	vld [tilespmem:s22+$0x4330]  }
0x41a: {  	v24 =	vld [tilespmem:s22+$0x4B30];
	_ =	sdelay $0x4  }
0x41b: {  	v25 =	vmul.f32 v5, v23;
	v26 =	vmul.f32 v24, v3  }
0x41c: {  	v3 =	vmul.f32 v5, v3;
	v4 =	vmul.f32 v24, v23  }
0x41d: {  	v27 =	vsub.f32 v25, v26  }
0x41e: {  	v3 =	vadd.f32 v4, v3  }
0x41f: {  	v28 =	vld [tilespmem:s21+$0xC340];
	[tilespmem:s21+$0xC330] =	vst v27  }
0x420: {  	[tilespmem:s21+$0xCB30] =	vst v3;
	v3 =	vld [tilespmem:s21+$0xCB40]  }
0x421: {  	v5 =	vld [tilespmem:s22+$0x4340]  }
0x422: {  	v29 =	vld [tilespmem:s22+$0x4B40];
	_ =	sdelay $0x4  }
0x423: {  	v30 =	vmul.f32 v5, v28;
	v31 =	vmul.f32 v29, v3  }
0x424: {  	v3 =	vmul.f32 v5, v3;
	v4 =	vmul.f32 v29, v28  }
0x425: {  	v32 =	vsub.f32 v30, v31  }
0x426: {  	v3 =	vadd.f32 v4, v3  }
0x427: {  	v33 =	vld [tilespmem:s21+$0xC350];
	[tilespmem:s21+$0xC340] =	vst v32  }
0x428: {  	[tilespmem:s21+$0xCB40] =	vst v3;
	v3 =	vld [tilespmem:s21+$0xCB50]  }
0x429: {  	v5 =	vld [tilespmem:s22+$0x4350]  }
0x42a: {  	v34 =	vld [tilespmem:s22+$0x4B50];
	_ =	sdelay $0x4  }
0x42b: {  	v35 =	vmul.f32 v5, v33;
	v36 =	vmul.f32 v34, v3  }
0x42c: {  	v3 =	vmul.f32 v5, v3;
	v4 =	vmul.f32 v34, v33  }
0x42d: {  	v37 =	vsub.f32 v35, v36  }
0x42e: {  	v3 =	vadd.f32 v4, v3  }
0x42f: {  	v38 =	vld [tilespmem:s21+$0xC360];
	[tilespmem:s21+$0xC350] =	vst v37  }
0x430: {  	[tilespmem:s21+$0xCB50] =	vst v3;
	v3 =	vld [tilespmem:s21+$0xCB60]  }
0x431: {  	v5 =	vld [tilespmem:s22+$0x4360]  }
0x432: {  	v39 =	vld [tilespmem:s22+$0x4B60];
	_ =	sdelay $0x4  }
0x433: {  	v40 =	vmul.f32 v5, v38;
	v41 =	vmul.f32 v39, v3  }
0x434: {  	v3 =	vmul.f32 v5, v3;
	v4 =	vmul.f32 v39, v38  }
0x435: {  	v42 =	vsub.f32 v40, v41  }
0x436: {  	v3 =	vadd.f32 v4, v3  }
0x437: {  	v43 =	vld [tilespmem:s21+$0xC370];
	[tilespmem:s21+$0xC360] =	vst v42  }
0x438: {  	[tilespmem:s21+$0xCB60] =	vst v3;
	v3 =	vld [tilespmem:s21+$0xCB70]  }
0x439: {  	v5 =	vld [tilespmem:s22+$0x4370]  }
0x43a: {  	v44 =	vld [tilespmem:s22+$0x4B70];
	_ =	sdelay $0x4  }
0x43b: {  	v45 =	vmul.f32 v5, v43;
	v46 =	vmul.f32 v44, v3  }
0x43c: {  	v3 =	vmul.f32 v5, v3;
	v4 =	vmul.f32 v44, v43  }
0x43d: {  	v47 =	vsub.f32 v45, v46  }
0x43e: {  	s26 =	sand.u32 $0x3, s17;
	v3 =	vadd.f32 v4, v3  }
0x43f: {  	s1 =	sshll.u32 s26, $0x8;
	v48 =	vld [tilespmem:s21+$0xC700];
	[tilespmem:s21+$0xC370] =	vst v47  }
0x440: {  	s23 =	sadd.s32 s1, s18;
	[tilespmem:s21+$0xCB70] =	vst v3;
	v3 =	vld [tilespmem:s21+$0xCF00]  }
0x441: {  	s1 =	sor.u32 $0xC00, s23;
	v5 =	vld [tilespmem:s22+$0x4700]  }
0x442: {  	v49 =	vld [tilespmem:s1+$0x4300];
	_ =	sdelay $0x4  }
0x443: {  	v50 =	vmul.f32 v5, v48;
	v51 =	vmul.f32 v49, v3  }
0x444: {  	v3 =	vmul.f32 v5, v3;
	v4 =	vmul.f32 v49, v48  }
0x445: {  	v52 =	vsub.f32 v50, v51  }
0x446: {  	v3 =	vadd.f32 v4, v3  }
0x447: {  	v53 =	vld [tilespmem:s21+$0xC710];
	[tilespmem:s21+$0xC700] =	vst v52  }
0x448: {  	[tilespmem:s21+$0xCF00] =	vst v3;
	v3 =	vld [tilespmem:s21+$0xCF10]  }
0x449: {  	s28 =	sor.u32 $0xC10, s23;
	v5 =	vld [tilespmem:s22+$0x4710]  }
0x44a: {  	v54 =	vld [tilespmem:s28+$0x4300];
	_ =	sdelay $0x4  }
0x44b: {  	v55 =	vmul.f32 v5, v53;
	v56 =	vmul.f32 v54, v3  }
0x44c: {  	v3 =	vmul.f32 v5, v3;
	v4 =	vmul.f32 v54, v53  }
0x44d: {  	v57 =	vsub.f32 v55, v56  }
0x44e: {  	v3 =	vadd.f32 v4, v3  }
0x44f: {  	v58 =	vld [tilespmem:s21+$0xC720];
	[tilespmem:s21+$0xC710] =	vst v57  }
0x450: {  	[tilespmem:s21+$0xCF10] =	vst v3;
	v3 =	vld [tilespmem:s21+$0xCF20]  }
0x451: {  	s29 =	sor.u32 $0xC20, s23;
	v5 =	vld [tilespmem:s22+$0x4720]  }
0x452: {  	v59 =	vld [tilespmem:s29+$0x4300];
	_ =	sdelay $0x4  }
0x453: {  	v60 =	vmul.f32 v5, v58;
	v61 =	vmul.f32 v59, v3  }
0x454: {  	v3 =	vmul.f32 v5, v3;
	v4 =	vmul.f32 v59, v58  }
0x455: {  	v62 =	vsub.f32 v60, v61  }
0x456: {  	v3 =	vadd.f32 v4, v3  }
0x457: {  	v63 =	vld [tilespmem:s21+$0xC730];
	[tilespmem:s21+$0xC720] =	vst v62  }
0x458: {  	[tilespmem:s21+$0xCF20] =	vst v3;
	v3 =	vld [tilespmem:s21+$0xCF30]  }
0x459: {  	s30 =	sor.u32 $0xC30, s23;
	v5 =	vld [tilespmem:s22+$0x4730]  }
0x45a: {  	v12 =	vld [tilespmem:s30+$0x4300];
	_ =	sdelay $0x4  }
0x45b: {  	v13 =	vmul.f32 v5, v63;
	v14 =	vmul.f32 v12, v3  }
0x45c: {  	v3 =	vmul.f32 v5, v3;
	v4 =	vmul.f32 v12, v63  }
0x45d: {  	v15 =	vsub.f32 v13, v14  }
0x45e: {  	v3 =	vadd.f32 v4, v3  }
0x45f: {  	v16 =	vld [tilespmem:s21+$0xC740];
	[tilespmem:s21+$0xC730] =	vst v15  }
0x460: {  	[tilespmem:s21+$0xCF30] =	vst v3;
	v3 =	vld [tilespmem:s21+$0xCF40]  }
0x461: {  	s31 =	sor.u32 $0xC40, s23;
	v5 =	vld [tilespmem:s22+$0x4740]  }
0x462: {  	v17 =	vld [tilespmem:s31+$0x4300];
	_ =	sdelay $0x4  }
0x463: {  	v18 =	vmul.f32 v5, v16;
	v19 =	vmul.f32 v17, v3  }
0x464: {  	v3 =	vmul.f32 v5, v3;
	v4 =	vmul.f32 v17, v16  }
0x465: {  	v20 =	vsub.f32 v18, v19  }
0x466: {  	v3 =	vadd.f32 v4, v3  }
0x467: {  	v21 =	vld [tilespmem:s21+$0xC750];
	[tilespmem:s21+$0xC740] =	vst v20  }
0x468: {  	[tilespmem:s21+$0xCF40] =	vst v3;
	v3 =	vld [tilespmem:s21+$0xCF50]  }
0x469: {  	s25 =	sor.u32 $0xC50, s23;
	v5 =	vld [tilespmem:s22+$0x4750]  }
0x46a: {  	v22 =	vld [tilespmem:s25+$0x4300];
	_ =	sdelay $0x4  }
0x46b: {  	v23 =	vmul.f32 v5, v21;
	v24 =	vmul.f32 v22, v3  }
0x46c: {  	v3 =	vmul.f32 v5, v3;
	v4 =	vmul.f32 v22, v21  }
0x46d: {  	v25 =	vsub.f32 v23, v24  }
0x46e: {  	v3 =	vadd.f32 v4, v3  }
0x46f: {  	v26 =	vld [tilespmem:s21+$0xC760];
	[tilespmem:s21+$0xC750] =	vst v25  }
0x470: {  	[tilespmem:s21+$0xCF50] =	vst v3;
	v3 =	vld [tilespmem:s21+$0xCF60]  }
0x471: {  	s26 =	sor.u32 $0xC60, s23;
	v5 =	vld [tilespmem:s22+$0x4760]  }
0x472: {  	v27 =	vld [tilespmem:s26+$0x4300];
	_ =	sdelay $0x4  }
0x473: {  	v28 =	vmul.f32 v5, v26;
	v29 =	vmul.f32 v27, v3  }
0x474: {  	v3 =	vmul.f32 v5, v3;
	v4 =	vmul.f32 v27, v26  }
0x475: {  	v30 =	vsub.f32 v28, v29  }
0x476: {  	v3 =	vadd.f32 v4, v3  }
0x477: {  	v31 =	vld [tilespmem:s21+$0xC770];
	[tilespmem:s21+$0xC760] =	vst v30  }
0x478: {  	[tilespmem:s21+$0xCF60] =	vst v3;
	v3 =	vld [tilespmem:s21+$0xCF70]  }
0x479: {  	s28 =	sor.u32 $0xC70, s23;
	v5 =	vld [tilespmem:s22+$0x4770]  }
0x47a: {  	v32 =	vld [tilespmem:s28+$0x4300];
	_ =	sdelay $0x4  }
0x47b: {  	v33 =	vmul.f32 v5, v31;
	v34 =	vmul.f32 v32, v3  }
0x47c: {  	v3 =	vmul.f32 v5, v3;
	v4 =	vmul.f32 v32, v31  }
0x47d: {  	v35 =	vsub.f32 v33, v34  }
0x47e: {  	v3 =	vadd.f32 v4, v3  }
0x47f: {  	v36 =	vld [tilespmem:s21+$0xD300];
	[tilespmem:s21+$0xC770] =	vst v35  }
0x480: {  	[tilespmem:s21+$0xCF70] =	vst v3;
	v3 =	vld [tilespmem:s21+$0xDB00]  }
0x481: {  	v5 =	vld [tilespmem:s22+$0x4380]  }
0x482: {  	v37 =	vld [tilespmem:s22+$0x4B80];
	_ =	sdelay $0x4  }
0x483: {  	v38 =	vmul.f32 v5, v36;
	v39 =	vmul.f32 v37, v3  }
0x484: {  	v3 =	vmul.f32 v5, v3;
	v4 =	vmul.f32 v37, v36  }
0x485: {  	v40 =	vsub.f32 v38, v39  }
0x486: {  	v3 =	vadd.f32 v4, v3  }
0x487: {  	v41 =	vld [tilespmem:s21+$0xD310];
	[tilespmem:s21+$0xD300] =	vst v40  }
0x488: {  	[tilespmem:s21+$0xDB00] =	vst v3;
	v3 =	vld [tilespmem:s21+$0xDB10]  }
0x489: {  	v5 =	vld [tilespmem:s22+$0x4390]  }
0x48a: {  	v42 =	vld [tilespmem:s22+$0x4B90];
	_ =	sdelay $0x4  }
0x48b: {  	v43 =	vmul.f32 v5, v41;
	v44 =	vmul.f32 v42, v3  }
0x48c: {  	v3 =	vmul.f32 v5, v3;
	v4 =	vmul.f32 v42, v41  }
0x48d: {  	v45 =	vsub.f32 v43, v44  }
0x48e: {  	v3 =	vadd.f32 v4, v3  }
0x48f: {  	v46 =	vld [tilespmem:s21+$0xD320];
	[tilespmem:s21+$0xD310] =	vst v45  }
0x490: {  	[tilespmem:s21+$0xDB10] =	vst v3;
	v3 =	vld [tilespmem:s21+$0xDB20]  }
0x491: {  	v5 =	vld [tilespmem:s22+$0x43A0]  }
0x492: {  	v47 =	vld [tilespmem:s22+$0x4BA0];
	_ =	sdelay $0x4  }
0x493: {  	v48 =	vmul.f32 v5, v46;
	v49 =	vmul.f32 v47, v3  }
0x494: {  	v3 =	vmul.f32 v5, v3;
	v4 =	vmul.f32 v47, v46  }
0x495: {  	v50 =	vsub.f32 v48, v49  }
0x496: {  	v3 =	vadd.f32 v4, v3  }
0x497: {  	v51 =	vld [tilespmem:s21+$0xD330];
	[tilespmem:s21+$0xD320] =	vst v50  }
0x498: {  	[tilespmem:s21+$0xDB20] =	vst v3;
	v3 =	vld [tilespmem:s21+$0xDB30]  }
0x499: {  	v5 =	vld [tilespmem:s22+$0x43B0]  }
0x49a: {  	v52 =	vld [tilespmem:s22+$0x4BB0];
	_ =	sdelay $0x4  }
0x49b: {  	v53 =	vmul.f32 v5, v51;
	v54 =	vmul.f32 v52, v3  }
0x49c: {  	v3 =	vmul.f32 v5, v3;
	v4 =	vmul.f32 v52, v51  }
0x49d: {  	v55 =	vsub.f32 v53, v54  }
0x49e: {  	v3 =	vadd.f32 v4, v3  }
0x49f: {  	v56 =	vld [tilespmem:s21+$0xD340];
	[tilespmem:s21+$0xD330] =	vst v55  }
0x4a0: {  	[tilespmem:s21+$0xDB30] =	vst v3;
	v3 =	vld [tilespmem:s21+$0xDB40]  }
0x4a1: {  	v5 =	vld [tilespmem:s22+$0x43C0]  }
0x4a2: {  	v57 =	vld [tilespmem:s22+$0x4BC0];
	_ =	sdelay $0x4  }
0x4a3: {  	v58 =	vmul.f32 v5, v56;
	v59 =	vmul.f32 v57, v3  }
0x4a4: {  	v3 =	vmul.f32 v5, v3;
	v4 =	vmul.f32 v57, v56  }
0x4a5: {  	v60 =	vsub.f32 v58, v59  }
0x4a6: {  	v3 =	vadd.f32 v4, v3  }
0x4a7: {  	v61 =	vld [tilespmem:s21+$0xD350];
	[tilespmem:s21+$0xD340] =	vst v60  }
0x4a8: {  	[tilespmem:s21+$0xDB40] =	vst v3;
	v3 =	vld [tilespmem:s21+$0xDB50]  }
0x4a9: {  	v5 =	vld [tilespmem:s22+$0x43D0]  }
0x4aa: {  	v62 =	vld [tilespmem:s22+$0x4BD0];
	_ =	sdelay $0x4  }
0x4ab: {  	v63 =	vmul.f32 v5, v61;
	v12 =	vmul.f32 v62, v3  }
0x4ac: {  	v3 =	vmul.f32 v5, v3;
	v4 =	vmul.f32 v62, v61  }
0x4ad: {  	v13 =	vsub.f32 v63, v12  }
0x4ae: {  	v3 =	vadd.f32 v4, v3  }
0x4af: {  	v14 =	vld [tilespmem:s21+$0xD360];
	[tilespmem:s21+$0xD350] =	vst v13  }
0x4b0: {  	[tilespmem:s21+$0xDB50] =	vst v3;
	v3 =	vld [tilespmem:s21+$0xDB60]  }
0x4b1: {  	v5 =	vld [tilespmem:s22+$0x43E0]  }
0x4b2: {  	v15 =	vld [tilespmem:s22+$0x4BE0];
	_ =	sdelay $0x4  }
0x4b3: {  	v16 =	vmul.f32 v5, v14;
	v17 =	vmul.f32 v15, v3  }
0x4b4: {  	v3 =	vmul.f32 v5, v3;
	v4 =	vmul.f32 v15, v14  }
0x4b5: {  	v18 =	vsub.f32 v16, v17  }
0x4b6: {  	v3 =	vadd.f32 v4, v3  }
0x4b7: {  	v19 =	vld [tilespmem:s21+$0xD370];
	[tilespmem:s21+$0xD360] =	vst v18  }
0x4b8: {  	[tilespmem:s21+$0xDB60] =	vst v3;
	v3 =	vld [tilespmem:s21+$0xDB70]  }
0x4b9: {  	v5 =	vld [tilespmem:s22+$0x43F0]  }
0x4ba: {  	v20 =	vld [tilespmem:s22+$0x4BF0];
	_ =	sdelay $0x4  }
0x4bb: {  	v21 =	vmul.f32 v5, v19;
	v22 =	vmul.f32 v20, v3  }
0x4bc: {  	v3 =	vmul.f32 v5, v3;
	v4 =	vmul.f32 v20, v19  }
0x4bd: {  	s29 =	sand.u32 $0x7, s16;
	v23 =	vsub.f32 v21, v22  }
0x4be: {  	s1 =	sshll.u32 s29, $0x7;
	v3 =	vadd.f32 v4, v3  }
0x4bf: {  	s25 =	sadd.s32 s1, s18;
	[tilespmem:s21+$0xD370] =	vst v23  }
0x4c0: {  	s1 =	sor.u32 $0x1C00, s25;
	[tilespmem:s21+$0xDB70] =	vst v3;
	v3 =	vld [tilespmem:s21+$0xD700]  }
0x4c1: {  	s23 =	sadd.s32 $0x80, s23;
	v24 =	vld [tilespmem:s1+$0xC300]  }
0x4c2: {  	s26 =	sor.u32 $0xC00, s23;
	v5 =	vld [tilespmem:s22+$0x4780]  }
0x4c3: {  	v25 =	vld [tilespmem:s26+$0x4300];
	_ =	sdelay $0x4  }
0x4c4: {  	v26 =	vmul.f32 v5, v3;
	v27 =	vmul.f32 v25, v24  }
0x4c5: {  	v4 =	vmul.f32 v5, v24;
	v3 =	vmul.f32 v25, v3  }
0x4c6: {  	v28 =	vsub.f32 v26, v27  }
0x4c7: {  	v3 =	vadd.f32 v3, v4  }
0x4c8: {  	[tilespmem:s21+$0xD700] =	vst v28  }
0x4c9: {  	[tilespmem:s1+$0xC300] =	vst v3  }
0x4ca: {  	s30 =	sor.u32 $0x1C10, s25;
	v3 =	vld [tilespmem:s21+$0xD710]  }
0x4cb: {  	v29 =	vld [tilespmem:s30+$0xC300]  }
0x4cc: {  	s31 =	sor.u32 $0xC10, s23;
	v5 =	vld [tilespmem:s22+$0x4790]  }
0x4cd: {  	v30 =	vld [tilespmem:s31+$0x4300];
	_ =	sdelay $0x4  }
0x4ce: {  	v31 =	vmul.f32 v5, v3;
	v32 =	vmul.f32 v30, v29  }
0x4cf: {  	v4 =	vmul.f32 v5, v29;
	v3 =	vmul.f32 v30, v3  }
0x4d0: {  	v33 =	vsub.f32 v31, v32  }
0x4d1: {  	v3 =	vadd.f32 v3, v4  }
0x4d2: {  	[tilespmem:s21+$0xD710] =	vst v33  }
0x4d3: {  	[tilespmem:s30+$0xC300] =	vst v3  }
0x4d4: {  	s28 =	sor.u32 $0x1C20, s25;
	v3 =	vld [tilespmem:s21+$0xD720]  }
0x4d5: {  	v34 =	vld [tilespmem:s28+$0xC300]  }
0x4d6: {  	s29 =	sor.u32 $0xC20, s23;
	v5 =	vld [tilespmem:s22+$0x47A0]  }
0x4d7: {  	v35 =	vld [tilespmem:s29+$0x4300];
	_ =	sdelay $0x4  }
0x4d8: {  	v36 =	vmul.f32 v5, v3;
	v37 =	vmul.f32 v35, v34  }
0x4d9: {  	v4 =	vmul.f32 v5, v34;
	v3 =	vmul.f32 v35, v3  }
0x4da: {  	v38 =	vsub.f32 v36, v37  }
0x4db: {  	v3 =	vadd.f32 v3, v4  }
0x4dc: {  	[tilespmem:s21+$0xD720] =	vst v38  }
0x4dd: {  	[tilespmem:s28+$0xC300] =	vst v3  }
0x4de: {  	s30 =	sor.u32 $0x1C30, s25;
	v3 =	vld [tilespmem:s21+$0xD730]  }
0x4df: {  	v39 =	vld [tilespmem:s30+$0xC300]  }
0x4e0: {  	s31 =	sor.u32 $0xC30, s23;
	v5 =	vld [tilespmem:s22+$0x47B0]  }
0x4e1: {  	v40 =	vld [tilespmem:s31+$0x4300];
	_ =	sdelay $0x4  }
0x4e2: {  	v41 =	vmul.f32 v5, v3;
	v42 =	vmul.f32 v40, v39  }
0x4e3: {  	v4 =	vmul.f32 v5, v39;
	v3 =	vmul.f32 v40, v3  }
0x4e4: {  	v43 =	vsub.f32 v41, v42  }
0x4e5: {  	v3 =	vadd.f32 v3, v4  }
0x4e6: {  	[tilespmem:s21+$0xD730] =	vst v43  }
0x4e7: {  	[tilespmem:s30+$0xC300] =	vst v3  }
0x4e8: {  	s28 =	sor.u32 $0x1C40, s25;
	v3 =	vld [tilespmem:s21+$0xD740]  }
0x4e9: {  	v44 =	vld [tilespmem:s28+$0xC300]  }
0x4ea: {  	s29 =	sor.u32 $0xC40, s23;
	v5 =	vld [tilespmem:s22+$0x47C0]  }
0x4eb: {  	v45 =	vld [tilespmem:s29+$0x4300];
	_ =	sdelay $0x4  }
0x4ec: {  	v46 =	vmul.f32 v5, v3;
	v47 =	vmul.f32 v45, v44  }
0x4ed: {  	v4 =	vmul.f32 v5, v44;
	v3 =	vmul.f32 v45, v3  }
0x4ee: {  	v48 =	vsub.f32 v46, v47  }
0x4ef: {  	v3 =	vadd.f32 v3, v4  }
0x4f0: {  	[tilespmem:s21+$0xD740] =	vst v48  }
0x4f1: {  	[tilespmem:s28+$0xC300] =	vst v3  }
0x4f2: {  	s30 =	sor.u32 $0x1C50, s25;
	v3 =	vld [tilespmem:s21+$0xD750]  }
0x4f3: {  	v49 =	vld [tilespmem:s30+$0xC300]  }
0x4f4: {  	s31 =	sor.u32 $0xC50, s23;
	v5 =	vld [tilespmem:s22+$0x47D0]  }
0x4f5: {  	v50 =	vld [tilespmem:s31+$0x4300];
	_ =	sdelay $0x4  }
0x4f6: {  	v51 =	vmul.f32 v5, v3;
	v52 =	vmul.f32 v50, v49  }
0x4f7: {  	v4 =	vmul.f32 v5, v49;
	v3 =	vmul.f32 v50, v3  }
0x4f8: {  	v53 =	vsub.f32 v51, v52  }
0x4f9: {  	v3 =	vadd.f32 v3, v4  }
0x4fa: {  	[tilespmem:s21+$0xD750] =	vst v53  }
0x4fb: {  	[tilespmem:s30+$0xC300] =	vst v3  }
0x4fc: {  	s28 =	sor.u32 $0x1C60, s25;
	v3 =	vld [tilespmem:s21+$0xD760]  }
0x4fd: {  	v54 =	vld [tilespmem:s28+$0xC300]  }
0x4fe: {  	s29 =	sor.u32 $0xC60, s23;
	v5 =	vld [tilespmem:s22+$0x47E0]  }
0x4ff: {  	v55 =	vld [tilespmem:s29+$0x4300];
	_ =	sdelay $0x4  }
0x500: {  	v56 =	vmul.f32 v5, v3;
	v57 =	vmul.f32 v55, v54  }
0x501: {  	v4 =	vmul.f32 v5, v54;
	v3 =	vmul.f32 v55, v3  }
0x502: {  	v58 =	vsub.f32 v56, v57  }
0x503: {  	v3 =	vadd.f32 v3, v4  }
0x504: {  	[tilespmem:s21+$0xD760] =	vst v58  }
0x505: {  	[tilespmem:s28+$0xC300] =	vst v3  }
0x506: {  	s30 =	sor.u32 $0x1C70, s25;
	v3 =	vld [tilespmem:s21+$0xD770]  }
0x507: {  	v59 =	vld [tilespmem:s30+$0xC300]  }
0x508: {  	s31 =	sor.u32 $0xC70, s23;
	v5 =	vld [tilespmem:s22+$0x47F0]  }
0x509: {  	v60 =	vld [tilespmem:s31+$0x4300];
	_ =	sdelay $0x4  }
0x50a: {  	p0 =	sne.s32 s20, $0xF00;
	v61 =	vmul.f32 v5, v3;
	v62 =	vmul.f32 v60, v59  }
.Ltmp4:
0x50b: {  	v4 =	vmul.f32 v5, v59;
	v3 =	vmul.f32 v60, v3;
	(pc) =	sbr.rel @p0 .LBB2_10-.Ltmp4, $4  }
0x50c: {  	v63 =	vsub.f32 v61, v62  }
0x50d: {  	v3 =	vadd.f32 v3, v4  }
0x50e: {  	s19 =	sadd.s32 $0x80, s19;
	s17 =	sadd.s32 $0x1, s17;
	[tilespmem:s21+$0xD770] =	vst v63  }
0x50f: {  	s20 =	sadd.s32 $0x100, s20;
	s16 =	sadd.s32 $0x1, s16;
	s18 =	sadd.s32 $0x400, s18;
	[tilespmem:s30+$0xC300] =	vst v3  }
0x510: {  	s1 =	rddreg [dreg:$0x7]  }
0x511: {  	[hbm4b:s1+s3] =	stream.linear.scatter [tilespmem:s7], [sflag:$0x6], $0x4000, $0x38;
	[tilespmem:$0x10300] =	vst v63  }
0x512: {  	_ =	swait.ge [sflag:s15], $0x4000  }
0x513: {  	s16 =	rddreg [dreg:$0x9]  }
0x514: {  	s31 =	rddreg [dreg:$0x8];
	s16 =	sadd.s32 $0x1, s16  }
0x515: {  	p0 =	sne.s32 s16, s31  }
.Ltmp5:
0x516: {  	_ = 	snop;
	(pc) =	sbr.rel @p0 .LBB2_1-.Ltmp5, $3  }
0x517: {  	_ =	sdelay $0x1  }
0x518: {  	[sflag:s15] =	ssyncset.done $0x0  }
0x519: {  	[sflag:s15] =	ssyncadd.s32 $0xFFFFC000  }
0x51a: {  	_ =	sfence.sel $0x180000  }
0x51b: {  	[bflag:$0x0] =	sbarrier.arrive $0xFFFF  }
0x51c: {  	_ =	strace $0x90000047  }
0x51d: {  	s0 =	stileid.u32;
	[bflag:$0x2] =	sbarrier.arrive $0xFFFF  }
0x51e: {  	p0 =	sne.s32 s0, $0x0;
	s0 =	rddreg [dreg:$0x2]  }
0x51f: {  	s0 =	sadd.s32 @!p0 $0x100000, s0  }
0x520: {  	[sflag:s0] =	ssyncadd.tile.s32 @!p0 $0x1;
	_ =	shalt  }
.Lfunc_end2:
_tile_overlayer_lowered:
.L_overlay_start_2:
0x521: {  	(tag) =	ssettag $0x2  }
0x522: {  	s0 =	rddreg [dreg:$0x0];
	s2 =	stileid.u32  }
0x523: {  	s1 =	rddreg [dreg:$0x1];
	p0 =	sne.s32 s2, $0x0  }
0x524: {  	s3 =	rddreg [dreg:$0x2];
	[bflag:$0x3] =	sbarrier.arrive $0xFFFF;
	s2 =	simm.s32 @!p0 $0x1C07  }
0x525: {  	[timem:s3], [sflag:s2] =	dma.local @!p0 [hbm:s0], s1  }
0x526: {  	s0 =	simm.s32 @!p0 $0x7  }
0x527: {  	_ =	swait.ge @!p0 [sflag:s0], s1  }
0x528: {  	s1 =	ssub.s32 @!p0 $0x0, s1;
	[sflag:s0] =	ssyncset.done @!p0 $0x0  }
0x529: {  	[sflag:s0] =	ssyncadd.s32 @!p0 s1  }
0x52a: {  	[bflag:$0x3] =	sbarrier.arrive $0xFFFF  }
0x52b: {  	_ =	shalt  }

</sc_bundles>
